<compile_context>
chip_gen: v7x
topology: tpu7x:2x2x1
jax: 0.10.2.dev20260603
libtpu: 0.0.44.dev20260713+nightly
codegen_flags: <defaults>
</compile_context>

<pallas_src>
import functools

import jax
import jax.numpy as jnp
from jax import lax
from jax.experimental import pallas as pl
from jax.experimental.pallas import tpu as pltpu
from jax.experimental.pallas import tpu_sc as plsc

N = 10000
E = 320000
NI2 = 84
NID = 80
ACC_ROWS = 10016
RB = 1000



def _deg_call(dst3, zo):
    ni = 80
    mesh = plsc.VectorSubcoreMesh(core_axis_name="c", subcore_axis_name="s")

    @functools.partial(
        pl.kernel, mesh=mesh,
        out_type=jax.ShapeDtypeStruct((2, N, 16), jnp.float32),
        scratch_types=[
            pltpu.VMEM((ni, 128), jnp.int32),
            pltpu.VMEM((128, 16), jnp.float32),
            pltpu.VMEM_SHARED((ACC_ROWS, 16), jnp.float32),
            pltpu.SemaphoreType.DMA,
        ],
    )
    def k(dst_hbm, zo_hbm, out_hbm, didx_v, ones_v, acc, dsem):
        c = lax.axis_index("c")
        s = lax.axis_index("s")
        wid = c * 16 + s
        pltpu.sync_copy(zo_hbm.at[pl.ds(0, 624)], acc.at[pl.ds(s * 624, 624)])

        @pl.when(s == 0)
        def _():
            pltpu.sync_copy(zo_hbm.at[pl.ds(0, 32)], acc.at[pl.ds(9984, 32)])

        pltpu.sync_copy(zo_hbm.at[pl.ds(632, 128)], ones_v)
        pltpu.sync_copy(dst_hbm.at[wid], didx_v)
        plsc.subcore_barrier()

        def body(t, carry):
            for u in range(8):
                pltpu.async_copy(ones_v, acc.at[didx_v.at[t * 8 + u]], dsem,
                                 add=True)
            for u in range(8):
                pltpu.make_async_copy(ones_v, acc.at[didx_v.at[t * 8]],
                                      dsem).wait()
            return carry

        lax.fori_loop(0, ni // 8, body, 0)
        plsc.subcore_barrier()
        pltpu.sync_copy(acc.at[pl.ds(s * 624, 624)],
                        out_hbm.at[c, pl.ds(s * 624, 624)])

        @pl.when(s == 0)
        def _():
            pltpu.sync_copy(acc.at[pl.ds(9984, 16)],
                            out_hbm.at[c, pl.ds(9984, 16)])

    return k(dst3, zo)


def _edge_pipeline(hp_hbm, idx_at, ibuf, rows_v, acc, isems, gsems, ssems, ni):

    def idx_load(jj, sl):
        pltpu.async_copy(idx_at(jj), ibuf.at[sl], isems[sl])

    def idx_wait(jj, sl):
        pltpu.make_async_copy(idx_at(jj), ibuf.at[sl], isems[sl]).wait()

    def gather(sl, b):
        pltpu.async_copy(hp_hbm.at[ibuf.at[sl, 0]], rows_v.at[b], gsems[b])

    def gather_wait(sl, b):
        pltpu.make_async_copy(hp_hbm.at[ibuf.at[sl, 0]], rows_v.at[b],
                              gsems[b]).wait()

    def scat(sl, b):
        pltpu.async_copy(rows_v.at[b], acc.at[ibuf.at[sl, 1]], ssems[b],
                         add=True)

    def scat_wait(sl, b):
        pltpu.make_async_copy(rows_v.at[b], acc.at[ibuf.at[sl, 1]],
                              ssems[b]).wait()

    def step(jj, u, first, last):
        gather_wait(u, u % 3)
        scat(u, u % 3)
        if not (first and u == 0):
            scat_wait((u + 5) % 6, (u + 2) % 3)
        if not (last and u > 3):
            idx_wait(jj + 2, (u + 2) % 6)
            gather((u + 2) % 6, (u + 2) % 3)
        if not last or u == 0:
            idx_load(jj + 5, (u + 5) % 6)

    for q in range(5):
        idx_load(q, q)
    for q in range(2):
        idx_wait(q, q)
        gather(q, q)
    for u in range(6):
        step(u, u, True, False)

    def body(t, carry):
        for u in range(6):
            step(t * 6 + u, u, False, False)
        return carry

    lax.fori_loop(1, ni // 6 - 1, body, 0)

    for u in range(6):
        step(ni - 6 + u, u, False, True)
    scat_wait(5, 2)


def _spmm_edgesplit_call(hp, idx4, zf):
    ni = NI2
    mesh = plsc.VectorSubcoreMesh(core_axis_name="c", subcore_axis_name="s")

    @functools.partial(
        pl.kernel, mesh=mesh,
        out_type=jax.ShapeDtypeStruct((2, N, 128), jnp.float32),
        scratch_types=[
            pltpu.VMEM((6, 2, 128), jnp.int32),
            pltpu.VMEM((3, 128, 128), jnp.float32),
            pltpu.VMEM_SHARED((ACC_ROWS, 128), jnp.float32),
        ] + [pltpu.SemaphoreType.DMA] * 12,
    )
    def k(hp_hbm, idx_hbm, zf_hbm, out_hbm, ibuf, rows_v, acc, *sems):
        c = lax.axis_index("c")
        s = lax.axis_index("s")
        wid = c * 16 + s
        base = s * 624

        @pl.when(c == 0)
        def _():
            pltpu.sync_copy(hp_hbm.at[pl.ds(base, 624)], acc.at[pl.ds(base, 624)])

            @pl.when(s == 0)
            def _():
                pltpu.sync_copy(hp_hbm.at[pl.ds(9984, 16)], acc.at[pl.ds(9984, 16)])

        @pl.when(c == 1)
        def _():
            pltpu.sync_copy(zf_hbm.at[pl.ds(0, 624)], acc.at[pl.ds(base, 624)])

            @pl.when(s == 0)
            def _():
                pltpu.sync_copy(zf_hbm.at[pl.ds(0, 16)], acc.at[pl.ds(9984, 16)])

        plsc.subcore_barrier()
        _edge_pipeline(hp_hbm, lambda jj: idx_hbm.at[wid, jj], ibuf, rows_v,
                       acc, sems[0:6], sems[6:9], sems[9:12], ni)
        plsc.subcore_barrier()
        pltpu.sync_copy(acc.at[pl.ds(base, 624)],
                        out_hbm.at[c, pl.ds(base, 624)])

        @pl.when(s == 0)
        def _():
            pltpu.sync_copy(acc.at[pl.ds(9984, 16)],
                            out_hbm.at[c, pl.ds(9984, 16)])

    return k(hp, idx4, zf)



def _tc_scale_x(x, degp):

    def body(xr, dr, xp_out, dinv_out):
        d = dr[0, :, 0] + dr[1, :, 0] + 1.0
        dinv = lax.rsqrt(d).reshape(RB, 1)
        xp_out[...] = xr[...] * dinv
        dinv_out[...] = dinv

    return pl.pallas_call(
        body,
        grid=(10,),
        in_specs=[
            pl.BlockSpec((RB, 128), lambda i: (i, 0)),
            pl.BlockSpec((2, RB, 16), lambda i: (0, i, 0)),
        ],
        out_specs=[
            pl.BlockSpec((RB, 128), lambda i: (i, 0)),
            pl.BlockSpec((RB, 1), lambda i: (i, 0)),
        ],
        out_shape=[
            jax.ShapeDtypeStruct((N, 128), jnp.float32),
            jax.ShapeDtypeStruct((N, 1), jnp.float32),
        ],
    )(x, degp)


def _tc_mid(s1, dinv, w1, b1, w2):

    def body(sr, dr, w1r, br, w2r, out):
        dv = dr[...]
        t = (sr[0] + sr[1]) * dv
        h0 = jnp.maximum(
            jnp.dot(t, w1r[:, 0:128], preferred_element_type=jnp.float32)
            + br[0:1, 0:128], 0.0)
        h1 = jnp.maximum(
            jnp.dot(t, w1r[:, 128:256], preferred_element_type=jnp.float32)
            + br[0:1, 128:256], 0.0)
        h = (jnp.dot(h0, w2r[0:128, :], preferred_element_type=jnp.float32)
             + jnp.dot(h1, w2r[128:256, :], preferred_element_type=jnp.float32))
        out[...] = h * dv

    return pl.pallas_call(
        body,
        grid=(10,),
        in_specs=[
            pl.BlockSpec((2, RB, 128), lambda i: (0, i, 0)),
            pl.BlockSpec((RB, 1), lambda i: (i, 0)),
            pl.BlockSpec((128, 256), lambda i: (0, 0)),
            pl.BlockSpec((1, 256), lambda i: (0, 0)),
            pl.BlockSpec((256, 128), lambda i: (0, 0)),
        ],
        out_specs=pl.BlockSpec((RB, 128), lambda i: (i, 0)),
        out_shape=jax.ShapeDtypeStruct((N, 128), jnp.float32),
    )(s1, dinv, w1, b1, w2)


def _tc_post(s2, dinv, b2):

    def body(sr, dr, br, out):
        out[...] = (sr[0] + sr[1]) * dr[...] + br[...]

    return pl.pallas_call(
        body,
        grid=(10,),
        in_specs=[
            pl.BlockSpec((2, RB, 128), lambda i: (0, i, 0)),
            pl.BlockSpec((RB, 1), lambda i: (i, 0)),
            pl.BlockSpec((1, 128), lambda i: (0, 0)),
        ],
        out_specs=pl.BlockSpec((RB, 128), lambda i: (i, 0)),
        out_shape=jax.ShapeDtypeStruct((N, 128), jnp.float32),
    )(s2, dinv, b2)



def _pad_edges(src, dst, epad):
    pidx = jnp.arange(epad - E, dtype=jnp.int32)
    return (jnp.concatenate([src, pidx % N]),
            jnp.concatenate([dst, N + (pidx % 16)]))


def _interleave(src_p, dst_p, tiles, ni):
    return (jnp.stack([src_p, dst_p], axis=0).reshape(2, tiles * ni, 128)
            .transpose(1, 0, 2).reshape(tiles, ni, 2, 128))


def kernel(x, edge_index, W1, b1, W2, b2):
    src = edge_index[0].astype(jnp.int32)
    dst = edge_index[1].astype(jnp.int32)
    sp2, dp2 = _pad_edges(src, dst, 32 * NI2 * 128)
    idx4 = _interleave(sp2, dp2, 32, NI2)
    _, dpd = _pad_edges(src, dst, 32 * NID * 128)
    dst3b = dpd.reshape(32, NID, 128)
    zo = jnp.concatenate([jnp.zeros((632, 16), jnp.float32),
                          jnp.ones((128, 16), jnp.float32)])
    zf = jnp.zeros((640, 128), jnp.float32)

    degp = jnp.zeros((2, N, 16), jnp.float32)
    xp, dinv = _tc_scale_x(x, degp)
    s1 = _spmm_edgesplit_call(xp, idx4, zf)
    hp2 = _tc_mid(s1, dinv, W1, b1.reshape(1, 256), W2)
    s2 = _spmm_edgesplit_call(hp2, idx4, zf)
    return _tc_post(s2, dinv, b2.reshape(1, 128))

# --- scband reference (transcript-rebuilt; emitter-appended) ---
"""Pipeline reference for scband-gaemodel-80144089743886 (READ-ONLY COPY).

The authoritative reference and input builder live on the scoring server;
editing this copy changes nothing except your own understanding.
"""

import jax, jax.numpy as jnp
import numpy as np

N_NODES = 10000


def _gcn_conv(x, edge_index, W, b, n_nodes):
    # GCNConv: out = D^{-1/2} (A + I) D^{-1/2} X W + b
    loops = jnp.stack([jnp.arange(n_nodes, dtype=edge_index.dtype),
                       jnp.arange(n_nodes, dtype=edge_index.dtype)], axis=0)
    ei = jnp.concatenate([edge_index, loops], axis=1)
    src, dst = ei[0], ei[1]
    deg = jax.ops.segment_sum(jnp.ones(ei.shape[1], dtype=x.dtype), dst,
                              num_segments=n_nodes)
    dinv = jnp.where(deg > 0, jax.lax.rsqrt(deg), 0.0)
    norm = dinv[src] * dinv[dst]
    h = x @ W
    msgs = h[src] * norm[:, None]
    out = jax.ops.segment_sum(msgs, dst, num_segments=n_nodes)
    return out + b


def setup_inputs(seed: int = 0) -> dict:
    key = jax.random.key(seed)
    k1, k2, k3, k4, k5, k6 = jax.random.split(key, 6)
    in_ch, out_ch = 128, 128
    hid = 2 * out_ch
    x = jax.random.normal(k1, (N_NODES, in_ch), dtype=jnp.float32)
    edge_index = jax.random.randint(k2, (2, 320000), 0, N_NODES, dtype=jnp.int64)
    s1 = 1.0 / np.sqrt(in_ch)
    s2 = 1.0 / np.sqrt(hid)
    W1 = jax.random.uniform(k3, (in_ch, hid), dtype=jnp.float32, minval=-s1, maxval=s1)
    b1 = jnp.zeros((hid,), dtype=jnp.float32)
    W2 = jax.random.uniform(k4, (hid, out_ch), dtype=jnp.float32, minval=-s2, maxval=s2)
    b2 = jnp.zeros((out_ch,), dtype=jnp.float32)
    return {"x": x, "edge_index": edge_index, "W1": W1, "b1": b1, "W2": W2, "b2": b2}


def reference(x, edge_index, W1, b1, W2, b2):
    h = _gcn_conv(x, edge_index, W1, b1, N_NODES)
    h = jax.nn.relu(h)
    z = _gcn_conv(h, edge_index, W2, b2, N_NODES)
    return z

if __name__ == "__main__":
    import jax
    _d = setup_inputs()
    print(jax.jit(kernel)(*tuple(_d.values())))

</pallas_src>

<mosaic_0001>
#map = affine_map<(d0, d1) -> (0, 0)>
#map1 = affine_map<(d0, d1) -> (0, 0, 0, 0)>
#map2 = affine_map<(d0, d1) -> (0, 0, 0)>
module attributes {stable_mosaic.version = 14 : i64} {
  func.func @k(%arg0: i32, %arg1: i32, %arg2: memref<10000x128xf32, #tpu.memory_space<hbm>>, %arg3: memref<32x84x2x128xi32, #tpu.memory_space<hbm>>, %arg4: memref<640x128xf32, #tpu.memory_space<hbm>>, %arg5: memref<2x10000x128xf32, #tpu.memory_space<hbm>>, %arg6: memref<6x2x128xi32, #tpu.memory_space<vmem>>, %arg7: memref<3x128x128xf32, #tpu.memory_space<vmem>>, %arg8: memref<10016x128xf32, #tpu.memory_space<vmem_shared>>, %arg9: memref<!tpu.dma_semaphore, #tpu.memory_space<semaphore_mem>>, %arg10: memref<!tpu.dma_semaphore, #tpu.memory_space<semaphore_mem>>, %arg11: memref<!tpu.dma_semaphore, #tpu.memory_space<semaphore_mem>>, %arg12: memref<!tpu.dma_semaphore, #tpu.memory_space<semaphore_mem>>, %arg13: memref<!tpu.dma_semaphore, #tpu.memory_space<semaphore_mem>>, %arg14: memref<!tpu.dma_semaphore, #tpu.memory_space<semaphore_mem>>, %arg15: memref<!tpu.dma_semaphore, #tpu.memory_space<semaphore_mem>>, %arg16: memref<!tpu.dma_semaphore, #tpu.memory_space<semaphore_mem>>, %arg17: memref<!tpu.dma_semaphore, #tpu.memory_space<semaphore_mem>>, %arg18: memref<!tpu.dma_semaphore, #tpu.memory_space<semaphore_mem>>, %arg19: memref<!tpu.dma_semaphore, #tpu.memory_space<semaphore_mem>>, %arg20: memref<!tpu.dma_semaphore, #tpu.memory_space<semaphore_mem>>) attributes {dimension_semantics = [#tpu.dimension_semantics<core_parallel>, #tpu.dimension_semantics<subcore_parallel>], iteration_bounds = array<i64: 2, 16>, scalar_prefetch = 0 : i64, scratch_operands = 15 : i64, tpu.core_type = #tpu.core_type<sc_vector_subcore>, window_params = [{transform_indices = #map}, {transform_indices = #map1}, {transform_indices = #map}, {transform_indices = #map2}]} {
    %mul3A = arith.constant 16 : i32
    %mul3A_0 = arith.muli %arg0, %mul3A : i32
    %add3A = arith.addi %mul3A_0, %arg1 : i32
    %mul3A_1 = arith.constant 624 : i32
    %mul3A_2 = arith.muli %arg1, %mul3A_1 : i32
    %eq3A = arith.constant 0 : i32
    %eq3A_3 = arith.cmpi eq, %arg0, %eq3A : i32
    %convert_element_type3A = arith.extui %eq3A_3 : i1 to i32
    %cond3A = arith.constant 0 : i32
    %cond3A_4 = arith.cmpi ne, %convert_element_type3A, %cond3A : i32
    scf.if %cond3A_4 {
      "tpu.region"() ({
        %run_scoped3A = tpu.sem_alloc : memref<!tpu.dma_semaphore, #tpu.memory_space<semaphore_mem>>
        %dma_start3A_1080 = arith.constant 0 : i32
        %dma_start3A_1081 = tpu.memref_slice %arg8[%mul3A_2, %dma_start3A_1080] : memref<10016x128xf32, #tpu.memory_space<vmem_shared>> -> memref<624x128xf32, #tpu.memory_space<vmem_shared>>
        %dma_start3A_1082 = arith.constant 0 : i32
        %dma_start3A_1083 = tpu.memref_slice %arg2[%mul3A_2, %dma_start3A_1082] : memref<10000x128xf32, #tpu.memory_space<hbm>> -> memref<624x128xf32, #tpu.memory_space<hbm>>
        tpu.enqueue_dma source(%dma_start3A_1083 : memref<624x128xf32, #tpu.memory_space<hbm>>) target(%dma_start3A_1081 : memref<624x128xf32, #tpu.memory_space<vmem_shared>>) target_semaphore(%run_scoped3A : memref<!tpu.dma_semaphore, #tpu.memory_space<semaphore_mem>>)
        %dma_wait3A_1084 = arith.constant 0 : i32
        %dma_wait3A_1085 = tpu.memref_slice %arg8[%mul3A_2, %dma_wait3A_1084] : memref<10016x128xf32, #tpu.memory_space<vmem_shared>> -> memref<624x128xf32, #tpu.memory_space<vmem_shared>>
        %dma_wait3A_1086 = arith.constant 0 : i32
        %dma_wait3A_1087 = tpu.memref_slice %arg2[%mul3A_2, %dma_wait3A_1086] : memref<10000x128xf32, #tpu.memory_space<hbm>> -> memref<624x128xf32, #tpu.memory_space<hbm>>
        tpu.wait_dma2 semaphore(%run_scoped3A : memref<!tpu.dma_semaphore, #tpu.memory_space<semaphore_mem>>) src(%dma_wait3A_1087 : memref<624x128xf32, #tpu.memory_space<hbm>>) dst(%dma_wait3A_1085 : memref<624x128xf32, #tpu.memory_space<vmem_shared>>)
        tpu.yield
      }) : () -> ()
      %eq3A_1075 = arith.constant 0 : i32
      %eq3A_1076 = arith.cmpi eq, %arg1, %eq3A_1075 : i32
      %convert_element_type3A_1077 = arith.extui %eq3A_1076 : i1 to i32
      %cond3A_1078 = arith.constant 0 : i32
      %cond3A_1079 = arith.cmpi ne, %convert_element_type3A_1077, %cond3A_1078 : i32
      scf.if %cond3A_1079 {
        "tpu.region"() ({
          %run_scoped3A = tpu.sem_alloc : memref<!tpu.dma_semaphore, #tpu.memory_space<semaphore_mem>>
          %dma_start3A_1080 = arith.constant 9984 : i32
          %dma_start3A_1081 = arith.constant 0 : i32
          %dma_start3A_1082 = tpu.memref_slice %arg8[%dma_start3A_1080, %dma_start3A_1081] : memref<10016x128xf32, #tpu.memory_space<vmem_shared>> -> memref<16x128xf32, #tpu.memory_space<vmem_shared>>
          %dma_start3A_1083 = arith.constant 9984 : i32
          %dma_start3A_1084 = arith.constant 0 : i32
          %dma_start3A_1085 = tpu.memref_slice %arg2[%dma_start3A_1083, %dma_start3A_1084] : memref<10000x128xf32, #tpu.memory_space<hbm>> -> memref<16x128xf32, #tpu.memory_space<hbm>>
          tpu.enqueue_dma source(%dma_start3A_1085 : memref<16x128xf32, #tpu.memory_space<hbm>>) target(%dma_start3A_1082 : memref<16x128xf32, #tpu.memory_space<vmem_shared>>) target_semaphore(%run_scoped3A : memref<!tpu.dma_semaphore, #tpu.memory_space<semaphore_mem>>)
          %dma_wait3A_1086 = arith.constant 9984 : i32
          %dma_wait3A_1087 = arith.constant 0 : i32
          %dma_wait3A_1088 = tpu.memref_slice %arg8[%dma_wait3A_1086, %dma_wait3A_1087] : memref<10016x128xf32, #tpu.memory_space<vmem_shared>> -> memref<16x128xf32, #tpu.memory_space<vmem_shared>>
          %dma_wait3A_1089 = arith.constant 9984 : i32
          %dma_wait3A_1090 = arith.constant 0 : i32
          %dma_wait3A_1091 = tpu.memref_slice %arg2[%dma_wait3A_1089, %dma_wait3A_1090] : memref<10000x128xf32, #tpu.memory_space<hbm>> -> memref<16x128xf32, #tpu.memory_space<hbm>>
          tpu.wait_dma2 semaphore(%run_scoped3A : memref<!tpu.dma_semaphore, #tpu.memory_space<semaphore_mem>>) src(%dma_wait3A_1091 : memref<16x128xf32, #tpu.memory_space<hbm>>) dst(%dma_wait3A_1088 : memref<16x128xf32, #tpu.memory_space<vmem_shared>>)
          tpu.yield
        }) : () -> ()
      } else {
      }
    } else {
    }
    %eq3A_5 = arith.constant 1 : i32
    %eq3A_6 = arith.cmpi eq, %arg0, %eq3A_5 : i32
    %convert_element_type3A_7 = arith.extui %eq3A_6 : i1 to i32
    %cond3A_8 = arith.constant 0 : i32
    %cond3A_9 = arith.cmpi ne, %convert_element_type3A_7, %cond3A_8 : i32
    scf.if %cond3A_9 {
      "tpu.region"() ({
        %run_scoped3A = tpu.sem_alloc : memref<!tpu.dma_semaphore, #tpu.memory_space<semaphore_mem>>
        %dma_start3A_1080 = arith.constant 0 : i32
        %dma_start3A_1081 = tpu.memref_slice %arg8[%mul3A_2, %dma_start3A_1080] : memref<10016x128xf32, #tpu.memory_space<vmem_shared>> -> memref<624x128xf32, #tpu.memory_space<vmem_shared>>
        %dma_start3A_1082 = arith.constant 0 : i32
        %dma_start3A_1083 = arith.constant 0 : i32
        %dma_start3A_1084 = tpu.memref_slice %arg4[%dma_start3A_1082, %dma_start3A_1083] : memref<640x128xf32, #tpu.memory_space<hbm>> -> memref<624x128xf32, #tpu.memory_space<hbm>>
        tpu.enqueue_dma source(%dma_start3A_1084 : memref<624x128xf32, #tpu.memory_space<hbm>>) target(%dma_start3A_1081 : memref<624x128xf32, #tpu.memory_space<vmem_shared>>) target_semaphore(%run_scoped3A : memref<!tpu.dma_semaphore, #tpu.memory_space<semaphore_mem>>)
        %dma_wait3A_1085 = arith.constant 0 : i32
        %dma_wait3A_1086 = tpu.memref_slice %arg8[%mul3A_2, %dma_wait3A_1085] : memref<10016x128xf32, #tpu.memory_space<vmem_shared>> -> memref<624x128xf32, #tpu.memory_space<vmem_shared>>
        %dma_wait3A_1087 = arith.constant 0 : i32
        %dma_wait3A_1088 = arith.constant 0 : i32
        %dma_wait3A_1089 = tpu.memref_slice %arg4[%dma_wait3A_1087, %dma_wait3A_1088] : memref<640x128xf32, #tpu.memory_space<hbm>> -> memref<624x128xf32, #tpu.memory_space<hbm>>
        tpu.wait_dma2 semaphore(%run_scoped3A : memref<!tpu.dma_semaphore, #tpu.memory_space<semaphore_mem>>) src(%dma_wait3A_1089 : memref<624x128xf32, #tpu.memory_space<hbm>>) dst(%dma_wait3A_1086 : memref<624x128xf32, #tpu.memory_space<vmem_shared>>)
        tpu.yield
      }) : () -> ()
      %eq3A_1075 = arith.constant 0 : i32
      %eq3A_1076 = arith.cmpi eq, %arg1, %eq3A_1075 : i32
      %convert_element_type3A_1077 = arith.extui %eq3A_1076 : i1 to i32
      %cond3A_1078 = arith.constant 0 : i32
      %cond3A_1079 = arith.cmpi ne, %convert_element_type3A_1077, %cond3A_1078 : i32
      scf.if %cond3A_1079 {
        "tpu.region"() ({
          %run_scoped3A = tpu.sem_alloc : memref<!tpu.dma_semaphore, #tpu.memory_space<semaphore_mem>>
          %dma_start3A_1080 = arith.constant 9984 : i32
          %dma_start3A_1081 = arith.constant 0 : i32
          %dma_start3A_1082 = tpu.memref_slice %arg8[%dma_start3A_1080, %dma_start3A_1081] : memref<10016x128xf32, #tpu.memory_space<vmem_shared>> -> memref<16x128xf32, #tpu.memory_space<vmem_shared>>
          %dma_start3A_1083 = arith.constant 0 : i32
          %dma_start3A_1084 = arith.constant 0 : i32
          %dma_start3A_1085 = tpu.memref_slice %arg4[%dma_start3A_1083, %dma_start3A_1084] : memref<640x128xf32, #tpu.memory_space<hbm>> -> memref<16x128xf32, #tpu.memory_space<hbm>>
          tpu.enqueue_dma source(%dma_start3A_1085 : memref<16x128xf32, #tpu.memory_space<hbm>>) target(%dma_start3A_1082 : memref<16x128xf32, #tpu.memory_space<vmem_shared>>) target_semaphore(%run_scoped3A : memref<!tpu.dma_semaphore, #tpu.memory_space<semaphore_mem>>)
          %dma_wait3A_1086 = arith.constant 9984 : i32
          %dma_wait3A_1087 = arith.constant 0 : i32
          %dma_wait3A_1088 = tpu.memref_slice %arg8[%dma_wait3A_1086, %dma_wait3A_1087] : memref<10016x128xf32, #tpu.memory_space<vmem_shared>> -> memref<16x128xf32, #tpu.memory_space<vmem_shared>>
          %dma_wait3A_1089 = arith.constant 0 : i32
          %dma_wait3A_1090 = arith.constant 0 : i32
          %dma_wait3A_1091 = tpu.memref_slice %arg4[%dma_wait3A_1089, %dma_wait3A_1090] : memref<640x128xf32, #tpu.memory_space<hbm>> -> memref<16x128xf32, #tpu.memory_space<hbm>>
          tpu.wait_dma2 semaphore(%run_scoped3A : memref<!tpu.dma_semaphore, #tpu.memory_space<semaphore_mem>>) src(%dma_wait3A_1091 : memref<16x128xf32, #tpu.memory_space<hbm>>) dst(%dma_wait3A_1088 : memref<16x128xf32, #tpu.memory_space<vmem_shared>>)
          tpu.yield
        }) : () -> ()
      } else {
      }
    } else {
    }
    %barrier3A = arith.constant 0 : index
    tpu.barrier barrier_id(%barrier3A)
    %dma_start3A = arith.constant 0 : i32
    %dma_start3A_10 = arith.constant 0 : i32
    %dma_start3A_11 = arith.constant 0 : i32
    %dma_start3A_12 = arith.constant 0 : i32
    %dma_start3A_13 = tpu.memref_slice %arg6[%dma_start3A_10, %dma_start3A_11, %dma_start3A_12] : memref<6x2x128xi32, #tpu.memory_space<vmem>> -> memref<1x2x128xi32, #tpu.memory_space<vmem>>
    %dma_start3A_14 = tpu.memref_squeeze %dma_start3A_13 : memref<1x2x128xi32, #tpu.memory_space<vmem>> -> memref<2x128xi32, #tpu.memory_space<vmem>>
    %dma_start3A_15 = arith.constant 0 : i32
    %dma_start3A_16 = arith.constant 0 : i32
    %dma_start3A_17 = tpu.memref_slice %arg3[%add3A, %dma_start3A, %dma_start3A_15, %dma_start3A_16] : memref<32x84x2x128xi32, #tpu.memory_space<hbm>> -> memref<1x1x2x128xi32, #tpu.memory_space<hbm>>
    %dma_start3A_18 = tpu.memref_squeeze %dma_start3A_17 : memref<1x1x2x128xi32, #tpu.memory_space<hbm>> -> memref<2x128xi32, #tpu.memory_space<hbm>>
    %dma_start3A_19 = arith.constant 0 : i32
    %dma_start3A_20 = arith.constant 0 : i32
    %dma_start3A_21 = tpu.memref_slice %arg6[%dma_start3A_10, %dma_start3A_19, %dma_start3A_20] : memref<6x2x128xi32, #tpu.memory_space<vmem>> -> memref<1x2x128xi32, #tpu.memory_space<vmem>>
    %dma_start3A_22 = tpu.memref_squeeze %dma_start3A_21 : memref<1x2x128xi32, #tpu.memory_space<vmem>> -> memref<2x128xi32, #tpu.memory_space<vmem>>
    %dma_start3A_23 = arith.constant 0 : i32
    %dma_start3A_24 = arith.constant 0 : i32
    %dma_start3A_25 = tpu.memref_slice %arg3[%add3A, %dma_start3A, %dma_start3A_23, %dma_start3A_24] : memref<32x84x2x128xi32, #tpu.memory_space<hbm>> -> memref<1x1x2x128xi32, #tpu.memory_space<hbm>>
    %dma_start3A_26 = tpu.memref_squeeze %dma_start3A_25 : memref<1x1x2x128xi32, #tpu.memory_space<hbm>> -> memref<2x128xi32, #tpu.memory_space<hbm>>
    tpu.enqueue_dma source(%dma_start3A_26 : memref<2x128xi32, #tpu.memory_space<hbm>>) target(%dma_start3A_22 : memref<2x128xi32, #tpu.memory_space<vmem>>) target_semaphore(%arg9 : memref<!tpu.dma_semaphore, #tpu.memory_space<semaphore_mem>>)
    %dma_start3A_27 = arith.constant 1 : i32
    %dma_start3A_28 = arith.constant 1 : i32
    %dma_start3A_29 = arith.constant 0 : i32
    %dma_start3A_30 = arith.constant 0 : i32
    %dma_start3A_31 = tpu.memref_slice %arg6[%dma_start3A_28, %dma_start3A_29, %dma_start3A_30] : memref<6x2x128xi32, #tpu.memory_space<vmem>> -> memref<1x2x128xi32, #tpu.memory_space<vmem>>
    %dma_start3A_32 = tpu.memref_squeeze %dma_start3A_31 : memref<1x2x128xi32, #tpu.memory_space<vmem>> -> memref<2x128xi32, #tpu.memory_space<vmem>>
    %dma_start3A_33 = arith.constant 0 : i32
    %dma_start3A_34 = arith.constant 0 : i32
    %dma_start3A_35 = tpu.memref_slice %arg3[%add3A, %dma_start3A_27, %dma_start3A_33, %dma_start3A_34] : memref<32x84x2x128xi32, #tpu.memory_space<hbm>> -> memref<1x1x2x128xi32, #tpu.memory_space<hbm>>
    %dma_start3A_36 = tpu.memref_squeeze %dma_start3A_35 : memref<1x1x2x128xi32, #tpu.memory_space<hbm>> -> memref<2x128xi32, #tpu.memory_space<hbm>>
    %dma_start3A_37 = arith.constant 0 : i32
    %dma_start3A_38 = arith.constant 0 : i32
    %dma_start3A_39 = tpu.memref_slice %arg6[%dma_start3A_28, %dma_start3A_37, %dma_start3A_38] : memref<6x2x128xi32, #tpu.memory_space<vmem>> -> memref<1x2x128xi32, #tpu.memory_space<vmem>>
    %dma_start3A_40 = tpu.memref_squeeze %dma_start3A_39 : memref<1x2x128xi32, #tpu.memory_space<vmem>> -> memref<2x128xi32, #tpu.memory_space<vmem>>
    %dma_start3A_41 = arith.constant 0 : i32
    %dma_start3A_42 = arith.constant 0 : i32
    %dma_start3A_43 = tpu.memref_slice %arg3[%add3A, %dma_start3A_27, %dma_start3A_41, %dma_start3A_42] : memref<32x84x2x128xi32, #tpu.memory_space<hbm>> -> memref<1x1x2x128xi32, #tpu.memory_space<hbm>>
    %dma_start3A_44 = tpu.memref_squeeze %dma_start3A_43 : memref<1x1x2x128xi32, #tpu.memory_space<hbm>> -> memref<2x128xi32, #tpu.memory_space<hbm>>
    tpu.enqueue_dma source(%dma_start3A_44 : memref<2x128xi32, #tpu.memory_space<hbm>>) target(%dma_start3A_40 : memref<2x128xi32, #tpu.memory_space<vmem>>) target_semaphore(%arg10 : memref<!tpu.dma_semaphore, #tpu.memory_space<semaphore_mem>>)
    %dma_start3A_45 = arith.constant 2 : i32
    %dma_start3A_46 = arith.constant 2 : i32
    %dma_start3A_47 = arith.constant 0 : i32
    %dma_start3A_48 = arith.constant 0 : i32
    %dma_start3A_49 = tpu.memref_slice %arg6[%dma_start3A_46, %dma_start3A_47, %dma_start3A_48] : memref<6x2x128xi32, #tpu.memory_space<vmem>> -> memref<1x2x128xi32, #tpu.memory_space<vmem>>
    %dma_start3A_50 = tpu.memref_squeeze %dma_start3A_49 : memref<1x2x128xi32, #tpu.memory_space<vmem>> -> memref<2x128xi32, #tpu.memory_space<vmem>>
    %dma_start3A_51 = arith.constant 0 : i32
    %dma_start3A_52 = arith.constant 0 : i32
    %dma_start3A_53 = tpu.memref_slice %arg3[%add3A, %dma_start3A_45, %dma_start3A_51, %dma_start3A_52] : memref<32x84x2x128xi32, #tpu.memory_space<hbm>> -> memref<1x1x2x128xi32, #tpu.memory_space<hbm>>
    %dma_start3A_54 = tpu.memref_squeeze %dma_start3A_53 : memref<1x1x2x128xi32, #tpu.memory_space<hbm>> -> memref<2x128xi32, #tpu.memory_space<hbm>>
    %dma_start3A_55 = arith.constant 0 : i32
    %dma_start3A_56 = arith.constant 0 : i32
    %dma_start3A_57 = tpu.memref_slice %arg6[%dma_start3A_46, %dma_start3A_55, %dma_start3A_56] : memref<6x2x128xi32, #tpu.memory_space<vmem>> -> memref<1x2x128xi32, #tpu.memory_space<vmem>>
    %dma_start3A_58 = tpu.memref_squeeze %dma_start3A_57 : memref<1x2x128xi32, #tpu.memory_space<vmem>> -> memref<2x128xi32, #tpu.memory_space<vmem>>
    %dma_start3A_59 = arith.constant 0 : i32
    %dma_start3A_60 = arith.constant 0 : i32
    %dma_start3A_61 = tpu.memref_slice %arg3[%add3A, %dma_start3A_45, %dma_start3A_59, %dma_start3A_60] : memref<32x84x2x128xi32, #tpu.memory_space<hbm>> -> memref<1x1x2x128xi32, #tpu.memory_space<hbm>>
    %dma_start3A_62 = tpu.memref_squeeze %dma_start3A_61 : memref<1x1x2x128xi32, #tpu.memory_space<hbm>> -> memref<2x128xi32, #tpu.memory_space<hbm>>
    tpu.enqueue_dma source(%dma_start3A_62 : memref<2x128xi32, #tpu.memory_space<hbm>>) target(%dma_start3A_58 : memref<2x128xi32, #tpu.memory_space<vmem>>) target_semaphore(%arg11 : memref<!tpu.dma_semaphore, #tpu.memory_space<semaphore_mem>>)
    %dma_start3A_63 = arith.constant 3 : i32
    %dma_start3A_64 = arith.constant 3 : i32
    %dma_start3A_65 = arith.constant 0 : i32
    %dma_start3A_66 = arith.constant 0 : i32
    %dma_start3A_67 = tpu.memref_slice %arg6[%dma_start3A_64, %dma_start3A_65, %dma_start3A_66] : memref<6x2x128xi32, #tpu.memory_space<vmem>> -> memref<1x2x128xi32, #tpu.memory_space<vmem>>
    %dma_start3A_68 = tpu.memref_squeeze %dma_start3A_67 : memref<1x2x128xi32, #tpu.memory_space<vmem>> -> memref<2x128xi32, #tpu.memory_space<vmem>>
    %dma_start3A_69 = arith.constant 0 : i32
    %dma_start3A_70 = arith.constant 0 : i32
    %dma_start3A_71 = tpu.memref_slice %arg3[%add3A, %dma_start3A_63, %dma_start3A_69, %dma_start3A_70] : memref<32x84x2x128xi32, #tpu.memory_space<hbm>> -> memref<1x1x2x128xi32, #tpu.memory_space<hbm>>
    %dma_start3A_72 = tpu.memref_squeeze %dma_start3A_71 : memref<1x1x2x128xi32, #tpu.memory_space<hbm>> -> memref<2x128xi32, #tpu.memory_space<hbm>>
    %dma_start3A_73 = arith.constant 0 : i32
    %dma_start3A_74 = arith.constant 0 : i32
    %dma_start3A_75 = tpu.memref_slice %arg6[%dma_start3A_64, %dma_start3A_73, %dma_start3A_74] : memref<6x2x128xi32, #tpu.memory_space<vmem>> -> memref<1x2x128xi32, #tpu.memory_space<vmem>>
    %dma_start3A_76 = tpu.memref_squeeze %dma_start3A_75 : memref<1x2x128xi32, #tpu.memory_space<vmem>> -> memref<2x128xi32, #tpu.memory_space<vmem>>
    %dma_start3A_77 = arith.constant 0 : i32
    %dma_start3A_78 = arith.constant 0 : i32
    %dma_start3A_79 = tpu.memref_slice %arg3[%add3A, %dma_start3A_63, %dma_start3A_77, %dma_start3A_78] : memref<32x84x2x128xi32, #tpu.memory_space<hbm>> -> memref<1x1x2x128xi32, #tpu.memory_space<hbm>>
    %dma_start3A_80 = tpu.memref_squeeze %dma_start3A_79 : memref<1x1x2x128xi32, #tpu.memory_space<hbm>> -> memref<2x128xi32, #tpu.memory_space<hbm>>
    tpu.enqueue_dma source(%dma_start3A_80 : memref<2x128xi32, #tpu.memory_space<hbm>>) target(%dma_start3A_76 : memref<2x128xi32, #tpu.memory_space<vmem>>) target_semaphore(%arg12 : memref<!tpu.dma_semaphore, #tpu.memory_space<semaphore_mem>>)
    %dma_start3A_81 = arith.constant 4 : i32
    %dma_start3A_82 = arith.constant 4 : i32
    %dma_start3A_83 = arith.constant 0 : i32
    %dma_start3A_84 = arith.constant 0 : i32
    %dma_start3A_85 = tpu.memref_slice %arg6[%dma_start3A_82, %dma_start3A_83, %dma_start3A_84] : memref<6x2x128xi32, #tpu.memory_space<vmem>> -> memref<1x2x128xi32, #tpu.memory_space<vmem>>
    %dma_start3A_86 = tpu.memref_squeeze %dma_start3A_85 : memref<1x2x128xi32, #tpu.memory_space<vmem>> -> memref<2x128xi32, #tpu.memory_space<vmem>>
    %dma_start3A_87 = arith.constant 0 : i32
    %dma_start3A_88 = arith.constant 0 : i32
    %dma_start3A_89 = tpu.memref_slice %arg3[%add3A, %dma_start3A_81, %dma_start3A_87, %dma_start3A_88] : memref<32x84x2x128xi32, #tpu.memory_space<hbm>> -> memref<1x1x2x128xi32, #tpu.memory_space<hbm>>
    %dma_start3A_90 = tpu.memref_squeeze %dma_start3A_89 : memref<1x1x2x128xi32, #tpu.memory_space<hbm>> -> memref<2x128xi32, #tpu.memory_space<hbm>>
    %dma_start3A_91 = arith.constant 0 : i32
    %dma_start3A_92 = arith.constant 0 : i32
    %dma_start3A_93 = tpu.memref_slice %arg6[%dma_start3A_82, %dma_start3A_91, %dma_start3A_92] : memref<6x2x128xi32, #tpu.memory_space<vmem>> -> memref<1x2x128xi32, #tpu.memory_space<vmem>>
    %dma_start3A_94 = tpu.memref_squeeze %dma_start3A_93 : memref<1x2x128xi32, #tpu.memory_space<vmem>> -> memref<2x128xi32, #tpu.memory_space<vmem>>
    %dma_start3A_95 = arith.constant 0 : i32
    %dma_start3A_96 = arith.constant 0 : i32
    %dma_start3A_97 = tpu.memref_slice %arg3[%add3A, %dma_start3A_81, %dma_start3A_95, %dma_start3A_96] : memref<32x84x2x128xi32, #tpu.memory_space<hbm>> -> memref<1x1x2x128xi32, #tpu.memory_space<hbm>>
    %dma_start3A_98 = tpu.memref_squeeze %dma_start3A_97 : memref<1x1x2x128xi32, #tpu.memory_space<hbm>> -> memref<2x128xi32, #tpu.memory_space<hbm>>
    tpu.enqueue_dma source(%dma_start3A_98 : memref<2x128xi32, #tpu.memory_space<hbm>>) target(%dma_start3A_94 : memref<2x128xi32, #tpu.memory_space<vmem>>) target_semaphore(%arg13 : memref<!tpu.dma_semaphore, #tpu.memory_space<semaphore_mem>>)
    %dma_wait3A = arith.constant 0 : i32
    %dma_wait3A_99 = arith.constant 0 : i32
    %dma_wait3A_100 = arith.constant 0 : i32
    %dma_wait3A_101 = arith.constant 0 : i32
    %dma_wait3A_102 = tpu.memref_slice %arg6[%dma_wait3A_99, %dma_wait3A_100, %dma_wait3A_101] : memref<6x2x128xi32, #tpu.memory_space<vmem>> -> memref<1x2x128xi32, #tpu.memory_space<vmem>>
    %dma_wait3A_103 = tpu.memref_squeeze %dma_wait3A_102 : memref<1x2x128xi32, #tpu.memory_space<vmem>> -> memref<2x128xi32, #tpu.memory_space<vmem>>
    %dma_wait3A_104 = arith.constant 0 : i32
    %dma_wait3A_105 = arith.constant 0 : i32
    %dma_wait3A_106 = tpu.memref_slice %arg3[%add3A, %dma_wait3A, %dma_wait3A_104, %dma_wait3A_105] : memref<32x84x2x128xi32, #tpu.memory_space<hbm>> -> memref<1x1x2x128xi32, #tpu.memory_space<hbm>>
    %dma_wait3A_107 = tpu.memref_squeeze %dma_wait3A_106 : memref<1x1x2x128xi32, #tpu.memory_space<hbm>> -> memref<2x128xi32, #tpu.memory_space<hbm>>
    %dma_wait3A_108 = arith.constant 0 : i32
    %dma_wait3A_109 = arith.constant 0 : i32
    %dma_wait3A_110 = tpu.memref_slice %arg6[%dma_wait3A_99, %dma_wait3A_108, %dma_wait3A_109] : memref<6x2x128xi32, #tpu.memory_space<vmem>> -> memref<1x2x128xi32, #tpu.memory_space<vmem>>
    %dma_wait3A_111 = tpu.memref_squeeze %dma_wait3A_110 : memref<1x2x128xi32, #tpu.memory_space<vmem>> -> memref<2x128xi32, #tpu.memory_space<vmem>>
    %dma_wait3A_112 = arith.constant 0 : i32
    %dma_wait3A_113 = arith.constant 0 : i32
    %dma_wait3A_114 = tpu.memref_slice %arg3[%add3A, %dma_wait3A, %dma_wait3A_112, %dma_wait3A_113] : memref<32x84x2x128xi32, #tpu.memory_space<hbm>> -> memref<1x1x2x128xi32, #tpu.memory_space<hbm>>
    %dma_wait3A_115 = tpu.memref_squeeze %dma_wait3A_114 : memref<1x1x2x128xi32, #tpu.memory_space<hbm>> -> memref<2x128xi32, #tpu.memory_space<hbm>>
    tpu.wait_dma2 semaphore(%arg9 : memref<!tpu.dma_semaphore, #tpu.memory_space<semaphore_mem>>) src(%dma_wait3A_115 : memref<2x128xi32, #tpu.memory_space<hbm>>) dst(%dma_wait3A_111 : memref<2x128xi32, #tpu.memory_space<vmem>>)
    %dma_start3A_116 = arith.constant 0 : i32
    %dma_start3A_117 = arith.constant 0 : i32
    %dma_start3A_118 = arith.constant 0 : i32
    %dma_start3A_119 = arith.constant 0 : i32
    %dma_start3A_120 = arith.constant 0 : i32
    %dma_start3A_121 = tpu.memref_slice %arg7[%dma_start3A_118, %dma_start3A_119, %dma_start3A_120] : memref<3x128x128xf32, #tpu.memory_space<vmem>> -> memref<1x128x128xf32, #tpu.memory_space<vmem>>
    %dma_start3A_122 = tpu.memref_squeeze %dma_start3A_121 : memref<1x128x128xf32, #tpu.memory_space<vmem>> -> memref<128x128xf32, #tpu.memory_space<vmem>>
    %dma_start3A_123 = arith.constant 0 : i32
    %dma_start3A_124 = tpu.memref_slice %arg6[%dma_start3A_116, %dma_start3A_117, %dma_start3A_123] : memref<6x2x128xi32, #tpu.memory_space<vmem>> -> memref<1x1x128xi32, #tpu.memory_space<vmem>>
    %dma_start3A_125 = tpu.memref_squeeze %dma_start3A_124 : memref<1x1x128xi32, #tpu.memory_space<vmem>> -> memref<128xi32, #tpu.memory_space<vmem>>
    %dma_start3A_126 = arith.constant 0 : i32
    %dma_start3A_127 = arith.constant 0 : i32
    %dma_start3A_128 = tpu.memref_slice %arg2[%dma_start3A_126, %dma_start3A_127] : memref<10000x128xf32, #tpu.memory_space<hbm>> -> memref<10000x128xf32, #tpu.memory_space<hbm>>
    tpu.enqueue_indirect_dma source(%dma_start3A_128 : memref<10000x128xf32, #tpu.memory_space<hbm>>) target(%dma_start3A_122 : memref<128x128xf32, #tpu.memory_space<vmem>>) offsets(%dma_start3A_125 : memref<128xi32, #tpu.memory_space<vmem>>) semaphore(%arg15 : memref<!tpu.dma_semaphore, #tpu.memory_space<semaphore_mem>>)
    %dma_wait3A_129 = arith.constant 1 : i32
    %dma_wait3A_130 = arith.constant 1 : i32
    %dma_wait3A_131 = arith.constant 0 : i32
    %dma_wait3A_132 = arith.constant 0 : i32
    %dma_wait3A_133 = tpu.memref_slice %arg6[%dma_wait3A_130, %dma_wait3A_131, %dma_wait3A_132] : memref<6x2x128xi32, #tpu.memory_space<vmem>> -> memref<1x2x128xi32, #tpu.memory_space<vmem>>
    %dma_wait3A_134 = tpu.memref_squeeze %dma_wait3A_133 : memref<1x2x128xi32, #tpu.memory_space<vmem>> -> memref<2x128xi32, #tpu.memory_space<vmem>>
    %dma_wait3A_135 = arith.constant 0 : i32
    %dma_wait3A_136 = arith.constant 0 : i32
    %dma_wait3A_137 = tpu.memref_slice %arg3[%add3A, %dma_wait3A_129, %dma_wait3A_135, %dma_wait3A_136] : memref<32x84x2x128xi32, #tpu.memory_space<hbm>> -> memref<1x1x2x128xi32, #tpu.memory_space<hbm>>
    %dma_wait3A_138 = tpu.memref_squeeze %dma_wait3A_137 : memref<1x1x2x128xi32, #tpu.memory_space<hbm>> -> memref<2x128xi32, #tpu.memory_space<hbm>>
    %dma_wait3A_139 = arith.constant 0 : i32
    %dma_wait3A_140 = arith.constant 0 : i32
    %dma_wait3A_141 = tpu.memref_slice %arg6[%dma_wait3A_130, %dma_wait3A_139, %dma_wait3A_140] : memref<6x2x128xi32, #tpu.memory_space<vmem>> -> memref<1x2x128xi32, #tpu.memory_space<vmem>>
    %dma_wait3A_142 = tpu.memref_squeeze %dma_wait3A_141 : memref<1x2x128xi32, #tpu.memory_space<vmem>> -> memref<2x128xi32, #tpu.memory_space<vmem>>
    %dma_wait3A_143 = arith.constant 0 : i32
    %dma_wait3A_144 = arith.constant 0 : i32
    %dma_wait3A_145 = tpu.memref_slice %arg3[%add3A, %dma_wait3A_129, %dma_wait3A_143, %dma_wait3A_144] : memref<32x84x2x128xi32, #tpu.memory_space<hbm>> -> memref<1x1x2x128xi32, #tpu.memory_space<hbm>>
    %dma_wait3A_146 = tpu.memref_squeeze %dma_wait3A_145 : memref<1x1x2x128xi32, #tpu.memory_space<hbm>> -> memref<2x128xi32, #tpu.memory_space<hbm>>
    tpu.wait_dma2 semaphore(%arg10 : memref<!tpu.dma_semaphore, #tpu.memory_space<semaphore_mem>>) src(%dma_wait3A_146 : memref<2x128xi32, #tpu.memory_space<hbm>>) dst(%dma_wait3A_142 : memref<2x128xi32, #tpu.memory_space<vmem>>)
    %dma_start3A_147 = arith.constant 1 : i32
    %dma_start3A_148 = arith.constant 0 : i32
    %dma_start3A_149 = arith.constant 1 : i32
    %dma_start3A_150 = arith.constant 0 : i32
    %dma_start3A_151 = arith.constant 0 : i32
    %dma_start3A_152 = tpu.memref_slice %arg7[%dma_start3A_149, %dma_start3A_150, %dma_start3A_151] : memref<3x128x128xf32, #tpu.memory_space<vmem>> -> memref<1x128x128xf32, #tpu.memory_space<vmem>>
    %dma_start3A_153 = tpu.memref_squeeze %dma_start3A_152 : memref<1x128x128xf32, #tpu.memory_space<vmem>> -> memref<128x128xf32, #tpu.memory_space<vmem>>
    %dma_start3A_154 = arith.constant 0 : i32
    %dma_start3A_155 = tpu.memref_slice %arg6[%dma_start3A_147, %dma_start3A_148, %dma_start3A_154] : memref<6x2x128xi32, #tpu.memory_space<vmem>> -> memref<1x1x128xi32, #tpu.memory_space<vmem>>
    %dma_start3A_156 = tpu.memref_squeeze %dma_start3A_155 : memref<1x1x128xi32, #tpu.memory_space<vmem>> -> memref<128xi32, #tpu.memory_space<vmem>>
    %dma_start3A_157 = arith.constant 0 : i32
    %dma_start3A_158 = arith.constant 0 : i32
    %dma_start3A_159 = tpu.memref_slice %arg2[%dma_start3A_157, %dma_start3A_158] : memref<10000x128xf32, #tpu.memory_space<hbm>> -> memref<10000x128xf32, #tpu.memory_space<hbm>>
    tpu.enqueue_indirect_dma source(%dma_start3A_159 : memref<10000x128xf32, #tpu.memory_space<hbm>>) target(%dma_start3A_153 : memref<128x128xf32, #tpu.memory_space<vmem>>) offsets(%dma_start3A_156 : memref<128xi32, #tpu.memory_space<vmem>>) semaphore(%arg16 : memref<!tpu.dma_semaphore, #tpu.memory_space<semaphore_mem>>)
    %dma_wait3A_160 = arith.constant 0 : i32
    %dma_wait3A_161 = arith.constant 0 : i32
    %dma_wait3A_162 = arith.constant 0 : i32
    %dma_wait3A_163 = arith.constant 0 : i32
    %dma_wait3A_164 = arith.constant 0 : i32
    %dma_wait3A_165 = tpu.memref_slice %arg7[%dma_wait3A_162, %dma_wait3A_163, %dma_wait3A_164] : memref<3x128x128xf32, #tpu.memory_space<vmem>> -> memref<1x128x128xf32, #tpu.memory_space<vmem>>
    %dma_wait3A_166 = tpu.memref_squeeze %dma_wait3A_165 : memref<1x128x128xf32, #tpu.memory_space<vmem>> -> memref<128x128xf32, #tpu.memory_space<vmem>>
    %dma_wait3A_167 = arith.constant 0 : i32
    %dma_wait3A_168 = tpu.memref_slice %arg6[%dma_wait3A_160, %dma_wait3A_161, %dma_wait3A_167] : memref<6x2x128xi32, #tpu.memory_space<vmem>> -> memref<1x1x128xi32, #tpu.memory_space<vmem>>
    %dma_wait3A_169 = tpu.memref_squeeze %dma_wait3A_168 : memref<1x1x128xi32, #tpu.memory_space<vmem>> -> memref<128xi32, #tpu.memory_space<vmem>>
    %dma_wait3A_170 = arith.constant 0 : i32
    %dma_wait3A_171 = arith.constant 0 : i32
    %dma_wait3A_172 = tpu.memref_slice %arg2[%dma_wait3A_170, %dma_wait3A_171] : memref<10000x128xf32, #tpu.memory_space<hbm>> -> memref<10000x128xf32, #tpu.memory_space<hbm>>
    tpu.wait_indirect_dma semaphore(%arg15 : memref<!tpu.dma_semaphore, #tpu.memory_space<semaphore_mem>>) src(%dma_wait3A_172 : memref<10000x128xf32, #tpu.memory_space<hbm>>) dst(%dma_wait3A_166 : memref<128x128xf32, #tpu.memory_space<vmem>>)
    %dma_start3A_173 = arith.constant 0 : i32
    %dma_start3A_174 = arith.constant 0 : i32
    %dma_start3A_175 = arith.constant 1 : i32
    %dma_start3A_176 = arith.constant 0 : i32
    %dma_start3A_177 = arith.constant 0 : i32
    %dma_start3A_178 = tpu.memref_slice %arg7[%dma_start3A_173, %dma_start3A_176, %dma_start3A_177] : memref<3x128x128xf32, #tpu.memory_space<vmem>> -> memref<1x128x128xf32, #tpu.memory_space<vmem>>
    %dma_start3A_179 = tpu.memref_squeeze %dma_start3A_178 : memref<1x128x128xf32, #tpu.memory_space<vmem>> -> memref<128x128xf32, #tpu.memory_space<vmem>>
    %dma_start3A_180 = arith.constant 0 : i32
    %dma_start3A_181 = tpu.memref_slice %arg6[%dma_start3A_174, %dma_start3A_175, %dma_start3A_180] : memref<6x2x128xi32, #tpu.memory_space<vmem>> -> memref<1x1x128xi32, #tpu.memory_space<vmem>>
    %dma_start3A_182 = tpu.memref_squeeze %dma_start3A_181 : memref<1x1x128xi32, #tpu.memory_space<vmem>> -> memref<128xi32, #tpu.memory_space<vmem>>
    %dma_start3A_183 = arith.constant 0 : i32
    %dma_start3A_184 = arith.constant 0 : i32
    %dma_start3A_185 = tpu.memref_slice %arg8[%dma_start3A_183, %dma_start3A_184] : memref<10016x128xf32, #tpu.memory_space<vmem_shared>> -> memref<10016x128xf32, #tpu.memory_space<vmem_shared>>
    tpu.enqueue_indirect_dma source(%dma_start3A_179 : memref<128x128xf32, #tpu.memory_space<vmem>>) target(%dma_start3A_185 : memref<10016x128xf32, #tpu.memory_space<vmem_shared>>) offsets(%dma_start3A_182 : memref<128xi32, #tpu.memory_space<vmem>>) semaphore(%arg18 : memref<!tpu.dma_semaphore, #tpu.memory_space<semaphore_mem>>) {add = true}
    %dma_wait3A_186 = arith.constant 2 : i32
    %dma_wait3A_187 = arith.constant 2 : i32
    %dma_wait3A_188 = arith.constant 0 : i32
    %dma_wait3A_189 = arith.constant 0 : i32
    %dma_wait3A_190 = tpu.memref_slice %arg6[%dma_wait3A_187, %dma_wait3A_188, %dma_wait3A_189] : memref<6x2x128xi32, #tpu.memory_space<vmem>> -> memref<1x2x128xi32, #tpu.memory_space<vmem>>
    %dma_wait3A_191 = tpu.memref_squeeze %dma_wait3A_190 : memref<1x2x128xi32, #tpu.memory_space<vmem>> -> memref<2x128xi32, #tpu.memory_space<vmem>>
    %dma_wait3A_192 = arith.constant 0 : i32
    %dma_wait3A_193 = arith.constant 0 : i32
    %dma_wait3A_194 = tpu.memref_slice %arg3[%add3A, %dma_wait3A_186, %dma_wait3A_192, %dma_wait3A_193] : memref<32x84x2x128xi32, #tpu.memory_space<hbm>> -> memref<1x1x2x128xi32, #tpu.memory_space<hbm>>
    %dma_wait3A_195 = tpu.memref_squeeze %dma_wait3A_194 : memref<1x1x2x128xi32, #tpu.memory_space<hbm>> -> memref<2x128xi32, #tpu.memory_space<hbm>>
    %dma_wait3A_196 = arith.constant 0 : i32
    %dma_wait3A_197 = arith.constant 0 : i32
    %dma_wait3A_198 = tpu.memref_slice %arg6[%dma_wait3A_187, %dma_wait3A_196, %dma_wait3A_197] : memref<6x2x128xi32, #tpu.memory_space<vmem>> -> memref<1x2x128xi32, #tpu.memory_space<vmem>>
    %dma_wait3A_199 = tpu.memref_squeeze %dma_wait3A_198 : memref<1x2x128xi32, #tpu.memory_space<vmem>> -> memref<2x128xi32, #tpu.memory_space<vmem>>
    %dma_wait3A_200 = arith.constant 0 : i32
    %dma_wait3A_201 = arith.constant 0 : i32
    %dma_wait3A_202 = tpu.memref_slice %arg3[%add3A, %dma_wait3A_186, %dma_wait3A_200, %dma_wait3A_201] : memref<32x84x2x128xi32, #tpu.memory_space<hbm>> -> memref<1x1x2x128xi32, #tpu.memory_space<hbm>>
    %dma_wait3A_203 = tpu.memref_squeeze %dma_wait3A_202 : memref<1x1x2x128xi32, #tpu.memory_space<hbm>> -> memref<2x128xi32, #tpu.memory_space<hbm>>
    tpu.wait_dma2 semaphore(%arg11 : memref<!tpu.dma_semaphore, #tpu.memory_space<semaphore_mem>>) src(%dma_wait3A_203 : memref<2x128xi32, #tpu.memory_space<hbm>>) dst(%dma_wait3A_199 : memref<2x128xi32, #tpu.memory_space<vmem>>)
    %dma_start3A_204 = arith.constant 2 : i32
    %dma_start3A_205 = arith.constant 0 : i32
    %dma_start3A_206 = arith.constant 2 : i32
    %dma_start3A_207 = arith.constant 0 : i32
    %dma_start3A_208 = arith.constant 0 : i32
    %dma_start3A_209 = tpu.memref_slice %arg7[%dma_start3A_206, %dma_start3A_207, %dma_start3A_208] : memref<3x128x128xf32, #tpu.memory_space<vmem>> -> memref<1x128x128xf32, #tpu.memory_space<vmem>>
    %dma_start3A_210 = tpu.memref_squeeze %dma_start3A_209 : memref<1x128x128xf32, #tpu.memory_space<vmem>> -> memref<128x128xf32, #tpu.memory_space<vmem>>
    %dma_start3A_211 = arith.constant 0 : i32
    %dma_start3A_212 = tpu.memref_slice %arg6[%dma_start3A_204, %dma_start3A_205, %dma_start3A_211] : memref<6x2x128xi32, #tpu.memory_space<vmem>> -> memref<1x1x128xi32, #tpu.memory_space<vmem>>
    %dma_start3A_213 = tpu.memref_squeeze %dma_start3A_212 : memref<1x1x128xi32, #tpu.memory_space<vmem>> -> memref<128xi32, #tpu.memory_space<vmem>>
    %dma_start3A_214 = arith.constant 0 : i32
    %dma_start3A_215 = arith.constant 0 : i32
    %dma_start3A_216 = tpu.memref_slice %arg2[%dma_start3A_214, %dma_start3A_215] : memref<10000x128xf32, #tpu.memory_space<hbm>> -> memref<10000x128xf32, #tpu.memory_space<hbm>>
    tpu.enqueue_indirect_dma source(%dma_start3A_216 : memref<10000x128xf32, #tpu.memory_space<hbm>>) target(%dma_start3A_210 : memref<128x128xf32, #tpu.memory_space<vmem>>) offsets(%dma_start3A_213 : memref<128xi32, #tpu.memory_space<vmem>>) semaphore(%arg17 : memref<!tpu.dma_semaphore, #tpu.memory_space<semaphore_mem>>)
    %dma_start3A_217 = arith.constant 5 : i32
    %dma_start3A_218 = arith.constant 5 : i32
    %dma_start3A_219 = arith.constant 0 : i32
    %dma_start3A_220 = arith.constant 0 : i32
    %dma_start3A_221 = tpu.memref_slice %arg6[%dma_start3A_218, %dma_start3A_219, %dma_start3A_220] : memref<6x2x128xi32, #tpu.memory_space<vmem>> -> memref<1x2x128xi32, #tpu.memory_space<vmem>>
    %dma_start3A_222 = tpu.memref_squeeze %dma_start3A_221 : memref<1x2x128xi32, #tpu.memory_space<vmem>> -> memref<2x128xi32, #tpu.memory_space<vmem>>
    %dma_start3A_223 = arith.constant 0 : i32
    %dma_start3A_224 = arith.constant 0 : i32
    %dma_start3A_225 = tpu.memref_slice %arg3[%add3A, %dma_start3A_217, %dma_start3A_223, %dma_start3A_224] : memref<32x84x2x128xi32, #tpu.memory_space<hbm>> -> memref<1x1x2x128xi32, #tpu.memory_space<hbm>>
    %dma_start3A_226 = tpu.memref_squeeze %dma_start3A_225 : memref<1x1x2x128xi32, #tpu.memory_space<hbm>> -> memref<2x128xi32, #tpu.memory_space<hbm>>
    %dma_start3A_227 = arith.constant 0 : i32
    %dma_start3A_228 = arith.constant 0 : i32
    %dma_start3A_229 = tpu.memref_slice %arg6[%dma_start3A_218, %dma_start3A_227, %dma_start3A_228] : memref<6x2x128xi32, #tpu.memory_space<vmem>> -> memref<1x2x128xi32, #tpu.memory_space<vmem>>
    %dma_start3A_230 = tpu.memref_squeeze %dma_start3A_229 : memref<1x2x128xi32, #tpu.memory_space<vmem>> -> memref<2x128xi32, #tpu.memory_space<vmem>>
    %dma_start3A_231 = arith.constant 0 : i32
    %dma_start3A_232 = arith.constant 0 : i32
    %dma_start3A_233 = tpu.memref_slice %arg3[%add3A, %dma_start3A_217, %dma_start3A_231, %dma_start3A_232] : memref<32x84x2x128xi32, #tpu.memory_space<hbm>> -> memref<1x1x2x128xi32, #tpu.memory_space<hbm>>
    %dma_start3A_234 = tpu.memref_squeeze %dma_start3A_233 : memref<1x1x2x128xi32, #tpu.memory_space<hbm>> -> memref<2x128xi32, #tpu.memory_space<hbm>>
    tpu.enqueue_dma source(%dma_start3A_234 : memref<2x128xi32, #tpu.memory_space<hbm>>) target(%dma_start3A_230 : memref<2x128xi32, #tpu.memory_space<vmem>>) target_semaphore(%arg14 : memref<!tpu.dma_semaphore, #tpu.memory_space<semaphore_mem>>)
    %dma_wait3A_235 = arith.constant 1 : i32
    %dma_wait3A_236 = arith.constant 0 : i32
    %dma_wait3A_237 = arith.constant 1 : i32
    %dma_wait3A_238 = arith.constant 0 : i32
    %dma_wait3A_239 = arith.constant 0 : i32
    %dma_wait3A_240 = tpu.memref_slice %arg7[%dma_wait3A_237, %dma_wait3A_238, %dma_wait3A_239] : memref<3x128x128xf32, #tpu.memory_space<vmem>> -> memref<1x128x128xf32, #tpu.memory_space<vmem>>
    %dma_wait3A_241 = tpu.memref_squeeze %dma_wait3A_240 : memref<1x128x128xf32, #tpu.memory_space<vmem>> -> memref<128x128xf32, #tpu.memory_space<vmem>>
    %dma_wait3A_242 = arith.constant 0 : i32
    %dma_wait3A_243 = tpu.memref_slice %arg6[%dma_wait3A_235, %dma_wait3A_236, %dma_wait3A_242] : memref<6x2x128xi32, #tpu.memory_space<vmem>> -> memref<1x1x128xi32, #tpu.memory_space<vmem>>
    %dma_wait3A_244 = tpu.memref_squeeze %dma_wait3A_243 : memref<1x1x128xi32, #tpu.memory_space<vmem>> -> memref<128xi32, #tpu.memory_space<vmem>>
    %dma_wait3A_245 = arith.constant 0 : i32
    %dma_wait3A_246 = arith.constant 0 : i32
    %dma_wait3A_247 = tpu.memref_slice %arg2[%dma_wait3A_245, %dma_wait3A_246] : memref<10000x128xf32, #tpu.memory_space<hbm>> -> memref<10000x128xf32, #tpu.memory_space<hbm>>
    tpu.wait_indirect_dma semaphore(%arg16 : memref<!tpu.dma_semaphore, #tpu.memory_space<semaphore_mem>>) src(%dma_wait3A_247 : memref<10000x128xf32, #tpu.memory_space<hbm>>) dst(%dma_wait3A_241 : memref<128x128xf32, #tpu.memory_space<vmem>>)
    %dma_start3A_248 = arith.constant 1 : i32
    %dma_start3A_249 = arith.constant 1 : i32
    %dma_start3A_250 = arith.constant 1 : i32
    %dma_start3A_251 = arith.constant 0 : i32
    %dma_start3A_252 = arith.constant 0 : i32
    %dma_start3A_253 = tpu.memref_slice %arg7[%dma_start3A_248, %dma_start3A_251, %dma_start3A_252] : memref<3x128x128xf32, #tpu.memory_space<vmem>> -> memref<1x128x128xf32, #tpu.memory_space<vmem>>
    %dma_start3A_254 = tpu.memref_squeeze %dma_start3A_253 : memref<1x128x128xf32, #tpu.memory_space<vmem>> -> memref<128x128xf32, #tpu.memory_space<vmem>>
    %dma_start3A_255 = arith.constant 0 : i32
    %dma_start3A_256 = tpu.memref_slice %arg6[%dma_start3A_249, %dma_start3A_250, %dma_start3A_255] : memref<6x2x128xi32, #tpu.memory_space<vmem>> -> memref<1x1x128xi32, #tpu.memory_space<vmem>>
    %dma_start3A_257 = tpu.memref_squeeze %dma_start3A_256 : memref<1x1x128xi32, #tpu.memory_space<vmem>> -> memref<128xi32, #tpu.memory_space<vmem>>
    %dma_start3A_258 = arith.constant 0 : i32
    %dma_start3A_259 = arith.constant 0 : i32
    %dma_start3A_260 = tpu.memref_slice %arg8[%dma_start3A_258, %dma_start3A_259] : memref<10016x128xf32, #tpu.memory_space<vmem_shared>> -> memref<10016x128xf32, #tpu.memory_space<vmem_shared>>
    tpu.enqueue_indirect_dma source(%dma_start3A_254 : memref<128x128xf32, #tpu.memory_space<vmem>>) target(%dma_start3A_260 : memref<10016x128xf32, #tpu.memory_space<vmem_shared>>) offsets(%dma_start3A_257 : memref<128xi32, #tpu.memory_space<vmem>>) semaphore(%arg19 : memref<!tpu.dma_semaphore, #tpu.memory_space<semaphore_mem>>) {add = true}
    %dma_wait3A_261 = arith.constant 0 : i32
    %dma_wait3A_262 = arith.constant 0 : i32
    %dma_wait3A_263 = arith.constant 1 : i32
    %dma_wait3A_264 = arith.constant 0 : i32
    %dma_wait3A_265 = arith.constant 0 : i32
    %dma_wait3A_266 = tpu.memref_slice %arg7[%dma_wait3A_261, %dma_wait3A_264, %dma_wait3A_265] : memref<3x128x128xf32, #tpu.memory_space<vmem>> -> memref<1x128x128xf32, #tpu.memory_space<vmem>>
    %dma_wait3A_267 = tpu.memref_squeeze %dma_wait3A_266 : memref<1x128x128xf32, #tpu.memory_space<vmem>> -> memref<128x128xf32, #tpu.memory_space<vmem>>
    %dma_wait3A_268 = arith.constant 0 : i32
    %dma_wait3A_269 = tpu.memref_slice %arg6[%dma_wait3A_262, %dma_wait3A_263, %dma_wait3A_268] : memref<6x2x128xi32, #tpu.memory_space<vmem>> -> memref<1x1x128xi32, #tpu.memory_space<vmem>>
    %dma_wait3A_270 = tpu.memref_squeeze %dma_wait3A_269 : memref<1x1x128xi32, #tpu.memory_space<vmem>> -> memref<128xi32, #tpu.memory_space<vmem>>
    %dma_wait3A_271 = arith.constant 0 : i32
    %dma_wait3A_272 = arith.constant 0 : i32
    %dma_wait3A_273 = tpu.memref_slice %arg8[%dma_wait3A_271, %dma_wait3A_272] : memref<10016x128xf32, #tpu.memory_space<vmem_shared>> -> memref<10016x128xf32, #tpu.memory_space<vmem_shared>>
    tpu.wait_indirect_dma semaphore(%arg18 : memref<!tpu.dma_semaphore, #tpu.memory_space<semaphore_mem>>) src(%dma_wait3A_267 : memref<128x128xf32, #tpu.memory_space<vmem>>) dst(%dma_wait3A_273 : memref<10016x128xf32, #tpu.memory_space<vmem_shared>>)
    %dma_wait3A_274 = arith.constant 3 : i32
    %dma_wait3A_275 = arith.constant 3 : i32
    %dma_wait3A_276 = arith.constant 0 : i32
    %dma_wait3A_277 = arith.constant 0 : i32
    %dma_wait3A_278 = tpu.memref_slice %arg6[%dma_wait3A_275, %dma_wait3A_276, %dma_wait3A_277] : memref<6x2x128xi32, #tpu.memory_space<vmem>> -> memref<1x2x128xi32, #tpu.memory_space<vmem>>
    %dma_wait3A_279 = tpu.memref_squeeze %dma_wait3A_278 : memref<1x2x128xi32, #tpu.memory_space<vmem>> -> memref<2x128xi32, #tpu.memory_space<vmem>>
    %dma_wait3A_280 = arith.constant 0 : i32
    %dma_wait3A_281 = arith.constant 0 : i32
    %dma_wait3A_282 = tpu.memref_slice %arg3[%add3A, %dma_wait3A_274, %dma_wait3A_280, %dma_wait3A_281] : memref<32x84x2x128xi32, #tpu.memory_space<hbm>> -> memref<1x1x2x128xi32, #tpu.memory_space<hbm>>
    %dma_wait3A_283 = tpu.memref_squeeze %dma_wait3A_282 : memref<1x1x2x128xi32, #tpu.memory_space<hbm>> -> memref<2x128xi32, #tpu.memory_space<hbm>>
    %dma_wait3A_284 = arith.constant 0 : i32
    %dma_wait3A_285 = arith.constant 0 : i32
    %dma_wait3A_286 = tpu.memref_slice %arg6[%dma_wait3A_275, %dma_wait3A_284, %dma_wait3A_285] : memref<6x2x128xi32, #tpu.memory_space<vmem>> -> memref<1x2x128xi32, #tpu.memory_space<vmem>>
    %dma_wait3A_287 = tpu.memref_squeeze %dma_wait3A_286 : memref<1x2x128xi32, #tpu.memory_space<vmem>> -> memref<2x128xi32, #tpu.memory_space<vmem>>
    %dma_wait3A_288 = arith.constant 0 : i32
    %dma_wait3A_289 = arith.constant 0 : i32
    %dma_wait3A_290 = tpu.memref_slice %arg3[%add3A, %dma_wait3A_274, %dma_wait3A_288, %dma_wait3A_289] : memref<32x84x2x128xi32, #tpu.memory_space<hbm>> -> memref<1x1x2x128xi32, #tpu.memory_space<hbm>>
    %dma_wait3A_291 = tpu.memref_squeeze %dma_wait3A_290 : memref<1x1x2x128xi32, #tpu.memory_space<hbm>> -> memref<2x128xi32, #tpu.memory_space<hbm>>
    tpu.wait_dma2 semaphore(%arg12 : memref<!tpu.dma_semaphore, #tpu.memory_space<semaphore_mem>>) src(%dma_wait3A_291 : memref<2x128xi32, #tpu.memory_space<hbm>>) dst(%dma_wait3A_287 : memref<2x128xi32, #tpu.memory_space<vmem>>)
    %dma_start3A_292 = arith.constant 3 : i32
    %dma_start3A_293 = arith.constant 0 : i32
    %dma_start3A_294 = arith.constant 0 : i32
    %dma_start3A_295 = arith.constant 0 : i32
    %dma_start3A_296 = arith.constant 0 : i32
    %dma_start3A_297 = tpu.memref_slice %arg7[%dma_start3A_294, %dma_start3A_295, %dma_start3A_296] : memref<3x128x128xf32, #tpu.memory_space<vmem>> -> memref<1x128x128xf32, #tpu.memory_space<vmem>>
    %dma_start3A_298 = tpu.memref_squeeze %dma_start3A_297 : memref<1x128x128xf32, #tpu.memory_space<vmem>> -> memref<128x128xf32, #tpu.memory_space<vmem>>
    %dma_start3A_299 = arith.constant 0 : i32
    %dma_start3A_300 = tpu.memref_slice %arg6[%dma_start3A_292, %dma_start3A_293, %dma_start3A_299] : memref<6x2x128xi32, #tpu.memory_space<vmem>> -> memref<1x1x128xi32, #tpu.memory_space<vmem>>
    %dma_start3A_301 = tpu.memref_squeeze %dma_start3A_300 : memref<1x1x128xi32, #tpu.memory_space<vmem>> -> memref<128xi32, #tpu.memory_space<vmem>>
    %dma_start3A_302 = arith.constant 0 : i32
    %dma_start3A_303 = arith.constant 0 : i32
    %dma_start3A_304 = tpu.memref_slice %arg2[%dma_start3A_302, %dma_start3A_303] : memref<10000x128xf32, #tpu.memory_space<hbm>> -> memref<10000x128xf32, #tpu.memory_space<hbm>>
    tpu.enqueue_indirect_dma source(%dma_start3A_304 : memref<10000x128xf32, #tpu.memory_space<hbm>>) target(%dma_start3A_298 : memref<128x128xf32, #tpu.memory_space<vmem>>) offsets(%dma_start3A_301 : memref<128xi32, #tpu.memory_space<vmem>>) semaphore(%arg15 : memref<!tpu.dma_semaphore, #tpu.memory_space<semaphore_mem>>)
    %dma_start3A_305 = arith.constant 6 : i32
    %dma_start3A_306 = arith.constant 0 : i32
    %dma_start3A_307 = arith.constant 0 : i32
    %dma_start3A_308 = arith.constant 0 : i32
    %dma_start3A_309 = tpu.memref_slice %arg6[%dma_start3A_306, %dma_start3A_307, %dma_start3A_308] : memref<6x2x128xi32, #tpu.memory_space<vmem>> -> memref<1x2x128xi32, #tpu.memory_space<vmem>>
    %dma_start3A_310 = tpu.memref_squeeze %dma_start3A_309 : memref<1x2x128xi32, #tpu.memory_space<vmem>> -> memref<2x128xi32, #tpu.memory_space<vmem>>
    %dma_start3A_311 = arith.constant 0 : i32
    %dma_start3A_312 = arith.constant 0 : i32
    %dma_start3A_313 = tpu.memref_slice %arg3[%add3A, %dma_start3A_305, %dma_start3A_311, %dma_start3A_312] : memref<32x84x2x128xi32, #tpu.memory_space<hbm>> -> memref<1x1x2x128xi32, #tpu.memory_space<hbm>>
    %dma_start3A_314 = tpu.memref_squeeze %dma_start3A_313 : memref<1x1x2x128xi32, #tpu.memory_space<hbm>> -> memref<2x128xi32, #tpu.memory_space<hbm>>
    %dma_start3A_315 = arith.constant 0 : i32
    %dma_start3A_316 = arith.constant 0 : i32
    %dma_start3A_317 = tpu.memref_slice %arg6[%dma_start3A_306, %dma_start3A_315, %dma_start3A_316] : memref<6x2x128xi32, #tpu.memory_space<vmem>> -> memref<1x2x128xi32, #tpu.memory_space<vmem>>
    %dma_start3A_318 = tpu.memref_squeeze %dma_start3A_317 : memref<1x2x128xi32, #tpu.memory_space<vmem>> -> memref<2x128xi32, #tpu.memory_space<vmem>>
    %dma_start3A_319 = arith.constant 0 : i32
    %dma_start3A_320 = arith.constant 0 : i32
    %dma_start3A_321 = tpu.memref_slice %arg3[%add3A, %dma_start3A_305, %dma_start3A_319, %dma_start3A_320] : memref<32x84x2x128xi32, #tpu.memory_space<hbm>> -> memref<1x1x2x128xi32, #tpu.memory_space<hbm>>
    %dma_start3A_322 = tpu.memref_squeeze %dma_start3A_321 : memref<1x1x2x128xi32, #tpu.memory_space<hbm>> -> memref<2x128xi32, #tpu.memory_space<hbm>>
    tpu.enqueue_dma source(%dma_start3A_322 : memref<2x128xi32, #tpu.memory_space<hbm>>) target(%dma_start3A_318 : memref<2x128xi32, #tpu.memory_space<vmem>>) target_semaphore(%arg9 : memref<!tpu.dma_semaphore, #tpu.memory_space<semaphore_mem>>)
    %dma_wait3A_323 = arith.constant 2 : i32
    %dma_wait3A_324 = arith.constant 0 : i32
    %dma_wait3A_325 = arith.constant 2 : i32
    %dma_wait3A_326 = arith.constant 0 : i32
    %dma_wait3A_327 = arith.constant 0 : i32
    %dma_wait3A_328 = tpu.memref_slice %arg7[%dma_wait3A_325, %dma_wait3A_326, %dma_wait3A_327] : memref<3x128x128xf32, #tpu.memory_space<vmem>> -> memref<1x128x128xf32, #tpu.memory_space<vmem>>
    %dma_wait3A_329 = tpu.memref_squeeze %dma_wait3A_328 : memref<1x128x128xf32, #tpu.memory_space<vmem>> -> memref<128x128xf32, #tpu.memory_space<vmem>>
    %dma_wait3A_330 = arith.constant 0 : i32
    %dma_wait3A_331 = tpu.memref_slice %arg6[%dma_wait3A_323, %dma_wait3A_324, %dma_wait3A_330] : memref<6x2x128xi32, #tpu.memory_space<vmem>> -> memref<1x1x128xi32, #tpu.memory_space<vmem>>
    %dma_wait3A_332 = tpu.memref_squeeze %dma_wait3A_331 : memref<1x1x128xi32, #tpu.memory_space<vmem>> -> memref<128xi32, #tpu.memory_space<vmem>>
    %dma_wait3A_333 = arith.constant 0 : i32
    %dma_wait3A_334 = arith.constant 0 : i32
    %dma_wait3A_335 = tpu.memref_slice %arg2[%dma_wait3A_333, %dma_wait3A_334] : memref<10000x128xf32, #tpu.memory_space<hbm>> -> memref<10000x128xf32, #tpu.memory_space<hbm>>
    tpu.wait_indirect_dma semaphore(%arg17 : memref<!tpu.dma_semaphore, #tpu.memory_space<semaphore_mem>>) src(%dma_wait3A_335 : memref<10000x128xf32, #tpu.memory_space<hbm>>) dst(%dma_wait3A_329 : memref<128x128xf32, #tpu.memory_space<vmem>>)
    %dma_start3A_336 = arith.constant 2 : i32
    %dma_start3A_337 = arith.constant 2 : i32
    %dma_start3A_338 = arith.constant 1 : i32
    %dma_start3A_339 = arith.constant 0 : i32
    %dma_start3A_340 = arith.constant 0 : i32
    %dma_start3A_341 = tpu.memref_slice %arg7[%dma_start3A_336, %dma_start3A_339, %dma_start3A_340] : memref<3x128x128xf32, #tpu.memory_space<vmem>> -> memref<1x128x128xf32, #tpu.memory_space<vmem>>
    %dma_start3A_342 = tpu.memref_squeeze %dma_start3A_341 : memref<1x128x128xf32, #tpu.memory_space<vmem>> -> memref<128x128xf32, #tpu.memory_space<vmem>>
    %dma_start3A_343 = arith.constant 0 : i32
    %dma_start3A_344 = tpu.memref_slice %arg6[%dma_start3A_337, %dma_start3A_338, %dma_start3A_343] : memref<6x2x128xi32, #tpu.memory_space<vmem>> -> memref<1x1x128xi32, #tpu.memory_space<vmem>>
    %dma_start3A_345 = tpu.memref_squeeze %dma_start3A_344 : memref<1x1x128xi32, #tpu.memory_space<vmem>> -> memref<128xi32, #tpu.memory_space<vmem>>
    %dma_start3A_346 = arith.constant 0 : i32
    %dma_start3A_347 = arith.constant 0 : i32
    %dma_start3A_348 = tpu.memref_slice %arg8[%dma_start3A_346, %dma_start3A_347] : memref<10016x128xf32, #tpu.memory_space<vmem_shared>> -> memref<10016x128xf32, #tpu.memory_space<vmem_shared>>
    tpu.enqueue_indirect_dma source(%dma_start3A_342 : memref<128x128xf32, #tpu.memory_space<vmem>>) target(%dma_start3A_348 : memref<10016x128xf32, #tpu.memory_space<vmem_shared>>) offsets(%dma_start3A_345 : memref<128xi32, #tpu.memory_space<vmem>>) semaphore(%arg20 : memref<!tpu.dma_semaphore, #tpu.memory_space<semaphore_mem>>) {add = true}
    %dma_wait3A_349 = arith.constant 1 : i32
    %dma_wait3A_350 = arith.constant 1 : i32
    %dma_wait3A_351 = arith.constant 1 : i32
    %dma_wait3A_352 = arith.constant 0 : i32
    %dma_wait3A_353 = arith.constant 0 : i32
    %dma_wait3A_354 = tpu.memref_slice %arg7[%dma_wait3A_349, %dma_wait3A_352, %dma_wait3A_353] : memref<3x128x128xf32, #tpu.memory_space<vmem>> -> memref<1x128x128xf32, #tpu.memory_space<vmem>>
    %dma_wait3A_355 = tpu.memref_squeeze %dma_wait3A_354 : memref<1x128x128xf32, #tpu.memory_space<vmem>> -> memref<128x128xf32, #tpu.memory_space<vmem>>
    %dma_wait3A_356 = arith.constant 0 : i32
    %dma_wait3A_357 = tpu.memref_slice %arg6[%dma_wait3A_350, %dma_wait3A_351, %dma_wait3A_356] : memref<6x2x128xi32, #tpu.memory_space<vmem>> -> memref<1x1x128xi32, #tpu.memory_space<vmem>>
    %dma_wait3A_358 = tpu.memref_squeeze %dma_wait3A_357 : memref<1x1x128xi32, #tpu.memory_space<vmem>> -> memref<128xi32, #tpu.memory_space<vmem>>
    %dma_wait3A_359 = arith.constant 0 : i32
    %dma_wait3A_360 = arith.constant 0 : i32
    %dma_wait3A_361 = tpu.memref_slice %arg8[%dma_wait3A_359, %dma_wait3A_360] : memref<10016x128xf32, #tpu.memory_space<vmem_shared>> -> memref<10016x128xf32, #tpu.memory_space<vmem_shared>>
    tpu.wait_indirect_dma semaphore(%arg19 : memref<!tpu.dma_semaphore, #tpu.memory_space<semaphore_mem>>) src(%dma_wait3A_355 : memref<128x128xf32, #tpu.memory_space<vmem>>) dst(%dma_wait3A_361 : memref<10016x128xf32, #tpu.memory_space<vmem_shared>>)
    %dma_wait3A_362 = arith.constant 4 : i32
    %dma_wait3A_363 = arith.constant 4 : i32
    %dma_wait3A_364 = arith.constant 0 : i32
    %dma_wait3A_365 = arith.constant 0 : i32
    %dma_wait3A_366 = tpu.memref_slice %arg6[%dma_wait3A_363, %dma_wait3A_364, %dma_wait3A_365] : memref<6x2x128xi32, #tpu.memory_space<vmem>> -> memref<1x2x128xi32, #tpu.memory_space<vmem>>
    %dma_wait3A_367 = tpu.memref_squeeze %dma_wait3A_366 : memref<1x2x128xi32, #tpu.memory_space<vmem>> -> memref<2x128xi32, #tpu.memory_space<vmem>>
    %dma_wait3A_368 = arith.constant 0 : i32
    %dma_wait3A_369 = arith.constant 0 : i32
    %dma_wait3A_370 = tpu.memref_slice %arg3[%add3A, %dma_wait3A_362, %dma_wait3A_368, %dma_wait3A_369] : memref<32x84x2x128xi32, #tpu.memory_space<hbm>> -> memref<1x1x2x128xi32, #tpu.memory_space<hbm>>
    %dma_wait3A_371 = tpu.memref_squeeze %dma_wait3A_370 : memref<1x1x2x128xi32, #tpu.memory_space<hbm>> -> memref<2x128xi32, #tpu.memory_space<hbm>>
    %dma_wait3A_372 = arith.constant 0 : i32
    %dma_wait3A_373 = arith.constant 0 : i32
    %dma_wait3A_374 = tpu.memref_slice %arg6[%dma_wait3A_363, %dma_wait3A_372, %dma_wait3A_373] : memref<6x2x128xi32, #tpu.memory_space<vmem>> -> memref<1x2x128xi32, #tpu.memory_space<vmem>>
    %dma_wait3A_375 = tpu.memref_squeeze %dma_wait3A_374 : memref<1x2x128xi32, #tpu.memory_space<vmem>> -> memref<2x128xi32, #tpu.memory_space<vmem>>
    %dma_wait3A_376 = arith.constant 0 : i32
    %dma_wait3A_377 = arith.constant 0 : i32
    %dma_wait3A_378 = tpu.memref_slice %arg3[%add3A, %dma_wait3A_362, %dma_wait3A_376, %dma_wait3A_377] : memref<32x84x2x128xi32, #tpu.memory_space<hbm>> -> memref<1x1x2x128xi32, #tpu.memory_space<hbm>>
    %dma_wait3A_379 = tpu.memref_squeeze %dma_wait3A_378 : memref<1x1x2x128xi32, #tpu.memory_space<hbm>> -> memref<2x128xi32, #tpu.memory_space<hbm>>
    tpu.wait_dma2 semaphore(%arg13 : memref<!tpu.dma_semaphore, #tpu.memory_space<semaphore_mem>>) src(%dma_wait3A_379 : memref<2x128xi32, #tpu.memory_space<hbm>>) dst(%dma_wait3A_375 : memref<2x128xi32, #tpu.memory_space<vmem>>)
    %dma_start3A_380 = arith.constant 4 : i32
    %dma_start3A_381 = arith.constant 0 : i32
    %dma_start3A_382 = arith.constant 1 : i32
    %dma_start3A_383 = arith.constant 0 : i32
    %dma_start3A_384 = arith.constant 0 : i32
    %dma_start3A_385 = tpu.memref_slice %arg7[%dma_start3A_382, %dma_start3A_383, %dma_start3A_384] : memref<3x128x128xf32, #tpu.memory_space<vmem>> -> memref<1x128x128xf32, #tpu.memory_space<vmem>>
    %dma_start3A_386 = tpu.memref_squeeze %dma_start3A_385 : memref<1x128x128xf32, #tpu.memory_space<vmem>> -> memref<128x128xf32, #tpu.memory_space<vmem>>
    %dma_start3A_387 = arith.constant 0 : i32
    %dma_start3A_388 = tpu.memref_slice %arg6[%dma_start3A_380, %dma_start3A_381, %dma_start3A_387] : memref<6x2x128xi32, #tpu.memory_space<vmem>> -> memref<1x1x128xi32, #tpu.memory_space<vmem>>
    %dma_start3A_389 = tpu.memref_squeeze %dma_start3A_388 : memref<1x1x128xi32, #tpu.memory_space<vmem>> -> memref<128xi32, #tpu.memory_space<vmem>>
    %dma_start3A_390 = arith.constant 0 : i32
    %dma_start3A_391 = arith.constant 0 : i32
    %dma_start3A_392 = tpu.memref_slice %arg2[%dma_start3A_390, %dma_start3A_391] : memref<10000x128xf32, #tpu.memory_space<hbm>> -> memref<10000x128xf32, #tpu.memory_space<hbm>>
    tpu.enqueue_indirect_dma source(%dma_start3A_392 : memref<10000x128xf32, #tpu.memory_space<hbm>>) target(%dma_start3A_386 : memref<128x128xf32, #tpu.memory_space<vmem>>) offsets(%dma_start3A_389 : memref<128xi32, #tpu.memory_space<vmem>>) semaphore(%arg16 : memref<!tpu.dma_semaphore, #tpu.memory_space<semaphore_mem>>)
    %dma_start3A_393 = arith.constant 7 : i32
    %dma_start3A_394 = arith.constant 1 : i32
    %dma_start3A_395 = arith.constant 0 : i32
    %dma_start3A_396 = arith.constant 0 : i32
    %dma_start3A_397 = tpu.memref_slice %arg6[%dma_start3A_394, %dma_start3A_395, %dma_start3A_396] : memref<6x2x128xi32, #tpu.memory_space<vmem>> -> memref<1x2x128xi32, #tpu.memory_space<vmem>>
    %dma_start3A_398 = tpu.memref_squeeze %dma_start3A_397 : memref<1x2x128xi32, #tpu.memory_space<vmem>> -> memref<2x128xi32, #tpu.memory_space<vmem>>
    %dma_start3A_399 = arith.constant 0 : i32
    %dma_start3A_400 = arith.constant 0 : i32
    %dma_start3A_401 = tpu.memref_slice %arg3[%add3A, %dma_start3A_393, %dma_start3A_399, %dma_start3A_400] : memref<32x84x2x128xi32, #tpu.memory_space<hbm>> -> memref<1x1x2x128xi32, #tpu.memory_space<hbm>>
    %dma_start3A_402 = tpu.memref_squeeze %dma_start3A_401 : memref<1x1x2x128xi32, #tpu.memory_space<hbm>> -> memref<2x128xi32, #tpu.memory_space<hbm>>
    %dma_start3A_403 = arith.constant 0 : i32
    %dma_start3A_404 = arith.constant 0 : i32
    %dma_start3A_405 = tpu.memref_slice %arg6[%dma_start3A_394, %dma_start3A_403, %dma_start3A_404] : memref<6x2x128xi32, #tpu.memory_space<vmem>> -> memref<1x2x128xi32, #tpu.memory_space<vmem>>
    %dma_start3A_406 = tpu.memref_squeeze %dma_start3A_405 : memref<1x2x128xi32, #tpu.memory_space<vmem>> -> memref<2x128xi32, #tpu.memory_space<vmem>>
    %dma_start3A_407 = arith.constant 0 : i32
    %dma_start3A_408 = arith.constant 0 : i32
    %dma_start3A_409 = tpu.memref_slice %arg3[%add3A, %dma_start3A_393, %dma_start3A_407, %dma_start3A_408] : memref<32x84x2x128xi32, #tpu.memory_space<hbm>> -> memref<1x1x2x128xi32, #tpu.memory_space<hbm>>
    %dma_start3A_410 = tpu.memref_squeeze %dma_start3A_409 : memref<1x1x2x128xi32, #tpu.memory_space<hbm>> -> memref<2x128xi32, #tpu.memory_space<hbm>>
    tpu.enqueue_dma source(%dma_start3A_410 : memref<2x128xi32, #tpu.memory_space<hbm>>) target(%dma_start3A_406 : memref<2x128xi32, #tpu.memory_space<vmem>>) target_semaphore(%arg10 : memref<!tpu.dma_semaphore, #tpu.memory_space<semaphore_mem>>)
    %dma_wait3A_411 = arith.constant 3 : i32
    %dma_wait3A_412 = arith.constant 0 : i32
    %dma_wait3A_413 = arith.constant 0 : i32
    %dma_wait3A_414 = arith.constant 0 : i32
    %dma_wait3A_415 = arith.constant 0 : i32
    %dma_wait3A_416 = tpu.memref_slice %arg7[%dma_wait3A_413, %dma_wait3A_414, %dma_wait3A_415] : memref<3x128x128xf32, #tpu.memory_space<vmem>> -> memref<1x128x128xf32, #tpu.memory_space<vmem>>
    %dma_wait3A_417 = tpu.memref_squeeze %dma_wait3A_416 : memref<1x128x128xf32, #tpu.memory_space<vmem>> -> memref<128x128xf32, #tpu.memory_space<vmem>>
    %dma_wait3A_418 = arith.constant 0 : i32
    %dma_wait3A_419 = tpu.memref_slice %arg6[%dma_wait3A_411, %dma_wait3A_412, %dma_wait3A_418] : memref<6x2x128xi32, #tpu.memory_space<vmem>> -> memref<1x1x128xi32, #tpu.memory_space<vmem>>
    %dma_wait3A_420 = tpu.memref_squeeze %dma_wait3A_419 : memref<1x1x128xi32, #tpu.memory_space<vmem>> -> memref<128xi32, #tpu.memory_space<vmem>>
    %dma_wait3A_421 = arith.constant 0 : i32
    %dma_wait3A_422 = arith.constant 0 : i32
    %dma_wait3A_423 = tpu.memref_slice %arg2[%dma_wait3A_421, %dma_wait3A_422] : memref<10000x128xf32, #tpu.memory_space<hbm>> -> memref<10000x128xf32, #tpu.memory_space<hbm>>
    tpu.wait_indirect_dma semaphore(%arg15 : memref<!tpu.dma_semaphore, #tpu.memory_space<semaphore_mem>>) src(%dma_wait3A_423 : memref<10000x128xf32, #tpu.memory_space<hbm>>) dst(%dma_wait3A_417 : memref<128x128xf32, #tpu.memory_space<vmem>>)
    %dma_start3A_424 = arith.constant 0 : i32
    %dma_start3A_425 = arith.constant 3 : i32
    %dma_start3A_426 = arith.constant 1 : i32
    %dma_start3A_427 = arith.constant 0 : i32
    %dma_start3A_428 = arith.constant 0 : i32
    %dma_start3A_429 = tpu.memref_slice %arg7[%dma_start3A_424, %dma_start3A_427, %dma_start3A_428] : memref<3x128x128xf32, #tpu.memory_space<vmem>> -> memref<1x128x128xf32, #tpu.memory_space<vmem>>
    %dma_start3A_430 = tpu.memref_squeeze %dma_start3A_429 : memref<1x128x128xf32, #tpu.memory_space<vmem>> -> memref<128x128xf32, #tpu.memory_space<vmem>>
    %dma_start3A_431 = arith.constant 0 : i32
    %dma_start3A_432 = tpu.memref_slice %arg6[%dma_start3A_425, %dma_start3A_426, %dma_start3A_431] : memref<6x2x128xi32, #tpu.memory_space<vmem>> -> memref<1x1x128xi32, #tpu.memory_space<vmem>>
    %dma_start3A_433 = tpu.memref_squeeze %dma_start3A_432 : memref<1x1x128xi32, #tpu.memory_space<vmem>> -> memref<128xi32, #tpu.memory_space<vmem>>
    %dma_start3A_434 = arith.constant 0 : i32
    %dma_start3A_435 = arith.constant 0 : i32
    %dma_start3A_436 = tpu.memref_slice %arg8[%dma_start3A_434, %dma_start3A_435] : memref<10016x128xf32, #tpu.memory_space<vmem_shared>> -> memref<10016x128xf32, #tpu.memory_space<vmem_shared>>
    tpu.enqueue_indirect_dma source(%dma_start3A_430 : memref<128x128xf32, #tpu.memory_space<vmem>>) target(%dma_start3A_436 : memref<10016x128xf32, #tpu.memory_space<vmem_shared>>) offsets(%dma_start3A_433 : memref<128xi32, #tpu.memory_space<vmem>>) semaphore(%arg18 : memref<!tpu.dma_semaphore, #tpu.memory_space<semaphore_mem>>) {add = true}
    %dma_wait3A_437 = arith.constant 2 : i32
    %dma_wait3A_438 = arith.constant 2 : i32
    %dma_wait3A_439 = arith.constant 1 : i32
    %dma_wait3A_440 = arith.constant 0 : i32
    %dma_wait3A_441 = arith.constant 0 : i32
    %dma_wait3A_442 = tpu.memref_slice %arg7[%dma_wait3A_437, %dma_wait3A_440, %dma_wait3A_441] : memref<3x128x128xf32, #tpu.memory_space<vmem>> -> memref<1x128x128xf32, #tpu.memory_space<vmem>>
    %dma_wait3A_443 = tpu.memref_squeeze %dma_wait3A_442 : memref<1x128x128xf32, #tpu.memory_space<vmem>> -> memref<128x128xf32, #tpu.memory_space<vmem>>
    %dma_wait3A_444 = arith.constant 0 : i32
    %dma_wait3A_445 = tpu.memref_slice %arg6[%dma_wait3A_438, %dma_wait3A_439, %dma_wait3A_444] : memref<6x2x128xi32, #tpu.memory_space<vmem>> -> memref<1x1x128xi32, #tpu.memory_space<vmem>>
    %dma_wait3A_446 = tpu.memref_squeeze %dma_wait3A_445 : memref<1x1x128xi32, #tpu.memory_space<vmem>> -> memref<128xi32, #tpu.memory_space<vmem>>
    %dma_wait3A_447 = arith.constant 0 : i32
    %dma_wait3A_448 = arith.constant 0 : i32
    %dma_wait3A_449 = tpu.memref_slice %arg8[%dma_wait3A_447, %dma_wait3A_448] : memref<10016x128xf32, #tpu.memory_space<vmem_shared>> -> memref<10016x128xf32, #tpu.memory_space<vmem_shared>>
    tpu.wait_indirect_dma semaphore(%arg20 : memref<!tpu.dma_semaphore, #tpu.memory_space<semaphore_mem>>) src(%dma_wait3A_443 : memref<128x128xf32, #tpu.memory_space<vmem>>) dst(%dma_wait3A_449 : memref<10016x128xf32, #tpu.memory_space<vmem_shared>>)
    %dma_wait3A_450 = arith.constant 5 : i32
    %dma_wait3A_451 = arith.constant 5 : i32
    %dma_wait3A_452 = arith.constant 0 : i32
    %dma_wait3A_453 = arith.constant 0 : i32
    %dma_wait3A_454 = tpu.memref_slice %arg6[%dma_wait3A_451, %dma_wait3A_452, %dma_wait3A_453] : memref<6x2x128xi32, #tpu.memory_space<vmem>> -> memref<1x2x128xi32, #tpu.memory_space<vmem>>
    %dma_wait3A_455 = tpu.memref_squeeze %dma_wait3A_454 : memref<1x2x128xi32, #tpu.memory_space<vmem>> -> memref<2x128xi32, #tpu.memory_space<vmem>>
    %dma_wait3A_456 = arith.constant 0 : i32
    %dma_wait3A_457 = arith.constant 0 : i32
    %dma_wait3A_458 = tpu.memref_slice %arg3[%add3A, %dma_wait3A_450, %dma_wait3A_456, %dma_wait3A_457] : memref<32x84x2x128xi32, #tpu.memory_space<hbm>> -> memref<1x1x2x128xi32, #tpu.memory_space<hbm>>
    %dma_wait3A_459 = tpu.memref_squeeze %dma_wait3A_458 : memref<1x1x2x128xi32, #tpu.memory_space<hbm>> -> memref<2x128xi32, #tpu.memory_space<hbm>>
    %dma_wait3A_460 = arith.constant 0 : i32
    %dma_wait3A_461 = arith.constant 0 : i32
    %dma_wait3A_462 = tpu.memref_slice %arg6[%dma_wait3A_451, %dma_wait3A_460, %dma_wait3A_461] : memref<6x2x128xi32, #tpu.memory_space<vmem>> -> memref<1x2x128xi32, #tpu.memory_space<vmem>>
    %dma_wait3A_463 = tpu.memref_squeeze %dma_wait3A_462 : memref<1x2x128xi32, #tpu.memory_space<vmem>> -> memref<2x128xi32, #tpu.memory_space<vmem>>
    %dma_wait3A_464 = arith.constant 0 : i32
    %dma_wait3A_465 = arith.constant 0 : i32
    %dma_wait3A_466 = tpu.memref_slice %arg3[%add3A, %dma_wait3A_450, %dma_wait3A_464, %dma_wait3A_465] : memref<32x84x2x128xi32, #tpu.memory_space<hbm>> -> memref<1x1x2x128xi32, #tpu.memory_space<hbm>>
    %dma_wait3A_467 = tpu.memref_squeeze %dma_wait3A_466 : memref<1x1x2x128xi32, #tpu.memory_space<hbm>> -> memref<2x128xi32, #tpu.memory_space<hbm>>
    tpu.wait_dma2 semaphore(%arg14 : memref<!tpu.dma_semaphore, #tpu.memory_space<semaphore_mem>>) src(%dma_wait3A_467 : memref<2x128xi32, #tpu.memory_space<hbm>>) dst(%dma_wait3A_463 : memref<2x128xi32, #tpu.memory_space<vmem>>)
    %dma_start3A_468 = arith.constant 5 : i32
    %dma_start3A_469 = arith.constant 0 : i32
    %dma_start3A_470 = arith.constant 2 : i32
    %dma_start3A_471 = arith.constant 0 : i32
    %dma_start3A_472 = arith.constant 0 : i32
    %dma_start3A_473 = tpu.memref_slice %arg7[%dma_start3A_470, %dma_start3A_471, %dma_start3A_472] : memref<3x128x128xf32, #tpu.memory_space<vmem>> -> memref<1x128x128xf32, #tpu.memory_space<vmem>>
    %dma_start3A_474 = tpu.memref_squeeze %dma_start3A_473 : memref<1x128x128xf32, #tpu.memory_space<vmem>> -> memref<128x128xf32, #tpu.memory_space<vmem>>
    %dma_start3A_475 = arith.constant 0 : i32
    %dma_start3A_476 = tpu.memref_slice %arg6[%dma_start3A_468, %dma_start3A_469, %dma_start3A_475] : memref<6x2x128xi32, #tpu.memory_space<vmem>> -> memref<1x1x128xi32, #tpu.memory_space<vmem>>
    %dma_start3A_477 = tpu.memref_squeeze %dma_start3A_476 : memref<1x1x128xi32, #tpu.memory_space<vmem>> -> memref<128xi32, #tpu.memory_space<vmem>>
    %dma_start3A_478 = arith.constant 0 : i32
    %dma_start3A_479 = arith.constant 0 : i32
    %dma_start3A_480 = tpu.memref_slice %arg2[%dma_start3A_478, %dma_start3A_479] : memref<10000x128xf32, #tpu.memory_space<hbm>> -> memref<10000x128xf32, #tpu.memory_space<hbm>>
    tpu.enqueue_indirect_dma source(%dma_start3A_480 : memref<10000x128xf32, #tpu.memory_space<hbm>>) target(%dma_start3A_474 : memref<128x128xf32, #tpu.memory_space<vmem>>) offsets(%dma_start3A_477 : memref<128xi32, #tpu.memory_space<vmem>>) semaphore(%arg17 : memref<!tpu.dma_semaphore, #tpu.memory_space<semaphore_mem>>)
    %dma_start3A_481 = arith.constant 8 : i32
    %dma_start3A_482 = arith.constant 2 : i32
    %dma_start3A_483 = arith.constant 0 : i32
    %dma_start3A_484 = arith.constant 0 : i32
    %dma_start3A_485 = tpu.memref_slice %arg6[%dma_start3A_482, %dma_start3A_483, %dma_start3A_484] : memref<6x2x128xi32, #tpu.memory_space<vmem>> -> memref<1x2x128xi32, #tpu.memory_space<vmem>>
    %dma_start3A_486 = tpu.memref_squeeze %dma_start3A_485 : memref<1x2x128xi32, #tpu.memory_space<vmem>> -> memref<2x128xi32, #tpu.memory_space<vmem>>
    %dma_start3A_487 = arith.constant 0 : i32
    %dma_start3A_488 = arith.constant 0 : i32
    %dma_start3A_489 = tpu.memref_slice %arg3[%add3A, %dma_start3A_481, %dma_start3A_487, %dma_start3A_488] : memref<32x84x2x128xi32, #tpu.memory_space<hbm>> -> memref<1x1x2x128xi32, #tpu.memory_space<hbm>>
    %dma_start3A_490 = tpu.memref_squeeze %dma_start3A_489 : memref<1x1x2x128xi32, #tpu.memory_space<hbm>> -> memref<2x128xi32, #tpu.memory_space<hbm>>
    %dma_start3A_491 = arith.constant 0 : i32
    %dma_start3A_492 = arith.constant 0 : i32
    %dma_start3A_493 = tpu.memref_slice %arg6[%dma_start3A_482, %dma_start3A_491, %dma_start3A_492] : memref<6x2x128xi32, #tpu.memory_space<vmem>> -> memref<1x2x128xi32, #tpu.memory_space<vmem>>
    %dma_start3A_494 = tpu.memref_squeeze %dma_start3A_493 : memref<1x2x128xi32, #tpu.memory_space<vmem>> -> memref<2x128xi32, #tpu.memory_space<vmem>>
    %dma_start3A_495 = arith.constant 0 : i32
    %dma_start3A_496 = arith.constant 0 : i32
    %dma_start3A_497 = tpu.memref_slice %arg3[%add3A, %dma_start3A_481, %dma_start3A_495, %dma_start3A_496] : memref<32x84x2x128xi32, #tpu.memory_space<hbm>> -> memref<1x1x2x128xi32, #tpu.memory_space<hbm>>
    %dma_start3A_498 = tpu.memref_squeeze %dma_start3A_497 : memref<1x1x2x128xi32, #tpu.memory_space<hbm>> -> memref<2x128xi32, #tpu.memory_space<hbm>>
    tpu.enqueue_dma source(%dma_start3A_498 : memref<2x128xi32, #tpu.memory_space<hbm>>) target(%dma_start3A_494 : memref<2x128xi32, #tpu.memory_space<vmem>>) target_semaphore(%arg11 : memref<!tpu.dma_semaphore, #tpu.memory_space<semaphore_mem>>)
    %dma_wait3A_499 = arith.constant 4 : i32
    %dma_wait3A_500 = arith.constant 0 : i32
    %dma_wait3A_501 = arith.constant 1 : i32
    %dma_wait3A_502 = arith.constant 0 : i32
    %dma_wait3A_503 = arith.constant 0 : i32
    %dma_wait3A_504 = tpu.memref_slice %arg7[%dma_wait3A_501, %dma_wait3A_502, %dma_wait3A_503] : memref<3x128x128xf32, #tpu.memory_space<vmem>> -> memref<1x128x128xf32, #tpu.memory_space<vmem>>
    %dma_wait3A_505 = tpu.memref_squeeze %dma_wait3A_504 : memref<1x128x128xf32, #tpu.memory_space<vmem>> -> memref<128x128xf32, #tpu.memory_space<vmem>>
    %dma_wait3A_506 = arith.constant 0 : i32
    %dma_wait3A_507 = tpu.memref_slice %arg6[%dma_wait3A_499, %dma_wait3A_500, %dma_wait3A_506] : memref<6x2x128xi32, #tpu.memory_space<vmem>> -> memref<1x1x128xi32, #tpu.memory_space<vmem>>
    %dma_wait3A_508 = tpu.memref_squeeze %dma_wait3A_507 : memref<1x1x128xi32, #tpu.memory_space<vmem>> -> memref<128xi32, #tpu.memory_space<vmem>>
    %dma_wait3A_509 = arith.constant 0 : i32
    %dma_wait3A_510 = arith.constant 0 : i32
    %dma_wait3A_511 = tpu.memref_slice %arg2[%dma_wait3A_509, %dma_wait3A_510] : memref<10000x128xf32, #tpu.memory_space<hbm>> -> memref<10000x128xf32, #tpu.memory_space<hbm>>
    tpu.wait_indirect_dma semaphore(%arg16 : memref<!tpu.dma_semaphore, #tpu.memory_space<semaphore_mem>>) src(%dma_wait3A_511 : memref<10000x128xf32, #tpu.memory_space<hbm>>) dst(%dma_wait3A_505 : memref<128x128xf32, #tpu.memory_space<vmem>>)
    %dma_start3A_512 = arith.constant 1 : i32
    %dma_start3A_513 = arith.constant 4 : i32
    %dma_start3A_514 = arith.constant 1 : i32
    %dma_start3A_515 = arith.constant 0 : i32
    %dma_start3A_516 = arith.constant 0 : i32
    %dma_start3A_517 = tpu.memref_slice %arg7[%dma_start3A_512, %dma_start3A_515, %dma_start3A_516] : memref<3x128x128xf32, #tpu.memory_space<vmem>> -> memref<1x128x128xf32, #tpu.memory_space<vmem>>
    %dma_start3A_518 = tpu.memref_squeeze %dma_start3A_517 : memref<1x128x128xf32, #tpu.memory_space<vmem>> -> memref<128x128xf32, #tpu.memory_space<vmem>>
    %dma_start3A_519 = arith.constant 0 : i32
    %dma_start3A_520 = tpu.memref_slice %arg6[%dma_start3A_513, %dma_start3A_514, %dma_start3A_519] : memref<6x2x128xi32, #tpu.memory_space<vmem>> -> memref<1x1x128xi32, #tpu.memory_space<vmem>>
    %dma_start3A_521 = tpu.memref_squeeze %dma_start3A_520 : memref<1x1x128xi32, #tpu.memory_space<vmem>> -> memref<128xi32, #tpu.memory_space<vmem>>
    %dma_start3A_522 = arith.constant 0 : i32
    %dma_start3A_523 = arith.constant 0 : i32
    %dma_start3A_524 = tpu.memref_slice %arg8[%dma_start3A_522, %dma_start3A_523] : memref<10016x128xf32, #tpu.memory_space<vmem_shared>> -> memref<10016x128xf32, #tpu.memory_space<vmem_shared>>
    tpu.enqueue_indirect_dma source(%dma_start3A_518 : memref<128x128xf32, #tpu.memory_space<vmem>>) target(%dma_start3A_524 : memref<10016x128xf32, #tpu.memory_space<vmem_shared>>) offsets(%dma_start3A_521 : memref<128xi32, #tpu.memory_space<vmem>>) semaphore(%arg19 : memref<!tpu.dma_semaphore, #tpu.memory_space<semaphore_mem>>) {add = true}
    %dma_wait3A_525 = arith.constant 0 : i32
    %dma_wait3A_526 = arith.constant 3 : i32
    %dma_wait3A_527 = arith.constant 1 : i32
    %dma_wait3A_528 = arith.constant 0 : i32
    %dma_wait3A_529 = arith.constant 0 : i32
    %dma_wait3A_530 = tpu.memref_slice %arg7[%dma_wait3A_525, %dma_wait3A_528, %dma_wait3A_529] : memref<3x128x128xf32, #tpu.memory_space<vmem>> -> memref<1x128x128xf32, #tpu.memory_space<vmem>>
    %dma_wait3A_531 = tpu.memref_squeeze %dma_wait3A_530 : memref<1x128x128xf32, #tpu.memory_space<vmem>> -> memref<128x128xf32, #tpu.memory_space<vmem>>
    %dma_wait3A_532 = arith.constant 0 : i32
    %dma_wait3A_533 = tpu.memref_slice %arg6[%dma_wait3A_526, %dma_wait3A_527, %dma_wait3A_532] : memref<6x2x128xi32, #tpu.memory_space<vmem>> -> memref<1x1x128xi32, #tpu.memory_space<vmem>>
    %dma_wait3A_534 = tpu.memref_squeeze %dma_wait3A_533 : memref<1x1x128xi32, #tpu.memory_space<vmem>> -> memref<128xi32, #tpu.memory_space<vmem>>
    %dma_wait3A_535 = arith.constant 0 : i32
    %dma_wait3A_536 = arith.constant 0 : i32
    %dma_wait3A_537 = tpu.memref_slice %arg8[%dma_wait3A_535, %dma_wait3A_536] : memref<10016x128xf32, #tpu.memory_space<vmem_shared>> -> memref<10016x128xf32, #tpu.memory_space<vmem_shared>>
    tpu.wait_indirect_dma semaphore(%arg18 : memref<!tpu.dma_semaphore, #tpu.memory_space<semaphore_mem>>) src(%dma_wait3A_531 : memref<128x128xf32, #tpu.memory_space<vmem>>) dst(%dma_wait3A_537 : memref<10016x128xf32, #tpu.memory_space<vmem_shared>>)
    %dma_wait3A_538 = arith.constant 6 : i32
    %dma_wait3A_539 = arith.constant 0 : i32
    %dma_wait3A_540 = arith.constant 0 : i32
    %dma_wait3A_541 = arith.constant 0 : i32
    %dma_wait3A_542 = tpu.memref_slice %arg6[%dma_wait3A_539, %dma_wait3A_540, %dma_wait3A_541] : memref<6x2x128xi32, #tpu.memory_space<vmem>> -> memref<1x2x128xi32, #tpu.memory_space<vmem>>
    %dma_wait3A_543 = tpu.memref_squeeze %dma_wait3A_542 : memref<1x2x128xi32, #tpu.memory_space<vmem>> -> memref<2x128xi32, #tpu.memory_space<vmem>>
    %dma_wait3A_544 = arith.constant 0 : i32
    %dma_wait3A_545 = arith.constant 0 : i32
    %dma_wait3A_546 = tpu.memref_slice %arg3[%add3A, %dma_wait3A_538, %dma_wait3A_544, %dma_wait3A_545] : memref<32x84x2x128xi32, #tpu.memory_space<hbm>> -> memref<1x1x2x128xi32, #tpu.memory_space<hbm>>
    %dma_wait3A_547 = tpu.memref_squeeze %dma_wait3A_546 : memref<1x1x2x128xi32, #tpu.memory_space<hbm>> -> memref<2x128xi32, #tpu.memory_space<hbm>>
    %dma_wait3A_548 = arith.constant 0 : i32
    %dma_wait3A_549 = arith.constant 0 : i32
    %dma_wait3A_550 = tpu.memref_slice %arg6[%dma_wait3A_539, %dma_wait3A_548, %dma_wait3A_549] : memref<6x2x128xi32, #tpu.memory_space<vmem>> -> memref<1x2x128xi32, #tpu.memory_space<vmem>>
    %dma_wait3A_551 = tpu.memref_squeeze %dma_wait3A_550 : memref<1x2x128xi32, #tpu.memory_space<vmem>> -> memref<2x128xi32, #tpu.memory_space<vmem>>
    %dma_wait3A_552 = arith.constant 0 : i32
    %dma_wait3A_553 = arith.constant 0 : i32
    %dma_wait3A_554 = tpu.memref_slice %arg3[%add3A, %dma_wait3A_538, %dma_wait3A_552, %dma_wait3A_553] : memref<32x84x2x128xi32, #tpu.memory_space<hbm>> -> memref<1x1x2x128xi32, #tpu.memory_space<hbm>>
    %dma_wait3A_555 = tpu.memref_squeeze %dma_wait3A_554 : memref<1x1x2x128xi32, #tpu.memory_space<hbm>> -> memref<2x128xi32, #tpu.memory_space<hbm>>
    tpu.wait_dma2 semaphore(%arg9 : memref<!tpu.dma_semaphore, #tpu.memory_space<semaphore_mem>>) src(%dma_wait3A_555 : memref<2x128xi32, #tpu.memory_space<hbm>>) dst(%dma_wait3A_551 : memref<2x128xi32, #tpu.memory_space<vmem>>)
    %dma_start3A_556 = arith.constant 0 : i32
    %dma_start3A_557 = arith.constant 0 : i32
    %dma_start3A_558 = arith.constant 0 : i32
    %dma_start3A_559 = arith.constant 0 : i32
    %dma_start3A_560 = arith.constant 0 : i32
    %dma_start3A_561 = tpu.memref_slice %arg7[%dma_start3A_558, %dma_start3A_559, %dma_start3A_560] : memref<3x128x128xf32, #tpu.memory_space<vmem>> -> memref<1x128x128xf32, #tpu.memory_space<vmem>>
    %dma_start3A_562 = tpu.memref_squeeze %dma_start3A_561 : memref<1x128x128xf32, #tpu.memory_space<vmem>> -> memref<128x128xf32, #tpu.memory_space<vmem>>
    %dma_start3A_563 = arith.constant 0 : i32
    %dma_start3A_564 = tpu.memref_slice %arg6[%dma_start3A_556, %dma_start3A_557, %dma_start3A_563] : memref<6x2x128xi32, #tpu.memory_space<vmem>> -> memref<1x1x128xi32, #tpu.memory_space<vmem>>
    %dma_start3A_565 = tpu.memref_squeeze %dma_start3A_564 : memref<1x1x128xi32, #tpu.memory_space<vmem>> -> memref<128xi32, #tpu.memory_space<vmem>>
    %dma_start3A_566 = arith.constant 0 : i32
    %dma_start3A_567 = arith.constant 0 : i32
    %dma_start3A_568 = tpu.memref_slice %arg2[%dma_start3A_566, %dma_start3A_567] : memref<10000x128xf32, #tpu.memory_space<hbm>> -> memref<10000x128xf32, #tpu.memory_space<hbm>>
    tpu.enqueue_indirect_dma source(%dma_start3A_568 : memref<10000x128xf32, #tpu.memory_space<hbm>>) target(%dma_start3A_562 : memref<128x128xf32, #tpu.memory_space<vmem>>) offsets(%dma_start3A_565 : memref<128xi32, #tpu.memory_space<vmem>>) semaphore(%arg15 : memref<!tpu.dma_semaphore, #tpu.memory_space<semaphore_mem>>)
    %dma_start3A_569 = arith.constant 9 : i32
    %dma_start3A_570 = arith.constant 3 : i32
    %dma_start3A_571 = arith.constant 0 : i32
    %dma_start3A_572 = arith.constant 0 : i32
    %dma_start3A_573 = tpu.memref_slice %arg6[%dma_start3A_570, %dma_start3A_571, %dma_start3A_572] : memref<6x2x128xi32, #tpu.memory_space<vmem>> -> memref<1x2x128xi32, #tpu.memory_space<vmem>>
    %dma_start3A_574 = tpu.memref_squeeze %dma_start3A_573 : memref<1x2x128xi32, #tpu.memory_space<vmem>> -> memref<2x128xi32, #tpu.memory_space<vmem>>
    %dma_start3A_575 = arith.constant 0 : i32
    %dma_start3A_576 = arith.constant 0 : i32
    %dma_start3A_577 = tpu.memref_slice %arg3[%add3A, %dma_start3A_569, %dma_start3A_575, %dma_start3A_576] : memref<32x84x2x128xi32, #tpu.memory_space<hbm>> -> memref<1x1x2x128xi32, #tpu.memory_space<hbm>>
    %dma_start3A_578 = tpu.memref_squeeze %dma_start3A_577 : memref<1x1x2x128xi32, #tpu.memory_space<hbm>> -> memref<2x128xi32, #tpu.memory_space<hbm>>
    %dma_start3A_579 = arith.constant 0 : i32
    %dma_start3A_580 = arith.constant 0 : i32
    %dma_start3A_581 = tpu.memref_slice %arg6[%dma_start3A_570, %dma_start3A_579, %dma_start3A_580] : memref<6x2x128xi32, #tpu.memory_space<vmem>> -> memref<1x2x128xi32, #tpu.memory_space<vmem>>
    %dma_start3A_582 = tpu.memref_squeeze %dma_start3A_581 : memref<1x2x128xi32, #tpu.memory_space<vmem>> -> memref<2x128xi32, #tpu.memory_space<vmem>>
    %dma_start3A_583 = arith.constant 0 : i32
    %dma_start3A_584 = arith.constant 0 : i32
    %dma_start3A_585 = tpu.memref_slice %arg3[%add3A, %dma_start3A_569, %dma_start3A_583, %dma_start3A_584] : memref<32x84x2x128xi32, #tpu.memory_space<hbm>> -> memref<1x1x2x128xi32, #tpu.memory_space<hbm>>
    %dma_start3A_586 = tpu.memref_squeeze %dma_start3A_585 : memref<1x1x2x128xi32, #tpu.memory_space<hbm>> -> memref<2x128xi32, #tpu.memory_space<hbm>>
    tpu.enqueue_dma source(%dma_start3A_586 : memref<2x128xi32, #tpu.memory_space<hbm>>) target(%dma_start3A_582 : memref<2x128xi32, #tpu.memory_space<vmem>>) target_semaphore(%arg12 : memref<!tpu.dma_semaphore, #tpu.memory_space<semaphore_mem>>)
    %dma_wait3A_587 = arith.constant 5 : i32
    %dma_wait3A_588 = arith.constant 0 : i32
    %dma_wait3A_589 = arith.constant 2 : i32
    %dma_wait3A_590 = arith.constant 0 : i32
    %dma_wait3A_591 = arith.constant 0 : i32
    %dma_wait3A_592 = tpu.memref_slice %arg7[%dma_wait3A_589, %dma_wait3A_590, %dma_wait3A_591] : memref<3x128x128xf32, #tpu.memory_space<vmem>> -> memref<1x128x128xf32, #tpu.memory_space<vmem>>
    %dma_wait3A_593 = tpu.memref_squeeze %dma_wait3A_592 : memref<1x128x128xf32, #tpu.memory_space<vmem>> -> memref<128x128xf32, #tpu.memory_space<vmem>>
    %dma_wait3A_594 = arith.constant 0 : i32
    %dma_wait3A_595 = tpu.memref_slice %arg6[%dma_wait3A_587, %dma_wait3A_588, %dma_wait3A_594] : memref<6x2x128xi32, #tpu.memory_space<vmem>> -> memref<1x1x128xi32, #tpu.memory_space<vmem>>
    %dma_wait3A_596 = tpu.memref_squeeze %dma_wait3A_595 : memref<1x1x128xi32, #tpu.memory_space<vmem>> -> memref<128xi32, #tpu.memory_space<vmem>>
    %dma_wait3A_597 = arith.constant 0 : i32
    %dma_wait3A_598 = arith.constant 0 : i32
    %dma_wait3A_599 = tpu.memref_slice %arg2[%dma_wait3A_597, %dma_wait3A_598] : memref<10000x128xf32, #tpu.memory_space<hbm>> -> memref<10000x128xf32, #tpu.memory_space<hbm>>
    tpu.wait_indirect_dma semaphore(%arg17 : memref<!tpu.dma_semaphore, #tpu.memory_space<semaphore_mem>>) src(%dma_wait3A_599 : memref<10000x128xf32, #tpu.memory_space<hbm>>) dst(%dma_wait3A_593 : memref<128x128xf32, #tpu.memory_space<vmem>>)
    %dma_start3A_600 = arith.constant 2 : i32
    %dma_start3A_601 = arith.constant 5 : i32
    %dma_start3A_602 = arith.constant 1 : i32
    %dma_start3A_603 = arith.constant 0 : i32
    %dma_start3A_604 = arith.constant 0 : i32
    %dma_start3A_605 = tpu.memref_slice %arg7[%dma_start3A_600, %dma_start3A_603, %dma_start3A_604] : memref<3x128x128xf32, #tpu.memory_space<vmem>> -> memref<1x128x128xf32, #tpu.memory_space<vmem>>
    %dma_start3A_606 = tpu.memref_squeeze %dma_start3A_605 : memref<1x128x128xf32, #tpu.memory_space<vmem>> -> memref<128x128xf32, #tpu.memory_space<vmem>>
    %dma_start3A_607 = arith.constant 0 : i32
    %dma_start3A_608 = tpu.memref_slice %arg6[%dma_start3A_601, %dma_start3A_602, %dma_start3A_607] : memref<6x2x128xi32, #tpu.memory_space<vmem>> -> memref<1x1x128xi32, #tpu.memory_space<vmem>>
    %dma_start3A_609 = tpu.memref_squeeze %dma_start3A_608 : memref<1x1x128xi32, #tpu.memory_space<vmem>> -> memref<128xi32, #tpu.memory_space<vmem>>
    %dma_start3A_610 = arith.constant 0 : i32
    %dma_start3A_611 = arith.constant 0 : i32
    %dma_start3A_612 = tpu.memref_slice %arg8[%dma_start3A_610, %dma_start3A_611] : memref<10016x128xf32, #tpu.memory_space<vmem_shared>> -> memref<10016x128xf32, #tpu.memory_space<vmem_shared>>
    tpu.enqueue_indirect_dma source(%dma_start3A_606 : memref<128x128xf32, #tpu.memory_space<vmem>>) target(%dma_start3A_612 : memref<10016x128xf32, #tpu.memory_space<vmem_shared>>) offsets(%dma_start3A_609 : memref<128xi32, #tpu.memory_space<vmem>>) semaphore(%arg20 : memref<!tpu.dma_semaphore, #tpu.memory_space<semaphore_mem>>) {add = true}
    %dma_wait3A_613 = arith.constant 1 : i32
    %dma_wait3A_614 = arith.constant 4 : i32
    %dma_wait3A_615 = arith.constant 1 : i32
    %dma_wait3A_616 = arith.constant 0 : i32
    %dma_wait3A_617 = arith.constant 0 : i32
    %dma_wait3A_618 = tpu.memref_slice %arg7[%dma_wait3A_613, %dma_wait3A_616, %dma_wait3A_617] : memref<3x128x128xf32, #tpu.memory_space<vmem>> -> memref<1x128x128xf32, #tpu.memory_space<vmem>>
    %dma_wait3A_619 = tpu.memref_squeeze %dma_wait3A_618 : memref<1x128x128xf32, #tpu.memory_space<vmem>> -> memref<128x128xf32, #tpu.memory_space<vmem>>
    %dma_wait3A_620 = arith.constant 0 : i32
    %dma_wait3A_621 = tpu.memref_slice %arg6[%dma_wait3A_614, %dma_wait3A_615, %dma_wait3A_620] : memref<6x2x128xi32, #tpu.memory_space<vmem>> -> memref<1x1x128xi32, #tpu.memory_space<vmem>>
    %dma_wait3A_622 = tpu.memref_squeeze %dma_wait3A_621 : memref<1x1x128xi32, #tpu.memory_space<vmem>> -> memref<128xi32, #tpu.memory_space<vmem>>
    %dma_wait3A_623 = arith.constant 0 : i32
    %dma_wait3A_624 = arith.constant 0 : i32
    %dma_wait3A_625 = tpu.memref_slice %arg8[%dma_wait3A_623, %dma_wait3A_624] : memref<10016x128xf32, #tpu.memory_space<vmem_shared>> -> memref<10016x128xf32, #tpu.memory_space<vmem_shared>>
    tpu.wait_indirect_dma semaphore(%arg19 : memref<!tpu.dma_semaphore, #tpu.memory_space<semaphore_mem>>) src(%dma_wait3A_619 : memref<128x128xf32, #tpu.memory_space<vmem>>) dst(%dma_wait3A_625 : memref<10016x128xf32, #tpu.memory_space<vmem_shared>>)
    %dma_wait3A_626 = arith.constant 7 : i32
    %dma_wait3A_627 = arith.constant 1 : i32
    %dma_wait3A_628 = arith.constant 0 : i32
    %dma_wait3A_629 = arith.constant 0 : i32
    %dma_wait3A_630 = tpu.memref_slice %arg6[%dma_wait3A_627, %dma_wait3A_628, %dma_wait3A_629] : memref<6x2x128xi32, #tpu.memory_space<vmem>> -> memref<1x2x128xi32, #tpu.memory_space<vmem>>
    %dma_wait3A_631 = tpu.memref_squeeze %dma_wait3A_630 : memref<1x2x128xi32, #tpu.memory_space<vmem>> -> memref<2x128xi32, #tpu.memory_space<vmem>>
    %dma_wait3A_632 = arith.constant 0 : i32
    %dma_wait3A_633 = arith.constant 0 : i32
    %dma_wait3A_634 = tpu.memref_slice %arg3[%add3A, %dma_wait3A_626, %dma_wait3A_632, %dma_wait3A_633] : memref<32x84x2x128xi32, #tpu.memory_space<hbm>> -> memref<1x1x2x128xi32, #tpu.memory_space<hbm>>
    %dma_wait3A_635 = tpu.memref_squeeze %dma_wait3A_634 : memref<1x1x2x128xi32, #tpu.memory_space<hbm>> -> memref<2x128xi32, #tpu.memory_space<hbm>>
    %dma_wait3A_636 = arith.constant 0 : i32
    %dma_wait3A_637 = arith.constant 0 : i32
    %dma_wait3A_638 = tpu.memref_slice %arg6[%dma_wait3A_627, %dma_wait3A_636, %dma_wait3A_637] : memref<6x2x128xi32, #tpu.memory_space<vmem>> -> memref<1x2x128xi32, #tpu.memory_space<vmem>>
    %dma_wait3A_639 = tpu.memref_squeeze %dma_wait3A_638 : memref<1x2x128xi32, #tpu.memory_space<vmem>> -> memref<2x128xi32, #tpu.memory_space<vmem>>
    %dma_wait3A_640 = arith.constant 0 : i32
    %dma_wait3A_641 = arith.constant 0 : i32
    %dma_wait3A_642 = tpu.memref_slice %arg3[%add3A, %dma_wait3A_626, %dma_wait3A_640, %dma_wait3A_641] : memref<32x84x2x128xi32, #tpu.memory_space<hbm>> -> memref<1x1x2x128xi32, #tpu.memory_space<hbm>>
    %dma_wait3A_643 = tpu.memref_squeeze %dma_wait3A_642 : memref<1x1x2x128xi32, #tpu.memory_space<hbm>> -> memref<2x128xi32, #tpu.memory_space<hbm>>
    tpu.wait_dma2 semaphore(%arg10 : memref<!tpu.dma_semaphore, #tpu.memory_space<semaphore_mem>>) src(%dma_wait3A_643 : memref<2x128xi32, #tpu.memory_space<hbm>>) dst(%dma_wait3A_639 : memref<2x128xi32, #tpu.memory_space<vmem>>)
    %dma_start3A_644 = arith.constant 1 : i32
    %dma_start3A_645 = arith.constant 0 : i32
    %dma_start3A_646 = arith.constant 1 : i32
    %dma_start3A_647 = arith.constant 0 : i32
    %dma_start3A_648 = arith.constant 0 : i32
    %dma_start3A_649 = tpu.memref_slice %arg7[%dma_start3A_646, %dma_start3A_647, %dma_start3A_648] : memref<3x128x128xf32, #tpu.memory_space<vmem>> -> memref<1x128x128xf32, #tpu.memory_space<vmem>>
    %dma_start3A_650 = tpu.memref_squeeze %dma_start3A_649 : memref<1x128x128xf32, #tpu.memory_space<vmem>> -> memref<128x128xf32, #tpu.memory_space<vmem>>
    %dma_start3A_651 = arith.constant 0 : i32
    %dma_start3A_652 = tpu.memref_slice %arg6[%dma_start3A_644, %dma_start3A_645, %dma_start3A_651] : memref<6x2x128xi32, #tpu.memory_space<vmem>> -> memref<1x1x128xi32, #tpu.memory_space<vmem>>
    %dma_start3A_653 = tpu.memref_squeeze %dma_start3A_652 : memref<1x1x128xi32, #tpu.memory_space<vmem>> -> memref<128xi32, #tpu.memory_space<vmem>>
    %dma_start3A_654 = arith.constant 0 : i32
    %dma_start3A_655 = arith.constant 0 : i32
    %dma_start3A_656 = tpu.memref_slice %arg2[%dma_start3A_654, %dma_start3A_655] : memref<10000x128xf32, #tpu.memory_space<hbm>> -> memref<10000x128xf32, #tpu.memory_space<hbm>>
    tpu.enqueue_indirect_dma source(%dma_start3A_656 : memref<10000x128xf32, #tpu.memory_space<hbm>>) target(%dma_start3A_650 : memref<128x128xf32, #tpu.memory_space<vmem>>) offsets(%dma_start3A_653 : memref<128xi32, #tpu.memory_space<vmem>>) semaphore(%arg16 : memref<!tpu.dma_semaphore, #tpu.memory_space<semaphore_mem>>)
    %dma_start3A_657 = arith.constant 10 : i32
    %dma_start3A_658 = arith.constant 4 : i32
    %dma_start3A_659 = arith.constant 0 : i32
    %dma_start3A_660 = arith.constant 0 : i32
    %dma_start3A_661 = tpu.memref_slice %arg6[%dma_start3A_658, %dma_start3A_659, %dma_start3A_660] : memref<6x2x128xi32, #tpu.memory_space<vmem>> -> memref<1x2x128xi32, #tpu.memory_space<vmem>>
    %dma_start3A_662 = tpu.memref_squeeze %dma_start3A_661 : memref<1x2x128xi32, #tpu.memory_space<vmem>> -> memref<2x128xi32, #tpu.memory_space<vmem>>
    %dma_start3A_663 = arith.constant 0 : i32
    %dma_start3A_664 = arith.constant 0 : i32
    %dma_start3A_665 = tpu.memref_slice %arg3[%add3A, %dma_start3A_657, %dma_start3A_663, %dma_start3A_664] : memref<32x84x2x128xi32, #tpu.memory_space<hbm>> -> memref<1x1x2x128xi32, #tpu.memory_space<hbm>>
    %dma_start3A_666 = tpu.memref_squeeze %dma_start3A_665 : memref<1x1x2x128xi32, #tpu.memory_space<hbm>> -> memref<2x128xi32, #tpu.memory_space<hbm>>
    %dma_start3A_667 = arith.constant 0 : i32
    %dma_start3A_668 = arith.constant 0 : i32
    %dma_start3A_669 = tpu.memref_slice %arg6[%dma_start3A_658, %dma_start3A_667, %dma_start3A_668] : memref<6x2x128xi32, #tpu.memory_space<vmem>> -> memref<1x2x128xi32, #tpu.memory_space<vmem>>
    %dma_start3A_670 = tpu.memref_squeeze %dma_start3A_669 : memref<1x2x128xi32, #tpu.memory_space<vmem>> -> memref<2x128xi32, #tpu.memory_space<vmem>>
    %dma_start3A_671 = arith.constant 0 : i32
    %dma_start3A_672 = arith.constant 0 : i32
    %dma_start3A_673 = tpu.memref_slice %arg3[%add3A, %dma_start3A_657, %dma_start3A_671, %dma_start3A_672] : memref<32x84x2x128xi32, #tpu.memory_space<hbm>> -> memref<1x1x2x128xi32, #tpu.memory_space<hbm>>
    %dma_start3A_674 = tpu.memref_squeeze %dma_start3A_673 : memref<1x1x2x128xi32, #tpu.memory_space<hbm>> -> memref<2x128xi32, #tpu.memory_space<hbm>>
    tpu.enqueue_dma source(%dma_start3A_674 : memref<2x128xi32, #tpu.memory_space<hbm>>) target(%dma_start3A_670 : memref<2x128xi32, #tpu.memory_space<vmem>>) target_semaphore(%arg13 : memref<!tpu.dma_semaphore, #tpu.memory_space<semaphore_mem>>)
    %scan3A = arith.constant 0 : i32
    %scan3A_675 = arith.constant 1 : i32
    %scan3A_676 = arith.constant 12 : i32
    %scan3A_677 = arith.addi %scan3A_675, %scan3A_676 : i32
    %scan3A_678 = arith.constant 1 : i32
    scf.for %scan3A_1075 = %scan3A_675 to %scan3A_677 step %scan3A_678  : i32 {
      %mul3A_1076 = arith.constant 6 : i32
      %mul3A_1077 = arith.muli %scan3A_1075, %mul3A_1076 : i32
      %add3A_1078 = arith.constant 0 : i32
      %add3A_1079 = arith.addi %mul3A_1077, %add3A_1078 : i32
      %dma_wait3A_1080 = arith.constant 0 : i32
      %dma_wait3A_1081 = arith.constant 0 : i32
      %dma_wait3A_1082 = arith.constant 0 : i32
      %dma_wait3A_1083 = arith.constant 0 : i32
      %dma_wait3A_1084 = arith.constant 0 : i32
      %dma_wait3A_1085 = tpu.memref_slice %arg7[%dma_wait3A_1082, %dma_wait3A_1083, %dma_wait3A_1084] : memref<3x128x128xf32, #tpu.memory_space<vmem>> -> memref<1x128x128xf32, #tpu.memory_space<vmem>>
      %dma_wait3A_1086 = tpu.memref_squeeze %dma_wait3A_1085 : memref<1x128x128xf32, #tpu.memory_space<vmem>> -> memref<128x128xf32, #tpu.memory_space<vmem>>
      %dma_wait3A_1087 = arith.constant 0 : i32
      %dma_wait3A_1088 = tpu.memref_slice %arg6[%dma_wait3A_1080, %dma_wait3A_1081, %dma_wait3A_1087] : memref<6x2x128xi32, #tpu.memory_space<vmem>> -> memref<1x1x128xi32, #tpu.memory_space<vmem>>
      %dma_wait3A_1089 = tpu.memref_squeeze %dma_wait3A_1088 : memref<1x1x128xi32, #tpu.memory_space<vmem>> -> memref<128xi32, #tpu.memory_space<vmem>>
      %dma_wait3A_1090 = arith.constant 0 : i32
      %dma_wait3A_1091 = arith.constant 0 : i32
      %dma_wait3A_1092 = tpu.memref_slice %arg2[%dma_wait3A_1090, %dma_wait3A_1091] : memref<10000x128xf32, #tpu.memory_space<hbm>> -> memref<10000x128xf32, #tpu.memory_space<hbm>>
      tpu.wait_indirect_dma semaphore(%arg15 : memref<!tpu.dma_semaphore, #tpu.memory_space<semaphore_mem>>) src(%dma_wait3A_1092 : memref<10000x128xf32, #tpu.memory_space<hbm>>) dst(%dma_wait3A_1086 : memref<128x128xf32, #tpu.memory_space<vmem>>)
      %dma_start3A_1093 = arith.constant 0 : i32
      %dma_start3A_1094 = arith.constant 0 : i32
      %dma_start3A_1095 = arith.constant 1 : i32
      %dma_start3A_1096 = arith.constant 0 : i32
      %dma_start3A_1097 = arith.constant 0 : i32
      %dma_start3A_1098 = tpu.memref_slice %arg7[%dma_start3A_1093, %dma_start3A_1096, %dma_start3A_1097] : memref<3x128x128xf32, #tpu.memory_space<vmem>> -> memref<1x128x128xf32, #tpu.memory_space<vmem>>
      %dma_start3A_1099 = tpu.memref_squeeze %dma_start3A_1098 : memref<1x128x128xf32, #tpu.memory_space<vmem>> -> memref<128x128xf32, #tpu.memory_space<vmem>>
      %dma_start3A_1100 = arith.constant 0 : i32
      %dma_start3A_1101 = tpu.memref_slice %arg6[%dma_start3A_1094, %dma_start3A_1095, %dma_start3A_1100] : memref<6x2x128xi32, #tpu.memory_space<vmem>> -> memref<1x1x128xi32, #tpu.memory_space<vmem>>
      %dma_start3A_1102 = tpu.memref_squeeze %dma_start3A_1101 : memref<1x1x128xi32, #tpu.memory_space<vmem>> -> memref<128xi32, #tpu.memory_space<vmem>>
      %dma_start3A_1103 = arith.constant 0 : i32
      %dma_start3A_1104 = arith.constant 0 : i32
      %dma_start3A_1105 = tpu.memref_slice %arg8[%dma_start3A_1103, %dma_start3A_1104] : memref<10016x128xf32, #tpu.memory_space<vmem_shared>> -> memref<10016x128xf32, #tpu.memory_space<vmem_shared>>
      tpu.enqueue_indirect_dma source(%dma_start3A_1099 : memref<128x128xf32, #tpu.memory_space<vmem>>) target(%dma_start3A_1105 : memref<10016x128xf32, #tpu.memory_space<vmem_shared>>) offsets(%dma_start3A_1102 : memref<128xi32, #tpu.memory_space<vmem>>) semaphore(%arg18 : memref<!tpu.dma_semaphore, #tpu.memory_space<semaphore_mem>>) {add = true}
      %dma_wait3A_1106 = arith.constant 2 : i32
      %dma_wait3A_1107 = arith.constant 5 : i32
      %dma_wait3A_1108 = arith.constant 1 : i32
      %dma_wait3A_1109 = arith.constant 0 : i32
      %dma_wait3A_1110 = arith.constant 0 : i32
      %dma_wait3A_1111 = tpu.memref_slice %arg7[%dma_wait3A_1106, %dma_wait3A_1109, %dma_wait3A_1110] : memref<3x128x128xf32, #tpu.memory_space<vmem>> -> memref<1x128x128xf32, #tpu.memory_space<vmem>>
      %dma_wait3A_1112 = tpu.memref_squeeze %dma_wait3A_1111 : memref<1x128x128xf32, #tpu.memory_space<vmem>> -> memref<128x128xf32, #tpu.memory_space<vmem>>
      %dma_wait3A_1113 = arith.constant 0 : i32
      %dma_wait3A_1114 = tpu.memref_slice %arg6[%dma_wait3A_1107, %dma_wait3A_1108, %dma_wait3A_1113] : memref<6x2x128xi32, #tpu.memory_space<vmem>> -> memref<1x1x128xi32, #tpu.memory_space<vmem>>
      %dma_wait3A_1115 = tpu.memref_squeeze %dma_wait3A_1114 : memref<1x1x128xi32, #tpu.memory_space<vmem>> -> memref<128xi32, #tpu.memory_space<vmem>>
      %dma_wait3A_1116 = arith.constant 0 : i32
      %dma_wait3A_1117 = arith.constant 0 : i32
      %dma_wait3A_1118 = tpu.memref_slice %arg8[%dma_wait3A_1116, %dma_wait3A_1117] : memref<10016x128xf32, #tpu.memory_space<vmem_shared>> -> memref<10016x128xf32, #tpu.memory_space<vmem_shared>>
      tpu.wait_indirect_dma semaphore(%arg20 : memref<!tpu.dma_semaphore, #tpu.memory_space<semaphore_mem>>) src(%dma_wait3A_1112 : memref<128x128xf32, #tpu.memory_space<vmem>>) dst(%dma_wait3A_1118 : memref<10016x128xf32, #tpu.memory_space<vmem_shared>>)
      %add3A_1119 = arith.constant 2 : i32
      %add3A_1120 = arith.addi %add3A_1079, %add3A_1119 : i32
      %dma_wait3A_1121 = arith.constant 2 : i32
      %dma_wait3A_1122 = arith.constant 0 : i32
      %dma_wait3A_1123 = arith.constant 0 : i32
      %dma_wait3A_1124 = tpu.memref_slice %arg6[%dma_wait3A_1121, %dma_wait3A_1122, %dma_wait3A_1123] : memref<6x2x128xi32, #tpu.memory_space<vmem>> -> memref<1x2x128xi32, #tpu.memory_space<vmem>>
      %dma_wait3A_1125 = tpu.memref_squeeze %dma_wait3A_1124 : memref<1x2x128xi32, #tpu.memory_space<vmem>> -> memref<2x128xi32, #tpu.memory_space<vmem>>
      %dma_wait3A_1126 = arith.constant 0 : i32
      %dma_wait3A_1127 = arith.constant 0 : i32
      %dma_wait3A_1128 = tpu.memref_slice %arg3[%add3A, %add3A_1120, %dma_wait3A_1126, %dma_wait3A_1127] : memref<32x84x2x128xi32, #tpu.memory_space<hbm>> -> memref<1x1x2x128xi32, #tpu.memory_space<hbm>>
      %dma_wait3A_1129 = tpu.memref_squeeze %dma_wait3A_1128 : memref<1x1x2x128xi32, #tpu.memory_space<hbm>> -> memref<2x128xi32, #tpu.memory_space<hbm>>
      %dma_wait3A_1130 = arith.constant 0 : i32
      %dma_wait3A_1131 = arith.constant 0 : i32
      %dma_wait3A_1132 = tpu.memref_slice %arg6[%dma_wait3A_1121, %dma_wait3A_1130, %dma_wait3A_1131] : memref<6x2x128xi32, #tpu.memory_space<vmem>> -> memref<1x2x128xi32, #tpu.memory_space<vmem>>
      %dma_wait3A_1133 = tpu.memref_squeeze %dma_wait3A_1132 : memref<1x2x128xi32, #tpu.memory_space<vmem>> -> memref<2x128xi32, #tpu.memory_space<vmem>>
      %dma_wait3A_1134 = arith.constant 0 : i32
      %dma_wait3A_1135 = arith.constant 0 : i32
      %dma_wait3A_1136 = tpu.memref_slice %arg3[%add3A, %add3A_1120, %dma_wait3A_1134, %dma_wait3A_1135] : memref<32x84x2x128xi32, #tpu.memory_space<hbm>> -> memref<1x1x2x128xi32, #tpu.memory_space<hbm>>
      %dma_wait3A_1137 = tpu.memref_squeeze %dma_wait3A_1136 : memref<1x1x2x128xi32, #tpu.memory_space<hbm>> -> memref<2x128xi32, #tpu.memory_space<hbm>>
      tpu.wait_dma2 semaphore(%arg11 : memref<!tpu.dma_semaphore, #tpu.memory_space<semaphore_mem>>) src(%dma_wait3A_1137 : memref<2x128xi32, #tpu.memory_space<hbm>>) dst(%dma_wait3A_1133 : memref<2x128xi32, #tpu.memory_space<vmem>>)
      %dma_start3A_1138 = arith.constant 2 : i32
      %dma_start3A_1139 = arith.constant 0 : i32
      %dma_start3A_1140 = arith.constant 2 : i32
      %dma_start3A_1141 = arith.constant 0 : i32
      %dma_start3A_1142 = arith.constant 0 : i32
      %dma_start3A_1143 = tpu.memref_slice %arg7[%dma_start3A_1140, %dma_start3A_1141, %dma_start3A_1142] : memref<3x128x128xf32, #tpu.memory_space<vmem>> -> memref<1x128x128xf32, #tpu.memory_space<vmem>>
      %dma_start3A_1144 = tpu.memref_squeeze %dma_start3A_1143 : memref<1x128x128xf32, #tpu.memory_space<vmem>> -> memref<128x128xf32, #tpu.memory_space<vmem>>
      %dma_start3A_1145 = arith.constant 0 : i32
      %dma_start3A_1146 = tpu.memref_slice %arg6[%dma_start3A_1138, %dma_start3A_1139, %dma_start3A_1145] : memref<6x2x128xi32, #tpu.memory_space<vmem>> -> memref<1x1x128xi32, #tpu.memory_space<vmem>>
      %dma_start3A_1147 = tpu.memref_squeeze %dma_start3A_1146 : memref<1x1x128xi32, #tpu.memory_space<vmem>> -> memref<128xi32, #tpu.memory_space<vmem>>
      %dma_start3A_1148 = arith.constant 0 : i32
      %dma_start3A_1149 = arith.constant 0 : i32
      %dma_start3A_1150 = tpu.memref_slice %arg2[%dma_start3A_1148, %dma_start3A_1149] : memref<10000x128xf32, #tpu.memory_space<hbm>> -> memref<10000x128xf32, #tpu.memory_space<hbm>>
      tpu.enqueue_indirect_dma source(%dma_start3A_1150 : memref<10000x128xf32, #tpu.memory_space<hbm>>) target(%dma_start3A_1144 : memref<128x128xf32, #tpu.memory_space<vmem>>) offsets(%dma_start3A_1147 : memref<128xi32, #tpu.memory_space<vmem>>) semaphore(%arg17 : memref<!tpu.dma_semaphore, #tpu.memory_space<semaphore_mem>>)
      %add3A_1151 = arith.constant 5 : i32
      %add3A_1152 = arith.addi %add3A_1079, %add3A_1151 : i32
      %dma_start3A_1153 = arith.constant 5 : i32
      %dma_start3A_1154 = arith.constant 0 : i32
      %dma_start3A_1155 = arith.constant 0 : i32
      %dma_start3A_1156 = tpu.memref_slice %arg6[%dma_start3A_1153, %dma_start3A_1154, %dma_start3A_1155] : memref<6x2x128xi32, #tpu.memory_space<vmem>> -> memref<1x2x128xi32, #tpu.memory_space<vmem>>
      %dma_start3A_1157 = tpu.memref_squeeze %dma_start3A_1156 : memref<1x2x128xi32, #tpu.memory_space<vmem>> -> memref<2x128xi32, #tpu.memory_space<vmem>>
      %dma_start3A_1158 = arith.constant 0 : i32
      %dma_start3A_1159 = arith.constant 0 : i32
      %dma_start3A_1160 = tpu.memref_slice %arg3[%add3A, %add3A_1152, %dma_start3A_1158, %dma_start3A_1159] : memref<32x84x2x128xi32, #tpu.memory_space<hbm>> -> memref<1x1x2x128xi32, #tpu.memory_space<hbm>>
      %dma_start3A_1161 = tpu.memref_squeeze %dma_start3A_1160 : memref<1x1x2x128xi32, #tpu.memory_space<hbm>> -> memref<2x128xi32, #tpu.memory_space<hbm>>
      %dma_start3A_1162 = arith.constant 0 : i32
      %dma_start3A_1163 = arith.constant 0 : i32
      %dma_start3A_1164 = tpu.memref_slice %arg6[%dma_start3A_1153, %dma_start3A_1162, %dma_start3A_1163] : memref<6x2x128xi32, #tpu.memory_space<vmem>> -> memref<1x2x128xi32, #tpu.memory_space<vmem>>
      %dma_start3A_1165 = tpu.memref_squeeze %dma_start3A_1164 : memref<1x2x128xi32, #tpu.memory_space<vmem>> -> memref<2x128xi32, #tpu.memory_space<vmem>>
      %dma_start3A_1166 = arith.constant 0 : i32
      %dma_start3A_1167 = arith.constant 0 : i32
      %dma_start3A_1168 = tpu.memref_slice %arg3[%add3A, %add3A_1152, %dma_start3A_1166, %dma_start3A_1167] : memref<32x84x2x128xi32, #tpu.memory_space<hbm>> -> memref<1x1x2x128xi32, #tpu.memory_space<hbm>>
      %dma_start3A_1169 = tpu.memref_squeeze %dma_start3A_1168 : memref<1x1x2x128xi32, #tpu.memory_space<hbm>> -> memref<2x128xi32, #tpu.memory_space<hbm>>
      tpu.enqueue_dma source(%dma_start3A_1169 : memref<2x128xi32, #tpu.memory_space<hbm>>) target(%dma_start3A_1165 : memref<2x128xi32, #tpu.memory_space<vmem>>) target_semaphore(%arg14 : memref<!tpu.dma_semaphore, #tpu.memory_space<semaphore_mem>>)
      %mul3A_1170 = arith.constant 6 : i32
      %mul3A_1171 = arith.muli %scan3A_1075, %mul3A_1170 : i32
      %add3A_1172 = arith.constant 1 : i32
      %add3A_1173 = arith.addi %mul3A_1171, %add3A_1172 : i32
      %dma_wait3A_1174 = arith.constant 1 : i32
      %dma_wait3A_1175 = arith.constant 0 : i32
      %dma_wait3A_1176 = arith.constant 1 : i32
      %dma_wait3A_1177 = arith.constant 0 : i32
      %dma_wait3A_1178 = arith.constant 0 : i32
      %dma_wait3A_1179 = tpu.memref_slice %arg7[%dma_wait3A_1176, %dma_wait3A_1177, %dma_wait3A_1178] : memref<3x128x128xf32, #tpu.memory_space<vmem>> -> memref<1x128x128xf32, #tpu.memory_space<vmem>>
      %dma_wait3A_1180 = tpu.memref_squeeze %dma_wait3A_1179 : memref<1x128x128xf32, #tpu.memory_space<vmem>> -> memref<128x128xf32, #tpu.memory_space<vmem>>
      %dma_wait3A_1181 = arith.constant 0 : i32
      %dma_wait3A_1182 = tpu.memref_slice %arg6[%dma_wait3A_1174, %dma_wait3A_1175, %dma_wait3A_1181] : memref<6x2x128xi32, #tpu.memory_space<vmem>> -> memref<1x1x128xi32, #tpu.memory_space<vmem>>
      %dma_wait3A_1183 = tpu.memref_squeeze %dma_wait3A_1182 : memref<1x1x128xi32, #tpu.memory_space<vmem>> -> memref<128xi32, #tpu.memory_space<vmem>>
      %dma_wait3A_1184 = arith.constant 0 : i32
      %dma_wait3A_1185 = arith.constant 0 : i32
      %dma_wait3A_1186 = tpu.memref_slice %arg2[%dma_wait3A_1184, %dma_wait3A_1185] : memref<10000x128xf32, #tpu.memory_space<hbm>> -> memref<10000x128xf32, #tpu.memory_space<hbm>>
      tpu.wait_indirect_dma semaphore(%arg16 : memref<!tpu.dma_semaphore, #tpu.memory_space<semaphore_mem>>) src(%dma_wait3A_1186 : memref<10000x128xf32, #tpu.memory_space<hbm>>) dst(%dma_wait3A_1180 : memref<128x128xf32, #tpu.memory_space<vmem>>)
      %dma_start3A_1187 = arith.constant 1 : i32
      %dma_start3A_1188 = arith.constant 1 : i32
      %dma_start3A_1189 = arith.constant 1 : i32
      %dma_start3A_1190 = arith.constant 0 : i32
      %dma_start3A_1191 = arith.constant 0 : i32
      %dma_start3A_1192 = tpu.memref_slice %arg7[%dma_start3A_1187, %dma_start3A_1190, %dma_start3A_1191] : memref<3x128x128xf32, #tpu.memory_space<vmem>> -> memref<1x128x128xf32, #tpu.memory_space<vmem>>
      %dma_start3A_1193 = tpu.memref_squeeze %dma_start3A_1192 : memref<1x128x128xf32, #tpu.memory_space<vmem>> -> memref<128x128xf32, #tpu.memory_space<vmem>>
      %dma_start3A_1194 = arith.constant 0 : i32
      %dma_start3A_1195 = tpu.memref_slice %arg6[%dma_start3A_1188, %dma_start3A_1189, %dma_start3A_1194] : memref<6x2x128xi32, #tpu.memory_space<vmem>> -> memref<1x1x128xi32, #tpu.memory_space<vmem>>
      %dma_start3A_1196 = tpu.memref_squeeze %dma_start3A_1195 : memref<1x1x128xi32, #tpu.memory_space<vmem>> -> memref<128xi32, #tpu.memory_space<vmem>>
      %dma_start3A_1197 = arith.constant 0 : i32
      %dma_start3A_1198 = arith.constant 0 : i32
      %dma_start3A_1199 = tpu.memref_slice %arg8[%dma_start3A_1197, %dma_start3A_1198] : memref<10016x128xf32, #tpu.memory_space<vmem_shared>> -> memref<10016x128xf32, #tpu.memory_space<vmem_shared>>
      tpu.enqueue_indirect_dma source(%dma_start3A_1193 : memref<128x128xf32, #tpu.memory_space<vmem>>) target(%dma_start3A_1199 : memref<10016x128xf32, #tpu.memory_space<vmem_shared>>) offsets(%dma_start3A_1196 : memref<128xi32, #tpu.memory_space<vmem>>) semaphore(%arg19 : memref<!tpu.dma_semaphore, #tpu.memory_space<semaphore_mem>>) {add = true}
      %dma_wait3A_1200 = arith.constant 0 : i32
      %dma_wait3A_1201 = arith.constant 0 : i32
      %dma_wait3A_1202 = arith.constant 1 : i32
      %dma_wait3A_1203 = arith.constant 0 : i32
      %dma_wait3A_1204 = arith.constant 0 : i32
      %dma_wait3A_1205 = tpu.memref_slice %arg7[%dma_wait3A_1200, %dma_wait3A_1203, %dma_wait3A_1204] : memref<3x128x128xf32, #tpu.memory_space<vmem>> -> memref<1x128x128xf32, #tpu.memory_space<vmem>>
      %dma_wait3A_1206 = tpu.memref_squeeze %dma_wait3A_1205 : memref<1x128x128xf32, #tpu.memory_space<vmem>> -> memref<128x128xf32, #tpu.memory_space<vmem>>
      %dma_wait3A_1207 = arith.constant 0 : i32
      %dma_wait3A_1208 = tpu.memref_slice %arg6[%dma_wait3A_1201, %dma_wait3A_1202, %dma_wait3A_1207] : memref<6x2x128xi32, #tpu.memory_space<vmem>> -> memref<1x1x128xi32, #tpu.memory_space<vmem>>
      %dma_wait3A_1209 = tpu.memref_squeeze %dma_wait3A_1208 : memref<1x1x128xi32, #tpu.memory_space<vmem>> -> memref<128xi32, #tpu.memory_space<vmem>>
      %dma_wait3A_1210 = arith.constant 0 : i32
      %dma_wait3A_1211 = arith.constant 0 : i32
      %dma_wait3A_1212 = tpu.memref_slice %arg8[%dma_wait3A_1210, %dma_wait3A_1211] : memref<10016x128xf32, #tpu.memory_space<vmem_shared>> -> memref<10016x128xf32, #tpu.memory_space<vmem_shared>>
      tpu.wait_indirect_dma semaphore(%arg18 : memref<!tpu.dma_semaphore, #tpu.memory_space<semaphore_mem>>) src(%dma_wait3A_1206 : memref<128x128xf32, #tpu.memory_space<vmem>>) dst(%dma_wait3A_1212 : memref<10016x128xf32, #tpu.memory_space<vmem_shared>>)
      %add3A_1213 = arith.constant 2 : i32
      %add3A_1214 = arith.addi %add3A_1173, %add3A_1213 : i32
      %dma_wait3A_1215 = arith.constant 3 : i32
      %dma_wait3A_1216 = arith.constant 0 : i32
      %dma_wait3A_1217 = arith.constant 0 : i32
      %dma_wait3A_1218 = tpu.memref_slice %arg6[%dma_wait3A_1215, %dma_wait3A_1216, %dma_wait3A_1217] : memref<6x2x128xi32, #tpu.memory_space<vmem>> -> memref<1x2x128xi32, #tpu.memory_space<vmem>>
      %dma_wait3A_1219 = tpu.memref_squeeze %dma_wait3A_1218 : memref<1x2x128xi32, #tpu.memory_space<vmem>> -> memref<2x128xi32, #tpu.memory_space<vmem>>
      %dma_wait3A_1220 = arith.constant 0 : i32
      %dma_wait3A_1221 = arith.constant 0 : i32
      %dma_wait3A_1222 = tpu.memref_slice %arg3[%add3A, %add3A_1214, %dma_wait3A_1220, %dma_wait3A_1221] : memref<32x84x2x128xi32, #tpu.memory_space<hbm>> -> memref<1x1x2x128xi32, #tpu.memory_space<hbm>>
      %dma_wait3A_1223 = tpu.memref_squeeze %dma_wait3A_1222 : memref<1x1x2x128xi32, #tpu.memory_space<hbm>> -> memref<2x128xi32, #tpu.memory_space<hbm>>
      %dma_wait3A_1224 = arith.constant 0 : i32
      %dma_wait3A_1225 = arith.constant 0 : i32
      %dma_wait3A_1226 = tpu.memref_slice %arg6[%dma_wait3A_1215, %dma_wait3A_1224, %dma_wait3A_1225] : memref<6x2x128xi32, #tpu.memory_space<vmem>> -> memref<1x2x128xi32, #tpu.memory_space<vmem>>
      %dma_wait3A_1227 = tpu.memref_squeeze %dma_wait3A_1226 : memref<1x2x128xi32, #tpu.memory_space<vmem>> -> memref<2x128xi32, #tpu.memory_space<vmem>>
      %dma_wait3A_1228 = arith.constant 0 : i32
      %dma_wait3A_1229 = arith.constant 0 : i32
      %dma_wait3A_1230 = tpu.memref_slice %arg3[%add3A, %add3A_1214, %dma_wait3A_1228, %dma_wait3A_1229] : memref<32x84x2x128xi32, #tpu.memory_space<hbm>> -> memref<1x1x2x128xi32, #tpu.memory_space<hbm>>
      %dma_wait3A_1231 = tpu.memref_squeeze %dma_wait3A_1230 : memref<1x1x2x128xi32, #tpu.memory_space<hbm>> -> memref<2x128xi32, #tpu.memory_space<hbm>>
      tpu.wait_dma2 semaphore(%arg12 : memref<!tpu.dma_semaphore, #tpu.memory_space<semaphore_mem>>) src(%dma_wait3A_1231 : memref<2x128xi32, #tpu.memory_space<hbm>>) dst(%dma_wait3A_1227 : memref<2x128xi32, #tpu.memory_space<vmem>>)
      %dma_start3A_1232 = arith.constant 3 : i32
      %dma_start3A_1233 = arith.constant 0 : i32
      %dma_start3A_1234 = arith.constant 0 : i32
      %dma_start3A_1235 = arith.constant 0 : i32
      %dma_start3A_1236 = arith.constant 0 : i32
      %dma_start3A_1237 = tpu.memref_slice %arg7[%dma_start3A_1234, %dma_start3A_1235, %dma_start3A_1236] : memref<3x128x128xf32, #tpu.memory_space<vmem>> -> memref<1x128x128xf32, #tpu.memory_space<vmem>>
      %dma_start3A_1238 = tpu.memref_squeeze %dma_start3A_1237 : memref<1x128x128xf32, #tpu.memory_space<vmem>> -> memref<128x128xf32, #tpu.memory_space<vmem>>
      %dma_start3A_1239 = arith.constant 0 : i32
      %dma_start3A_1240 = tpu.memref_slice %arg6[%dma_start3A_1232, %dma_start3A_1233, %dma_start3A_1239] : memref<6x2x128xi32, #tpu.memory_space<vmem>> -> memref<1x1x128xi32, #tpu.memory_space<vmem>>
      %dma_start3A_1241 = tpu.memref_squeeze %dma_start3A_1240 : memref<1x1x128xi32, #tpu.memory_space<vmem>> -> memref<128xi32, #tpu.memory_space<vmem>>
      %dma_start3A_1242 = arith.constant 0 : i32
      %dma_start3A_1243 = arith.constant 0 : i32
      %dma_start3A_1244 = tpu.memref_slice %arg2[%dma_start3A_1242, %dma_start3A_1243] : memref<10000x128xf32, #tpu.memory_space<hbm>> -> memref<10000x128xf32, #tpu.memory_space<hbm>>
      tpu.enqueue_indirect_dma source(%dma_start3A_1244 : memref<10000x128xf32, #tpu.memory_space<hbm>>) target(%dma_start3A_1238 : memref<128x128xf32, #tpu.memory_space<vmem>>) offsets(%dma_start3A_1241 : memref<128xi32, #tpu.memory_space<vmem>>) semaphore(%arg15 : memref<!tpu.dma_semaphore, #tpu.memory_space<semaphore_mem>>)
      %add3A_1245 = arith.constant 5 : i32
      %add3A_1246 = arith.addi %add3A_1173, %add3A_1245 : i32
      %dma_start3A_1247 = arith.constant 0 : i32
      %dma_start3A_1248 = arith.constant 0 : i32
      %dma_start3A_1249 = arith.constant 0 : i32
      %dma_start3A_1250 = tpu.memref_slice %arg6[%dma_start3A_1247, %dma_start3A_1248, %dma_start3A_1249] : memref<6x2x128xi32, #tpu.memory_space<vmem>> -> memref<1x2x128xi32, #tpu.memory_space<vmem>>
      %dma_start3A_1251 = tpu.memref_squeeze %dma_start3A_1250 : memref<1x2x128xi32, #tpu.memory_space<vmem>> -> memref<2x128xi32, #tpu.memory_space<vmem>>
      %dma_start3A_1252 = arith.constant 0 : i32
      %dma_start3A_1253 = arith.constant 0 : i32
      %dma_start3A_1254 = tpu.memref_slice %arg3[%add3A, %add3A_1246, %dma_start3A_1252, %dma_start3A_1253] : memref<32x84x2x128xi32, #tpu.memory_space<hbm>> -> memref<1x1x2x128xi32, #tpu.memory_space<hbm>>
      %dma_start3A_1255 = tpu.memref_squeeze %dma_start3A_1254 : memref<1x1x2x128xi32, #tpu.memory_space<hbm>> -> memref<2x128xi32, #tpu.memory_space<hbm>>
      %dma_start3A_1256 = arith.constant 0 : i32
      %dma_start3A_1257 = arith.constant 0 : i32
      %dma_start3A_1258 = tpu.memref_slice %arg6[%dma_start3A_1247, %dma_start3A_1256, %dma_start3A_1257] : memref<6x2x128xi32, #tpu.memory_space<vmem>> -> memref<1x2x128xi32, #tpu.memory_space<vmem>>
      %dma_start3A_1259 = tpu.memref_squeeze %dma_start3A_1258 : memref<1x2x128xi32, #tpu.memory_space<vmem>> -> memref<2x128xi32, #tpu.memory_space<vmem>>
      %dma_start3A_1260 = arith.constant 0 : i32
      %dma_start3A_1261 = arith.constant 0 : i32
      %dma_start3A_1262 = tpu.memref_slice %arg3[%add3A, %add3A_1246, %dma_start3A_1260, %dma_start3A_1261] : memref<32x84x2x128xi32, #tpu.memory_space<hbm>> -> memref<1x1x2x128xi32, #tpu.memory_space<hbm>>
      %dma_start3A_1263 = tpu.memref_squeeze %dma_start3A_1262 : memref<1x1x2x128xi32, #tpu.memory_space<hbm>> -> memref<2x128xi32, #tpu.memory_space<hbm>>
      tpu.enqueue_dma source(%dma_start3A_1263 : memref<2x128xi32, #tpu.memory_space<hbm>>) target(%dma_start3A_1259 : memref<2x128xi32, #tpu.memory_space<vmem>>) target_semaphore(%arg9 : memref<!tpu.dma_semaphore, #tpu.memory_space<semaphore_mem>>)
      %mul3A_1264 = arith.constant 6 : i32
      %mul3A_1265 = arith.muli %scan3A_1075, %mul3A_1264 : i32
      %add3A_1266 = arith.constant 2 : i32
      %add3A_1267 = arith.addi %mul3A_1265, %add3A_1266 : i32
      %dma_wait3A_1268 = arith.constant 2 : i32
      %dma_wait3A_1269 = arith.constant 0 : i32
      %dma_wait3A_1270 = arith.constant 2 : i32
      %dma_wait3A_1271 = arith.constant 0 : i32
      %dma_wait3A_1272 = arith.constant 0 : i32
      %dma_wait3A_1273 = tpu.memref_slice %arg7[%dma_wait3A_1270, %dma_wait3A_1271, %dma_wait3A_1272] : memref<3x128x128xf32, #tpu.memory_space<vmem>> -> memref<1x128x128xf32, #tpu.memory_space<vmem>>
      %dma_wait3A_1274 = tpu.memref_squeeze %dma_wait3A_1273 : memref<1x128x128xf32, #tpu.memory_space<vmem>> -> memref<128x128xf32, #tpu.memory_space<vmem>>
      %dma_wait3A_1275 = arith.constant 0 : i32
      %dma_wait3A_1276 = tpu.memref_slice %arg6[%dma_wait3A_1268, %dma_wait3A_1269, %dma_wait3A_1275] : memref<6x2x128xi32, #tpu.memory_space<vmem>> -> memref<1x1x128xi32, #tpu.memory_space<vmem>>
      %dma_wait3A_1277 = tpu.memref_squeeze %dma_wait3A_1276 : memref<1x1x128xi32, #tpu.memory_space<vmem>> -> memref<128xi32, #tpu.memory_space<vmem>>
      %dma_wait3A_1278 = arith.constant 0 : i32
      %dma_wait3A_1279 = arith.constant 0 : i32
      %dma_wait3A_1280 = tpu.memref_slice %arg2[%dma_wait3A_1278, %dma_wait3A_1279] : memref<10000x128xf32, #tpu.memory_space<hbm>> -> memref<10000x128xf32, #tpu.memory_space<hbm>>
      tpu.wait_indirect_dma semaphore(%arg17 : memref<!tpu.dma_semaphore, #tpu.memory_space<semaphore_mem>>) src(%dma_wait3A_1280 : memref<10000x128xf32, #tpu.memory_space<hbm>>) dst(%dma_wait3A_1274 : memref<128x128xf32, #tpu.memory_space<vmem>>)
      %dma_start3A_1281 = arith.constant 2 : i32
      %dma_start3A_1282 = arith.constant 2 : i32
      %dma_start3A_1283 = arith.constant 1 : i32
      %dma_start3A_1284 = arith.constant 0 : i32
      %dma_start3A_1285 = arith.constant 0 : i32
      %dma_start3A_1286 = tpu.memref_slice %arg7[%dma_start3A_1281, %dma_start3A_1284, %dma_start3A_1285] : memref<3x128x128xf32, #tpu.memory_space<vmem>> -> memref<1x128x128xf32, #tpu.memory_space<vmem>>
      %dma_start3A_1287 = tpu.memref_squeeze %dma_start3A_1286 : memref<1x128x128xf32, #tpu.memory_space<vmem>> -> memref<128x128xf32, #tpu.memory_space<vmem>>
      %dma_start3A_1288 = arith.constant 0 : i32
      %dma_start3A_1289 = tpu.memref_slice %arg6[%dma_start3A_1282, %dma_start3A_1283, %dma_start3A_1288] : memref<6x2x128xi32, #tpu.memory_space<vmem>> -> memref<1x1x128xi32, #tpu.memory_space<vmem>>
      %dma_start3A_1290 = tpu.memref_squeeze %dma_start3A_1289 : memref<1x1x128xi32, #tpu.memory_space<vmem>> -> memref<128xi32, #tpu.memory_space<vmem>>
      %dma_start3A_1291 = arith.constant 0 : i32
      %dma_start3A_1292 = arith.constant 0 : i32
      %dma_start3A_1293 = tpu.memref_slice %arg8[%dma_start3A_1291, %dma_start3A_1292] : memref<10016x128xf32, #tpu.memory_space<vmem_shared>> -> memref<10016x128xf32, #tpu.memory_space<vmem_shared>>
      tpu.enqueue_indirect_dma source(%dma_start3A_1287 : memref<128x128xf32, #tpu.memory_space<vmem>>) target(%dma_start3A_1293 : memref<10016x128xf32, #tpu.memory_space<vmem_shared>>) offsets(%dma_start3A_1290 : memref<128xi32, #tpu.memory_space<vmem>>) semaphore(%arg20 : memref<!tpu.dma_semaphore, #tpu.memory_space<semaphore_mem>>) {add = true}
      %dma_wait3A_1294 = arith.constant 1 : i32
      %dma_wait3A_1295 = arith.constant 1 : i32
      %dma_wait3A_1296 = arith.constant 1 : i32
      %dma_wait3A_1297 = arith.constant 0 : i32
      %dma_wait3A_1298 = arith.constant 0 : i32
      %dma_wait3A_1299 = tpu.memref_slice %arg7[%dma_wait3A_1294, %dma_wait3A_1297, %dma_wait3A_1298] : memref<3x128x128xf32, #tpu.memory_space<vmem>> -> memref<1x128x128xf32, #tpu.memory_space<vmem>>
      %dma_wait3A_1300 = tpu.memref_squeeze %dma_wait3A_1299 : memref<1x128x128xf32, #tpu.memory_space<vmem>> -> memref<128x128xf32, #tpu.memory_space<vmem>>
      %dma_wait3A_1301 = arith.constant 0 : i32
      %dma_wait3A_1302 = tpu.memref_slice %arg6[%dma_wait3A_1295, %dma_wait3A_1296, %dma_wait3A_1301] : memref<6x2x128xi32, #tpu.memory_space<vmem>> -> memref<1x1x128xi32, #tpu.memory_space<vmem>>
      %dma_wait3A_1303 = tpu.memref_squeeze %dma_wait3A_1302 : memref<1x1x128xi32, #tpu.memory_space<vmem>> -> memref<128xi32, #tpu.memory_space<vmem>>
      %dma_wait3A_1304 = arith.constant 0 : i32
      %dma_wait3A_1305 = arith.constant 0 : i32
      %dma_wait3A_1306 = tpu.memref_slice %arg8[%dma_wait3A_1304, %dma_wait3A_1305] : memref<10016x128xf32, #tpu.memory_space<vmem_shared>> -> memref<10016x128xf32, #tpu.memory_space<vmem_shared>>
      tpu.wait_indirect_dma semaphore(%arg19 : memref<!tpu.dma_semaphore, #tpu.memory_space<semaphore_mem>>) src(%dma_wait3A_1300 : memref<128x128xf32, #tpu.memory_space<vmem>>) dst(%dma_wait3A_1306 : memref<10016x128xf32, #tpu.memory_space<vmem_shared>>)
      %add3A_1307 = arith.constant 2 : i32
      %add3A_1308 = arith.addi %add3A_1267, %add3A_1307 : i32
      %dma_wait3A_1309 = arith.constant 4 : i32
      %dma_wait3A_1310 = arith.constant 0 : i32
      %dma_wait3A_1311 = arith.constant 0 : i32
      %dma_wait3A_1312 = tpu.memref_slice %arg6[%dma_wait3A_1309, %dma_wait3A_1310, %dma_wait3A_1311] : memref<6x2x128xi32, #tpu.memory_space<vmem>> -> memref<1x2x128xi32, #tpu.memory_space<vmem>>
      %dma_wait3A_1313 = tpu.memref_squeeze %dma_wait3A_1312 : memref<1x2x128xi32, #tpu.memory_space<vmem>> -> memref<2x128xi32, #tpu.memory_space<vmem>>
      %dma_wait3A_1314 = arith.constant 0 : i32
      %dma_wait3A_1315 = arith.constant 0 : i32
      %dma_wait3A_1316 = tpu.memref_slice %arg3[%add3A, %add3A_1308, %dma_wait3A_1314, %dma_wait3A_1315] : memref<32x84x2x128xi32, #tpu.memory_space<hbm>> -> memref<1x1x2x128xi32, #tpu.memory_space<hbm>>
      %dma_wait3A_1317 = tpu.memref_squeeze %dma_wait3A_1316 : memref<1x1x2x128xi32, #tpu.memory_space<hbm>> -> memref<2x128xi32, #tpu.memory_space<hbm>>
      %dma_wait3A_1318 = arith.constant 0 : i32
      %dma_wait3A_1319 = arith.constant 0 : i32
      %dma_wait3A_1320 = tpu.memref_slice %arg6[%dma_wait3A_1309, %dma_wait3A_1318, %dma_wait3A_1319] : memref<6x2x128xi32, #tpu.memory_space<vmem>> -> memref<1x2x128xi32, #tpu.memory_space<vmem>>
      %dma_wait3A_1321 = tpu.memref_squeeze %dma_wait3A_1320 : memref<1x2x128xi32, #tpu.memory_space<vmem>> -> memref<2x128xi32, #tpu.memory_space<vmem>>
      %dma_wait3A_1322 = arith.constant 0 : i32
      %dma_wait3A_1323 = arith.constant 0 : i32
      %dma_wait3A_1324 = tpu.memref_slice %arg3[%add3A, %add3A_1308, %dma_wait3A_1322, %dma_wait3A_1323] : memref<32x84x2x128xi32, #tpu.memory_space<hbm>> -> memref<1x1x2x128xi32, #tpu.memory_space<hbm>>
      %dma_wait3A_1325 = tpu.memref_squeeze %dma_wait3A_1324 : memref<1x1x2x128xi32, #tpu.memory_space<hbm>> -> memref<2x128xi32, #tpu.memory_space<hbm>>
      tpu.wait_dma2 semaphore(%arg13 : memref<!tpu.dma_semaphore, #tpu.memory_space<semaphore_mem>>) src(%dma_wait3A_1325 : memref<2x128xi32, #tpu.memory_space<hbm>>) dst(%dma_wait3A_1321 : memref<2x128xi32, #tpu.memory_space<vmem>>)
      %dma_start3A_1326 = arith.constant 4 : i32
      %dma_start3A_1327 = arith.constant 0 : i32
      %dma_start3A_1328 = arith.constant 1 : i32
      %dma_start3A_1329 = arith.constant 0 : i32
      %dma_start3A_1330 = arith.constant 0 : i32
      %dma_start3A_1331 = tpu.memref_slice %arg7[%dma_start3A_1328, %dma_start3A_1329, %dma_start3A_1330] : memref<3x128x128xf32, #tpu.memory_space<vmem>> -> memref<1x128x128xf32, #tpu.memory_space<vmem>>
      %dma_start3A_1332 = tpu.memref_squeeze %dma_start3A_1331 : memref<1x128x128xf32, #tpu.memory_space<vmem>> -> memref<128x128xf32, #tpu.memory_space<vmem>>
      %dma_start3A_1333 = arith.constant 0 : i32
      %dma_start3A_1334 = tpu.memref_slice %arg6[%dma_start3A_1326, %dma_start3A_1327, %dma_start3A_1333] : memref<6x2x128xi32, #tpu.memory_space<vmem>> -> memref<1x1x128xi32, #tpu.memory_space<vmem>>
      %dma_start3A_1335 = tpu.memref_squeeze %dma_start3A_1334 : memref<1x1x128xi32, #tpu.memory_space<vmem>> -> memref<128xi32, #tpu.memory_space<vmem>>
      %dma_start3A_1336 = arith.constant 0 : i32
      %dma_start3A_1337 = arith.constant 0 : i32
      %dma_start3A_1338 = tpu.memref_slice %arg2[%dma_start3A_1336, %dma_start3A_1337] : memref<10000x128xf32, #tpu.memory_space<hbm>> -> memref<10000x128xf32, #tpu.memory_space<hbm>>
      tpu.enqueue_indirect_dma source(%dma_start3A_1338 : memref<10000x128xf32, #tpu.memory_space<hbm>>) target(%dma_start3A_1332 : memref<128x128xf32, #tpu.memory_space<vmem>>) offsets(%dma_start3A_1335 : memref<128xi32, #tpu.memory_space<vmem>>) semaphore(%arg16 : memref<!tpu.dma_semaphore, #tpu.memory_space<semaphore_mem>>)
      %add3A_1339 = arith.constant 5 : i32
      %add3A_1340 = arith.addi %add3A_1267, %add3A_1339 : i32
      %dma_start3A_1341 = arith.constant 1 : i32
      %dma_start3A_1342 = arith.constant 0 : i32
      %dma_start3A_1343 = arith.constant 0 : i32
      %dma_start3A_1344 = tpu.memref_slice %arg6[%dma_start3A_1341, %dma_start3A_1342, %dma_start3A_1343] : memref<6x2x128xi32, #tpu.memory_space<vmem>> -> memref<1x2x128xi32, #tpu.memory_space<vmem>>
      %dma_start3A_1345 = tpu.memref_squeeze %dma_start3A_1344 : memref<1x2x128xi32, #tpu.memory_space<vmem>> -> memref<2x128xi32, #tpu.memory_space<vmem>>
      %dma_start3A_1346 = arith.constant 0 : i32
      %dma_start3A_1347 = arith.constant 0 : i32
      %dma_start3A_1348 = tpu.memref_slice %arg3[%add3A, %add3A_1340, %dma_start3A_1346, %dma_start3A_1347] : memref<32x84x2x128xi32, #tpu.memory_space<hbm>> -> memref<1x1x2x128xi32, #tpu.memory_space<hbm>>
      %dma_start3A_1349 = tpu.memref_squeeze %dma_start3A_1348 : memref<1x1x2x128xi32, #tpu.memory_space<hbm>> -> memref<2x128xi32, #tpu.memory_space<hbm>>
      %dma_start3A_1350 = arith.constant 0 : i32
      %dma_start3A_1351 = arith.constant 0 : i32
      %dma_start3A_1352 = tpu.memref_slice %arg6[%dma_start3A_1341, %dma_start3A_1350, %dma_start3A_1351] : memref<6x2x128xi32, #tpu.memory_space<vmem>> -> memref<1x2x128xi32, #tpu.memory_space<vmem>>
      %dma_start3A_1353 = tpu.memref_squeeze %dma_start3A_1352 : memref<1x2x128xi32, #tpu.memory_space<vmem>> -> memref<2x128xi32, #tpu.memory_space<vmem>>
      %dma_start3A_1354 = arith.constant 0 : i32
      %dma_start3A_1355 = arith.constant 0 : i32
      %dma_start3A_1356 = tpu.memref_slice %arg3[%add3A, %add3A_1340, %dma_start3A_1354, %dma_start3A_1355] : memref<32x84x2x128xi32, #tpu.memory_space<hbm>> -> memref<1x1x2x128xi32, #tpu.memory_space<hbm>>
      %dma_start3A_1357 = tpu.memref_squeeze %dma_start3A_1356 : memref<1x1x2x128xi32, #tpu.memory_space<hbm>> -> memref<2x128xi32, #tpu.memory_space<hbm>>
      tpu.enqueue_dma source(%dma_start3A_1357 : memref<2x128xi32, #tpu.memory_space<hbm>>) target(%dma_start3A_1353 : memref<2x128xi32, #tpu.memory_space<vmem>>) target_semaphore(%arg10 : memref<!tpu.dma_semaphore, #tpu.memory_space<semaphore_mem>>)
      %mul3A_1358 = arith.constant 6 : i32
      %mul3A_1359 = arith.muli %scan3A_1075, %mul3A_1358 : i32
      %add3A_1360 = arith.constant 3 : i32
      %add3A_1361 = arith.addi %mul3A_1359, %add3A_1360 : i32
      %dma_wait3A_1362 = arith.constant 3 : i32
      %dma_wait3A_1363 = arith.constant 0 : i32
      %dma_wait3A_1364 = arith.constant 0 : i32
      %dma_wait3A_1365 = arith.constant 0 : i32
      %dma_wait3A_1366 = arith.constant 0 : i32
      %dma_wait3A_1367 = tpu.memref_slice %arg7[%dma_wait3A_1364, %dma_wait3A_1365, %dma_wait3A_1366] : memref<3x128x128xf32, #tpu.memory_space<vmem>> -> memref<1x128x128xf32, #tpu.memory_space<vmem>>
      %dma_wait3A_1368 = tpu.memref_squeeze %dma_wait3A_1367 : memref<1x128x128xf32, #tpu.memory_space<vmem>> -> memref<128x128xf32, #tpu.memory_space<vmem>>
      %dma_wait3A_1369 = arith.constant 0 : i32
      %dma_wait3A_1370 = tpu.memref_slice %arg6[%dma_wait3A_1362, %dma_wait3A_1363, %dma_wait3A_1369] : memref<6x2x128xi32, #tpu.memory_space<vmem>> -> memref<1x1x128xi32, #tpu.memory_space<vmem>>
      %dma_wait3A_1371 = tpu.memref_squeeze %dma_wait3A_1370 : memref<1x1x128xi32, #tpu.memory_space<vmem>> -> memref<128xi32, #tpu.memory_space<vmem>>
      %dma_wait3A_1372 = arith.constant 0 : i32
      %dma_wait3A_1373 = arith.constant 0 : i32
      %dma_wait3A_1374 = tpu.memref_slice %arg2[%dma_wait3A_1372, %dma_wait3A_1373] : memref<10000x128xf32, #tpu.memory_space<hbm>> -> memref<10000x128xf32, #tpu.memory_space<hbm>>
      tpu.wait_indirect_dma semaphore(%arg15 : memref<!tpu.dma_semaphore, #tpu.memory_space<semaphore_mem>>) src(%dma_wait3A_1374 : memref<10000x128xf32, #tpu.memory_space<hbm>>) dst(%dma_wait3A_1368 : memref<128x128xf32, #tpu.memory_space<vmem>>)
      %dma_start3A_1375 = arith.constant 0 : i32
      %dma_start3A_1376 = arith.constant 3 : i32
      %dma_start3A_1377 = arith.constant 1 : i32
      %dma_start3A_1378 = arith.constant 0 : i32
      %dma_start3A_1379 = arith.constant 0 : i32
      %dma_start3A_1380 = tpu.memref_slice %arg7[%dma_start3A_1375, %dma_start3A_1378, %dma_start3A_1379] : memref<3x128x128xf32, #tpu.memory_space<vmem>> -> memref<1x128x128xf32, #tpu.memory_space<vmem>>
      %dma_start3A_1381 = tpu.memref_squeeze %dma_start3A_1380 : memref<1x128x128xf32, #tpu.memory_space<vmem>> -> memref<128x128xf32, #tpu.memory_space<vmem>>
      %dma_start3A_1382 = arith.constant 0 : i32
      %dma_start3A_1383 = tpu.memref_slice %arg6[%dma_start3A_1376, %dma_start3A_1377, %dma_start3A_1382] : memref<6x2x128xi32, #tpu.memory_space<vmem>> -> memref<1x1x128xi32, #tpu.memory_space<vmem>>
      %dma_start3A_1384 = tpu.memref_squeeze %dma_start3A_1383 : memref<1x1x128xi32, #tpu.memory_space<vmem>> -> memref<128xi32, #tpu.memory_space<vmem>>
      %dma_start3A_1385 = arith.constant 0 : i32
      %dma_start3A_1386 = arith.constant 0 : i32
      %dma_start3A_1387 = tpu.memref_slice %arg8[%dma_start3A_1385, %dma_start3A_1386] : memref<10016x128xf32, #tpu.memory_space<vmem_shared>> -> memref<10016x128xf32, #tpu.memory_space<vmem_shared>>
      tpu.enqueue_indirect_dma source(%dma_start3A_1381 : memref<128x128xf32, #tpu.memory_space<vmem>>) target(%dma_start3A_1387 : memref<10016x128xf32, #tpu.memory_space<vmem_shared>>) offsets(%dma_start3A_1384 : memref<128xi32, #tpu.memory_space<vmem>>) semaphore(%arg18 : memref<!tpu.dma_semaphore, #tpu.memory_space<semaphore_mem>>) {add = true}
      %dma_wait3A_1388 = arith.constant 2 : i32
      %dma_wait3A_1389 = arith.constant 2 : i32
      %dma_wait3A_1390 = arith.constant 1 : i32
      %dma_wait3A_1391 = arith.constant 0 : i32
      %dma_wait3A_1392 = arith.constant 0 : i32
      %dma_wait3A_1393 = tpu.memref_slice %arg7[%dma_wait3A_1388, %dma_wait3A_1391, %dma_wait3A_1392] : memref<3x128x128xf32, #tpu.memory_space<vmem>> -> memref<1x128x128xf32, #tpu.memory_space<vmem>>
      %dma_wait3A_1394 = tpu.memref_squeeze %dma_wait3A_1393 : memref<1x128x128xf32, #tpu.memory_space<vmem>> -> memref<128x128xf32, #tpu.memory_space<vmem>>
      %dma_wait3A_1395 = arith.constant 0 : i32
      %dma_wait3A_1396 = tpu.memref_slice %arg6[%dma_wait3A_1389, %dma_wait3A_1390, %dma_wait3A_1395] : memref<6x2x128xi32, #tpu.memory_space<vmem>> -> memref<1x1x128xi32, #tpu.memory_space<vmem>>
      %dma_wait3A_1397 = tpu.memref_squeeze %dma_wait3A_1396 : memref<1x1x128xi32, #tpu.memory_space<vmem>> -> memref<128xi32, #tpu.memory_space<vmem>>
      %dma_wait3A_1398 = arith.constant 0 : i32
      %dma_wait3A_1399 = arith.constant 0 : i32
      %dma_wait3A_1400 = tpu.memref_slice %arg8[%dma_wait3A_1398, %dma_wait3A_1399] : memref<10016x128xf32, #tpu.memory_space<vmem_shared>> -> memref<10016x128xf32, #tpu.memory_space<vmem_shared>>
      tpu.wait_indirect_dma semaphore(%arg20 : memref<!tpu.dma_semaphore, #tpu.memory_space<semaphore_mem>>) src(%dma_wait3A_1394 : memref<128x128xf32, #tpu.memory_space<vmem>>) dst(%dma_wait3A_1400 : memref<10016x128xf32, #tpu.memory_space<vmem_shared>>)
      %add3A_1401 = arith.constant 2 : i32
      %add3A_1402 = arith.addi %add3A_1361, %add3A_1401 : i32
      %dma_wait3A_1403 = arith.constant 5 : i32
      %dma_wait3A_1404 = arith.constant 0 : i32
      %dma_wait3A_1405 = arith.constant 0 : i32
      %dma_wait3A_1406 = tpu.memref_slice %arg6[%dma_wait3A_1403, %dma_wait3A_1404, %dma_wait3A_1405] : memref<6x2x128xi32, #tpu.memory_space<vmem>> -> memref<1x2x128xi32, #tpu.memory_space<vmem>>
      %dma_wait3A_1407 = tpu.memref_squeeze %dma_wait3A_1406 : memref<1x2x128xi32, #tpu.memory_space<vmem>> -> memref<2x128xi32, #tpu.memory_space<vmem>>
      %dma_wait3A_1408 = arith.constant 0 : i32
      %dma_wait3A_1409 = arith.constant 0 : i32
      %dma_wait3A_1410 = tpu.memref_slice %arg3[%add3A, %add3A_1402, %dma_wait3A_1408, %dma_wait3A_1409] : memref<32x84x2x128xi32, #tpu.memory_space<hbm>> -> memref<1x1x2x128xi32, #tpu.memory_space<hbm>>
      %dma_wait3A_1411 = tpu.memref_squeeze %dma_wait3A_1410 : memref<1x1x2x128xi32, #tpu.memory_space<hbm>> -> memref<2x128xi32, #tpu.memory_space<hbm>>
      %dma_wait3A_1412 = arith.constant 0 : i32
      %dma_wait3A_1413 = arith.constant 0 : i32
      %dma_wait3A_1414 = tpu.memref_slice %arg6[%dma_wait3A_1403, %dma_wait3A_1412, %dma_wait3A_1413] : memref<6x2x128xi32, #tpu.memory_space<vmem>> -> memref<1x2x128xi32, #tpu.memory_space<vmem>>
      %dma_wait3A_1415 = tpu.memref_squeeze %dma_wait3A_1414 : memref<1x2x128xi32, #tpu.memory_space<vmem>> -> memref<2x128xi32, #tpu.memory_space<vmem>>
      %dma_wait3A_1416 = arith.constant 0 : i32
      %dma_wait3A_1417 = arith.constant 0 : i32
      %dma_wait3A_1418 = tpu.memref_slice %arg3[%add3A, %add3A_1402, %dma_wait3A_1416, %dma_wait3A_1417] : memref<32x84x2x128xi32, #tpu.memory_space<hbm>> -> memref<1x1x2x128xi32, #tpu.memory_space<hbm>>
      %dma_wait3A_1419 = tpu.memref_squeeze %dma_wait3A_1418 : memref<1x1x2x128xi32, #tpu.memory_space<hbm>> -> memref<2x128xi32, #tpu.memory_space<hbm>>
      tpu.wait_dma2 semaphore(%arg14 : memref<!tpu.dma_semaphore, #tpu.memory_space<semaphore_mem>>) src(%dma_wait3A_1419 : memref<2x128xi32, #tpu.memory_space<hbm>>) dst(%dma_wait3A_1415 : memref<2x128xi32, #tpu.memory_space<vmem>>)
      %dma_start3A_1420 = arith.constant 5 : i32
      %dma_start3A_1421 = arith.constant 0 : i32
      %dma_start3A_1422 = arith.constant 2 : i32
      %dma_start3A_1423 = arith.constant 0 : i32
      %dma_start3A_1424 = arith.constant 0 : i32
      %dma_start3A_1425 = tpu.memref_slice %arg7[%dma_start3A_1422, %dma_start3A_1423, %dma_start3A_1424] : memref<3x128x128xf32, #tpu.memory_space<vmem>> -> memref<1x128x128xf32, #tpu.memory_space<vmem>>
      %dma_start3A_1426 = tpu.memref_squeeze %dma_start3A_1425 : memref<1x128x128xf32, #tpu.memory_space<vmem>> -> memref<128x128xf32, #tpu.memory_space<vmem>>
      %dma_start3A_1427 = arith.constant 0 : i32
      %dma_start3A_1428 = tpu.memref_slice %arg6[%dma_start3A_1420, %dma_start3A_1421, %dma_start3A_1427] : memref<6x2x128xi32, #tpu.memory_space<vmem>> -> memref<1x1x128xi32, #tpu.memory_space<vmem>>
      %dma_start3A_1429 = tpu.memref_squeeze %dma_start3A_1428 : memref<1x1x128xi32, #tpu.memory_space<vmem>> -> memref<128xi32, #tpu.memory_space<vmem>>
      %dma_start3A_1430 = arith.constant 0 : i32
      %dma_start3A_1431 = arith.constant 0 : i32
      %dma_start3A_1432 = tpu.memref_slice %arg2[%dma_start3A_1430, %dma_start3A_1431] : memref<10000x128xf32, #tpu.memory_space<hbm>> -> memref<10000x128xf32, #tpu.memory_space<hbm>>
      tpu.enqueue_indirect_dma source(%dma_start3A_1432 : memref<10000x128xf32, #tpu.memory_space<hbm>>) target(%dma_start3A_1426 : memref<128x128xf32, #tpu.memory_space<vmem>>) offsets(%dma_start3A_1429 : memref<128xi32, #tpu.memory_space<vmem>>) semaphore(%arg17 : memref<!tpu.dma_semaphore, #tpu.memory_space<semaphore_mem>>)
      %add3A_1433 = arith.constant 5 : i32
      %add3A_1434 = arith.addi %add3A_1361, %add3A_1433 : i32
      %dma_start3A_1435 = arith.constant 2 : i32
      %dma_start3A_1436 = arith.constant 0 : i32
      %dma_start3A_1437 = arith.constant 0 : i32
      %dma_start3A_1438 = tpu.memref_slice %arg6[%dma_start3A_1435, %dma_start3A_1436, %dma_start3A_1437] : memref<6x2x128xi32, #tpu.memory_space<vmem>> -> memref<1x2x128xi32, #tpu.memory_space<vmem>>
      %dma_start3A_1439 = tpu.memref_squeeze %dma_start3A_1438 : memref<1x2x128xi32, #tpu.memory_space<vmem>> -> memref<2x128xi32, #tpu.memory_space<vmem>>
      %dma_start3A_1440 = arith.constant 0 : i32
      %dma_start3A_1441 = arith.constant 0 : i32
      %dma_start3A_1442 = tpu.memref_slice %arg3[%add3A, %add3A_1434, %dma_start3A_1440, %dma_start3A_1441] : memref<32x84x2x128xi32, #tpu.memory_space<hbm>> -> memref<1x1x2x128xi32, #tpu.memory_space<hbm>>
      %dma_start3A_1443 = tpu.memref_squeeze %dma_start3A_1442 : memref<1x1x2x128xi32, #tpu.memory_space<hbm>> -> memref<2x128xi32, #tpu.memory_space<hbm>>
      %dma_start3A_1444 = arith.constant 0 : i32
      %dma_start3A_1445 = arith.constant 0 : i32
      %dma_start3A_1446 = tpu.memref_slice %arg6[%dma_start3A_1435, %dma_start3A_1444, %dma_start3A_1445] : memref<6x2x128xi32, #tpu.memory_space<vmem>> -> memref<1x2x128xi32, #tpu.memory_space<vmem>>
      %dma_start3A_1447 = tpu.memref_squeeze %dma_start3A_1446 : memref<1x2x128xi32, #tpu.memory_space<vmem>> -> memref<2x128xi32, #tpu.memory_space<vmem>>
      %dma_start3A_1448 = arith.constant 0 : i32
      %dma_start3A_1449 = arith.constant 0 : i32
      %dma_start3A_1450 = tpu.memref_slice %arg3[%add3A, %add3A_1434, %dma_start3A_1448, %dma_start3A_1449] : memref<32x84x2x128xi32, #tpu.memory_space<hbm>> -> memref<1x1x2x128xi32, #tpu.memory_space<hbm>>
      %dma_start3A_1451 = tpu.memref_squeeze %dma_start3A_1450 : memref<1x1x2x128xi32, #tpu.memory_space<hbm>> -> memref<2x128xi32, #tpu.memory_space<hbm>>
      tpu.enqueue_dma source(%dma_start3A_1451 : memref<2x128xi32, #tpu.memory_space<hbm>>) target(%dma_start3A_1447 : memref<2x128xi32, #tpu.memory_space<vmem>>) target_semaphore(%arg11 : memref<!tpu.dma_semaphore, #tpu.memory_space<semaphore_mem>>)
      %mul3A_1452 = arith.constant 6 : i32
      %mul3A_1453 = arith.muli %scan3A_1075, %mul3A_1452 : i32
      %add3A_1454 = arith.constant 4 : i32
      %add3A_1455 = arith.addi %mul3A_1453, %add3A_1454 : i32
      %dma_wait3A_1456 = arith.constant 4 : i32
      %dma_wait3A_1457 = arith.constant 0 : i32
      %dma_wait3A_1458 = arith.constant 1 : i32
      %dma_wait3A_1459 = arith.constant 0 : i32
      %dma_wait3A_1460 = arith.constant 0 : i32
      %dma_wait3A_1461 = tpu.memref_slice %arg7[%dma_wait3A_1458, %dma_wait3A_1459, %dma_wait3A_1460] : memref<3x128x128xf32, #tpu.memory_space<vmem>> -> memref<1x128x128xf32, #tpu.memory_space<vmem>>
      %dma_wait3A_1462 = tpu.memref_squeeze %dma_wait3A_1461 : memref<1x128x128xf32, #tpu.memory_space<vmem>> -> memref<128x128xf32, #tpu.memory_space<vmem>>
      %dma_wait3A_1463 = arith.constant 0 : i32
      %dma_wait3A_1464 = tpu.memref_slice %arg6[%dma_wait3A_1456, %dma_wait3A_1457, %dma_wait3A_1463] : memref<6x2x128xi32, #tpu.memory_space<vmem>> -> memref<1x1x128xi32, #tpu.memory_space<vmem>>
      %dma_wait3A_1465 = tpu.memref_squeeze %dma_wait3A_1464 : memref<1x1x128xi32, #tpu.memory_space<vmem>> -> memref<128xi32, #tpu.memory_space<vmem>>
      %dma_wait3A_1466 = arith.constant 0 : i32
      %dma_wait3A_1467 = arith.constant 0 : i32
      %dma_wait3A_1468 = tpu.memref_slice %arg2[%dma_wait3A_1466, %dma_wait3A_1467] : memref<10000x128xf32, #tpu.memory_space<hbm>> -> memref<10000x128xf32, #tpu.memory_space<hbm>>
      tpu.wait_indirect_dma semaphore(%arg16 : memref<!tpu.dma_semaphore, #tpu.memory_space<semaphore_mem>>) src(%dma_wait3A_1468 : memref<10000x128xf32, #tpu.memory_space<hbm>>) dst(%dma_wait3A_1462 : memref<128x128xf32, #tpu.memory_space<vmem>>)
      %dma_start3A_1469 = arith.constant 1 : i32
      %dma_start3A_1470 = arith.constant 4 : i32
      %dma_start3A_1471 = arith.constant 1 : i32
      %dma_start3A_1472 = arith.constant 0 : i32
      %dma_start3A_1473 = arith.constant 0 : i32
      %dma_start3A_1474 = tpu.memref_slice %arg7[%dma_start3A_1469, %dma_start3A_1472, %dma_start3A_1473] : memref<3x128x128xf32, #tpu.memory_space<vmem>> -> memref<1x128x128xf32, #tpu.memory_space<vmem>>
      %dma_start3A_1475 = tpu.memref_squeeze %dma_start3A_1474 : memref<1x128x128xf32, #tpu.memory_space<vmem>> -> memref<128x128xf32, #tpu.memory_space<vmem>>
      %dma_start3A_1476 = arith.constant 0 : i32
      %dma_start3A_1477 = tpu.memref_slice %arg6[%dma_start3A_1470, %dma_start3A_1471, %dma_start3A_1476] : memref<6x2x128xi32, #tpu.memory_space<vmem>> -> memref<1x1x128xi32, #tpu.memory_space<vmem>>
      %dma_start3A_1478 = tpu.memref_squeeze %dma_start3A_1477 : memref<1x1x128xi32, #tpu.memory_space<vmem>> -> memref<128xi32, #tpu.memory_space<vmem>>
      %dma_start3A_1479 = arith.constant 0 : i32
      %dma_start3A_1480 = arith.constant 0 : i32
      %dma_start3A_1481 = tpu.memref_slice %arg8[%dma_start3A_1479, %dma_start3A_1480] : memref<10016x128xf32, #tpu.memory_space<vmem_shared>> -> memref<10016x128xf32, #tpu.memory_space<vmem_shared>>
      tpu.enqueue_indirect_dma source(%dma_start3A_1475 : memref<128x128xf32, #tpu.memory_space<vmem>>) target(%dma_start3A_1481 : memref<10016x128xf32, #tpu.memory_space<vmem_shared>>) offsets(%dma_start3A_1478 : memref<128xi32, #tpu.memory_space<vmem>>) semaphore(%arg19 : memref<!tpu.dma_semaphore, #tpu.memory_space<semaphore_mem>>) {add = true}
      %dma_wait3A_1482 = arith.constant 0 : i32
      %dma_wait3A_1483 = arith.constant 3 : i32
      %dma_wait3A_1484 = arith.constant 1 : i32
      %dma_wait3A_1485 = arith.constant 0 : i32
      %dma_wait3A_1486 = arith.constant 0 : i32
      %dma_wait3A_1487 = tpu.memref_slice %arg7[%dma_wait3A_1482, %dma_wait3A_1485, %dma_wait3A_1486] : memref<3x128x128xf32, #tpu.memory_space<vmem>> -> memref<1x128x128xf32, #tpu.memory_space<vmem>>
      %dma_wait3A_1488 = tpu.memref_squeeze %dma_wait3A_1487 : memref<1x128x128xf32, #tpu.memory_space<vmem>> -> memref<128x128xf32, #tpu.memory_space<vmem>>
      %dma_wait3A_1489 = arith.constant 0 : i32
      %dma_wait3A_1490 = tpu.memref_slice %arg6[%dma_wait3A_1483, %dma_wait3A_1484, %dma_wait3A_1489] : memref<6x2x128xi32, #tpu.memory_space<vmem>> -> memref<1x1x128xi32, #tpu.memory_space<vmem>>
      %dma_wait3A_1491 = tpu.memref_squeeze %dma_wait3A_1490 : memref<1x1x128xi32, #tpu.memory_space<vmem>> -> memref<128xi32, #tpu.memory_space<vmem>>
      %dma_wait3A_1492 = arith.constant 0 : i32
      %dma_wait3A_1493 = arith.constant 0 : i32
      %dma_wait3A_1494 = tpu.memref_slice %arg8[%dma_wait3A_1492, %dma_wait3A_1493] : memref<10016x128xf32, #tpu.memory_space<vmem_shared>> -> memref<10016x128xf32, #tpu.memory_space<vmem_shared>>
      tpu.wait_indirect_dma semaphore(%arg18 : memref<!tpu.dma_semaphore, #tpu.memory_space<semaphore_mem>>) src(%dma_wait3A_1488 : memref<128x128xf32, #tpu.memory_space<vmem>>) dst(%dma_wait3A_1494 : memref<10016x128xf32, #tpu.memory_space<vmem_shared>>)
      %add3A_1495 = arith.constant 2 : i32
      %add3A_1496 = arith.addi %add3A_1455, %add3A_1495 : i32
      %dma_wait3A_1497 = arith.constant 0 : i32
      %dma_wait3A_1498 = arith.constant 0 : i32
      %dma_wait3A_1499 = arith.constant 0 : i32
      %dma_wait3A_1500 = tpu.memref_slice %arg6[%dma_wait3A_1497, %dma_wait3A_1498, %dma_wait3A_1499] : memref<6x2x128xi32, #tpu.memory_space<vmem>> -> memref<1x2x128xi32, #tpu.memory_space<vmem>>
      %dma_wait3A_1501 = tpu.memref_squeeze %dma_wait3A_1500 : memref<1x2x128xi32, #tpu.memory_space<vmem>> -> memref<2x128xi32, #tpu.memory_space<vmem>>
      %dma_wait3A_1502 = arith.constant 0 : i32
      %dma_wait3A_1503 = arith.constant 0 : i32
      %dma_wait3A_1504 = tpu.memref_slice %arg3[%add3A, %add3A_1496, %dma_wait3A_1502, %dma_wait3A_1503] : memref<32x84x2x128xi32, #tpu.memory_space<hbm>> -> memref<1x1x2x128xi32, #tpu.memory_space<hbm>>
      %dma_wait3A_1505 = tpu.memref_squeeze %dma_wait3A_1504 : memref<1x1x2x128xi32, #tpu.memory_space<hbm>> -> memref<2x128xi32, #tpu.memory_space<hbm>>
      %dma_wait3A_1506 = arith.constant 0 : i32
      %dma_wait3A_1507 = arith.constant 0 : i32
      %dma_wait3A_1508 = tpu.memref_slice %arg6[%dma_wait3A_1497, %dma_wait3A_1506, %dma_wait3A_1507] : memref<6x2x128xi32, #tpu.memory_space<vmem>> -> memref<1x2x128xi32, #tpu.memory_space<vmem>>
      %dma_wait3A_1509 = tpu.memref_squeeze %dma_wait3A_1508 : memref<1x2x128xi32, #tpu.memory_space<vmem>> -> memref<2x128xi32, #tpu.memory_space<vmem>>
      %dma_wait3A_1510 = arith.constant 0 : i32
      %dma_wait3A_1511 = arith.constant 0 : i32
      %dma_wait3A_1512 = tpu.memref_slice %arg3[%add3A, %add3A_1496, %dma_wait3A_1510, %dma_wait3A_1511] : memref<32x84x2x128xi32, #tpu.memory_space<hbm>> -> memref<1x1x2x128xi32, #tpu.memory_space<hbm>>
      %dma_wait3A_1513 = tpu.memref_squeeze %dma_wait3A_1512 : memref<1x1x2x128xi32, #tpu.memory_space<hbm>> -> memref<2x128xi32, #tpu.memory_space<hbm>>
      tpu.wait_dma2 semaphore(%arg9 : memref<!tpu.dma_semaphore, #tpu.memory_space<semaphore_mem>>) src(%dma_wait3A_1513 : memref<2x128xi32, #tpu.memory_space<hbm>>) dst(%dma_wait3A_1509 : memref<2x128xi32, #tpu.memory_space<vmem>>)
      %dma_start3A_1514 = arith.constant 0 : i32
      %dma_start3A_1515 = arith.constant 0 : i32
      %dma_start3A_1516 = arith.constant 0 : i32
      %dma_start3A_1517 = arith.constant 0 : i32
      %dma_start3A_1518 = arith.constant 0 : i32
      %dma_start3A_1519 = tpu.memref_slice %arg7[%dma_start3A_1516, %dma_start3A_1517, %dma_start3A_1518] : memref<3x128x128xf32, #tpu.memory_space<vmem>> -> memref<1x128x128xf32, #tpu.memory_space<vmem>>
      %dma_start3A_1520 = tpu.memref_squeeze %dma_start3A_1519 : memref<1x128x128xf32, #tpu.memory_space<vmem>> -> memref<128x128xf32, #tpu.memory_space<vmem>>
      %dma_start3A_1521 = arith.constant 0 : i32
      %dma_start3A_1522 = tpu.memref_slice %arg6[%dma_start3A_1514, %dma_start3A_1515, %dma_start3A_1521] : memref<6x2x128xi32, #tpu.memory_space<vmem>> -> memref<1x1x128xi32, #tpu.memory_space<vmem>>
      %dma_start3A_1523 = tpu.memref_squeeze %dma_start3A_1522 : memref<1x1x128xi32, #tpu.memory_space<vmem>> -> memref<128xi32, #tpu.memory_space<vmem>>
      %dma_start3A_1524 = arith.constant 0 : i32
      %dma_start3A_1525 = arith.constant 0 : i32
      %dma_start3A_1526 = tpu.memref_slice %arg2[%dma_start3A_1524, %dma_start3A_1525] : memref<10000x128xf32, #tpu.memory_space<hbm>> -> memref<10000x128xf32, #tpu.memory_space<hbm>>
      tpu.enqueue_indirect_dma source(%dma_start3A_1526 : memref<10000x128xf32, #tpu.memory_space<hbm>>) target(%dma_start3A_1520 : memref<128x128xf32, #tpu.memory_space<vmem>>) offsets(%dma_start3A_1523 : memref<128xi32, #tpu.memory_space<vmem>>) semaphore(%arg15 : memref<!tpu.dma_semaphore, #tpu.memory_space<semaphore_mem>>)
      %add3A_1527 = arith.constant 5 : i32
      %add3A_1528 = arith.addi %add3A_1455, %add3A_1527 : i32
      %dma_start3A_1529 = arith.constant 3 : i32
      %dma_start3A_1530 = arith.constant 0 : i32
      %dma_start3A_1531 = arith.constant 0 : i32
      %dma_start3A_1532 = tpu.memref_slice %arg6[%dma_start3A_1529, %dma_start3A_1530, %dma_start3A_1531] : memref<6x2x128xi32, #tpu.memory_space<vmem>> -> memref<1x2x128xi32, #tpu.memory_space<vmem>>
      %dma_start3A_1533 = tpu.memref_squeeze %dma_start3A_1532 : memref<1x2x128xi32, #tpu.memory_space<vmem>> -> memref<2x128xi32, #tpu.memory_space<vmem>>
      %dma_start3A_1534 = arith.constant 0 : i32
      %dma_start3A_1535 = arith.constant 0 : i32
      %dma_start3A_1536 = tpu.memref_slice %arg3[%add3A, %add3A_1528, %dma_start3A_1534, %dma_start3A_1535] : memref<32x84x2x128xi32, #tpu.memory_space<hbm>> -> memref<1x1x2x128xi32, #tpu.memory_space<hbm>>
      %dma_start3A_1537 = tpu.memref_squeeze %dma_start3A_1536 : memref<1x1x2x128xi32, #tpu.memory_space<hbm>> -> memref<2x128xi32, #tpu.memory_space<hbm>>
      %dma_start3A_1538 = arith.constant 0 : i32
      %dma_start3A_1539 = arith.constant 0 : i32
      %dma_start3A_1540 = tpu.memref_slice %arg6[%dma_start3A_1529, %dma_start3A_1538, %dma_start3A_1539] : memref<6x2x128xi32, #tpu.memory_space<vmem>> -> memref<1x2x128xi32, #tpu.memory_space<vmem>>
      %dma_start3A_1541 = tpu.memref_squeeze %dma_start3A_1540 : memref<1x2x128xi32, #tpu.memory_space<vmem>> -> memref<2x128xi32, #tpu.memory_space<vmem>>
      %dma_start3A_1542 = arith.constant 0 : i32
      %dma_start3A_1543 = arith.constant 0 : i32
      %dma_start3A_1544 = tpu.memref_slice %arg3[%add3A, %add3A_1528, %dma_start3A_1542, %dma_start3A_1543] : memref<32x84x2x128xi32, #tpu.memory_space<hbm>> -> memref<1x1x2x128xi32, #tpu.memory_space<hbm>>
      %dma_start3A_1545 = tpu.memref_squeeze %dma_start3A_1544 : memref<1x1x2x128xi32, #tpu.memory_space<hbm>> -> memref<2x128xi32, #tpu.memory_space<hbm>>
      tpu.enqueue_dma source(%dma_start3A_1545 : memref<2x128xi32, #tpu.memory_space<hbm>>) target(%dma_start3A_1541 : memref<2x128xi32, #tpu.memory_space<vmem>>) target_semaphore(%arg12 : memref<!tpu.dma_semaphore, #tpu.memory_space<semaphore_mem>>)
      %mul3A_1546 = arith.constant 6 : i32
      %mul3A_1547 = arith.muli %scan3A_1075, %mul3A_1546 : i32
      %add3A_1548 = arith.constant 5 : i32
      %add3A_1549 = arith.addi %mul3A_1547, %add3A_1548 : i32
      %dma_wait3A_1550 = arith.constant 5 : i32
      %dma_wait3A_1551 = arith.constant 0 : i32
      %dma_wait3A_1552 = arith.constant 2 : i32
      %dma_wait3A_1553 = arith.constant 0 : i32
      %dma_wait3A_1554 = arith.constant 0 : i32
      %dma_wait3A_1555 = tpu.memref_slice %arg7[%dma_wait3A_1552, %dma_wait3A_1553, %dma_wait3A_1554] : memref<3x128x128xf32, #tpu.memory_space<vmem>> -> memref<1x128x128xf32, #tpu.memory_space<vmem>>
      %dma_wait3A_1556 = tpu.memref_squeeze %dma_wait3A_1555 : memref<1x128x128xf32, #tpu.memory_space<vmem>> -> memref<128x128xf32, #tpu.memory_space<vmem>>
      %dma_wait3A_1557 = arith.constant 0 : i32
      %dma_wait3A_1558 = tpu.memref_slice %arg6[%dma_wait3A_1550, %dma_wait3A_1551, %dma_wait3A_1557] : memref<6x2x128xi32, #tpu.memory_space<vmem>> -> memref<1x1x128xi32, #tpu.memory_space<vmem>>
      %dma_wait3A_1559 = tpu.memref_squeeze %dma_wait3A_1558 : memref<1x1x128xi32, #tpu.memory_space<vmem>> -> memref<128xi32, #tpu.memory_space<vmem>>
      %dma_wait3A_1560 = arith.constant 0 : i32
      %dma_wait3A_1561 = arith.constant 0 : i32
      %dma_wait3A_1562 = tpu.memref_slice %arg2[%dma_wait3A_1560, %dma_wait3A_1561] : memref<10000x128xf32, #tpu.memory_space<hbm>> -> memref<10000x128xf32, #tpu.memory_space<hbm>>
      tpu.wait_indirect_dma semaphore(%arg17 : memref<!tpu.dma_semaphore, #tpu.memory_space<semaphore_mem>>) src(%dma_wait3A_1562 : memref<10000x128xf32, #tpu.memory_space<hbm>>) dst(%dma_wait3A_1556 : memref<128x128xf32, #tpu.memory_space<vmem>>)
      %dma_start3A_1563 = arith.constant 2 : i32
      %dma_start3A_1564 = arith.constant 5 : i32
      %dma_start3A_1565 = arith.constant 1 : i32
      %dma_start3A_1566 = arith.constant 0 : i32
      %dma_start3A_1567 = arith.constant 0 : i32
      %dma_start3A_1568 = tpu.memref_slice %arg7[%dma_start3A_1563, %dma_start3A_1566, %dma_start3A_1567] : memref<3x128x128xf32, #tpu.memory_space<vmem>> -> memref<1x128x128xf32, #tpu.memory_space<vmem>>
      %dma_start3A_1569 = tpu.memref_squeeze %dma_start3A_1568 : memref<1x128x128xf32, #tpu.memory_space<vmem>> -> memref<128x128xf32, #tpu.memory_space<vmem>>
      %dma_start3A_1570 = arith.constant 0 : i32
      %dma_start3A_1571 = tpu.memref_slice %arg6[%dma_start3A_1564, %dma_start3A_1565, %dma_start3A_1570] : memref<6x2x128xi32, #tpu.memory_space<vmem>> -> memref<1x1x128xi32, #tpu.memory_space<vmem>>
      %dma_start3A_1572 = tpu.memref_squeeze %dma_start3A_1571 : memref<1x1x128xi32, #tpu.memory_space<vmem>> -> memref<128xi32, #tpu.memory_space<vmem>>
      %dma_start3A_1573 = arith.constant 0 : i32
      %dma_start3A_1574 = arith.constant 0 : i32
      %dma_start3A_1575 = tpu.memref_slice %arg8[%dma_start3A_1573, %dma_start3A_1574] : memref<10016x128xf32, #tpu.memory_space<vmem_shared>> -> memref<10016x128xf32, #tpu.memory_space<vmem_shared>>
      tpu.enqueue_indirect_dma source(%dma_start3A_1569 : memref<128x128xf32, #tpu.memory_space<vmem>>) target(%dma_start3A_1575 : memref<10016x128xf32, #tpu.memory_space<vmem_shared>>) offsets(%dma_start3A_1572 : memref<128xi32, #tpu.memory_space<vmem>>) semaphore(%arg20 : memref<!tpu.dma_semaphore, #tpu.memory_space<semaphore_mem>>) {add = true}
      %dma_wait3A_1576 = arith.constant 1 : i32
      %dma_wait3A_1577 = arith.constant 4 : i32
      %dma_wait3A_1578 = arith.constant 1 : i32
      %dma_wait3A_1579 = arith.constant 0 : i32
      %dma_wait3A_1580 = arith.constant 0 : i32
      %dma_wait3A_1581 = tpu.memref_slice %arg7[%dma_wait3A_1576, %dma_wait3A_1579, %dma_wait3A_1580] : memref<3x128x128xf32, #tpu.memory_space<vmem>> -> memref<1x128x128xf32, #tpu.memory_space<vmem>>
      %dma_wait3A_1582 = tpu.memref_squeeze %dma_wait3A_1581 : memref<1x128x128xf32, #tpu.memory_space<vmem>> -> memref<128x128xf32, #tpu.memory_space<vmem>>
      %dma_wait3A_1583 = arith.constant 0 : i32
      %dma_wait3A_1584 = tpu.memref_slice %arg6[%dma_wait3A_1577, %dma_wait3A_1578, %dma_wait3A_1583] : memref<6x2x128xi32, #tpu.memory_space<vmem>> -> memref<1x1x128xi32, #tpu.memory_space<vmem>>
      %dma_wait3A_1585 = tpu.memref_squeeze %dma_wait3A_1584 : memref<1x1x128xi32, #tpu.memory_space<vmem>> -> memref<128xi32, #tpu.memory_space<vmem>>
      %dma_wait3A_1586 = arith.constant 0 : i32
      %dma_wait3A_1587 = arith.constant 0 : i32
      %dma_wait3A_1588 = tpu.memref_slice %arg8[%dma_wait3A_1586, %dma_wait3A_1587] : memref<10016x128xf32, #tpu.memory_space<vmem_shared>> -> memref<10016x128xf32, #tpu.memory_space<vmem_shared>>
      tpu.wait_indirect_dma semaphore(%arg19 : memref<!tpu.dma_semaphore, #tpu.memory_space<semaphore_mem>>) src(%dma_wait3A_1582 : memref<128x128xf32, #tpu.memory_space<vmem>>) dst(%dma_wait3A_1588 : memref<10016x128xf32, #tpu.memory_space<vmem_shared>>)
      %add3A_1589 = arith.constant 2 : i32
      %add3A_1590 = arith.addi %add3A_1549, %add3A_1589 : i32
      %dma_wait3A_1591 = arith.constant 1 : i32
      %dma_wait3A_1592 = arith.constant 0 : i32
      %dma_wait3A_1593 = arith.constant 0 : i32
      %dma_wait3A_1594 = tpu.memref_slice %arg6[%dma_wait3A_1591, %dma_wait3A_1592, %dma_wait3A_1593] : memref<6x2x128xi32, #tpu.memory_space<vmem>> -> memref<1x2x128xi32, #tpu.memory_space<vmem>>
      %dma_wait3A_1595 = tpu.memref_squeeze %dma_wait3A_1594 : memref<1x2x128xi32, #tpu.memory_space<vmem>> -> memref<2x128xi32, #tpu.memory_space<vmem>>
      %dma_wait3A_1596 = arith.constant 0 : i32
      %dma_wait3A_1597 = arith.constant 0 : i32
      %dma_wait3A_1598 = tpu.memref_slice %arg3[%add3A, %add3A_1590, %dma_wait3A_1596, %dma_wait3A_1597] : memref<32x84x2x128xi32, #tpu.memory_space<hbm>> -> memref<1x1x2x128xi32, #tpu.memory_space<hbm>>
      %dma_wait3A_1599 = tpu.memref_squeeze %dma_wait3A_1598 : memref<1x1x2x128xi32, #tpu.memory_space<hbm>> -> memref<2x128xi32, #tpu.memory_space<hbm>>
      %dma_wait3A_1600 = arith.constant 0 : i32
      %dma_wait3A_1601 = arith.constant 0 : i32
      %dma_wait3A_1602 = tpu.memref_slice %arg6[%dma_wait3A_1591, %dma_wait3A_1600, %dma_wait3A_1601] : memref<6x2x128xi32, #tpu.memory_space<vmem>> -> memref<1x2x128xi32, #tpu.memory_space<vmem>>
      %dma_wait3A_1603 = tpu.memref_squeeze %dma_wait3A_1602 : memref<1x2x128xi32, #tpu.memory_space<vmem>> -> memref<2x128xi32, #tpu.memory_space<vmem>>
      %dma_wait3A_1604 = arith.constant 0 : i32
      %dma_wait3A_1605 = arith.constant 0 : i32
      %dma_wait3A_1606 = tpu.memref_slice %arg3[%add3A, %add3A_1590, %dma_wait3A_1604, %dma_wait3A_1605] : memref<32x84x2x128xi32, #tpu.memory_space<hbm>> -> memref<1x1x2x128xi32, #tpu.memory_space<hbm>>
      %dma_wait3A_1607 = tpu.memref_squeeze %dma_wait3A_1606 : memref<1x1x2x128xi32, #tpu.memory_space<hbm>> -> memref<2x128xi32, #tpu.memory_space<hbm>>
      tpu.wait_dma2 semaphore(%arg10 : memref<!tpu.dma_semaphore, #tpu.memory_space<semaphore_mem>>) src(%dma_wait3A_1607 : memref<2x128xi32, #tpu.memory_space<hbm>>) dst(%dma_wait3A_1603 : memref<2x128xi32, #tpu.memory_space<vmem>>)
      %dma_start3A_1608 = arith.constant 1 : i32
      %dma_start3A_1609 = arith.constant 0 : i32
      %dma_start3A_1610 = arith.constant 1 : i32
      %dma_start3A_1611 = arith.constant 0 : i32
      %dma_start3A_1612 = arith.constant 0 : i32
      %dma_start3A_1613 = tpu.memref_slice %arg7[%dma_start3A_1610, %dma_start3A_1611, %dma_start3A_1612] : memref<3x128x128xf32, #tpu.memory_space<vmem>> -> memref<1x128x128xf32, #tpu.memory_space<vmem>>
      %dma_start3A_1614 = tpu.memref_squeeze %dma_start3A_1613 : memref<1x128x128xf32, #tpu.memory_space<vmem>> -> memref<128x128xf32, #tpu.memory_space<vmem>>
      %dma_start3A_1615 = arith.constant 0 : i32
      %dma_start3A_1616 = tpu.memref_slice %arg6[%dma_start3A_1608, %dma_start3A_1609, %dma_start3A_1615] : memref<6x2x128xi32, #tpu.memory_space<vmem>> -> memref<1x1x128xi32, #tpu.memory_space<vmem>>
      %dma_start3A_1617 = tpu.memref_squeeze %dma_start3A_1616 : memref<1x1x128xi32, #tpu.memory_space<vmem>> -> memref<128xi32, #tpu.memory_space<vmem>>
      %dma_start3A_1618 = arith.constant 0 : i32
      %dma_start3A_1619 = arith.constant 0 : i32
      %dma_start3A_1620 = tpu.memref_slice %arg2[%dma_start3A_1618, %dma_start3A_1619] : memref<10000x128xf32, #tpu.memory_space<hbm>> -> memref<10000x128xf32, #tpu.memory_space<hbm>>
      tpu.enqueue_indirect_dma source(%dma_start3A_1620 : memref<10000x128xf32, #tpu.memory_space<hbm>>) target(%dma_start3A_1614 : memref<128x128xf32, #tpu.memory_space<vmem>>) offsets(%dma_start3A_1617 : memref<128xi32, #tpu.memory_space<vmem>>) semaphore(%arg16 : memref<!tpu.dma_semaphore, #tpu.memory_space<semaphore_mem>>)
      %add3A_1621 = arith.constant 5 : i32
      %add3A_1622 = arith.addi %add3A_1549, %add3A_1621 : i32
      %dma_start3A_1623 = arith.constant 4 : i32
      %dma_start3A_1624 = arith.constant 0 : i32
      %dma_start3A_1625 = arith.constant 0 : i32
      %dma_start3A_1626 = tpu.memref_slice %arg6[%dma_start3A_1623, %dma_start3A_1624, %dma_start3A_1625] : memref<6x2x128xi32, #tpu.memory_space<vmem>> -> memref<1x2x128xi32, #tpu.memory_space<vmem>>
      %dma_start3A_1627 = tpu.memref_squeeze %dma_start3A_1626 : memref<1x2x128xi32, #tpu.memory_space<vmem>> -> memref<2x128xi32, #tpu.memory_space<vmem>>
      %dma_start3A_1628 = arith.constant 0 : i32
      %dma_start3A_1629 = arith.constant 0 : i32
      %dma_start3A_1630 = tpu.memref_slice %arg3[%add3A, %add3A_1622, %dma_start3A_1628, %dma_start3A_1629] : memref<32x84x2x128xi32, #tpu.memory_space<hbm>> -> memref<1x1x2x128xi32, #tpu.memory_space<hbm>>
      %dma_start3A_1631 = tpu.memref_squeeze %dma_start3A_1630 : memref<1x1x2x128xi32, #tpu.memory_space<hbm>> -> memref<2x128xi32, #tpu.memory_space<hbm>>
      %dma_start3A_1632 = arith.constant 0 : i32
      %dma_start3A_1633 = arith.constant 0 : i32
      %dma_start3A_1634 = tpu.memref_slice %arg6[%dma_start3A_1623, %dma_start3A_1632, %dma_start3A_1633] : memref<6x2x128xi32, #tpu.memory_space<vmem>> -> memref<1x2x128xi32, #tpu.memory_space<vmem>>
      %dma_start3A_1635 = tpu.memref_squeeze %dma_start3A_1634 : memref<1x2x128xi32, #tpu.memory_space<vmem>> -> memref<2x128xi32, #tpu.memory_space<vmem>>
      %dma_start3A_1636 = arith.constant 0 : i32
      %dma_start3A_1637 = arith.constant 0 : i32
      %dma_start3A_1638 = tpu.memref_slice %arg3[%add3A, %add3A_1622, %dma_start3A_1636, %dma_start3A_1637] : memref<32x84x2x128xi32, #tpu.memory_space<hbm>> -> memref<1x1x2x128xi32, #tpu.memory_space<hbm>>
      %dma_start3A_1639 = tpu.memref_squeeze %dma_start3A_1638 : memref<1x1x2x128xi32, #tpu.memory_space<hbm>> -> memref<2x128xi32, #tpu.memory_space<hbm>>
      tpu.enqueue_dma source(%dma_start3A_1639 : memref<2x128xi32, #tpu.memory_space<hbm>>) target(%dma_start3A_1635 : memref<2x128xi32, #tpu.memory_space<vmem>>) target_semaphore(%arg13 : memref<!tpu.dma_semaphore, #tpu.memory_space<semaphore_mem>>)
    }
    %scan3A_679 = arith.constant 12 : i32
    %dma_wait3A_680 = arith.constant 0 : i32
    %dma_wait3A_681 = arith.constant 0 : i32
    %dma_wait3A_682 = arith.constant 0 : i32
    %dma_wait3A_683 = arith.constant 0 : i32
    %dma_wait3A_684 = arith.constant 0 : i32
    %dma_wait3A_685 = tpu.memref_slice %arg7[%dma_wait3A_682, %dma_wait3A_683, %dma_wait3A_684] : memref<3x128x128xf32, #tpu.memory_space<vmem>> -> memref<1x128x128xf32, #tpu.memory_space<vmem>>
    %dma_wait3A_686 = tpu.memref_squeeze %dma_wait3A_685 : memref<1x128x128xf32, #tpu.memory_space<vmem>> -> memref<128x128xf32, #tpu.memory_space<vmem>>
    %dma_wait3A_687 = arith.constant 0 : i32
    %dma_wait3A_688 = tpu.memref_slice %arg6[%dma_wait3A_680, %dma_wait3A_681, %dma_wait3A_687] : memref<6x2x128xi32, #tpu.memory_space<vmem>> -> memref<1x1x128xi32, #tpu.memory_space<vmem>>
    %dma_wait3A_689 = tpu.memref_squeeze %dma_wait3A_688 : memref<1x1x128xi32, #tpu.memory_space<vmem>> -> memref<128xi32, #tpu.memory_space<vmem>>
    %dma_wait3A_690 = arith.constant 0 : i32
    %dma_wait3A_691 = arith.constant 0 : i32
    %dma_wait3A_692 = tpu.memref_slice %arg2[%dma_wait3A_690, %dma_wait3A_691] : memref<10000x128xf32, #tpu.memory_space<hbm>> -> memref<10000x128xf32, #tpu.memory_space<hbm>>
    tpu.wait_indirect_dma semaphore(%arg15 : memref<!tpu.dma_semaphore, #tpu.memory_space<semaphore_mem>>) src(%dma_wait3A_692 : memref<10000x128xf32, #tpu.memory_space<hbm>>) dst(%dma_wait3A_686 : memref<128x128xf32, #tpu.memory_space<vmem>>)
    %dma_start3A_693 = arith.constant 0 : i32
    %dma_start3A_694 = arith.constant 0 : i32
    %dma_start3A_695 = arith.constant 1 : i32
    %dma_start3A_696 = arith.constant 0 : i32
    %dma_start3A_697 = arith.constant 0 : i32
    %dma_start3A_698 = tpu.memref_slice %arg7[%dma_start3A_693, %dma_start3A_696, %dma_start3A_697] : memref<3x128x128xf32, #tpu.memory_space<vmem>> -> memref<1x128x128xf32, #tpu.memory_space<vmem>>
    %dma_start3A_699 = tpu.memref_squeeze %dma_start3A_698 : memref<1x128x128xf32, #tpu.memory_space<vmem>> -> memref<128x128xf32, #tpu.memory_space<vmem>>
    %dma_start3A_700 = arith.constant 0 : i32
    %dma_start3A_701 = tpu.memref_slice %arg6[%dma_start3A_694, %dma_start3A_695, %dma_start3A_700] : memref<6x2x128xi32, #tpu.memory_space<vmem>> -> memref<1x1x128xi32, #tpu.memory_space<vmem>>
    %dma_start3A_702 = tpu.memref_squeeze %dma_start3A_701 : memref<1x1x128xi32, #tpu.memory_space<vmem>> -> memref<128xi32, #tpu.memory_space<vmem>>
    %dma_start3A_703 = arith.constant 0 : i32
    %dma_start3A_704 = arith.constant 0 : i32
    %dma_start3A_705 = tpu.memref_slice %arg8[%dma_start3A_703, %dma_start3A_704] : memref<10016x128xf32, #tpu.memory_space<vmem_shared>> -> memref<10016x128xf32, #tpu.memory_space<vmem_shared>>
    tpu.enqueue_indirect_dma source(%dma_start3A_699 : memref<128x128xf32, #tpu.memory_space<vmem>>) target(%dma_start3A_705 : memref<10016x128xf32, #tpu.memory_space<vmem_shared>>) offsets(%dma_start3A_702 : memref<128xi32, #tpu.memory_space<vmem>>) semaphore(%arg18 : memref<!tpu.dma_semaphore, #tpu.memory_space<semaphore_mem>>) {add = true}
    %dma_wait3A_706 = arith.constant 2 : i32
    %dma_wait3A_707 = arith.constant 5 : i32
    %dma_wait3A_708 = arith.constant 1 : i32
    %dma_wait3A_709 = arith.constant 0 : i32
    %dma_wait3A_710 = arith.constant 0 : i32
    %dma_wait3A_711 = tpu.memref_slice %arg7[%dma_wait3A_706, %dma_wait3A_709, %dma_wait3A_710] : memref<3x128x128xf32, #tpu.memory_space<vmem>> -> memref<1x128x128xf32, #tpu.memory_space<vmem>>
    %dma_wait3A_712 = tpu.memref_squeeze %dma_wait3A_711 : memref<1x128x128xf32, #tpu.memory_space<vmem>> -> memref<128x128xf32, #tpu.memory_space<vmem>>
    %dma_wait3A_713 = arith.constant 0 : i32
    %dma_wait3A_714 = tpu.memref_slice %arg6[%dma_wait3A_707, %dma_wait3A_708, %dma_wait3A_713] : memref<6x2x128xi32, #tpu.memory_space<vmem>> -> memref<1x1x128xi32, #tpu.memory_space<vmem>>
    %dma_wait3A_715 = tpu.memref_squeeze %dma_wait3A_714 : memref<1x1x128xi32, #tpu.memory_space<vmem>> -> memref<128xi32, #tpu.memory_space<vmem>>
    %dma_wait3A_716 = arith.constant 0 : i32
    %dma_wait3A_717 = arith.constant 0 : i32
    %dma_wait3A_718 = tpu.memref_slice %arg8[%dma_wait3A_716, %dma_wait3A_717] : memref<10016x128xf32, #tpu.memory_space<vmem_shared>> -> memref<10016x128xf32, #tpu.memory_space<vmem_shared>>
    tpu.wait_indirect_dma semaphore(%arg20 : memref<!tpu.dma_semaphore, #tpu.memory_space<semaphore_mem>>) src(%dma_wait3A_712 : memref<128x128xf32, #tpu.memory_space<vmem>>) dst(%dma_wait3A_718 : memref<10016x128xf32, #tpu.memory_space<vmem_shared>>)
    %dma_wait3A_719 = arith.constant 80 : i32
    %dma_wait3A_720 = arith.constant 2 : i32
    %dma_wait3A_721 = arith.constant 0 : i32
    %dma_wait3A_722 = arith.constant 0 : i32
    %dma_wait3A_723 = tpu.memref_slice %arg6[%dma_wait3A_720, %dma_wait3A_721, %dma_wait3A_722] : memref<6x2x128xi32, #tpu.memory_space<vmem>> -> memref<1x2x128xi32, #tpu.memory_space<vmem>>
    %dma_wait3A_724 = tpu.memref_squeeze %dma_wait3A_723 : memref<1x2x128xi32, #tpu.memory_space<vmem>> -> memref<2x128xi32, #tpu.memory_space<vmem>>
    %dma_wait3A_725 = arith.constant 0 : i32
    %dma_wait3A_726 = arith.constant 0 : i32
    %dma_wait3A_727 = tpu.memref_slice %arg3[%add3A, %dma_wait3A_719, %dma_wait3A_725, %dma_wait3A_726] : memref<32x84x2x128xi32, #tpu.memory_space<hbm>> -> memref<1x1x2x128xi32, #tpu.memory_space<hbm>>
    %dma_wait3A_728 = tpu.memref_squeeze %dma_wait3A_727 : memref<1x1x2x128xi32, #tpu.memory_space<hbm>> -> memref<2x128xi32, #tpu.memory_space<hbm>>
    %dma_wait3A_729 = arith.constant 0 : i32
    %dma_wait3A_730 = arith.constant 0 : i32
    %dma_wait3A_731 = tpu.memref_slice %arg6[%dma_wait3A_720, %dma_wait3A_729, %dma_wait3A_730] : memref<6x2x128xi32, #tpu.memory_space<vmem>> -> memref<1x2x128xi32, #tpu.memory_space<vmem>>
    %dma_wait3A_732 = tpu.memref_squeeze %dma_wait3A_731 : memref<1x2x128xi32, #tpu.memory_space<vmem>> -> memref<2x128xi32, #tpu.memory_space<vmem>>
    %dma_wait3A_733 = arith.constant 0 : i32
    %dma_wait3A_734 = arith.constant 0 : i32
    %dma_wait3A_735 = tpu.memref_slice %arg3[%add3A, %dma_wait3A_719, %dma_wait3A_733, %dma_wait3A_734] : memref<32x84x2x128xi32, #tpu.memory_space<hbm>> -> memref<1x1x2x128xi32, #tpu.memory_space<hbm>>
    %dma_wait3A_736 = tpu.memref_squeeze %dma_wait3A_735 : memref<1x1x2x128xi32, #tpu.memory_space<hbm>> -> memref<2x128xi32, #tpu.memory_space<hbm>>
    tpu.wait_dma2 semaphore(%arg11 : memref<!tpu.dma_semaphore, #tpu.memory_space<semaphore_mem>>) src(%dma_wait3A_736 : memref<2x128xi32, #tpu.memory_space<hbm>>) dst(%dma_wait3A_732 : memref<2x128xi32, #tpu.memory_space<vmem>>)
    %dma_start3A_737 = arith.constant 2 : i32
    %dma_start3A_738 = arith.constant 0 : i32
    %dma_start3A_739 = arith.constant 2 : i32
    %dma_start3A_740 = arith.constant 0 : i32
    %dma_start3A_741 = arith.constant 0 : i32
    %dma_start3A_742 = tpu.memref_slice %arg7[%dma_start3A_739, %dma_start3A_740, %dma_start3A_741] : memref<3x128x128xf32, #tpu.memory_space<vmem>> -> memref<1x128x128xf32, #tpu.memory_space<vmem>>
    %dma_start3A_743 = tpu.memref_squeeze %dma_start3A_742 : memref<1x128x128xf32, #tpu.memory_space<vmem>> -> memref<128x128xf32, #tpu.memory_space<vmem>>
    %dma_start3A_744 = arith.constant 0 : i32
    %dma_start3A_745 = tpu.memref_slice %arg6[%dma_start3A_737, %dma_start3A_738, %dma_start3A_744] : memref<6x2x128xi32, #tpu.memory_space<vmem>> -> memref<1x1x128xi32, #tpu.memory_space<vmem>>
    %dma_start3A_746 = tpu.memref_squeeze %dma_start3A_745 : memref<1x1x128xi32, #tpu.memory_space<vmem>> -> memref<128xi32, #tpu.memory_space<vmem>>
    %dma_start3A_747 = arith.constant 0 : i32
    %dma_start3A_748 = arith.constant 0 : i32
    %dma_start3A_749 = tpu.memref_slice %arg2[%dma_start3A_747, %dma_start3A_748] : memref<10000x128xf32, #tpu.memory_space<hbm>> -> memref<10000x128xf32, #tpu.memory_space<hbm>>
    tpu.enqueue_indirect_dma source(%dma_start3A_749 : memref<10000x128xf32, #tpu.memory_space<hbm>>) target(%dma_start3A_743 : memref<128x128xf32, #tpu.memory_space<vmem>>) offsets(%dma_start3A_746 : memref<128xi32, #tpu.memory_space<vmem>>) semaphore(%arg17 : memref<!tpu.dma_semaphore, #tpu.memory_space<semaphore_mem>>)
    %dma_start3A_750 = arith.constant 83 : i32
    %dma_start3A_751 = arith.constant 5 : i32
    %dma_start3A_752 = arith.constant 0 : i32
    %dma_start3A_753 = arith.constant 0 : i32
    %dma_start3A_754 = tpu.memref_slice %arg6[%dma_start3A_751, %dma_start3A_752, %dma_start3A_753] : memref<6x2x128xi32, #tpu.memory_space<vmem>> -> memref<1x2x128xi32, #tpu.memory_space<vmem>>
    %dma_start3A_755 = tpu.memref_squeeze %dma_start3A_754 : memref<1x2x128xi32, #tpu.memory_space<vmem>> -> memref<2x128xi32, #tpu.memory_space<vmem>>
    %dma_start3A_756 = arith.constant 0 : i32
    %dma_start3A_757 = arith.constant 0 : i32
    %dma_start3A_758 = tpu.memref_slice %arg3[%add3A, %dma_start3A_750, %dma_start3A_756, %dma_start3A_757] : memref<32x84x2x128xi32, #tpu.memory_space<hbm>> -> memref<1x1x2x128xi32, #tpu.memory_space<hbm>>
    %dma_start3A_759 = tpu.memref_squeeze %dma_start3A_758 : memref<1x1x2x128xi32, #tpu.memory_space<hbm>> -> memref<2x128xi32, #tpu.memory_space<hbm>>
    %dma_start3A_760 = arith.constant 0 : i32
    %dma_start3A_761 = arith.constant 0 : i32
    %dma_start3A_762 = tpu.memref_slice %arg6[%dma_start3A_751, %dma_start3A_760, %dma_start3A_761] : memref<6x2x128xi32, #tpu.memory_space<vmem>> -> memref<1x2x128xi32, #tpu.memory_space<vmem>>
    %dma_start3A_763 = tpu.memref_squeeze %dma_start3A_762 : memref<1x2x128xi32, #tpu.memory_space<vmem>> -> memref<2x128xi32, #tpu.memory_space<vmem>>
    %dma_start3A_764 = arith.constant 0 : i32
    %dma_start3A_765 = arith.constant 0 : i32
    %dma_start3A_766 = tpu.memref_slice %arg3[%add3A, %dma_start3A_750, %dma_start3A_764, %dma_start3A_765] : memref<32x84x2x128xi32, #tpu.memory_space<hbm>> -> memref<1x1x2x128xi32, #tpu.memory_space<hbm>>
    %dma_start3A_767 = tpu.memref_squeeze %dma_start3A_766 : memref<1x1x2x128xi32, #tpu.memory_space<hbm>> -> memref<2x128xi32, #tpu.memory_space<hbm>>
    tpu.enqueue_dma source(%dma_start3A_767 : memref<2x128xi32, #tpu.memory_space<hbm>>) target(%dma_start3A_763 : memref<2x128xi32, #tpu.memory_space<vmem>>) target_semaphore(%arg14 : memref<!tpu.dma_semaphore, #tpu.memory_space<semaphore_mem>>)
    %dma_wait3A_768 = arith.constant 1 : i32
    %dma_wait3A_769 = arith.constant 0 : i32
    %dma_wait3A_770 = arith.constant 1 : i32
    %dma_wait3A_771 = arith.constant 0 : i32
    %dma_wait3A_772 = arith.constant 0 : i32
    %dma_wait3A_773 = tpu.memref_slice %arg7[%dma_wait3A_770, %dma_wait3A_771, %dma_wait3A_772] : memref<3x128x128xf32, #tpu.memory_space<vmem>> -> memref<1x128x128xf32, #tpu.memory_space<vmem>>
    %dma_wait3A_774 = tpu.memref_squeeze %dma_wait3A_773 : memref<1x128x128xf32, #tpu.memory_space<vmem>> -> memref<128x128xf32, #tpu.memory_space<vmem>>
    %dma_wait3A_775 = arith.constant 0 : i32
    %dma_wait3A_776 = tpu.memref_slice %arg6[%dma_wait3A_768, %dma_wait3A_769, %dma_wait3A_775] : memref<6x2x128xi32, #tpu.memory_space<vmem>> -> memref<1x1x128xi32, #tpu.memory_space<vmem>>
    %dma_wait3A_777 = tpu.memref_squeeze %dma_wait3A_776 : memref<1x1x128xi32, #tpu.memory_space<vmem>> -> memref<128xi32, #tpu.memory_space<vmem>>
    %dma_wait3A_778 = arith.constant 0 : i32
    %dma_wait3A_779 = arith.constant 0 : i32
    %dma_wait3A_780 = tpu.memref_slice %arg2[%dma_wait3A_778, %dma_wait3A_779] : memref<10000x128xf32, #tpu.memory_space<hbm>> -> memref<10000x128xf32, #tpu.memory_space<hbm>>
    tpu.wait_indirect_dma semaphore(%arg16 : memref<!tpu.dma_semaphore, #tpu.memory_space<semaphore_mem>>) src(%dma_wait3A_780 : memref<10000x128xf32, #tpu.memory_space<hbm>>) dst(%dma_wait3A_774 : memref<128x128xf32, #tpu.memory_space<vmem>>)
    %dma_start3A_781 = arith.constant 1 : i32
    %dma_start3A_782 = arith.constant 1 : i32
    %dma_start3A_783 = arith.constant 1 : i32
    %dma_start3A_784 = arith.constant 0 : i32
    %dma_start3A_785 = arith.constant 0 : i32
    %dma_start3A_786 = tpu.memref_slice %arg7[%dma_start3A_781, %dma_start3A_784, %dma_start3A_785] : memref<3x128x128xf32, #tpu.memory_space<vmem>> -> memref<1x128x128xf32, #tpu.memory_space<vmem>>
    %dma_start3A_787 = tpu.memref_squeeze %dma_start3A_786 : memref<1x128x128xf32, #tpu.memory_space<vmem>> -> memref<128x128xf32, #tpu.memory_space<vmem>>
    %dma_start3A_788 = arith.constant 0 : i32
    %dma_start3A_789 = tpu.memref_slice %arg6[%dma_start3A_782, %dma_start3A_783, %dma_start3A_788] : memref<6x2x128xi32, #tpu.memory_space<vmem>> -> memref<1x1x128xi32, #tpu.memory_space<vmem>>
    %dma_start3A_790 = tpu.memref_squeeze %dma_start3A_789 : memref<1x1x128xi32, #tpu.memory_space<vmem>> -> memref<128xi32, #tpu.memory_space<vmem>>
    %dma_start3A_791 = arith.constant 0 : i32
    %dma_start3A_792 = arith.constant 0 : i32
    %dma_start3A_793 = tpu.memref_slice %arg8[%dma_start3A_791, %dma_start3A_792] : memref<10016x128xf32, #tpu.memory_space<vmem_shared>> -> memref<10016x128xf32, #tpu.memory_space<vmem_shared>>
    tpu.enqueue_indirect_dma source(%dma_start3A_787 : memref<128x128xf32, #tpu.memory_space<vmem>>) target(%dma_start3A_793 : memref<10016x128xf32, #tpu.memory_space<vmem_shared>>) offsets(%dma_start3A_790 : memref<128xi32, #tpu.memory_space<vmem>>) semaphore(%arg19 : memref<!tpu.dma_semaphore, #tpu.memory_space<semaphore_mem>>) {add = true}
    %dma_wait3A_794 = arith.constant 0 : i32
    %dma_wait3A_795 = arith.constant 0 : i32
    %dma_wait3A_796 = arith.constant 1 : i32
    %dma_wait3A_797 = arith.constant 0 : i32
    %dma_wait3A_798 = arith.constant 0 : i32
    %dma_wait3A_799 = tpu.memref_slice %arg7[%dma_wait3A_794, %dma_wait3A_797, %dma_wait3A_798] : memref<3x128x128xf32, #tpu.memory_space<vmem>> -> memref<1x128x128xf32, #tpu.memory_space<vmem>>
    %dma_wait3A_800 = tpu.memref_squeeze %dma_wait3A_799 : memref<1x128x128xf32, #tpu.memory_space<vmem>> -> memref<128x128xf32, #tpu.memory_space<vmem>>
    %dma_wait3A_801 = arith.constant 0 : i32
    %dma_wait3A_802 = tpu.memref_slice %arg6[%dma_wait3A_795, %dma_wait3A_796, %dma_wait3A_801] : memref<6x2x128xi32, #tpu.memory_space<vmem>> -> memref<1x1x128xi32, #tpu.memory_space<vmem>>
    %dma_wait3A_803 = tpu.memref_squeeze %dma_wait3A_802 : memref<1x1x128xi32, #tpu.memory_space<vmem>> -> memref<128xi32, #tpu.memory_space<vmem>>
    %dma_wait3A_804 = arith.constant 0 : i32
    %dma_wait3A_805 = arith.constant 0 : i32
    %dma_wait3A_806 = tpu.memref_slice %arg8[%dma_wait3A_804, %dma_wait3A_805] : memref<10016x128xf32, #tpu.memory_space<vmem_shared>> -> memref<10016x128xf32, #tpu.memory_space<vmem_shared>>
    tpu.wait_indirect_dma semaphore(%arg18 : memref<!tpu.dma_semaphore, #tpu.memory_space<semaphore_mem>>) src(%dma_wait3A_800 : memref<128x128xf32, #tpu.memory_space<vmem>>) dst(%dma_wait3A_806 : memref<10016x128xf32, #tpu.memory_space<vmem_shared>>)
    %dma_wait3A_807 = arith.constant 81 : i32
    %dma_wait3A_808 = arith.constant 3 : i32
    %dma_wait3A_809 = arith.constant 0 : i32
    %dma_wait3A_810 = arith.constant 0 : i32
    %dma_wait3A_811 = tpu.memref_slice %arg6[%dma_wait3A_808, %dma_wait3A_809, %dma_wait3A_810] : memref<6x2x128xi32, #tpu.memory_space<vmem>> -> memref<1x2x128xi32, #tpu.memory_space<vmem>>
    %dma_wait3A_812 = tpu.memref_squeeze %dma_wait3A_811 : memref<1x2x128xi32, #tpu.memory_space<vmem>> -> memref<2x128xi32, #tpu.memory_space<vmem>>
    %dma_wait3A_813 = arith.constant 0 : i32
    %dma_wait3A_814 = arith.constant 0 : i32
    %dma_wait3A_815 = tpu.memref_slice %arg3[%add3A, %dma_wait3A_807, %dma_wait3A_813, %dma_wait3A_814] : memref<32x84x2x128xi32, #tpu.memory_space<hbm>> -> memref<1x1x2x128xi32, #tpu.memory_space<hbm>>
    %dma_wait3A_816 = tpu.memref_squeeze %dma_wait3A_815 : memref<1x1x2x128xi32, #tpu.memory_space<hbm>> -> memref<2x128xi32, #tpu.memory_space<hbm>>
    %dma_wait3A_817 = arith.constant 0 : i32
    %dma_wait3A_818 = arith.constant 0 : i32
    %dma_wait3A_819 = tpu.memref_slice %arg6[%dma_wait3A_808, %dma_wait3A_817, %dma_wait3A_818] : memref<6x2x128xi32, #tpu.memory_space<vmem>> -> memref<1x2x128xi32, #tpu.memory_space<vmem>>
    %dma_wait3A_820 = tpu.memref_squeeze %dma_wait3A_819 : memref<1x2x128xi32, #tpu.memory_space<vmem>> -> memref<2x128xi32, #tpu.memory_space<vmem>>
    %dma_wait3A_821 = arith.constant 0 : i32
    %dma_wait3A_822 = arith.constant 0 : i32
    %dma_wait3A_823 = tpu.memref_slice %arg3[%add3A, %dma_wait3A_807, %dma_wait3A_821, %dma_wait3A_822] : memref<32x84x2x128xi32, #tpu.memory_space<hbm>> -> memref<1x1x2x128xi32, #tpu.memory_space<hbm>>
    %dma_wait3A_824 = tpu.memref_squeeze %dma_wait3A_823 : memref<1x1x2x128xi32, #tpu.memory_space<hbm>> -> memref<2x128xi32, #tpu.memory_space<hbm>>
    tpu.wait_dma2 semaphore(%arg12 : memref<!tpu.dma_semaphore, #tpu.memory_space<semaphore_mem>>) src(%dma_wait3A_824 : memref<2x128xi32, #tpu.memory_space<hbm>>) dst(%dma_wait3A_820 : memref<2x128xi32, #tpu.memory_space<vmem>>)
    %dma_start3A_825 = arith.constant 3 : i32
    %dma_start3A_826 = arith.constant 0 : i32
    %dma_start3A_827 = arith.constant 0 : i32
    %dma_start3A_828 = arith.constant 0 : i32
    %dma_start3A_829 = arith.constant 0 : i32
    %dma_start3A_830 = tpu.memref_slice %arg7[%dma_start3A_827, %dma_start3A_828, %dma_start3A_829] : memref<3x128x128xf32, #tpu.memory_space<vmem>> -> memref<1x128x128xf32, #tpu.memory_space<vmem>>
    %dma_start3A_831 = tpu.memref_squeeze %dma_start3A_830 : memref<1x128x128xf32, #tpu.memory_space<vmem>> -> memref<128x128xf32, #tpu.memory_space<vmem>>
    %dma_start3A_832 = arith.constant 0 : i32
    %dma_start3A_833 = tpu.memref_slice %arg6[%dma_start3A_825, %dma_start3A_826, %dma_start3A_832] : memref<6x2x128xi32, #tpu.memory_space<vmem>> -> memref<1x1x128xi32, #tpu.memory_space<vmem>>
    %dma_start3A_834 = tpu.memref_squeeze %dma_start3A_833 : memref<1x1x128xi32, #tpu.memory_space<vmem>> -> memref<128xi32, #tpu.memory_space<vmem>>
    %dma_start3A_835 = arith.constant 0 : i32
    %dma_start3A_836 = arith.constant 0 : i32
    %dma_start3A_837 = tpu.memref_slice %arg2[%dma_start3A_835, %dma_start3A_836] : memref<10000x128xf32, #tpu.memory_space<hbm>> -> memref<10000x128xf32, #tpu.memory_space<hbm>>
    tpu.enqueue_indirect_dma source(%dma_start3A_837 : memref<10000x128xf32, #tpu.memory_space<hbm>>) target(%dma_start3A_831 : memref<128x128xf32, #tpu.memory_space<vmem>>) offsets(%dma_start3A_834 : memref<128xi32, #tpu.memory_space<vmem>>) semaphore(%arg15 : memref<!tpu.dma_semaphore, #tpu.memory_space<semaphore_mem>>)
    %dma_wait3A_838 = arith.constant 2 : i32
    %dma_wait3A_839 = arith.constant 0 : i32
    %dma_wait3A_840 = arith.constant 2 : i32
    %dma_wait3A_841 = arith.constant 0 : i32
    %dma_wait3A_842 = arith.constant 0 : i32
    %dma_wait3A_843 = tpu.memref_slice %arg7[%dma_wait3A_840, %dma_wait3A_841, %dma_wait3A_842] : memref<3x128x128xf32, #tpu.memory_space<vmem>> -> memref<1x128x128xf32, #tpu.memory_space<vmem>>
    %dma_wait3A_844 = tpu.memref_squeeze %dma_wait3A_843 : memref<1x128x128xf32, #tpu.memory_space<vmem>> -> memref<128x128xf32, #tpu.memory_space<vmem>>
    %dma_wait3A_845 = arith.constant 0 : i32
    %dma_wait3A_846 = tpu.memref_slice %arg6[%dma_wait3A_838, %dma_wait3A_839, %dma_wait3A_845] : memref<6x2x128xi32, #tpu.memory_space<vmem>> -> memref<1x1x128xi32, #tpu.memory_space<vmem>>
    %dma_wait3A_847 = tpu.memref_squeeze %dma_wait3A_846 : memref<1x1x128xi32, #tpu.memory_space<vmem>> -> memref<128xi32, #tpu.memory_space<vmem>>
    %dma_wait3A_848 = arith.constant 0 : i32
    %dma_wait3A_849 = arith.constant 0 : i32
    %dma_wait3A_850 = tpu.memref_slice %arg2[%dma_wait3A_848, %dma_wait3A_849] : memref<10000x128xf32, #tpu.memory_space<hbm>> -> memref<10000x128xf32, #tpu.memory_space<hbm>>
    tpu.wait_indirect_dma semaphore(%arg17 : memref<!tpu.dma_semaphore, #tpu.memory_space<semaphore_mem>>) src(%dma_wait3A_850 : memref<10000x128xf32, #tpu.memory_space<hbm>>) dst(%dma_wait3A_844 : memref<128x128xf32, #tpu.memory_space<vmem>>)
    %dma_start3A_851 = arith.constant 2 : i32
    %dma_start3A_852 = arith.constant 2 : i32
    %dma_start3A_853 = arith.constant 1 : i32
    %dma_start3A_854 = arith.constant 0 : i32
    %dma_start3A_855 = arith.constant 0 : i32
    %dma_start3A_856 = tpu.memref_slice %arg7[%dma_start3A_851, %dma_start3A_854, %dma_start3A_855] : memref<3x128x128xf32, #tpu.memory_space<vmem>> -> memref<1x128x128xf32, #tpu.memory_space<vmem>>
    %dma_start3A_857 = tpu.memref_squeeze %dma_start3A_856 : memref<1x128x128xf32, #tpu.memory_space<vmem>> -> memref<128x128xf32, #tpu.memory_space<vmem>>
    %dma_start3A_858 = arith.constant 0 : i32
    %dma_start3A_859 = tpu.memref_slice %arg6[%dma_start3A_852, %dma_start3A_853, %dma_start3A_858] : memref<6x2x128xi32, #tpu.memory_space<vmem>> -> memref<1x1x128xi32, #tpu.memory_space<vmem>>
    %dma_start3A_860 = tpu.memref_squeeze %dma_start3A_859 : memref<1x1x128xi32, #tpu.memory_space<vmem>> -> memref<128xi32, #tpu.memory_space<vmem>>
    %dma_start3A_861 = arith.constant 0 : i32
    %dma_start3A_862 = arith.constant 0 : i32
    %dma_start3A_863 = tpu.memref_slice %arg8[%dma_start3A_861, %dma_start3A_862] : memref<10016x128xf32, #tpu.memory_space<vmem_shared>> -> memref<10016x128xf32, #tpu.memory_space<vmem_shared>>
    tpu.enqueue_indirect_dma source(%dma_start3A_857 : memref<128x128xf32, #tpu.memory_space<vmem>>) target(%dma_start3A_863 : memref<10016x128xf32, #tpu.memory_space<vmem_shared>>) offsets(%dma_start3A_860 : memref<128xi32, #tpu.memory_space<vmem>>) semaphore(%arg20 : memref<!tpu.dma_semaphore, #tpu.memory_space<semaphore_mem>>) {add = true}
    %dma_wait3A_864 = arith.constant 1 : i32
    %dma_wait3A_865 = arith.constant 1 : i32
    %dma_wait3A_866 = arith.constant 1 : i32
    %dma_wait3A_867 = arith.constant 0 : i32
    %dma_wait3A_868 = arith.constant 0 : i32
    %dma_wait3A_869 = tpu.memref_slice %arg7[%dma_wait3A_864, %dma_wait3A_867, %dma_wait3A_868] : memref<3x128x128xf32, #tpu.memory_space<vmem>> -> memref<1x128x128xf32, #tpu.memory_space<vmem>>
    %dma_wait3A_870 = tpu.memref_squeeze %dma_wait3A_869 : memref<1x128x128xf32, #tpu.memory_space<vmem>> -> memref<128x128xf32, #tpu.memory_space<vmem>>
    %dma_wait3A_871 = arith.constant 0 : i32
    %dma_wait3A_872 = tpu.memref_slice %arg6[%dma_wait3A_865, %dma_wait3A_866, %dma_wait3A_871] : memref<6x2x128xi32, #tpu.memory_space<vmem>> -> memref<1x1x128xi32, #tpu.memory_space<vmem>>
    %dma_wait3A_873 = tpu.memref_squeeze %dma_wait3A_872 : memref<1x1x128xi32, #tpu.memory_space<vmem>> -> memref<128xi32, #tpu.memory_space<vmem>>
    %dma_wait3A_874 = arith.constant 0 : i32
    %dma_wait3A_875 = arith.constant 0 : i32
    %dma_wait3A_876 = tpu.memref_slice %arg8[%dma_wait3A_874, %dma_wait3A_875] : memref<10016x128xf32, #tpu.memory_space<vmem_shared>> -> memref<10016x128xf32, #tpu.memory_space<vmem_shared>>
    tpu.wait_indirect_dma semaphore(%arg19 : memref<!tpu.dma_semaphore, #tpu.memory_space<semaphore_mem>>) src(%dma_wait3A_870 : memref<128x128xf32, #tpu.memory_space<vmem>>) dst(%dma_wait3A_876 : memref<10016x128xf32, #tpu.memory_space<vmem_shared>>)
    %dma_wait3A_877 = arith.constant 82 : i32
    %dma_wait3A_878 = arith.constant 4 : i32
    %dma_wait3A_879 = arith.constant 0 : i32
    %dma_wait3A_880 = arith.constant 0 : i32
    %dma_wait3A_881 = tpu.memref_slice %arg6[%dma_wait3A_878, %dma_wait3A_879, %dma_wait3A_880] : memref<6x2x128xi32, #tpu.memory_space<vmem>> -> memref<1x2x128xi32, #tpu.memory_space<vmem>>
    %dma_wait3A_882 = tpu.memref_squeeze %dma_wait3A_881 : memref<1x2x128xi32, #tpu.memory_space<vmem>> -> memref<2x128xi32, #tpu.memory_space<vmem>>
    %dma_wait3A_883 = arith.constant 0 : i32
    %dma_wait3A_884 = arith.constant 0 : i32
    %dma_wait3A_885 = tpu.memref_slice %arg3[%add3A, %dma_wait3A_877, %dma_wait3A_883, %dma_wait3A_884] : memref<32x84x2x128xi32, #tpu.memory_space<hbm>> -> memref<1x1x2x128xi32, #tpu.memory_space<hbm>>
    %dma_wait3A_886 = tpu.memref_squeeze %dma_wait3A_885 : memref<1x1x2x128xi32, #tpu.memory_space<hbm>> -> memref<2x128xi32, #tpu.memory_space<hbm>>
    %dma_wait3A_887 = arith.constant 0 : i32
    %dma_wait3A_888 = arith.constant 0 : i32
    %dma_wait3A_889 = tpu.memref_slice %arg6[%dma_wait3A_878, %dma_wait3A_887, %dma_wait3A_888] : memref<6x2x128xi32, #tpu.memory_space<vmem>> -> memref<1x2x128xi32, #tpu.memory_space<vmem>>
    %dma_wait3A_890 = tpu.memref_squeeze %dma_wait3A_889 : memref<1x2x128xi32, #tpu.memory_space<vmem>> -> memref<2x128xi32, #tpu.memory_space<vmem>>
    %dma_wait3A_891 = arith.constant 0 : i32
    %dma_wait3A_892 = arith.constant 0 : i32
    %dma_wait3A_893 = tpu.memref_slice %arg3[%add3A, %dma_wait3A_877, %dma_wait3A_891, %dma_wait3A_892] : memref<32x84x2x128xi32, #tpu.memory_space<hbm>> -> memref<1x1x2x128xi32, #tpu.memory_space<hbm>>
    %dma_wait3A_894 = tpu.memref_squeeze %dma_wait3A_893 : memref<1x1x2x128xi32, #tpu.memory_space<hbm>> -> memref<2x128xi32, #tpu.memory_space<hbm>>
    tpu.wait_dma2 semaphore(%arg13 : memref<!tpu.dma_semaphore, #tpu.memory_space<semaphore_mem>>) src(%dma_wait3A_894 : memref<2x128xi32, #tpu.memory_space<hbm>>) dst(%dma_wait3A_890 : memref<2x128xi32, #tpu.memory_space<vmem>>)
    %dma_start3A_895 = arith.constant 4 : i32
    %dma_start3A_896 = arith.constant 0 : i32
    %dma_start3A_897 = arith.constant 1 : i32
    %dma_start3A_898 = arith.constant 0 : i32
    %dma_start3A_899 = arith.constant 0 : i32
    %dma_start3A_900 = tpu.memref_slice %arg7[%dma_start3A_897, %dma_start3A_898, %dma_start3A_899] : memref<3x128x128xf32, #tpu.memory_space<vmem>> -> memref<1x128x128xf32, #tpu.memory_space<vmem>>
    %dma_start3A_901 = tpu.memref_squeeze %dma_start3A_900 : memref<1x128x128xf32, #tpu.memory_space<vmem>> -> memref<128x128xf32, #tpu.memory_space<vmem>>
    %dma_start3A_902 = arith.constant 0 : i32
    %dma_start3A_903 = tpu.memref_slice %arg6[%dma_start3A_895, %dma_start3A_896, %dma_start3A_902] : memref<6x2x128xi32, #tpu.memory_space<vmem>> -> memref<1x1x128xi32, #tpu.memory_space<vmem>>
    %dma_start3A_904 = tpu.memref_squeeze %dma_start3A_903 : memref<1x1x128xi32, #tpu.memory_space<vmem>> -> memref<128xi32, #tpu.memory_space<vmem>>
    %dma_start3A_905 = arith.constant 0 : i32
    %dma_start3A_906 = arith.constant 0 : i32
    %dma_start3A_907 = tpu.memref_slice %arg2[%dma_start3A_905, %dma_start3A_906] : memref<10000x128xf32, #tpu.memory_space<hbm>> -> memref<10000x128xf32, #tpu.memory_space<hbm>>
    tpu.enqueue_indirect_dma source(%dma_start3A_907 : memref<10000x128xf32, #tpu.memory_space<hbm>>) target(%dma_start3A_901 : memref<128x128xf32, #tpu.memory_space<vmem>>) offsets(%dma_start3A_904 : memref<128xi32, #tpu.memory_space<vmem>>) semaphore(%arg16 : memref<!tpu.dma_semaphore, #tpu.memory_space<semaphore_mem>>)
    %dma_wait3A_908 = arith.constant 3 : i32
    %dma_wait3A_909 = arith.constant 0 : i32
    %dma_wait3A_910 = arith.constant 0 : i32
    %dma_wait3A_911 = arith.constant 0 : i32
    %dma_wait3A_912 = arith.constant 0 : i32
    %dma_wait3A_913 = tpu.memref_slice %arg7[%dma_wait3A_910, %dma_wait3A_911, %dma_wait3A_912] : memref<3x128x128xf32, #tpu.memory_space<vmem>> -> memref<1x128x128xf32, #tpu.memory_space<vmem>>
    %dma_wait3A_914 = tpu.memref_squeeze %dma_wait3A_913 : memref<1x128x128xf32, #tpu.memory_space<vmem>> -> memref<128x128xf32, #tpu.memory_space<vmem>>
    %dma_wait3A_915 = arith.constant 0 : i32
    %dma_wait3A_916 = tpu.memref_slice %arg6[%dma_wait3A_908, %dma_wait3A_909, %dma_wait3A_915] : memref<6x2x128xi32, #tpu.memory_space<vmem>> -> memref<1x1x128xi32, #tpu.memory_space<vmem>>
    %dma_wait3A_917 = tpu.memref_squeeze %dma_wait3A_916 : memref<1x1x128xi32, #tpu.memory_space<vmem>> -> memref<128xi32, #tpu.memory_space<vmem>>
    %dma_wait3A_918 = arith.constant 0 : i32
    %dma_wait3A_919 = arith.constant 0 : i32
    %dma_wait3A_920 = tpu.memref_slice %arg2[%dma_wait3A_918, %dma_wait3A_919] : memref<10000x128xf32, #tpu.memory_space<hbm>> -> memref<10000x128xf32, #tpu.memory_space<hbm>>
    tpu.wait_indirect_dma semaphore(%arg15 : memref<!tpu.dma_semaphore, #tpu.memory_space<semaphore_mem>>) src(%dma_wait3A_920 : memref<10000x128xf32, #tpu.memory_space<hbm>>) dst(%dma_wait3A_914 : memref<128x128xf32, #tpu.memory_space<vmem>>)
    %dma_start3A_921 = arith.constant 0 : i32
    %dma_start3A_922 = arith.constant 3 : i32
    %dma_start3A_923 = arith.constant 1 : i32
    %dma_start3A_924 = arith.constant 0 : i32
    %dma_start3A_925 = arith.constant 0 : i32
    %dma_start3A_926 = tpu.memref_slice %arg7[%dma_start3A_921, %dma_start3A_924, %dma_start3A_925] : memref<3x128x128xf32, #tpu.memory_space<vmem>> -> memref<1x128x128xf32, #tpu.memory_space<vmem>>
    %dma_start3A_927 = tpu.memref_squeeze %dma_start3A_926 : memref<1x128x128xf32, #tpu.memory_space<vmem>> -> memref<128x128xf32, #tpu.memory_space<vmem>>
    %dma_start3A_928 = arith.constant 0 : i32
    %dma_start3A_929 = tpu.memref_slice %arg6[%dma_start3A_922, %dma_start3A_923, %dma_start3A_928] : memref<6x2x128xi32, #tpu.memory_space<vmem>> -> memref<1x1x128xi32, #tpu.memory_space<vmem>>
    %dma_start3A_930 = tpu.memref_squeeze %dma_start3A_929 : memref<1x1x128xi32, #tpu.memory_space<vmem>> -> memref<128xi32, #tpu.memory_space<vmem>>
    %dma_start3A_931 = arith.constant 0 : i32
    %dma_start3A_932 = arith.constant 0 : i32
    %dma_start3A_933 = tpu.memref_slice %arg8[%dma_start3A_931, %dma_start3A_932] : memref<10016x128xf32, #tpu.memory_space<vmem_shared>> -> memref<10016x128xf32, #tpu.memory_space<vmem_shared>>
    tpu.enqueue_indirect_dma source(%dma_start3A_927 : memref<128x128xf32, #tpu.memory_space<vmem>>) target(%dma_start3A_933 : memref<10016x128xf32, #tpu.memory_space<vmem_shared>>) offsets(%dma_start3A_930 : memref<128xi32, #tpu.memory_space<vmem>>) semaphore(%arg18 : memref<!tpu.dma_semaphore, #tpu.memory_space<semaphore_mem>>) {add = true}
    %dma_wait3A_934 = arith.constant 2 : i32
    %dma_wait3A_935 = arith.constant 2 : i32
    %dma_wait3A_936 = arith.constant 1 : i32
    %dma_wait3A_937 = arith.constant 0 : i32
    %dma_wait3A_938 = arith.constant 0 : i32
    %dma_wait3A_939 = tpu.memref_slice %arg7[%dma_wait3A_934, %dma_wait3A_937, %dma_wait3A_938] : memref<3x128x128xf32, #tpu.memory_space<vmem>> -> memref<1x128x128xf32, #tpu.memory_space<vmem>>
    %dma_wait3A_940 = tpu.memref_squeeze %dma_wait3A_939 : memref<1x128x128xf32, #tpu.memory_space<vmem>> -> memref<128x128xf32, #tpu.memory_space<vmem>>
    %dma_wait3A_941 = arith.constant 0 : i32
    %dma_wait3A_942 = tpu.memref_slice %arg6[%dma_wait3A_935, %dma_wait3A_936, %dma_wait3A_941] : memref<6x2x128xi32, #tpu.memory_space<vmem>> -> memref<1x1x128xi32, #tpu.memory_space<vmem>>
    %dma_wait3A_943 = tpu.memref_squeeze %dma_wait3A_942 : memref<1x1x128xi32, #tpu.memory_space<vmem>> -> memref<128xi32, #tpu.memory_space<vmem>>
    %dma_wait3A_944 = arith.constant 0 : i32
    %dma_wait3A_945 = arith.constant 0 : i32
    %dma_wait3A_946 = tpu.memref_slice %arg8[%dma_wait3A_944, %dma_wait3A_945] : memref<10016x128xf32, #tpu.memory_space<vmem_shared>> -> memref<10016x128xf32, #tpu.memory_space<vmem_shared>>
    tpu.wait_indirect_dma semaphore(%arg20 : memref<!tpu.dma_semaphore, #tpu.memory_space<semaphore_mem>>) src(%dma_wait3A_940 : memref<128x128xf32, #tpu.memory_space<vmem>>) dst(%dma_wait3A_946 : memref<10016x128xf32, #tpu.memory_space<vmem_shared>>)
    %dma_wait3A_947 = arith.constant 83 : i32
    %dma_wait3A_948 = arith.constant 5 : i32
    %dma_wait3A_949 = arith.constant 0 : i32
    %dma_wait3A_950 = arith.constant 0 : i32
    %dma_wait3A_951 = tpu.memref_slice %arg6[%dma_wait3A_948, %dma_wait3A_949, %dma_wait3A_950] : memref<6x2x128xi32, #tpu.memory_space<vmem>> -> memref<1x2x128xi32, #tpu.memory_space<vmem>>
    %dma_wait3A_952 = tpu.memref_squeeze %dma_wait3A_951 : memref<1x2x128xi32, #tpu.memory_space<vmem>> -> memref<2x128xi32, #tpu.memory_space<vmem>>
    %dma_wait3A_953 = arith.constant 0 : i32
    %dma_wait3A_954 = arith.constant 0 : i32
    %dma_wait3A_955 = tpu.memref_slice %arg3[%add3A, %dma_wait3A_947, %dma_wait3A_953, %dma_wait3A_954] : memref<32x84x2x128xi32, #tpu.memory_space<hbm>> -> memref<1x1x2x128xi32, #tpu.memory_space<hbm>>
    %dma_wait3A_956 = tpu.memref_squeeze %dma_wait3A_955 : memref<1x1x2x128xi32, #tpu.memory_space<hbm>> -> memref<2x128xi32, #tpu.memory_space<hbm>>
    %dma_wait3A_957 = arith.constant 0 : i32
    %dma_wait3A_958 = arith.constant 0 : i32
    %dma_wait3A_959 = tpu.memref_slice %arg6[%dma_wait3A_948, %dma_wait3A_957, %dma_wait3A_958] : memref<6x2x128xi32, #tpu.memory_space<vmem>> -> memref<1x2x128xi32, #tpu.memory_space<vmem>>
    %dma_wait3A_960 = tpu.memref_squeeze %dma_wait3A_959 : memref<1x2x128xi32, #tpu.memory_space<vmem>> -> memref<2x128xi32, #tpu.memory_space<vmem>>
    %dma_wait3A_961 = arith.constant 0 : i32
    %dma_wait3A_962 = arith.constant 0 : i32
    %dma_wait3A_963 = tpu.memref_slice %arg3[%add3A, %dma_wait3A_947, %dma_wait3A_961, %dma_wait3A_962] : memref<32x84x2x128xi32, #tpu.memory_space<hbm>> -> memref<1x1x2x128xi32, #tpu.memory_space<hbm>>
    %dma_wait3A_964 = tpu.memref_squeeze %dma_wait3A_963 : memref<1x1x2x128xi32, #tpu.memory_space<hbm>> -> memref<2x128xi32, #tpu.memory_space<hbm>>
    tpu.wait_dma2 semaphore(%arg14 : memref<!tpu.dma_semaphore, #tpu.memory_space<semaphore_mem>>) src(%dma_wait3A_964 : memref<2x128xi32, #tpu.memory_space<hbm>>) dst(%dma_wait3A_960 : memref<2x128xi32, #tpu.memory_space<vmem>>)
    %dma_start3A_965 = arith.constant 5 : i32
    %dma_start3A_966 = arith.constant 0 : i32
    %dma_start3A_967 = arith.constant 2 : i32
    %dma_start3A_968 = arith.constant 0 : i32
    %dma_start3A_969 = arith.constant 0 : i32
    %dma_start3A_970 = tpu.memref_slice %arg7[%dma_start3A_967, %dma_start3A_968, %dma_start3A_969] : memref<3x128x128xf32, #tpu.memory_space<vmem>> -> memref<1x128x128xf32, #tpu.memory_space<vmem>>
    %dma_start3A_971 = tpu.memref_squeeze %dma_start3A_970 : memref<1x128x128xf32, #tpu.memory_space<vmem>> -> memref<128x128xf32, #tpu.memory_space<vmem>>
    %dma_start3A_972 = arith.constant 0 : i32
    %dma_start3A_973 = tpu.memref_slice %arg6[%dma_start3A_965, %dma_start3A_966, %dma_start3A_972] : memref<6x2x128xi32, #tpu.memory_space<vmem>> -> memref<1x1x128xi32, #tpu.memory_space<vmem>>
    %dma_start3A_974 = tpu.memref_squeeze %dma_start3A_973 : memref<1x1x128xi32, #tpu.memory_space<vmem>> -> memref<128xi32, #tpu.memory_space<vmem>>
    %dma_start3A_975 = arith.constant 0 : i32
    %dma_start3A_976 = arith.constant 0 : i32
    %dma_start3A_977 = tpu.memref_slice %arg2[%dma_start3A_975, %dma_start3A_976] : memref<10000x128xf32, #tpu.memory_space<hbm>> -> memref<10000x128xf32, #tpu.memory_space<hbm>>
    tpu.enqueue_indirect_dma source(%dma_start3A_977 : memref<10000x128xf32, #tpu.memory_space<hbm>>) target(%dma_start3A_971 : memref<128x128xf32, #tpu.memory_space<vmem>>) offsets(%dma_start3A_974 : memref<128xi32, #tpu.memory_space<vmem>>) semaphore(%arg17 : memref<!tpu.dma_semaphore, #tpu.memory_space<semaphore_mem>>)
    %dma_wait3A_978 = arith.constant 4 : i32
    %dma_wait3A_979 = arith.constant 0 : i32
    %dma_wait3A_980 = arith.constant 1 : i32
    %dma_wait3A_981 = arith.constant 0 : i32
    %dma_wait3A_982 = arith.constant 0 : i32
    %dma_wait3A_983 = tpu.memref_slice %arg7[%dma_wait3A_980, %dma_wait3A_981, %dma_wait3A_982] : memref<3x128x128xf32, #tpu.memory_space<vmem>> -> memref<1x128x128xf32, #tpu.memory_space<vmem>>
    %dma_wait3A_984 = tpu.memref_squeeze %dma_wait3A_983 : memref<1x128x128xf32, #tpu.memory_space<vmem>> -> memref<128x128xf32, #tpu.memory_space<vmem>>
    %dma_wait3A_985 = arith.constant 0 : i32
    %dma_wait3A_986 = tpu.memref_slice %arg6[%dma_wait3A_978, %dma_wait3A_979, %dma_wait3A_985] : memref<6x2x128xi32, #tpu.memory_space<vmem>> -> memref<1x1x128xi32, #tpu.memory_space<vmem>>
    %dma_wait3A_987 = tpu.memref_squeeze %dma_wait3A_986 : memref<1x1x128xi32, #tpu.memory_space<vmem>> -> memref<128xi32, #tpu.memory_space<vmem>>
    %dma_wait3A_988 = arith.constant 0 : i32
    %dma_wait3A_989 = arith.constant 0 : i32
    %dma_wait3A_990 = tpu.memref_slice %arg2[%dma_wait3A_988, %dma_wait3A_989] : memref<10000x128xf32, #tpu.memory_space<hbm>> -> memref<10000x128xf32, #tpu.memory_space<hbm>>
    tpu.wait_indirect_dma semaphore(%arg16 : memref<!tpu.dma_semaphore, #tpu.memory_space<semaphore_mem>>) src(%dma_wait3A_990 : memref<10000x128xf32, #tpu.memory_space<hbm>>) dst(%dma_wait3A_984 : memref<128x128xf32, #tpu.memory_space<vmem>>)
    %dma_start3A_991 = arith.constant 1 : i32
    %dma_start3A_992 = arith.constant 4 : i32
    %dma_start3A_993 = arith.constant 1 : i32
    %dma_start3A_994 = arith.constant 0 : i32
    %dma_start3A_995 = arith.constant 0 : i32
    %dma_start3A_996 = tpu.memref_slice %arg7[%dma_start3A_991, %dma_start3A_994, %dma_start3A_995] : memref<3x128x128xf32, #tpu.memory_space<vmem>> -> memref<1x128x128xf32, #tpu.memory_space<vmem>>
    %dma_start3A_997 = tpu.memref_squeeze %dma_start3A_996 : memref<1x128x128xf32, #tpu.memory_space<vmem>> -> memref<128x128xf32, #tpu.memory_space<vmem>>
    %dma_start3A_998 = arith.constant 0 : i32
    %dma_start3A_999 = tpu.memref_slice %arg6[%dma_start3A_992, %dma_start3A_993, %dma_start3A_998] : memref<6x2x128xi32, #tpu.memory_space<vmem>> -> memref<1x1x128xi32, #tpu.memory_space<vmem>>
    %dma_start3A_1000 = tpu.memref_squeeze %dma_start3A_999 : memref<1x1x128xi32, #tpu.memory_space<vmem>> -> memref<128xi32, #tpu.memory_space<vmem>>
    %dma_start3A_1001 = arith.constant 0 : i32
    %dma_start3A_1002 = arith.constant 0 : i32
    %dma_start3A_1003 = tpu.memref_slice %arg8[%dma_start3A_1001, %dma_start3A_1002] : memref<10016x128xf32, #tpu.memory_space<vmem_shared>> -> memref<10016x128xf32, #tpu.memory_space<vmem_shared>>
    tpu.enqueue_indirect_dma source(%dma_start3A_997 : memref<128x128xf32, #tpu.memory_space<vmem>>) target(%dma_start3A_1003 : memref<10016x128xf32, #tpu.memory_space<vmem_shared>>) offsets(%dma_start3A_1000 : memref<128xi32, #tpu.memory_space<vmem>>) semaphore(%arg19 : memref<!tpu.dma_semaphore, #tpu.memory_space<semaphore_mem>>) {add = true}
    %dma_wait3A_1004 = arith.constant 0 : i32
    %dma_wait3A_1005 = arith.constant 3 : i32
    %dma_wait3A_1006 = arith.constant 1 : i32
    %dma_wait3A_1007 = arith.constant 0 : i32
    %dma_wait3A_1008 = arith.constant 0 : i32
    %dma_wait3A_1009 = tpu.memref_slice %arg7[%dma_wait3A_1004, %dma_wait3A_1007, %dma_wait3A_1008] : memref<3x128x128xf32, #tpu.memory_space<vmem>> -> memref<1x128x128xf32, #tpu.memory_space<vmem>>
    %dma_wait3A_1010 = tpu.memref_squeeze %dma_wait3A_1009 : memref<1x128x128xf32, #tpu.memory_space<vmem>> -> memref<128x128xf32, #tpu.memory_space<vmem>>
    %dma_wait3A_1011 = arith.constant 0 : i32
    %dma_wait3A_1012 = tpu.memref_slice %arg6[%dma_wait3A_1005, %dma_wait3A_1006, %dma_wait3A_1011] : memref<6x2x128xi32, #tpu.memory_space<vmem>> -> memref<1x1x128xi32, #tpu.memory_space<vmem>>
    %dma_wait3A_1013 = tpu.memref_squeeze %dma_wait3A_1012 : memref<1x1x128xi32, #tpu.memory_space<vmem>> -> memref<128xi32, #tpu.memory_space<vmem>>
    %dma_wait3A_1014 = arith.constant 0 : i32
    %dma_wait3A_1015 = arith.constant 0 : i32
    %dma_wait3A_1016 = tpu.memref_slice %arg8[%dma_wait3A_1014, %dma_wait3A_1015] : memref<10016x128xf32, #tpu.memory_space<vmem_shared>> -> memref<10016x128xf32, #tpu.memory_space<vmem_shared>>
    tpu.wait_indirect_dma semaphore(%arg18 : memref<!tpu.dma_semaphore, #tpu.memory_space<semaphore_mem>>) src(%dma_wait3A_1010 : memref<128x128xf32, #tpu.memory_space<vmem>>) dst(%dma_wait3A_1016 : memref<10016x128xf32, #tpu.memory_space<vmem_shared>>)
    %dma_wait3A_1017 = arith.constant 5 : i32
    %dma_wait3A_1018 = arith.constant 0 : i32
    %dma_wait3A_1019 = arith.constant 2 : i32
    %dma_wait3A_1020 = arith.constant 0 : i32
    %dma_wait3A_1021 = arith.constant 0 : i32
    %dma_wait3A_1022 = tpu.memref_slice %arg7[%dma_wait3A_1019, %dma_wait3A_1020, %dma_wait3A_1021] : memref<3x128x128xf32, #tpu.memory_space<vmem>> -> memref<1x128x128xf32, #tpu.memory_space<vmem>>
    %dma_wait3A_1023 = tpu.memref_squeeze %dma_wait3A_1022 : memref<1x128x128xf32, #tpu.memory_space<vmem>> -> memref<128x128xf32, #tpu.memory_space<vmem>>
    %dma_wait3A_1024 = arith.constant 0 : i32
    %dma_wait3A_1025 = tpu.memref_slice %arg6[%dma_wait3A_1017, %dma_wait3A_1018, %dma_wait3A_1024] : memref<6x2x128xi32, #tpu.memory_space<vmem>> -> memref<1x1x128xi32, #tpu.memory_space<vmem>>
    %dma_wait3A_1026 = tpu.memref_squeeze %dma_wait3A_1025 : memref<1x1x128xi32, #tpu.memory_space<vmem>> -> memref<128xi32, #tpu.memory_space<vmem>>
    %dma_wait3A_1027 = arith.constant 0 : i32
    %dma_wait3A_1028 = arith.constant 0 : i32
    %dma_wait3A_1029 = tpu.memref_slice %arg2[%dma_wait3A_1027, %dma_wait3A_1028] : memref<10000x128xf32, #tpu.memory_space<hbm>> -> memref<10000x128xf32, #tpu.memory_space<hbm>>
    tpu.wait_indirect_dma semaphore(%arg17 : memref<!tpu.dma_semaphore, #tpu.memory_space<semaphore_mem>>) src(%dma_wait3A_1029 : memref<10000x128xf32, #tpu.memory_space<hbm>>) dst(%dma_wait3A_1023 : memref<128x128xf32, #tpu.memory_space<vmem>>)
    %dma_start3A_1030 = arith.constant 2 : i32
    %dma_start3A_1031 = arith.constant 5 : i32
    %dma_start3A_1032 = arith.constant 1 : i32
    %dma_start3A_1033 = arith.constant 0 : i32
    %dma_start3A_1034 = arith.constant 0 : i32
    %dma_start3A_1035 = tpu.memref_slice %arg7[%dma_start3A_1030, %dma_start3A_1033, %dma_start3A_1034] : memref<3x128x128xf32, #tpu.memory_space<vmem>> -> memref<1x128x128xf32, #tpu.memory_space<vmem>>
    %dma_start3A_1036 = tpu.memref_squeeze %dma_start3A_1035 : memref<1x128x128xf32, #tpu.memory_space<vmem>> -> memref<128x128xf32, #tpu.memory_space<vmem>>
    %dma_start3A_1037 = arith.constant 0 : i32
    %dma_start3A_1038 = tpu.memref_slice %arg6[%dma_start3A_1031, %dma_start3A_1032, %dma_start3A_1037] : memref<6x2x128xi32, #tpu.memory_space<vmem>> -> memref<1x1x128xi32, #tpu.memory_space<vmem>>
    %dma_start3A_1039 = tpu.memref_squeeze %dma_start3A_1038 : memref<1x1x128xi32, #tpu.memory_space<vmem>> -> memref<128xi32, #tpu.memory_space<vmem>>
    %dma_start3A_1040 = arith.constant 0 : i32
    %dma_start3A_1041 = arith.constant 0 : i32
    %dma_start3A_1042 = tpu.memref_slice %arg8[%dma_start3A_1040, %dma_start3A_1041] : memref<10016x128xf32, #tpu.memory_space<vmem_shared>> -> memref<10016x128xf32, #tpu.memory_space<vmem_shared>>
    tpu.enqueue_indirect_dma source(%dma_start3A_1036 : memref<128x128xf32, #tpu.memory_space<vmem>>) target(%dma_start3A_1042 : memref<10016x128xf32, #tpu.memory_space<vmem_shared>>) offsets(%dma_start3A_1039 : memref<128xi32, #tpu.memory_space<vmem>>) semaphore(%arg20 : memref<!tpu.dma_semaphore, #tpu.memory_space<semaphore_mem>>) {add = true}
    %dma_wait3A_1043 = arith.constant 1 : i32
    %dma_wait3A_1044 = arith.constant 4 : i32
    %dma_wait3A_1045 = arith.constant 1 : i32
    %dma_wait3A_1046 = arith.constant 0 : i32
    %dma_wait3A_1047 = arith.constant 0 : i32
    %dma_wait3A_1048 = tpu.memref_slice %arg7[%dma_wait3A_1043, %dma_wait3A_1046, %dma_wait3A_1047] : memref<3x128x128xf32, #tpu.memory_space<vmem>> -> memref<1x128x128xf32, #tpu.memory_space<vmem>>
    %dma_wait3A_1049 = tpu.memref_squeeze %dma_wait3A_1048 : memref<1x128x128xf32, #tpu.memory_space<vmem>> -> memref<128x128xf32, #tpu.memory_space<vmem>>
    %dma_wait3A_1050 = arith.constant 0 : i32
    %dma_wait3A_1051 = tpu.memref_slice %arg6[%dma_wait3A_1044, %dma_wait3A_1045, %dma_wait3A_1050] : memref<6x2x128xi32, #tpu.memory_space<vmem>> -> memref<1x1x128xi32, #tpu.memory_space<vmem>>
    %dma_wait3A_1052 = tpu.memref_squeeze %dma_wait3A_1051 : memref<1x1x128xi32, #tpu.memory_space<vmem>> -> memref<128xi32, #tpu.memory_space<vmem>>
    %dma_wait3A_1053 = arith.constant 0 : i32
    %dma_wait3A_1054 = arith.constant 0 : i32
    %dma_wait3A_1055 = tpu.memref_slice %arg8[%dma_wait3A_1053, %dma_wait3A_1054] : memref<10016x128xf32, #tpu.memory_space<vmem_shared>> -> memref<10016x128xf32, #tpu.memory_space<vmem_shared>>
    tpu.wait_indirect_dma semaphore(%arg19 : memref<!tpu.dma_semaphore, #tpu.memory_space<semaphore_mem>>) src(%dma_wait3A_1049 : memref<128x128xf32, #tpu.memory_space<vmem>>) dst(%dma_wait3A_1055 : memref<10016x128xf32, #tpu.memory_space<vmem_shared>>)
    %dma_wait3A_1056 = arith.constant 2 : i32
    %dma_wait3A_1057 = arith.constant 5 : i32
    %dma_wait3A_1058 = arith.constant 1 : i32
    %dma_wait3A_1059 = arith.constant 0 : i32
    %dma_wait3A_1060 = arith.constant 0 : i32
    %dma_wait3A_1061 = tpu.memref_slice %arg7[%dma_wait3A_1056, %dma_wait3A_1059, %dma_wait3A_1060] : memref<3x128x128xf32, #tpu.memory_space<vmem>> -> memref<1x128x128xf32, #tpu.memory_space<vmem>>
    %dma_wait3A_1062 = tpu.memref_squeeze %dma_wait3A_1061 : memref<1x128x128xf32, #tpu.memory_space<vmem>> -> memref<128x128xf32, #tpu.memory_space<vmem>>
    %dma_wait3A_1063 = arith.constant 0 : i32
    %dma_wait3A_1064 = tpu.memref_slice %arg6[%dma_wait3A_1057, %dma_wait3A_1058, %dma_wait3A_1063] : memref<6x2x128xi32, #tpu.memory_space<vmem>> -> memref<1x1x128xi32, #tpu.memory_space<vmem>>
    %dma_wait3A_1065 = tpu.memref_squeeze %dma_wait3A_1064 : memref<1x1x128xi32, #tpu.memory_space<vmem>> -> memref<128xi32, #tpu.memory_space<vmem>>
    %dma_wait3A_1066 = arith.constant 0 : i32
    %dma_wait3A_1067 = arith.constant 0 : i32
    %dma_wait3A_1068 = tpu.memref_slice %arg8[%dma_wait3A_1066, %dma_wait3A_1067] : memref<10016x128xf32, #tpu.memory_space<vmem_shared>> -> memref<10016x128xf32, #tpu.memory_space<vmem_shared>>
    tpu.wait_indirect_dma semaphore(%arg20 : memref<!tpu.dma_semaphore, #tpu.memory_space<semaphore_mem>>) src(%dma_wait3A_1062 : memref<128x128xf32, #tpu.memory_space<vmem>>) dst(%dma_wait3A_1068 : memref<10016x128xf32, #tpu.memory_space<vmem_shared>>)
    %barrier3A_1069 = arith.constant 0 : index
    tpu.barrier barrier_id(%barrier3A_1069)
    "tpu.region"() ({
      %run_scoped3A = tpu.sem_alloc : memref<!tpu.dma_semaphore, #tpu.memory_space<semaphore_mem>>
      %dma_start3A_1075 = arith.constant 0 : i32
      %dma_start3A_1076 = tpu.memref_slice %arg5[%arg0, %mul3A_2, %dma_start3A_1075] : memref<2x10000x128xf32, #tpu.memory_space<hbm>> -> memref<1x624x128xf32, #tpu.memory_space<hbm>>
      %dma_start3A_1077 = tpu.memref_squeeze %dma_start3A_1076 : memref<1x624x128xf32, #tpu.memory_space<hbm>> -> memref<624x128xf32, #tpu.memory_space<hbm>>
      %dma_start3A_1078 = arith.constant 0 : i32
      %dma_start3A_1079 = tpu.memref_slice %arg8[%mul3A_2, %dma_start3A_1078] : memref<10016x128xf32, #tpu.memory_space<vmem_shared>> -> memref<624x128xf32, #tpu.memory_space<vmem_shared>>
      tpu.enqueue_dma source(%dma_start3A_1079 : memref<624x128xf32, #tpu.memory_space<vmem_shared>>) target(%dma_start3A_1077 : memref<624x128xf32, #tpu.memory_space<hbm>>) target_semaphore(%run_scoped3A : memref<!tpu.dma_semaphore, #tpu.memory_space<semaphore_mem>>)
      %dma_wait3A_1080 = arith.constant 0 : i32
      %dma_wait3A_1081 = tpu.memref_slice %arg5[%arg0, %mul3A_2, %dma_wait3A_1080] : memref<2x10000x128xf32, #tpu.memory_space<hbm>> -> memref<1x624x128xf32, #tpu.memory_space<hbm>>
      %dma_wait3A_1082 = tpu.memref_squeeze %dma_wait3A_1081 : memref<1x624x128xf32, #tpu.memory_space<hbm>> -> memref<624x128xf32, #tpu.memory_space<hbm>>
      %dma_wait3A_1083 = arith.constant 0 : i32
      %dma_wait3A_1084 = tpu.memref_slice %arg8[%mul3A_2, %dma_wait3A_1083] : memref<10016x128xf32, #tpu.memory_space<vmem_shared>> -> memref<624x128xf32, #tpu.memory_space<vmem_shared>>
      tpu.wait_dma2 semaphore(%run_scoped3A : memref<!tpu.dma_semaphore, #tpu.memory_space<semaphore_mem>>) src(%dma_wait3A_1084 : memref<624x128xf32, #tpu.memory_space<vmem_shared>>) dst(%dma_wait3A_1082 : memref<624x128xf32, #tpu.memory_space<hbm>>)
      tpu.yield
    }) : () -> ()
    %eq3A_1070 = arith.constant 0 : i32
    %eq3A_1071 = arith.cmpi eq, %arg1, %eq3A_1070 : i32
    %convert_element_type3A_1072 = arith.extui %eq3A_1071 : i1 to i32
    %cond3A_1073 = arith.constant 0 : i32
    %cond3A_1074 = arith.cmpi ne, %convert_element_type3A_1072, %cond3A_1073 : i32
    scf.if %cond3A_1074 {
      "tpu.region"() ({
        %run_scoped3A = tpu.sem_alloc : memref<!tpu.dma_semaphore, #tpu.memory_space<semaphore_mem>>
        %dma_start3A_1075 = arith.constant 9984 : i32
        %dma_start3A_1076 = arith.constant 0 : i32
        %dma_start3A_1077 = tpu.memref_slice %arg5[%arg0, %dma_start3A_1075, %dma_start3A_1076] : memref<2x10000x128xf32, #tpu.memory_space<hbm>> -> memref<1x16x128xf32, #tpu.memory_space<hbm>>
        %dma_start3A_1078 = tpu.memref_squeeze %dma_start3A_1077 : memref<1x16x128xf32, #tpu.memory_space<hbm>> -> memref<16x128xf32, #tpu.memory_space<hbm>>
        %dma_start3A_1079 = arith.constant 9984 : i32
        %dma_start3A_1080 = arith.constant 0 : i32
        %dma_start3A_1081 = tpu.memref_slice %arg8[%dma_start3A_1079, %dma_start3A_1080] : memref<10016x128xf32, #tpu.memory_space<vmem_shared>> -> memref<16x128xf32, #tpu.memory_space<vmem_shared>>
        tpu.enqueue_dma source(%dma_start3A_1081 : memref<16x128xf32, #tpu.memory_space<vmem_shared>>) target(%dma_start3A_1078 : memref<16x128xf32, #tpu.memory_space<hbm>>) target_semaphore(%run_scoped3A : memref<!tpu.dma_semaphore, #tpu.memory_space<semaphore_mem>>)
        %dma_wait3A_1082 = arith.constant 9984 : i32
        %dma_wait3A_1083 = arith.constant 0 : i32
        %dma_wait3A_1084 = tpu.memref_slice %arg5[%arg0, %dma_wait3A_1082, %dma_wait3A_1083] : memref<2x10000x128xf32, #tpu.memory_space<hbm>> -> memref<1x16x128xf32, #tpu.memory_space<hbm>>
        %dma_wait3A_1085 = tpu.memref_squeeze %dma_wait3A_1084 : memref<1x16x128xf32, #tpu.memory_space<hbm>> -> memref<16x128xf32, #tpu.memory_space<hbm>>
        %dma_wait3A_1086 = arith.constant 9984 : i32
        %dma_wait3A_1087 = arith.constant 0 : i32
        %dma_wait3A_1088 = tpu.memref_slice %arg8[%dma_wait3A_1086, %dma_wait3A_1087] : memref<10016x128xf32, #tpu.memory_space<vmem_shared>> -> memref<16x128xf32, #tpu.memory_space<vmem_shared>>
        tpu.wait_dma2 semaphore(%run_scoped3A : memref<!tpu.dma_semaphore, #tpu.memory_space<semaphore_mem>>) src(%dma_wait3A_1088 : memref<16x128xf32, #tpu.memory_space<vmem_shared>>) dst(%dma_wait3A_1085 : memref<16x128xf32, #tpu.memory_space<hbm>>)
        tpu.yield
      }) : () -> ()
    } else {
    }
    return
  }
}

#map = affine_map<(d0, d1) -> (0, 0)>
#map1 = affine_map<(d0, d1) -> (0, 0, 0, 0)>
#map2 = affine_map<(d0, d1) -> (0, 0, 0)>
module attributes {stable_mosaic.version = 14 : i64} {
  func.func @k(%arg0: i32, %arg1: i32, %arg2: memref<10000x128xf32, #tpu.memory_space<hbm>>, %arg3: memref<32x84x2x128xi32, #tpu.memory_space<hbm>>, %arg4: memref<640x128xf32, #tpu.memory_space<hbm>>, %arg5: memref<2x10000x128xf32, #tpu.memory_space<hbm>>, %arg6: memref<6x2x128xi32, #tpu.memory_space<vmem>>, %arg7: memref<3x128x128xf32, #tpu.memory_space<vmem>>, %arg8: memref<10016x128xf32, #tpu.memory_space<vmem_shared>>, %arg9: memref<!tpu.dma_semaphore, #tpu.memory_space<semaphore_mem>>, %arg10: memref<!tpu.dma_semaphore, #tpu.memory_space<semaphore_mem>>, %arg11: memref<!tpu.dma_semaphore, #tpu.memory_space<semaphore_mem>>, %arg12: memref<!tpu.dma_semaphore, #tpu.memory_space<semaphore_mem>>, %arg13: memref<!tpu.dma_semaphore, #tpu.memory_space<semaphore_mem>>, %arg14: memref<!tpu.dma_semaphore, #tpu.memory_space<semaphore_mem>>, %arg15: memref<!tpu.dma_semaphore, #tpu.memory_space<semaphore_mem>>, %arg16: memref<!tpu.dma_semaphore, #tpu.memory_space<semaphore_mem>>, %arg17: memref<!tpu.dma_semaphore, #tpu.memory_space<semaphore_mem>>, %arg18: memref<!tpu.dma_semaphore, #tpu.memory_space<semaphore_mem>>, %arg19: memref<!tpu.dma_semaphore, #tpu.memory_space<semaphore_mem>>, %arg20: memref<!tpu.dma_semaphore, #tpu.memory_space<semaphore_mem>>) attributes {dimension_semantics = [#tpu.dimension_semantics<core_parallel>, #tpu.dimension_semantics<subcore_parallel>], iteration_bounds = array<i64: 2, 16>, scalar_prefetch = 0 : i64, scratch_operands = 15 : i64, tpu.core_type = #tpu.core_type<sc_vector_subcore>, window_params = [{transform_indices = #map}, {transform_indices = #map1}, {transform_indices = #map}, {transform_indices = #map2}]} {
    %mul3A = arith.constant 16 : i32
    %mul3A_0 = arith.muli %arg0, %mul3A : i32
    %add3A = arith.addi %mul3A_0, %arg1 : i32
    %mul3A_1 = arith.constant 624 : i32
    %mul3A_2 = arith.muli %arg1, %mul3A_1 : i32
    %eq3A = arith.constant 0 : i32
    %eq3A_3 = arith.cmpi eq, %arg0, %eq3A : i32
    %convert_element_type3A = arith.extui %eq3A_3 : i1 to i32
    %cond3A = arith.constant 0 : i32
    %cond3A_4 = arith.cmpi ne, %convert_element_type3A, %cond3A : i32
    scf.if %cond3A_4 {
      "tpu.region"() ({
        %run_scoped3A = tpu.sem_alloc : memref<!tpu.dma_semaphore, #tpu.memory_space<semaphore_mem>>
        %dma_start3A_1080 = arith.constant 0 : i32
        %dma_start3A_1081 = tpu.memref_slice %arg8[%mul3A_2, %dma_start3A_1080] : memref<10016x128xf32, #tpu.memory_space<vmem_shared>> -> memref<624x128xf32, #tpu.memory_space<vmem_shared>>
        %dma_start3A_1082 = arith.constant 0 : i32
        %dma_start3A_1083 = tpu.memref_slice %arg2[%mul3A_2, %dma_start3A_1082] : memref<10000x128xf32, #tpu.memory_space<hbm>> -> memref<624x128xf32, #tpu.memory_space<hbm>>
        tpu.enqueue_dma source(%dma_start3A_1083 : memref<624x128xf32, #tpu.memory_space<hbm>>) target(%dma_start3A_1081 : memref<624x128xf32, #tpu.memory_space<vmem_shared>>) target_semaphore(%run_scoped3A : memref<!tpu.dma_semaphore, #tpu.memory_space<semaphore_mem>>)
        %dma_wait3A_1084 = arith.constant 0 : i32
        %dma_wait3A_1085 = tpu.memref_slice %arg8[%mul3A_2, %dma_wait3A_1084] : memref<10016x128xf32, #tpu.memory_space<vmem_shared>> -> memref<624x128xf32, #tpu.memory_space<vmem_shared>>
        %dma_wait3A_1086 = arith.constant 0 : i32
        %dma_wait3A_1087 = tpu.memref_slice %arg2[%mul3A_2, %dma_wait3A_1086] : memref<10000x128xf32, #tpu.memory_space<hbm>> -> memref<624x128xf32, #tpu.memory_space<hbm>>
        tpu.wait_dma2 semaphore(%run_scoped3A : memref<!tpu.dma_semaphore, #tpu.memory_space<semaphore_mem>>) src(%dma_wait3A_1087 : memref<624x128xf32, #tpu.memory_space<hbm>>) dst(%dma_wait3A_1085 : memref<624x128xf32, #tpu.memory_space<vmem_shared>>)
        tpu.yield
      }) : () -> ()
      %eq3A_1075 = arith.constant 0 : i32
      %eq3A_1076 = arith.cmpi eq, %arg1, %eq3A_1075 : i32
      %convert_element_type3A_1077 = arith.extui %eq3A_1076 : i1 to i32
      %cond3A_1078 = arith.constant 0 : i32
      %cond3A_1079 = arith.cmpi ne, %convert_element_type3A_1077, %cond3A_1078 : i32
      scf.if %cond3A_1079 {
        "tpu.region"() ({
          %run_scoped3A = tpu.sem_alloc : memref<!tpu.dma_semaphore, #tpu.memory_space<semaphore_mem>>
          %dma_start3A_1080 = arith.constant 9984 : i32
          %dma_start3A_1081 = arith.constant 0 : i32
          %dma_start3A_1082 = tpu.memref_slice %arg8[%dma_start3A_1080, %dma_start3A_1081] : memref<10016x128xf32, #tpu.memory_space<vmem_shared>> -> memref<16x128xf32, #tpu.memory_space<vmem_shared>>
          %dma_start3A_1083 = arith.constant 9984 : i32
          %dma_start3A_1084 = arith.constant 0 : i32
          %dma_start3A_1085 = tpu.memref_slice %arg2[%dma_start3A_1083, %dma_start3A_1084] : memref<10000x128xf32, #tpu.memory_space<hbm>> -> memref<16x128xf32, #tpu.memory_space<hbm>>
          tpu.enqueue_dma source(%dma_start3A_1085 : memref<16x128xf32, #tpu.memory_space<hbm>>) target(%dma_start3A_1082 : memref<16x128xf32, #tpu.memory_space<vmem_shared>>) target_semaphore(%run_scoped3A : memref<!tpu.dma_semaphore, #tpu.memory_space<semaphore_mem>>)
          %dma_wait3A_1086 = arith.constant 9984 : i32
          %dma_wait3A_1087 = arith.constant 0 : i32
          %dma_wait3A_1088 = tpu.memref_slice %arg8[%dma_wait3A_1086, %dma_wait3A_1087] : memref<10016x128xf32, #tpu.memory_space<vmem_shared>> -> memref<16x128xf32, #tpu.memory_space<vmem_shared>>
          %dma_wait3A_1089 = arith.constant 9984 : i32
          %dma_wait3A_1090 = arith.constant 0 : i32
          %dma_wait3A_1091 = tpu.memref_slice %arg2[%dma_wait3A_1089, %dma_wait3A_1090] : memref<10000x128xf32, #tpu.memory_space<hbm>> -> memref<16x128xf32, #tpu.memory_space<hbm>>
          tpu.wait_dma2 semaphore(%run_scoped3A : memref<!tpu.dma_semaphore, #tpu.memory_space<semaphore_mem>>) src(%dma_wait3A_1091 : memref<16x128xf32, #tpu.memory_space<hbm>>) dst(%dma_wait3A_1088 : memref<16x128xf32, #tpu.memory_space<vmem_shared>>)
          tpu.yield
        }) : () -> ()
      } else {
      }
    } else {
    }
    %eq3A_5 = arith.constant 1 : i32
    %eq3A_6 = arith.cmpi eq, %arg0, %eq3A_5 : i32
    %convert_element_type3A_7 = arith.extui %eq3A_6 : i1 to i32
    %cond3A_8 = arith.constant 0 : i32
    %cond3A_9 = arith.cmpi ne, %convert_element_type3A_7, %cond3A_8 : i32
    scf.if %cond3A_9 {
      "tpu.region"() ({
        %run_scoped3A = tpu.sem_alloc : memref<!tpu.dma_semaphore, #tpu.memory_space<semaphore_mem>>
        %dma_start3A_1080 = arith.constant 0 : i32
        %dma_start3A_1081 = tpu.memref_slice %arg8[%mul3A_2, %dma_start3A_1080] : memref<10016x128xf32, #tpu.memory_space<vmem_shared>> -> memref<624x128xf32, #tpu.memory_space<vmem_shared>>
        %dma_start3A_1082 = arith.constant 0 : i32
        %dma_start3A_1083 = arith.constant 0 : i32
        %dma_start3A_1084 = tpu.memref_slice %arg4[%dma_start3A_1082, %dma_start3A_1083] : memref<640x128xf32, #tpu.memory_space<hbm>> -> memref<624x128xf32, #tpu.memory_space<hbm>>
        tpu.enqueue_dma source(%dma_start3A_1084 : memref<624x128xf32, #tpu.memory_space<hbm>>) target(%dma_start3A_1081 : memref<624x128xf32, #tpu.memory_space<vmem_shared>>) target_semaphore(%run_scoped3A : memref<!tpu.dma_semaphore, #tpu.memory_space<semaphore_mem>>)
        %dma_wait3A_1085 = arith.constant 0 : i32
        %dma_wait3A_1086 = tpu.memref_slice %arg8[%mul3A_2, %dma_wait3A_1085] : memref<10016x128xf32, #tpu.memory_space<vmem_shared>> -> memref<624x128xf32, #tpu.memory_space<vmem_shared>>
        %dma_wait3A_1087 = arith.constant 0 : i32
        %dma_wait3A_1088 = arith.constant 0 : i32
        %dma_wait3A_1089 = tpu.memref_slice %arg4[%dma_wait3A_1087, %dma_wait3A_1088] : memref<640x128xf32, #tpu.memory_space<hbm>> -> memref<624x128xf32, #tpu.memory_space<hbm>>
        tpu.wait_dma2 semaphore(%run_scoped3A : memref<!tpu.dma_semaphore, #tpu.memory_space<semaphore_mem>>) src(%dma_wait3A_1089 : memref<624x128xf32, #tpu.memory_space<hbm>>) dst(%dma_wait3A_1086 : memref<624x128xf32, #tpu.memory_space<vmem_shared>>)
        tpu.yield
      }) : () -> ()
      %eq3A_1075 = arith.constant 0 : i32
      %eq3A_1076 = arith.cmpi eq, %arg1, %eq3A_1075 : i32
      %convert_element_type3A_1077 = arith.extui %eq3A_1076 : i1 to i32
      %cond3A_1078 = arith.constant 0 : i32
      %cond3A_1079 = arith.cmpi ne, %convert_element_type3A_1077, %cond3A_1078 : i32
      scf.if %cond3A_1079 {
        "tpu.region"() ({
          %run_scoped3A = tpu.sem_alloc : memref<!tpu.dma_semaphore, #tpu.memory_space<semaphore_mem>>
          %dma_start3A_1080 = arith.constant 9984 : i32
          %dma_start3A_1081 = arith.constant 0 : i32
          %dma_start3A_1082 = tpu.memref_slice %arg8[%dma_start3A_1080, %dma_start3A_1081] : memref<10016x128xf32, #tpu.memory_space<vmem_shared>> -> memref<16x128xf32, #tpu.memory_space<vmem_shared>>
          %dma_start3A_1083 = arith.constant 0 : i32
          %dma_start3A_1084 = arith.constant 0 : i32
          %dma_start3A_1085 = tpu.memref_slice %arg4[%dma_start3A_1083, %dma_start3A_1084] : memref<640x128xf32, #tpu.memory_space<hbm>> -> memref<16x128xf32, #tpu.memory_space<hbm>>
          tpu.enqueue_dma source(%dma_start3A_1085 : memref<16x128xf32, #tpu.memory_space<hbm>>) target(%dma_start3A_1082 : memref<16x128xf32, #tpu.memory_space<vmem_shared>>) target_semaphore(%run_scoped3A : memref<!tpu.dma_semaphore, #tpu.memory_space<semaphore_mem>>)
          %dma_wait3A_1086 = arith.constant 9984 : i32
          %dma_wait3A_1087 = arith.constant 0 : i32
          %dma_wait3A_1088 = tpu.memref_slice %arg8[%dma_wait3A_1086, %dma_wait3A_1087] : memref<10016x128xf32, #tpu.memory_space<vmem_shared>> -> memref<16x128xf32, #tpu.memory_space<vmem_shared>>
          %dma_wait3A_1089 = arith.constant 0 : i32
          %dma_wait3A_1090 = arith.constant 0 : i32
          %dma_wait3A_1091 = tpu.memref_slice %arg4[%dma_wait3A_1089, %dma_wait3A_1090] : memref<640x128xf32, #tpu.memory_space<hbm>> -> memref<16x128xf32, #tpu.memory_space<hbm>>
          tpu.wait_dma2 semaphore(%run_scoped3A : memref<!tpu.dma_semaphore, #tpu.memory_space<semaphore_mem>>) src(%dma_wait3A_1091 : memref<16x128xf32, #tpu.memory_space<hbm>>) dst(%dma_wait3A_1088 : memref<16x128xf32, #tpu.memory_space<vmem_shared>>)
          tpu.yield
        }) : () -> ()
      } else {
      }
    } else {
    }
    %barrier3A = arith.constant 0 : index
    tpu.barrier barrier_id(%barrier3A)
    %dma_start3A = arith.constant 0 : i32
    %dma_start3A_10 = arith.constant 0 : i32
    %dma_start3A_11 = arith.constant 0 : i32
    %dma_start3A_12 = arith.constant 0 : i32
    %dma_start3A_13 = tpu.memref_slice %arg6[%dma_start3A_10, %dma_start3A_11, %dma_start3A_12] : memref<6x2x128xi32, #tpu.memory_space<vmem>> -> memref<1x2x128xi32, #tpu.memory_space<vmem>>
    %dma_start3A_14 = tpu.memref_squeeze %dma_start3A_13 : memref<1x2x128xi32, #tpu.memory_space<vmem>> -> memref<2x128xi32, #tpu.memory_space<vmem>>
    %dma_start3A_15 = arith.constant 0 : i32
    %dma_start3A_16 = arith.constant 0 : i32
    %dma_start3A_17 = tpu.memref_slice %arg3[%add3A, %dma_start3A, %dma_start3A_15, %dma_start3A_16] : memref<32x84x2x128xi32, #tpu.memory_space<hbm>> -> memref<1x1x2x128xi32, #tpu.memory_space<hbm>>
    %dma_start3A_18 = tpu.memref_squeeze %dma_start3A_17 : memref<1x1x2x128xi32, #tpu.memory_space<hbm>> -> memref<2x128xi32, #tpu.memory_space<hbm>>
    %dma_start3A_19 = arith.constant 0 : i32
    %dma_start3A_20 = arith.constant 0 : i32
    %dma_start3A_21 = tpu.memref_slice %arg6[%dma_start3A_10, %dma_start3A_19, %dma_start3A_20] : memref<6x2x128xi32, #tpu.memory_space<vmem>> -> memref<1x2x128xi32, #tpu.memory_space<vmem>>
    %dma_start3A_22 = tpu.memref_squeeze %dma_start3A_21 : memref<1x2x128xi32, #tpu.memory_space<vmem>> -> memref<2x128xi32, #tpu.memory_space<vmem>>
    %dma_start3A_23 = arith.constant 0 : i32
    %dma_start3A_24 = arith.constant 0 : i32
    %dma_start3A_25 = tpu.memref_slice %arg3[%add3A, %dma_start3A, %dma_start3A_23, %dma_start3A_24] : memref<32x84x2x128xi32, #tpu.memory_space<hbm>> -> memref<1x1x2x128xi32, #tpu.memory_space<hbm>>
    %dma_start3A_26 = tpu.memref_squeeze %dma_start3A_25 : memref<1x1x2x128xi32, #tpu.memory_space<hbm>> -> memref<2x128xi32, #tpu.memory_space<hbm>>
    tpu.enqueue_dma source(%dma_start3A_26 : memref<2x128xi32, #tpu.memory_space<hbm>>) target(%dma_start3A_22 : memref<2x128xi32, #tpu.memory_space<vmem>>) target_semaphore(%arg9 : memref<!tpu.dma_semaphore, #tpu.memory_space<semaphore_mem>>)
    %dma_start3A_27 = arith.constant 1 : i32
    %dma_start3A_28 = arith.constant 1 : i32
    %dma_start3A_29 = arith.constant 0 : i32
    %dma_start3A_30 = arith.constant 0 : i32
    %dma_start3A_31 = tpu.memref_slice %arg6[%dma_start3A_28, %dma_start3A_29, %dma_start3A_30] : memref<6x2x128xi32, #tpu.memory_space<vmem>> -> memref<1x2x128xi32, #tpu.memory_space<vmem>>
    %dma_start3A_32 = tpu.memref_squeeze %dma_start3A_31 : memref<1x2x128xi32, #tpu.memory_space<vmem>> -> memref<2x128xi32, #tpu.memory_space<vmem>>
    %dma_start3A_33 = arith.constant 0 : i32
    %dma_start3A_34 = arith.constant 0 : i32
    %dma_start3A_35 = tpu.memref_slice %arg3[%add3A, %dma_start3A_27, %dma_start3A_33, %dma_start3A_34] : memref<32x84x2x128xi32, #tpu.memory_space<hbm>> -> memref<1x1x2x128xi32, #tpu.memory_space<hbm>>
    %dma_start3A_36 = tpu.memref_squeeze %dma_start3A_35 : memref<1x1x2x128xi32, #tpu.memory_space<hbm>> -> memref<2x128xi32, #tpu.memory_space<hbm>>
    %dma_start3A_37 = arith.constant 0 : i32
    %dma_start3A_38 = arith.constant 0 : i32
    %dma_start3A_39 = tpu.memref_slice %arg6[%dma_start3A_28, %dma_start3A_37, %dma_start3A_38] : memref<6x2x128xi32, #tpu.memory_space<vmem>> -> memref<1x2x128xi32, #tpu.memory_space<vmem>>
    %dma_start3A_40 = tpu.memref_squeeze %dma_start3A_39 : memref<1x2x128xi32, #tpu.memory_space<vmem>> -> memref<2x128xi32, #tpu.memory_space<vmem>>
    %dma_start3A_41 = arith.constant 0 : i32
    %dma_start3A_42 = arith.constant 0 : i32
    %dma_start3A_43 = tpu.memref_slice %arg3[%add3A, %dma_start3A_27, %dma_start3A_41, %dma_start3A_42] : memref<32x84x2x128xi32, #tpu.memory_space<hbm>> -> memref<1x1x2x128xi32, #tpu.memory_space<hbm>>
    %dma_start3A_44 = tpu.memref_squeeze %dma_start3A_43 : memref<1x1x2x128xi32, #tpu.memory_space<hbm>> -> memref<2x128xi32, #tpu.memory_space<hbm>>
    tpu.enqueue_dma source(%dma_start3A_44 : memref<2x128xi32, #tpu.memory_space<hbm>>) target(%dma_start3A_40 : memref<2x128xi32, #tpu.memory_space<vmem>>) target_semaphore(%arg10 : memref<!tpu.dma_semaphore, #tpu.memory_space<semaphore_mem>>)
    %dma_start3A_45 = arith.constant 2 : i32
    %dma_start3A_46 = arith.constant 2 : i32
    %dma_start3A_47 = arith.constant 0 : i32
    %dma_start3A_48 = arith.constant 0 : i32
    %dma_start3A_49 = tpu.memref_slice %arg6[%dma_start3A_46, %dma_start3A_47, %dma_start3A_48] : memref<6x2x128xi32, #tpu.memory_space<vmem>> -> memref<1x2x128xi32, #tpu.memory_space<vmem>>
    %dma_start3A_50 = tpu.memref_squeeze %dma_start3A_49 : memref<1x2x128xi32, #tpu.memory_space<vmem>> -> memref<2x128xi32, #tpu.memory_space<vmem>>
    %dma_start3A_51 = arith.constant 0 : i32
    %dma_start3A_52 = arith.constant 0 : i32
    %dma_start3A_53 = tpu.memref_slice %arg3[%add3A, %dma_start3A_45, %dma_start3A_51, %dma_start3A_52] : memref<32x84x2x128xi32, #tpu.memory_space<hbm>> -> memref<1x1x2x128xi32, #tpu.memory_space<hbm>>
    %dma_start3A_54 = tpu.memref_squeeze %dma_start3A_53 : memref<1x1x2x128xi32, #tpu.memory_space<hbm>> -> memref<2x128xi32, #tpu.memory_space<hbm>>
    %dma_start3A_55 = arith.constant 0 : i32
    %dma_start3A_56 = arith.constant 0 : i32
    %dma_start3A_57 = tpu.memref_slice %arg6[%dma_start3A_46, %dma_start3A_55, %dma_start3A_56] : memref<6x2x128xi32, #tpu.memory_space<vmem>> -> memref<1x2x128xi32, #tpu.memory_space<vmem>>
    %dma_start3A_58 = tpu.memref_squeeze %dma_start3A_57 : memref<1x2x128xi32, #tpu.memory_space<vmem>> -> memref<2x128xi32, #tpu.memory_space<vmem>>
    %dma_start3A_59 = arith.constant 0 : i32
    %dma_start3A_60 = arith.constant 0 : i32
    %dma_start3A_61 = tpu.memref_slice %arg3[%add3A, %dma_start3A_45, %dma_start3A_59, %dma_start3A_60] : memref<32x84x2x128xi32, #tpu.memory_space<hbm>> -> memref<1x1x2x128xi32, #tpu.memory_space<hbm>>
    %dma_start3A_62 = tpu.memref_squeeze %dma_start3A_61 : memref<1x1x2x128xi32, #tpu.memory_space<hbm>> -> memref<2x128xi32, #tpu.memory_space<hbm>>
    tpu.enqueue_dma source(%dma_start3A_62 : memref<2x128xi32, #tpu.memory_space<hbm>>) target(%dma_start3A_58 : memref<2x128xi32, #tpu.memory_space<vmem>>) target_semaphore(%arg11 : memref<!tpu.dma_semaphore, #tpu.memory_space<semaphore_mem>>)
    %dma_start3A_63 = arith.constant 3 : i32
    %dma_start3A_64 = arith.constant 3 : i32
    %dma_start3A_65 = arith.constant 0 : i32
    %dma_start3A_66 = arith.constant 0 : i32
    %dma_start3A_67 = tpu.memref_slice %arg6[%dma_start3A_64, %dma_start3A_65, %dma_start3A_66] : memref<6x2x128xi32, #tpu.memory_space<vmem>> -> memref<1x2x128xi32, #tpu.memory_space<vmem>>
    %dma_start3A_68 = tpu.memref_squeeze %dma_start3A_67 : memref<1x2x128xi32, #tpu.memory_space<vmem>> -> memref<2x128xi32, #tpu.memory_space<vmem>>
    %dma_start3A_69 = arith.constant 0 : i32
    %dma_start3A_70 = arith.constant 0 : i32
    %dma_start3A_71 = tpu.memref_slice %arg3[%add3A, %dma_start3A_63, %dma_start3A_69, %dma_start3A_70] : memref<32x84x2x128xi32, #tpu.memory_space<hbm>> -> memref<1x1x2x128xi32, #tpu.memory_space<hbm>>
    %dma_start3A_72 = tpu.memref_squeeze %dma_start3A_71 : memref<1x1x2x128xi32, #tpu.memory_space<hbm>> -> memref<2x128xi32, #tpu.memory_space<hbm>>
    %dma_start3A_73 = arith.constant 0 : i32
    %dma_start3A_74 = arith.constant 0 : i32
    %dma_start3A_75 = tpu.memref_slice %arg6[%dma_start3A_64, %dma_start3A_73, %dma_start3A_74] : memref<6x2x128xi32, #tpu.memory_space<vmem>> -> memref<1x2x128xi32, #tpu.memory_space<vmem>>
    %dma_start3A_76 = tpu.memref_squeeze %dma_start3A_75 : memref<1x2x128xi32, #tpu.memory_space<vmem>> -> memref<2x128xi32, #tpu.memory_space<vmem>>
    %dma_start3A_77 = arith.constant 0 : i32
    %dma_start3A_78 = arith.constant 0 : i32
    %dma_start3A_79 = tpu.memref_slice %arg3[%add3A, %dma_start3A_63, %dma_start3A_77, %dma_start3A_78] : memref<32x84x2x128xi32, #tpu.memory_space<hbm>> -> memref<1x1x2x128xi32, #tpu.memory_space<hbm>>
    %dma_start3A_80 = tpu.memref_squeeze %dma_start3A_79 : memref<1x1x2x128xi32, #tpu.memory_space<hbm>> -> memref<2x128xi32, #tpu.memory_space<hbm>>
    tpu.enqueue_dma source(%dma_start3A_80 : memref<2x128xi32, #tpu.memory_space<hbm>>) target(%dma_start3A_76 : memref<2x128xi32, #tpu.memory_space<vmem>>) target_semaphore(%arg12 : memref<!tpu.dma_semaphore, #tpu.memory_space<semaphore_mem>>)
    %dma_start3A_81 = arith.constant 4 : i32
    %dma_start3A_82 = arith.constant 4 : i32
    %dma_start3A_83 = arith.constant 0 : i32
    %dma_start3A_84 = arith.constant 0 : i32
    %dma_start3A_85 = tpu.memref_slice %arg6[%dma_start3A_82, %dma_start3A_83, %dma_start3A_84] : memref<6x2x128xi32, #tpu.memory_space<vmem>> -> memref<1x2x128xi32, #tpu.memory_space<vmem>>
    %dma_start3A_86 = tpu.memref_squeeze %dma_start3A_85 : memref<1x2x128xi32, #tpu.memory_space<vmem>> -> memref<2x128xi32, #tpu.memory_space<vmem>>
    %dma_start3A_87 = arith.constant 0 : i32
    %dma_start3A_88 = arith.constant 0 : i32
    %dma_start3A_89 = tpu.memref_slice %arg3[%add3A, %dma_start3A_81, %dma_start3A_87, %dma_start3A_88] : memref<32x84x2x128xi32, #tpu.memory_space<hbm>> -> memref<1x1x2x128xi32, #tpu.memory_space<hbm>>
    %dma_start3A_90 = tpu.memref_squeeze %dma_start3A_89 : memref<1x1x2x128xi32, #tpu.memory_space<hbm>> -> memref<2x128xi32, #tpu.memory_space<hbm>>
    %dma_start3A_91 = arith.constant 0 : i32
    %dma_start3A_92 = arith.constant 0 : i32
    %dma_start3A_93 = tpu.memref_slice %arg6[%dma_start3A_82, %dma_start3A_91, %dma_start3A_92] : memref<6x2x128xi32, #tpu.memory_space<vmem>> -> memref<1x2x128xi32, #tpu.memory_space<vmem>>
    %dma_start3A_94 = tpu.memref_squeeze %dma_start3A_93 : memref<1x2x128xi32, #tpu.memory_space<vmem>> -> memref<2x128xi32, #tpu.memory_space<vmem>>
    %dma_start3A_95 = arith.constant 0 : i32
    %dma_start3A_96 = arith.constant 0 : i32
    %dma_start3A_97 = tpu.memref_slice %arg3[%add3A, %dma_start3A_81, %dma_start3A_95, %dma_start3A_96] : memref<32x84x2x128xi32, #tpu.memory_space<hbm>> -> memref<1x1x2x128xi32, #tpu.memory_space<hbm>>
    %dma_start3A_98 = tpu.memref_squeeze %dma_start3A_97 : memref<1x1x2x128xi32, #tpu.memory_space<hbm>> -> memref<2x128xi32, #tpu.memory_space<hbm>>
    tpu.enqueue_dma source(%dma_start3A_98 : memref<2x128xi32, #tpu.memory_space<hbm>>) target(%dma_start3A_94 : memref<2x128xi32, #tpu.memory_space<vmem>>) target_semaphore(%arg13 : memref<!tpu.dma_semaphore, #tpu.memory_space<semaphore_mem>>)
    %dma_wait3A = arith.constant 0 : i32
    %dma_wait3A_99 = arith.constant 0 : i32
    %dma_wait3A_100 = arith.constant 0 : i32
    %dma_wait3A_101 = arith.constant 0 : i32
    %dma_wait3A_102 = tpu.memref_slice %arg6[%dma_wait3A_99, %dma_wait3A_100, %dma_wait3A_101] : memref<6x2x128xi32, #tpu.memory_space<vmem>> -> memref<1x2x128xi32, #tpu.memory_space<vmem>>
    %dma_wait3A_103 = tpu.memref_squeeze %dma_wait3A_102 : memref<1x2x128xi32, #tpu.memory_space<vmem>> -> memref<2x128xi32, #tpu.memory_space<vmem>>
    %dma_wait3A_104 = arith.constant 0 : i32
    %dma_wait3A_105 = arith.constant 0 : i32
    %dma_wait3A_106 = tpu.memref_slice %arg3[%add3A, %dma_wait3A, %dma_wait3A_104, %dma_wait3A_105] : memref<32x84x2x128xi32, #tpu.memory_space<hbm>> -> memref<1x1x2x128xi32, #tpu.memory_space<hbm>>
    %dma_wait3A_107 = tpu.memref_squeeze %dma_wait3A_106 : memref<1x1x2x128xi32, #tpu.memory_space<hbm>> -> memref<2x128xi32, #tpu.memory_space<hbm>>
    %dma_wait3A_108 = arith.constant 0 : i32
    %dma_wait3A_109 = arith.constant 0 : i32
    %dma_wait3A_110 = tpu.memref_slice %arg6[%dma_wait3A_99, %dma_wait3A_108, %dma_wait3A_109] : memref<6x2x128xi32, #tpu.memory_space<vmem>> -> memref<1x2x128xi32, #tpu.memory_space<vmem>>
    %dma_wait3A_111 = tpu.memref_squeeze %dma_wait3A_110 : memref<1x2x128xi32, #tpu.memory_space<vmem>> -> memref<2x128xi32, #tpu.memory_space<vmem>>
    %dma_wait3A_112 = arith.constant 0 : i32
    %dma_wait3A_113 = arith.constant 0 : i32
    %dma_wait3A_114 = tpu.memref_slice %arg3[%add3A, %dma_wait3A, %dma_wait3A_112, %dma_wait3A_113] : memref<32x84x2x128xi32, #tpu.memory_space<hbm>> -> memref<1x1x2x128xi32, #tpu.memory_space<hbm>>
    %dma_wait3A_115 = tpu.memref_squeeze %dma_wait3A_114 : memref<1x1x2x128xi32, #tpu.memory_space<hbm>> -> memref<2x128xi32, #tpu.memory_space<hbm>>
    tpu.wait_dma2 semaphore(%arg9 : memref<!tpu.dma_semaphore, #tpu.memory_space<semaphore_mem>>) src(%dma_wait3A_115 : memref<2x128xi32, #tpu.memory_space<hbm>>) dst(%dma_wait3A_111 : memref<2x128xi32, #tpu.memory_space<vmem>>)
    %dma_start3A_116 = arith.constant 0 : i32
    %dma_start3A_117 = arith.constant 0 : i32
    %dma_start3A_118 = arith.constant 0 : i32
    %dma_start3A_119 = arith.constant 0 : i32
    %dma_start3A_120 = arith.constant 0 : i32
    %dma_start3A_121 = tpu.memref_slice %arg7[%dma_start3A_118, %dma_start3A_119, %dma_start3A_120] : memref<3x128x128xf32, #tpu.memory_space<vmem>> -> memref<1x128x128xf32, #tpu.memory_space<vmem>>
    %dma_start3A_122 = tpu.memref_squeeze %dma_start3A_121 : memref<1x128x128xf32, #tpu.memory_space<vmem>> -> memref<128x128xf32, #tpu.memory_space<vmem>>
    %dma_start3A_123 = arith.constant 0 : i32
    %dma_start3A_124 = tpu.memref_slice %arg6[%dma_start3A_116, %dma_start3A_117, %dma_start3A_123] : memref<6x2x128xi32, #tpu.memory_space<vmem>> -> memref<1x1x128xi32, #tpu.memory_space<vmem>>
    %dma_start3A_125 = tpu.memref_squeeze %dma_start3A_124 : memref<1x1x128xi32, #tpu.memory_space<vmem>> -> memref<128xi32, #tpu.memory_space<vmem>>
    %dma_start3A_126 = arith.constant 0 : i32
    %dma_start3A_127 = arith.constant 0 : i32
    %dma_start3A_128 = tpu.memref_slice %arg2[%dma_start3A_126, %dma_start3A_127] : memref<10000x128xf32, #tpu.memory_space<hbm>> -> memref<10000x128xf32, #tpu.memory_space<hbm>>
    tpu.enqueue_indirect_dma source(%dma_start3A_128 : memref<10000x128xf32, #tpu.memory_space<hbm>>) target(%dma_start3A_122 : memref<128x128xf32, #tpu.memory_space<vmem>>) offsets(%dma_start3A_125 : memref<128xi32, #tpu.memory_space<vmem>>) semaphore(%arg15 : memref<!tpu.dma_semaphore, #tpu.memory_space<semaphore_mem>>)
    %dma_wait3A_129 = arith.constant 1 : i32
    %dma_wait3A_130 = arith.constant 1 : i32
    %dma_wait3A_131 = arith.constant 0 : i32
    %dma_wait3A_132 = arith.constant 0 : i32
    %dma_wait3A_133 = tpu.memref_slice %arg6[%dma_wait3A_130, %dma_wait3A_131, %dma_wait3A_132] : memref<6x2x128xi32, #tpu.memory_space<vmem>> -> memref<1x2x128xi32, #tpu.memory_space<vmem>>
    %dma_wait3A_134 = tpu.memref_squeeze %dma_wait3A_133 : memref<1x2x128xi32, #tpu.memory_space<vmem>> -> memref<2x128xi32, #tpu.memory_space<vmem>>
    %dma_wait3A_135 = arith.constant 0 : i32
    %dma_wait3A_136 = arith.constant 0 : i32
    %dma_wait3A_137 = tpu.memref_slice %arg3[%add3A, %dma_wait3A_129, %dma_wait3A_135, %dma_wait3A_136] : memref<32x84x2x128xi32, #tpu.memory_space<hbm>> -> memref<1x1x2x128xi32, #tpu.memory_space<hbm>>
    %dma_wait3A_138 = tpu.memref_squeeze %dma_wait3A_137 : memref<1x1x2x128xi32, #tpu.memory_space<hbm>> -> memref<2x128xi32, #tpu.memory_space<hbm>>
    %dma_wait3A_139 = arith.constant 0 : i32
    %dma_wait3A_140 = arith.constant 0 : i32
    %dma_wait3A_141 = tpu.memref_slice %arg6[%dma_wait3A_130, %dma_wait3A_139, %dma_wait3A_140] : memref<6x2x128xi32, #tpu.memory_space<vmem>> -> memref<1x2x128xi32, #tpu.memory_space<vmem>>
    %dma_wait3A_142 = tpu.memref_squeeze %dma_wait3A_141 : memref<1x2x128xi32, #tpu.memory_space<vmem>> -> memref<2x128xi32, #tpu.memory_space<vmem>>
    %dma_wait3A_143 = arith.constant 0 : i32
    %dma_wait3A_144 = arith.constant 0 : i32
    %dma_wait3A_145 = tpu.memref_slice %arg3[%add3A, %dma_wait3A_129, %dma_wait3A_143, %dma_wait3A_144] : memref<32x84x2x128xi32, #tpu.memory_space<hbm>> -> memref<1x1x2x128xi32, #tpu.memory_space<hbm>>
    %dma_wait3A_146 = tpu.memref_squeeze %dma_wait3A_145 : memref<1x1x2x128xi32, #tpu.memory_space<hbm>> -> memref<2x128xi32, #tpu.memory_space<hbm>>
    tpu.wait_dma2 semaphore(%arg10 : memref<!tpu.dma_semaphore, #tpu.memory_space<semaphore_mem>>) src(%dma_wait3A_146 : memref<2x128xi32, #tpu.memory_space<hbm>>) dst(%dma_wait3A_142 : memref<2x128xi32, #tpu.memory_space<vmem>>)
    %dma_start3A_147 = arith.constant 1 : i32
    %dma_start3A_148 = arith.constant 0 : i32
    %dma_start3A_149 = arith.constant 1 : i32
    %dma_start3A_150 = arith.constant 0 : i32
    %dma_start3A_151 = arith.constant 0 : i32
    %dma_start3A_152 = tpu.memref_slice %arg7[%dma_start3A_149, %dma_start3A_150, %dma_start3A_151] : memref<3x128x128xf32, #tpu.memory_space<vmem>> -> memref<1x128x128xf32, #tpu.memory_space<vmem>>
    %dma_start3A_153 = tpu.memref_squeeze %dma_start3A_152 : memref<1x128x128xf32, #tpu.memory_space<vmem>> -> memref<128x128xf32, #tpu.memory_space<vmem>>
    %dma_start3A_154 = arith.constant 0 : i32
    %dma_start3A_155 = tpu.memref_slice %arg6[%dma_start3A_147, %dma_start3A_148, %dma_start3A_154] : memref<6x2x128xi32, #tpu.memory_space<vmem>> -> memref<1x1x128xi32, #tpu.memory_space<vmem>>
    %dma_start3A_156 = tpu.memref_squeeze %dma_start3A_155 : memref<1x1x128xi32, #tpu.memory_space<vmem>> -> memref<128xi32, #tpu.memory_space<vmem>>
    %dma_start3A_157 = arith.constant 0 : i32
    %dma_start3A_158 = arith.constant 0 : i32
    %dma_start3A_159 = tpu.memref_slice %arg2[%dma_start3A_157, %dma_start3A_158] : memref<10000x128xf32, #tpu.memory_space<hbm>> -> memref<10000x128xf32, #tpu.memory_space<hbm>>
    tpu.enqueue_indirect_dma source(%dma_start3A_159 : memref<10000x128xf32, #tpu.memory_space<hbm>>) target(%dma_start3A_153 : memref<128x128xf32, #tpu.memory_space<vmem>>) offsets(%dma_start3A_156 : memref<128xi32, #tpu.memory_space<vmem>>) semaphore(%arg16 : memref<!tpu.dma_semaphore, #tpu.memory_space<semaphore_mem>>)
    %dma_wait3A_160 = arith.constant 0 : i32
    %dma_wait3A_161 = arith.constant 0 : i32
    %dma_wait3A_162 = arith.constant 0 : i32
    %dma_wait3A_163 = arith.constant 0 : i32
    %dma_wait3A_164 = arith.constant 0 : i32
    %dma_wait3A_165 = tpu.memref_slice %arg7[%dma_wait3A_162, %dma_wait3A_163, %dma_wait3A_164] : memref<3x128x128xf32, #tpu.memory_space<vmem>> -> memref<1x128x128xf32, #tpu.memory_space<vmem>>
    %dma_wait3A_166 = tpu.memref_squeeze %dma_wait3A_165 : memref<1x128x128xf32, #tpu.memory_space<vmem>> -> memref<128x128xf32, #tpu.memory_space<vmem>>
    %dma_wait3A_167 = arith.constant 0 : i32
    %dma_wait3A_168 = tpu.memref_slice %arg6[%dma_wait3A_160, %dma_wait3A_161, %dma_wait3A_167] : memref<6x2x128xi32, #tpu.memory_space<vmem>> -> memref<1x1x128xi32, #tpu.memory_space<vmem>>
    %dma_wait3A_169 = tpu.memref_squeeze %dma_wait3A_168 : memref<1x1x128xi32, #tpu.memory_space<vmem>> -> memref<128xi32, #tpu.memory_space<vmem>>
    %dma_wait3A_170 = arith.constant 0 : i32
    %dma_wait3A_171 = arith.constant 0 : i32
    %dma_wait3A_172 = tpu.memref_slice %arg2[%dma_wait3A_170, %dma_wait3A_171] : memref<10000x128xf32, #tpu.memory_space<hbm>> -> memref<10000x128xf32, #tpu.memory_space<hbm>>
    tpu.wait_indirect_dma semaphore(%arg15 : memref<!tpu.dma_semaphore, #tpu.memory_space<semaphore_mem>>) src(%dma_wait3A_172 : memref<10000x128xf32, #tpu.memory_space<hbm>>) dst(%dma_wait3A_166 : memref<128x128xf32, #tpu.memory_space<vmem>>)
    %dma_start3A_173 = arith.constant 0 : i32
    %dma_start3A_174 = arith.constant 0 : i32
    %dma_start3A_175 = arith.constant 1 : i32
    %dma_start3A_176 = arith.constant 0 : i32
    %dma_start3A_177 = arith.constant 0 : i32
    %dma_start3A_178 = tpu.memref_slice %arg7[%dma_start3A_173, %dma_start3A_176, %dma_start3A_177] : memref<3x128x128xf32, #tpu.memory_space<vmem>> -> memref<1x128x128xf32, #tpu.memory_space<vmem>>
    %dma_start3A_179 = tpu.memref_squeeze %dma_start3A_178 : memref<1x128x128xf32, #tpu.memory_space<vmem>> -> memref<128x128xf32, #tpu.memory_space<vmem>>
    %dma_start3A_180 = arith.constant 0 : i32
    %dma_start3A_181 = tpu.memref_slice %arg6[%dma_start3A_174, %dma_start3A_175, %dma_start3A_180] : memref<6x2x128xi32, #tpu.memory_space<vmem>> -> memref<1x1x128xi32, #tpu.memory_space<vmem>>
    %dma_start3A_182 = tpu.memref_squeeze %dma_start3A_181 : memref<1x1x128xi32, #tpu.memory_space<vmem>> -> memref<128xi32, #tpu.memory_space<vmem>>
    %dma_start3A_183 = arith.constant 0 : i32
    %dma_start3A_184 = arith.constant 0 : i32
    %dma_start3A_185 = tpu.memref_slice %arg8[%dma_start3A_183, %dma_start3A_184] : memref<10016x128xf32, #tpu.memory_space<vmem_shared>> -> memref<10016x128xf32, #tpu.memory_space<vmem_shared>>
    tpu.enqueue_indirect_dma source(%dma_start3A_179 : memref<128x128xf32, #tpu.memory_space<vmem>>) target(%dma_start3A_185 : memref<10016x128xf32, #tpu.memory_space<vmem_shared>>) offsets(%dma_start3A_182 : memref<128xi32, #tpu.memory_space<vmem>>) semaphore(%arg18 : memref<!tpu.dma_semaphore, #tpu.memory_space<semaphore_mem>>) {add = true}
    %dma_wait3A_186 = arith.constant 2 : i32
    %dma_wait3A_187 = arith.constant 2 : i32
    %dma_wait3A_188 = arith.constant 0 : i32
    %dma_wait3A_189 = arith.constant 0 : i32
    %dma_wait3A_190 = tpu.memref_slice %arg6[%dma_wait3A_187, %dma_wait3A_188, %dma_wait3A_189] : memref<6x2x128xi32, #tpu.memory_space<vmem>> -> memref<1x2x128xi32, #tpu.memory_space<vmem>>
    %dma_wait3A_191 = tpu.memref_squeeze %dma_wait3A_190 : memref<1x2x128xi32, #tpu.memory_space<vmem>> -> memref<2x128xi32, #tpu.memory_space<vmem>>
    %dma_wait3A_192 = arith.constant 0 : i32
    %dma_wait3A_193 = arith.constant 0 : i32
    %dma_wait3A_194 = tpu.memref_slice %arg3[%add3A, %dma_wait3A_186, %dma_wait3A_192, %dma_wait3A_193] : memref<32x84x2x128xi32, #tpu.memory_space<hbm>> -> memref<1x1x2x128xi32, #tpu.memory_space<hbm>>
    %dma_wait3A_195 = tpu.memref_squeeze %dma_wait3A_194 : memref<1x1x2x128xi32, #tpu.memory_space<hbm>> -> memref<2x128xi32, #tpu.memory_space<hbm>>
    %dma_wait3A_196 = arith.constant 0 : i32
    %dma_wait3A_197 = arith.constant 0 : i32
    %dma_wait3A_198 = tpu.memref_slice %arg6[%dma_wait3A_187, %dma_wait3A_196, %dma_wait3A_197] : memref<6x2x128xi32, #tpu.memory_space<vmem>> -> memref<1x2x128xi32, #tpu.memory_space<vmem>>
    %dma_wait3A_199 = tpu.memref_squeeze %dma_wait3A_198 : memref<1x2x128xi32, #tpu.memory_space<vmem>> -> memref<2x128xi32, #tpu.memory_space<vmem>>
    %dma_wait3A_200 = arith.constant 0 : i32
    %dma_wait3A_201 = arith.constant 0 : i32
    %dma_wait3A_202 = tpu.memref_slice %arg3[%add3A, %dma_wait3A_186, %dma_wait3A_200, %dma_wait3A_201] : memref<32x84x2x128xi32, #tpu.memory_space<hbm>> -> memref<1x1x2x128xi32, #tpu.memory_space<hbm>>
    %dma_wait3A_203 = tpu.memref_squeeze %dma_wait3A_202 : memref<1x1x2x128xi32, #tpu.memory_space<hbm>> -> memref<2x128xi32, #tpu.memory_space<hbm>>
    tpu.wait_dma2 semaphore(%arg11 : memref<!tpu.dma_semaphore, #tpu.memory_space<semaphore_mem>>) src(%dma_wait3A_203 : memref<2x128xi32, #tpu.memory_space<hbm>>) dst(%dma_wait3A_199 : memref<2x128xi32, #tpu.memory_space<vmem>>)
    %dma_start3A_204 = arith.constant 2 : i32
    %dma_start3A_205 = arith.constant 0 : i32
    %dma_start3A_206 = arith.constant 2 : i32
    %dma_start3A_207 = arith.constant 0 : i32
    %dma_start3A_208 = arith.constant 0 : i32
    %dma_start3A_209 = tpu.memref_slice %arg7[%dma_start3A_206, %dma_start3A_207, %dma_start3A_208] : memref<3x128x128xf32, #tpu.memory_space<vmem>> -> memref<1x128x128xf32, #tpu.memory_space<vmem>>
    %dma_start3A_210 = tpu.memref_squeeze %dma_start3A_209 : memref<1x128x128xf32, #tpu.memory_space<vmem>> -> memref<128x128xf32, #tpu.memory_space<vmem>>
    %dma_start3A_211 = arith.constant 0 : i32
    %dma_start3A_212 = tpu.memref_slice %arg6[%dma_start3A_204, %dma_start3A_205, %dma_start3A_211] : memref<6x2x128xi32, #tpu.memory_space<vmem>> -> memref<1x1x128xi32, #tpu.memory_space<vmem>>
    %dma_start3A_213 = tpu.memref_squeeze %dma_start3A_212 : memref<1x1x128xi32, #tpu.memory_space<vmem>> -> memref<128xi32, #tpu.memory_space<vmem>>
    %dma_start3A_214 = arith.constant 0 : i32
    %dma_start3A_215 = arith.constant 0 : i32
    %dma_start3A_216 = tpu.memref_slice %arg2[%dma_start3A_214, %dma_start3A_215] : memref<10000x128xf32, #tpu.memory_space<hbm>> -> memref<10000x128xf32, #tpu.memory_space<hbm>>
    tpu.enqueue_indirect_dma source(%dma_start3A_216 : memref<10000x128xf32, #tpu.memory_space<hbm>>) target(%dma_start3A_210 : memref<128x128xf32, #tpu.memory_space<vmem>>) offsets(%dma_start3A_213 : memref<128xi32, #tpu.memory_space<vmem>>) semaphore(%arg17 : memref<!tpu.dma_semaphore, #tpu.memory_space<semaphore_mem>>)
    %dma_start3A_217 = arith.constant 5 : i32
    %dma_start3A_218 = arith.constant 5 : i32
    %dma_start3A_219 = arith.constant 0 : i32
    %dma_start3A_220 = arith.constant 0 : i32
    %dma_start3A_221 = tpu.memref_slice %arg6[%dma_start3A_218, %dma_start3A_219, %dma_start3A_220] : memref<6x2x128xi32, #tpu.memory_space<vmem>> -> memref<1x2x128xi32, #tpu.memory_space<vmem>>
    %dma_start3A_222 = tpu.memref_squeeze %dma_start3A_221 : memref<1x2x128xi32, #tpu.memory_space<vmem>> -> memref<2x128xi32, #tpu.memory_space<vmem>>
    %dma_start3A_223 = arith.constant 0 : i32
    %dma_start3A_224 = arith.constant 0 : i32
    %dma_start3A_225 = tpu.memref_slice %arg3[%add3A, %dma_start3A_217, %dma_start3A_223, %dma_start3A_224] : memref<32x84x2x128xi32, #tpu.memory_space<hbm>> -> memref<1x1x2x128xi32, #tpu.memory_space<hbm>>
    %dma_start3A_226 = tpu.memref_squeeze %dma_start3A_225 : memref<1x1x2x128xi32, #tpu.memory_space<hbm>> -> memref<2x128xi32, #tpu.memory_space<hbm>>
    %dma_start3A_227 = arith.constant 0 : i32
    %dma_start3A_228 = arith.constant 0 : i32
    %dma_start3A_229 = tpu.memref_slice %arg6[%dma_start3A_218, %dma_start3A_227, %dma_start3A_228] : memref<6x2x128xi32, #tpu.memory_space<vmem>> -> memref<1x2x128xi32, #tpu.memory_space<vmem>>
    %dma_start3A_230 = tpu.memref_squeeze %dma_start3A_229 : memref<1x2x128xi32, #tpu.memory_space<vmem>> -> memref<2x128xi32, #tpu.memory_space<vmem>>
    %dma_start3A_231 = arith.constant 0 : i32
    %dma_start3A_232 = arith.constant 0 : i32
    %dma_start3A_233 = tpu.memref_slice %arg3[%add3A, %dma_start3A_217, %dma_start3A_231, %dma_start3A_232] : memref<32x84x2x128xi32, #tpu.memory_space<hbm>> -> memref<1x1x2x128xi32, #tpu.memory_space<hbm>>
    %dma_start3A_234 = tpu.memref_squeeze %dma_start3A_233 : memref<1x1x2x128xi32, #tpu.memory_space<hbm>> -> memref<2x128xi32, #tpu.memory_space<hbm>>
    tpu.enqueue_dma source(%dma_start3A_234 : memref<2x128xi32, #tpu.memory_space<hbm>>) target(%dma_start3A_230 : memref<2x128xi32, #tpu.memory_space<vmem>>) target_semaphore(%arg14 : memref<!tpu.dma_semaphore, #tpu.memory_space<semaphore_mem>>)
    %dma_wait3A_235 = arith.constant 1 : i32
    %dma_wait3A_236 = arith.constant 0 : i32
    %dma_wait3A_237 = arith.constant 1 : i32
    %dma_wait3A_238 = arith.constant 0 : i32
    %dma_wait3A_239 = arith.constant 0 : i32
    %dma_wait3A_240 = tpu.memref_slice %arg7[%dma_wait3A_237, %dma_wait3A_238, %dma_wait3A_239] : memref<3x128x128xf32, #tpu.memory_space<vmem>> -> memref<1x128x128xf32, #tpu.memory_space<vmem>>
    %dma_wait3A_241 = tpu.memref_squeeze %dma_wait3A_240 : memref<1x128x128xf32, #tpu.memory_space<vmem>> -> memref<128x128xf32, #tpu.memory_space<vmem>>
    %dma_wait3A_242 = arith.constant 0 : i32
    %dma_wait3A_243 = tpu.memref_slice %arg6[%dma_wait3A_235, %dma_wait3A_236, %dma_wait3A_242] : memref<6x2x128xi32, #tpu.memory_space<vmem>> -> memref<1x1x128xi32, #tpu.memory_space<vmem>>
    %dma_wait3A_244 = tpu.memref_squeeze %dma_wait3A_243 : memref<1x1x128xi32, #tpu.memory_space<vmem>> -> memref<128xi32, #tpu.memory_space<vmem>>
    %dma_wait3A_245 = arith.constant 0 : i32
    %dma_wait3A_246 = arith.constant 0 : i32
    %dma_wait3A_247 = tpu.memref_slice %arg2[%dma_wait3A_245, %dma_wait3A_246] : memref<10000x128xf32, #tpu.memory_space<hbm>> -> memref<10000x128xf32, #tpu.memory_space<hbm>>
    tpu.wait_indirect_dma semaphore(%arg16 : memref<!tpu.dma_semaphore, #tpu.memory_space<semaphore_mem>>) src(%dma_wait3A_247 : memref<10000x128xf32, #tpu.memory_space<hbm>>) dst(%dma_wait3A_241 : memref<128x128xf32, #tpu.memory_space<vmem>>)
    %dma_start3A_248 = arith.constant 1 : i32
    %dma_start3A_249 = arith.constant 1 : i32
    %dma_start3A_250 = arith.constant 1 : i32
    %dma_start3A_251 = arith.constant 0 : i32
    %dma_start3A_252 = arith.constant 0 : i32
    %dma_start3A_253 = tpu.memref_slice %arg7[%dma_start3A_248, %dma_start3A_251, %dma_start3A_252] : memref<3x128x128xf32, #tpu.memory_space<vmem>> -> memref<1x128x128xf32, #tpu.memory_space<vmem>>
    %dma_start3A_254 = tpu.memref_squeeze %dma_start3A_253 : memref<1x128x128xf32, #tpu.memory_space<vmem>> -> memref<128x128xf32, #tpu.memory_space<vmem>>
    %dma_start3A_255 = arith.constant 0 : i32
    %dma_start3A_256 = tpu.memref_slice %arg6[%dma_start3A_249, %dma_start3A_250, %dma_start3A_255] : memref<6x2x128xi32, #tpu.memory_space<vmem>> -> memref<1x1x128xi32, #tpu.memory_space<vmem>>
    %dma_start3A_257 = tpu.memref_squeeze %dma_start3A_256 : memref<1x1x128xi32, #tpu.memory_space<vmem>> -> memref<128xi32, #tpu.memory_space<vmem>>
    %dma_start3A_258 = arith.constant 0 : i32
    %dma_start3A_259 = arith.constant 0 : i32
    %dma_start3A_260 = tpu.memref_slice %arg8[%dma_start3A_258, %dma_start3A_259] : memref<10016x128xf32, #tpu.memory_space<vmem_shared>> -> memref<10016x128xf32, #tpu.memory_space<vmem_shared>>
    tpu.enqueue_indirect_dma source(%dma_start3A_254 : memref<128x128xf32, #tpu.memory_space<vmem>>) target(%dma_start3A_260 : memref<10016x128xf32, #tpu.memory_space<vmem_shared>>) offsets(%dma_start3A_257 : memref<128xi32, #tpu.memory_space<vmem>>) semaphore(%arg19 : memref<!tpu.dma_semaphore, #tpu.memory_space<semaphore_mem>>) {add = true}
    %dma_wait3A_261 = arith.constant 0 : i32
    %dma_wait3A_262 = arith.constant 0 : i32
    %dma_wait3A_263 = arith.constant 1 : i32
    %dma_wait3A_264 = arith.constant 0 : i32
    %dma_wait3A_265 = arith.constant 0 : i32
    %dma_wait3A_266 = tpu.memref_slice %arg7[%dma_wait3A_261, %dma_wait3A_264, %dma_wait3A_265] : memref<3x128x128xf32, #tpu.memory_space<vmem>> -> memref<1x128x128xf32, #tpu.memory_space<vmem>>
    %dma_wait3A_267 = tpu.memref_squeeze %dma_wait3A_266 : memref<1x128x128xf32, #tpu.memory_space<vmem>> -> memref<128x128xf32, #tpu.memory_space<vmem>>
    %dma_wait3A_268 = arith.constant 0 : i32
    %dma_wait3A_269 = tpu.memref_slice %arg6[%dma_wait3A_262, %dma_wait3A_263, %dma_wait3A_268] : memref<6x2x128xi32, #tpu.memory_space<vmem>> -> memref<1x1x128xi32, #tpu.memory_space<vmem>>
    %dma_wait3A_270 = tpu.memref_squeeze %dma_wait3A_269 : memref<1x1x128xi32, #tpu.memory_space<vmem>> -> memref<128xi32, #tpu.memory_space<vmem>>
    %dma_wait3A_271 = arith.constant 0 : i32
    %dma_wait3A_272 = arith.constant 0 : i32
    %dma_wait3A_273 = tpu.memref_slice %arg8[%dma_wait3A_271, %dma_wait3A_272] : memref<10016x128xf32, #tpu.memory_space<vmem_shared>> -> memref<10016x128xf32, #tpu.memory_space<vmem_shared>>
    tpu.wait_indirect_dma semaphore(%arg18 : memref<!tpu.dma_semaphore, #tpu.memory_space<semaphore_mem>>) src(%dma_wait3A_267 : memref<128x128xf32, #tpu.memory_space<vmem>>) dst(%dma_wait3A_273 : memref<10016x128xf32, #tpu.memory_space<vmem_shared>>)
    %dma_wait3A_274 = arith.constant 3 : i32
    %dma_wait3A_275 = arith.constant 3 : i32
    %dma_wait3A_276 = arith.constant 0 : i32
    %dma_wait3A_277 = arith.constant 0 : i32
    %dma_wait3A_278 = tpu.memref_slice %arg6[%dma_wait3A_275, %dma_wait3A_276, %dma_wait3A_277] : memref<6x2x128xi32, #tpu.memory_space<vmem>> -> memref<1x2x128xi32, #tpu.memory_space<vmem>>
    %dma_wait3A_279 = tpu.memref_squeeze %dma_wait3A_278 : memref<1x2x128xi32, #tpu.memory_space<vmem>> -> memref<2x128xi32, #tpu.memory_space<vmem>>
    %dma_wait3A_280 = arith.constant 0 : i32
    %dma_wait3A_281 = arith.constant 0 : i32
    %dma_wait3A_282 = tpu.memref_slice %arg3[%add3A, %dma_wait3A_274, %dma_wait3A_280, %dma_wait3A_281] : memref<32x84x2x128xi32, #tpu.memory_space<hbm>> -> memref<1x1x2x128xi32, #tpu.memory_space<hbm>>
    %dma_wait3A_283 = tpu.memref_squeeze %dma_wait3A_282 : memref<1x1x2x128xi32, #tpu.memory_space<hbm>> -> memref<2x128xi32, #tpu.memory_space<hbm>>
    %dma_wait3A_284 = arith.constant 0 : i32
    %dma_wait3A_285 = arith.constant 0 : i32
    %dma_wait3A_286 = tpu.memref_slice %arg6[%dma_wait3A_275, %dma_wait3A_284, %dma_wait3A_285] : memref<6x2x128xi32, #tpu.memory_space<vmem>> -> memref<1x2x128xi32, #tpu.memory_space<vmem>>
    %dma_wait3A_287 = tpu.memref_squeeze %dma_wait3A_286 : memref<1x2x128xi32, #tpu.memory_space<vmem>> -> memref<2x128xi32, #tpu.memory_space<vmem>>
    %dma_wait3A_288 = arith.constant 0 : i32
    %dma_wait3A_289 = arith.constant 0 : i32
    %dma_wait3A_290 = tpu.memref_slice %arg3[%add3A, %dma_wait3A_274, %dma_wait3A_288, %dma_wait3A_289] : memref<32x84x2x128xi32, #tpu.memory_space<hbm>> -> memref<1x1x2x128xi32, #tpu.memory_space<hbm>>
    %dma_wait3A_291 = tpu.memref_squeeze %dma_wait3A_290 : memref<1x1x2x128xi32, #tpu.memory_space<hbm>> -> memref<2x128xi32, #tpu.memory_space<hbm>>
    tpu.wait_dma2 semaphore(%arg12 : memref<!tpu.dma_semaphore, #tpu.memory_space<semaphore_mem>>) src(%dma_wait3A_291 : memref<2x128xi32, #tpu.memory_space<hbm>>) dst(%dma_wait3A_287 : memref<2x128xi32, #tpu.memory_space<vmem>>)
    %dma_start3A_292 = arith.constant 3 : i32
    %dma_start3A_293 = arith.constant 0 : i32
    %dma_start3A_294 = arith.constant 0 : i32
    %dma_start3A_295 = arith.constant 0 : i32
    %dma_start3A_296 = arith.constant 0 : i32
    %dma_start3A_297 = tpu.memref_slice %arg7[%dma_start3A_294, %dma_start3A_295, %dma_start3A_296] : memref<3x128x128xf32, #tpu.memory_space<vmem>> -> memref<1x128x128xf32, #tpu.memory_space<vmem>>
    %dma_start3A_298 = tpu.memref_squeeze %dma_start3A_297 : memref<1x128x128xf32, #tpu.memory_space<vmem>> -> memref<128x128xf32, #tpu.memory_space<vmem>>
    %dma_start3A_299 = arith.constant 0 : i32
    %dma_start3A_300 = tpu.memref_slice %arg6[%dma_start3A_292, %dma_start3A_293, %dma_start3A_299] : memref<6x2x128xi32, #tpu.memory_space<vmem>> -> memref<1x1x128xi32, #tpu.memory_space<vmem>>
    %dma_start3A_301 = tpu.memref_squeeze %dma_start3A_300 : memref<1x1x128xi32, #tpu.memory_space<vmem>> -> memref<128xi32, #tpu.memory_space<vmem>>
    %dma_start3A_302 = arith.constant 0 : i32
    %dma_start3A_303 = arith.constant 0 : i32
    %dma_start3A_304 = tpu.memref_slice %arg2[%dma_start3A_302, %dma_start3A_303] : memref<10000x128xf32, #tpu.memory_space<hbm>> -> memref<10000x128xf32, #tpu.memory_space<hbm>>
    tpu.enqueue_indirect_dma source(%dma_start3A_304 : memref<10000x128xf32, #tpu.memory_space<hbm>>) target(%dma_start3A_298 : memref<128x128xf32, #tpu.memory_space<vmem>>) offsets(%dma_start3A_301 : memref<128xi32, #tpu.memory_space<vmem>>) semaphore(%arg15 : memref<!tpu.dma_semaphore, #tpu.memory_space<semaphore_mem>>)
    %dma_start3A_305 = arith.constant 6 : i32
    %dma_start3A_306 = arith.constant 0 : i32
    %dma_start3A_307 = arith.constant 0 : i32
    %dma_start3A_308 = arith.constant 0 : i32
    %dma_start3A_309 = tpu.memref_slice %arg6[%dma_start3A_306, %dma_start3A_307, %dma_start3A_308] : memref<6x2x128xi32, #tpu.memory_space<vmem>> -> memref<1x2x128xi32, #tpu.memory_space<vmem>>
    %dma_start3A_310 = tpu.memref_squeeze %dma_start3A_309 : memref<1x2x128xi32, #tpu.memory_space<vmem>> -> memref<2x128xi32, #tpu.memory_space<vmem>>
    %dma_start3A_311 = arith.constant 0 : i32
    %dma_start3A_312 = arith.constant 0 : i32
    %dma_start3A_313 = tpu.memref_slice %arg3[%add3A, %dma_start3A_305, %dma_start3A_311, %dma_start3A_312] : memref<32x84x2x128xi32, #tpu.memory_space<hbm>> -> memref<1x1x2x128xi32, #tpu.memory_space<hbm>>
    %dma_start3A_314 = tpu.memref_squeeze %dma_start3A_313 : memref<1x1x2x128xi32, #tpu.memory_space<hbm>> -> memref<2x128xi32, #tpu.memory_space<hbm>>
    %dma_start3A_315 = arith.constant 0 : i32
    %dma_start3A_316 = arith.constant 0 : i32
    %dma_start3A_317 = tpu.memref_slice %arg6[%dma_start3A_306, %dma_start3A_315, %dma_start3A_316] : memref<6x2x128xi32, #tpu.memory_space<vmem>> -> memref<1x2x128xi32, #tpu.memory_space<vmem>>
    %dma_start3A_318 = tpu.memref_squeeze %dma_start3A_317 : memref<1x2x128xi32, #tpu.memory_space<vmem>> -> memref<2x128xi32, #tpu.memory_space<vmem>>
    %dma_start3A_319 = arith.constant 0 : i32
    %dma_start3A_320 = arith.constant 0 : i32
    %dma_start3A_321 = tpu.memref_slice %arg3[%add3A, %dma_start3A_305, %dma_start3A_319, %dma_start3A_320] : memref<32x84x2x128xi32, #tpu.memory_space<hbm>> -> memref<1x1x2x128xi32, #tpu.memory_space<hbm>>
    %dma_start3A_322 = tpu.memref_squeeze %dma_start3A_321 : memref<1x1x2x128xi32, #tpu.memory_space<hbm>> -> memref<2x128xi32, #tpu.memory_space<hbm>>
    tpu.enqueue_dma source(%dma_start3A_322 : memref<2x128xi32, #tpu.memory_space<hbm>>) target(%dma_start3A_318 : memref<2x128xi32, #tpu.memory_space<vmem>>) target_semaphore(%arg9 : memref<!tpu.dma_semaphore, #tpu.memory_space<semaphore_mem>>)
    %dma_wait3A_323 = arith.constant 2 : i32
    %dma_wait3A_324 = arith.constant 0 : i32
    %dma_wait3A_325 = arith.constant 2 : i32
    %dma_wait3A_326 = arith.constant 0 : i32
    %dma_wait3A_327 = arith.constant 0 : i32
    %dma_wait3A_328 = tpu.memref_slice %arg7[%dma_wait3A_325, %dma_wait3A_326, %dma_wait3A_327] : memref<3x128x128xf32, #tpu.memory_space<vmem>> -> memref<1x128x128xf32, #tpu.memory_space<vmem>>
    %dma_wait3A_329 = tpu.memref_squeeze %dma_wait3A_328 : memref<1x128x128xf32, #tpu.memory_space<vmem>> -> memref<128x128xf32, #tpu.memory_space<vmem>>
    %dma_wait3A_330 = arith.constant 0 : i32
    %dma_wait3A_331 = tpu.memref_slice %arg6[%dma_wait3A_323, %dma_wait3A_324, %dma_wait3A_330] : memref<6x2x128xi32, #tpu.memory_space<vmem>> -> memref<1x1x128xi32, #tpu.memory_space<vmem>>
    %dma_wait3A_332 = tpu.memref_squeeze %dma_wait3A_331 : memref<1x1x128xi32, #tpu.memory_space<vmem>> -> memref<128xi32, #tpu.memory_space<vmem>>
    %dma_wait3A_333 = arith.constant 0 : i32
    %dma_wait3A_334 = arith.constant 0 : i32
    %dma_wait3A_335 = tpu.memref_slice %arg2[%dma_wait3A_333, %dma_wait3A_334] : memref<10000x128xf32, #tpu.memory_space<hbm>> -> memref<10000x128xf32, #tpu.memory_space<hbm>>
    tpu.wait_indirect_dma semaphore(%arg17 : memref<!tpu.dma_semaphore, #tpu.memory_space<semaphore_mem>>) src(%dma_wait3A_335 : memref<10000x128xf32, #tpu.memory_space<hbm>>) dst(%dma_wait3A_329 : memref<128x128xf32, #tpu.memory_space<vmem>>)
    %dma_start3A_336 = arith.constant 2 : i32
    %dma_start3A_337 = arith.constant 2 : i32
    %dma_start3A_338 = arith.constant 1 : i32
    %dma_start3A_339 = arith.constant 0 : i32
    %dma_start3A_340 = arith.constant 0 : i32
    %dma_start3A_341 = tpu.memref_slice %arg7[%dma_start3A_336, %dma_start3A_339, %dma_start3A_340] : memref<3x128x128xf32, #tpu.memory_space<vmem>> -> memref<1x128x128xf32, #tpu.memory_space<vmem>>
    %dma_start3A_342 = tpu.memref_squeeze %dma_start3A_341 : memref<1x128x128xf32, #tpu.memory_space<vmem>> -> memref<128x128xf32, #tpu.memory_space<vmem>>
    %dma_start3A_343 = arith.constant 0 : i32
    %dma_start3A_344 = tpu.memref_slice %arg6[%dma_start3A_337, %dma_start3A_338, %dma_start3A_343] : memref<6x2x128xi32, #tpu.memory_space<vmem>> -> memref<1x1x128xi32, #tpu.memory_space<vmem>>
    %dma_start3A_345 = tpu.memref_squeeze %dma_start3A_344 : memref<1x1x128xi32, #tpu.memory_space<vmem>> -> memref<128xi32, #tpu.memory_space<vmem>>
    %dma_start3A_346 = arith.constant 0 : i32
    %dma_start3A_347 = arith.constant 0 : i32
    %dma_start3A_348 = tpu.memref_slice %arg8[%dma_start3A_346, %dma_start3A_347] : memref<10016x128xf32, #tpu.memory_space<vmem_shared>> -> memref<10016x128xf32, #tpu.memory_space<vmem_shared>>
    tpu.enqueue_indirect_dma source(%dma_start3A_342 : memref<128x128xf32, #tpu.memory_space<vmem>>) target(%dma_start3A_348 : memref<10016x128xf32, #tpu.memory_space<vmem_shared>>) offsets(%dma_start3A_345 : memref<128xi32, #tpu.memory_space<vmem>>) semaphore(%arg20 : memref<!tpu.dma_semaphore, #tpu.memory_space<semaphore_mem>>) {add = true}
    %dma_wait3A_349 = arith.constant 1 : i32
    %dma_wait3A_350 = arith.constant 1 : i32
    %dma_wait3A_351 = arith.constant 1 : i32
    %dma_wait3A_352 = arith.constant 0 : i32
    %dma_wait3A_353 = arith.constant 0 : i32
    %dma_wait3A_354 = tpu.memref_slice %arg7[%dma_wait3A_349, %dma_wait3A_352, %dma_wait3A_353] : memref<3x128x128xf32, #tpu.memory_space<vmem>> -> memref<1x128x128xf32, #tpu.memory_space<vmem>>
    %dma_wait3A_355 = tpu.memref_squeeze %dma_wait3A_354 : memref<1x128x128xf32, #tpu.memory_space<vmem>> -> memref<128x128xf32, #tpu.memory_space<vmem>>
    %dma_wait3A_356 = arith.constant 0 : i32
    %dma_wait3A_357 = tpu.memref_slice %arg6[%dma_wait3A_350, %dma_wait3A_351, %dma_wait3A_356] : memref<6x2x128xi32, #tpu.memory_space<vmem>> -> memref<1x1x128xi32, #tpu.memory_space<vmem>>
    %dma_wait3A_358 = tpu.memref_squeeze %dma_wait3A_357 : memref<1x1x128xi32, #tpu.memory_space<vmem>> -> memref<128xi32, #tpu.memory_space<vmem>>
    %dma_wait3A_359 = arith.constant 0 : i32
    %dma_wait3A_360 = arith.constant 0 : i32
    %dma_wait3A_361 = tpu.memref_slice %arg8[%dma_wait3A_359, %dma_wait3A_360] : memref<10016x128xf32, #tpu.memory_space<vmem_shared>> -> memref<10016x128xf32, #tpu.memory_space<vmem_shared>>
    tpu.wait_indirect_dma semaphore(%arg19 : memref<!tpu.dma_semaphore, #tpu.memory_space<semaphore_mem>>) src(%dma_wait3A_355 : memref<128x128xf32, #tpu.memory_space<vmem>>) dst(%dma_wait3A_361 : memref<10016x128xf32, #tpu.memory_space<vmem_shared>>)
    %dma_wait3A_362 = arith.constant 4 : i32
    %dma_wait3A_363 = arith.constant 4 : i32
    %dma_wait3A_364 = arith.constant 0 : i32
    %dma_wait3A_365 = arith.constant 0 : i32
    %dma_wait3A_366 = tpu.memref_slice %arg6[%dma_wait3A_363, %dma_wait3A_364, %dma_wait3A_365] : memref<6x2x128xi32, #tpu.memory_space<vmem>> -> memref<1x2x128xi32, #tpu.memory_space<vmem>>
    %dma_wait3A_367 = tpu.memref_squeeze %dma_wait3A_366 : memref<1x2x128xi32, #tpu.memory_space<vmem>> -> memref<2x128xi32, #tpu.memory_space<vmem>>
    %dma_wait3A_368 = arith.constant 0 : i32
    %dma_wait3A_369 = arith.constant 0 : i32
    %dma_wait3A_370 = tpu.memref_slice %arg3[%add3A, %dma_wait3A_362, %dma_wait3A_368, %dma_wait3A_369] : memref<32x84x2x128xi32, #tpu.memory_space<hbm>> -> memref<1x1x2x128xi32, #tpu.memory_space<hbm>>
    %dma_wait3A_371 = tpu.memref_squeeze %dma_wait3A_370 : memref<1x1x2x128xi32, #tpu.memory_space<hbm>> -> memref<2x128xi32, #tpu.memory_space<hbm>>
    %dma_wait3A_372 = arith.constant 0 : i32
    %dma_wait3A_373 = arith.constant 0 : i32
    %dma_wait3A_374 = tpu.memref_slice %arg6[%dma_wait3A_363, %dma_wait3A_372, %dma_wait3A_373] : memref<6x2x128xi32, #tpu.memory_space<vmem>> -> memref<1x2x128xi32, #tpu.memory_space<vmem>>
    %dma_wait3A_375 = tpu.memref_squeeze %dma_wait3A_374 : memref<1x2x128xi32, #tpu.memory_space<vmem>> -> memref<2x128xi32, #tpu.memory_space<vmem>>
    %dma_wait3A_376 = arith.constant 0 : i32
    %dma_wait3A_377 = arith.constant 0 : i32
    %dma_wait3A_378 = tpu.memref_slice %arg3[%add3A, %dma_wait3A_362, %dma_wait3A_376, %dma_wait3A_377] : memref<32x84x2x128xi32, #tpu.memory_space<hbm>> -> memref<1x1x2x128xi32, #tpu.memory_space<hbm>>
    %dma_wait3A_379 = tpu.memref_squeeze %dma_wait3A_378 : memref<1x1x2x128xi32, #tpu.memory_space<hbm>> -> memref<2x128xi32, #tpu.memory_space<hbm>>
    tpu.wait_dma2 semaphore(%arg13 : memref<!tpu.dma_semaphore, #tpu.memory_space<semaphore_mem>>) src(%dma_wait3A_379 : memref<2x128xi32, #tpu.memory_space<hbm>>) dst(%dma_wait3A_375 : memref<2x128xi32, #tpu.memory_space<vmem>>)
    %dma_start3A_380 = arith.constant 4 : i32
    %dma_start3A_381 = arith.constant 0 : i32
    %dma_start3A_382 = arith.constant 1 : i32
    %dma_start3A_383 = arith.constant 0 : i32
    %dma_start3A_384 = arith.constant 0 : i32
    %dma_start3A_385 = tpu.memref_slice %arg7[%dma_start3A_382, %dma_start3A_383, %dma_start3A_384] : memref<3x128x128xf32, #tpu.memory_space<vmem>> -> memref<1x128x128xf32, #tpu.memory_space<vmem>>
    %dma_start3A_386 = tpu.memref_squeeze %dma_start3A_385 : memref<1x128x128xf32, #tpu.memory_space<vmem>> -> memref<128x128xf32, #tpu.memory_space<vmem>>
    %dma_start3A_387 = arith.constant 0 : i32
    %dma_start3A_388 = tpu.memref_slice %arg6[%dma_start3A_380, %dma_start3A_381, %dma_start3A_387] : memref<6x2x128xi32, #tpu.memory_space<vmem>> -> memref<1x1x128xi32, #tpu.memory_space<vmem>>
    %dma_start3A_389 = tpu.memref_squeeze %dma_start3A_388 : memref<1x1x128xi32, #tpu.memory_space<vmem>> -> memref<128xi32, #tpu.memory_space<vmem>>
    %dma_start3A_390 = arith.constant 0 : i32
    %dma_start3A_391 = arith.constant 0 : i32
    %dma_start3A_392 = tpu.memref_slice %arg2[%dma_start3A_390, %dma_start3A_391] : memref<10000x128xf32, #tpu.memory_space<hbm>> -> memref<10000x128xf32, #tpu.memory_space<hbm>>
    tpu.enqueue_indirect_dma source(%dma_start3A_392 : memref<10000x128xf32, #tpu.memory_space<hbm>>) target(%dma_start3A_386 : memref<128x128xf32, #tpu.memory_space<vmem>>) offsets(%dma_start3A_389 : memref<128xi32, #tpu.memory_space<vmem>>) semaphore(%arg16 : memref<!tpu.dma_semaphore, #tpu.memory_space<semaphore_mem>>)
    %dma_start3A_393 = arith.constant 7 : i32
    %dma_start3A_394 = arith.constant 1 : i32
    %dma_start3A_395 = arith.constant 0 : i32
    %dma_start3A_396 = arith.constant 0 : i32
    %dma_start3A_397 = tpu.memref_slice %arg6[%dma_start3A_394, %dma_start3A_395, %dma_start3A_396] : memref<6x2x128xi32, #tpu.memory_space<vmem>> -> memref<1x2x128xi32, #tpu.memory_space<vmem>>
    %dma_start3A_398 = tpu.memref_squeeze %dma_start3A_397 : memref<1x2x128xi32, #tpu.memory_space<vmem>> -> memref<2x128xi32, #tpu.memory_space<vmem>>
    %dma_start3A_399 = arith.constant 0 : i32
    %dma_start3A_400 = arith.constant 0 : i32
    %dma_start3A_401 = tpu.memref_slice %arg3[%add3A, %dma_start3A_393, %dma_start3A_399, %dma_start3A_400] : memref<32x84x2x128xi32, #tpu.memory_space<hbm>> -> memref<1x1x2x128xi32, #tpu.memory_space<hbm>>
    %dma_start3A_402 = tpu.memref_squeeze %dma_start3A_401 : memref<1x1x2x128xi32, #tpu.memory_space<hbm>> -> memref<2x128xi32, #tpu.memory_space<hbm>>
    %dma_start3A_403 = arith.constant 0 : i32
    %dma_start3A_404 = arith.constant 0 : i32
    %dma_start3A_405 = tpu.memref_slice %arg6[%dma_start3A_394, %dma_start3A_403, %dma_start3A_404] : memref<6x2x128xi32, #tpu.memory_space<vmem>> -> memref<1x2x128xi32, #tpu.memory_space<vmem>>
    %dma_start3A_406 = tpu.memref_squeeze %dma_start3A_405 : memref<1x2x128xi32, #tpu.memory_space<vmem>> -> memref<2x128xi32, #tpu.memory_space<vmem>>
    %dma_start3A_407 = arith.constant 0 : i32
    %dma_start3A_408 = arith.constant 0 : i32
    %dma_start3A_409 = tpu.memref_slice %arg3[%add3A, %dma_start3A_393, %dma_start3A_407, %dma_start3A_408] : memref<32x84x2x128xi32, #tpu.memory_space<hbm>> -> memref<1x1x2x128xi32, #tpu.memory_space<hbm>>
    %dma_start3A_410 = tpu.memref_squeeze %dma_start3A_409 : memref<1x1x2x128xi32, #tpu.memory_space<hbm>> -> memref<2x128xi32, #tpu.memory_space<hbm>>
    tpu.enqueue_dma source(%dma_start3A_410 : memref<2x128xi32, #tpu.memory_space<hbm>>) target(%dma_start3A_406 : memref<2x128xi32, #tpu.memory_space<vmem>>) target_semaphore(%arg10 : memref<!tpu.dma_semaphore, #tpu.memory_space<semaphore_mem>>)
    %dma_wait3A_411 = arith.constant 3 : i32
    %dma_wait3A_412 = arith.constant 0 : i32
    %dma_wait3A_413 = arith.constant 0 : i32
    %dma_wait3A_414 = arith.constant 0 : i32
    %dma_wait3A_415 = arith.constant 0 : i32
    %dma_wait3A_416 = tpu.memref_slice %arg7[%dma_wait3A_413, %dma_wait3A_414, %dma_wait3A_415] : memref<3x128x128xf32, #tpu.memory_space<vmem>> -> memref<1x128x128xf32, #tpu.memory_space<vmem>>
    %dma_wait3A_417 = tpu.memref_squeeze %dma_wait3A_416 : memref<1x128x128xf32, #tpu.memory_space<vmem>> -> memref<128x128xf32, #tpu.memory_space<vmem>>
    %dma_wait3A_418 = arith.constant 0 : i32
    %dma_wait3A_419 = tpu.memref_slice %arg6[%dma_wait3A_411, %dma_wait3A_412, %dma_wait3A_418] : memref<6x2x128xi32, #tpu.memory_space<vmem>> -> memref<1x1x128xi32, #tpu.memory_space<vmem>>
    %dma_wait3A_420 = tpu.memref_squeeze %dma_wait3A_419 : memref<1x1x128xi32, #tpu.memory_space<vmem>> -> memref<128xi32, #tpu.memory_space<vmem>>
    %dma_wait3A_421 = arith.constant 0 : i32
    %dma_wait3A_422 = arith.constant 0 : i32
    %dma_wait3A_423 = tpu.memref_slice %arg2[%dma_wait3A_421, %dma_wait3A_422] : memref<10000x128xf32, #tpu.memory_space<hbm>> -> memref<10000x128xf32, #tpu.memory_space<hbm>>
    tpu.wait_indirect_dma semaphore(%arg15 : memref<!tpu.dma_semaphore, #tpu.memory_space<semaphore_mem>>) src(%dma_wait3A_423 : memref<10000x128xf32, #tpu.memory_space<hbm>>) dst(%dma_wait3A_417 : memref<128x128xf32, #tpu.memory_space<vmem>>)
    %dma_start3A_424 = arith.constant 0 : i32
    %dma_start3A_425 = arith.constant 3 : i32
    %dma_start3A_426 = arith.constant 1 : i32
    %dma_start3A_427 = arith.constant 0 : i32
    %dma_start3A_428 = arith.constant 0 : i32
    %dma_start3A_429 = tpu.memref_slice %arg7[%dma_start3A_424, %dma_start3A_427, %dma_start3A_428] : memref<3x128x128xf32, #tpu.memory_space<vmem>> -> memref<1x128x128xf32, #tpu.memory_space<vmem>>
    %dma_start3A_430 = tpu.memref_squeeze %dma_start3A_429 : memref<1x128x128xf32, #tpu.memory_space<vmem>> -> memref<128x128xf32, #tpu.memory_space<vmem>>
    %dma_start3A_431 = arith.constant 0 : i32
    %dma_start3A_432 = tpu.memref_slice %arg6[%dma_start3A_425, %dma_start3A_426, %dma_start3A_431] : memref<6x2x128xi32, #tpu.memory_space<vmem>> -> memref<1x1x128xi32, #tpu.memory_space<vmem>>
    %dma_start3A_433 = tpu.memref_squeeze %dma_start3A_432 : memref<1x1x128xi32, #tpu.memory_space<vmem>> -> memref<128xi32, #tpu.memory_space<vmem>>
    %dma_start3A_434 = arith.constant 0 : i32
    %dma_start3A_435 = arith.constant 0 : i32
    %dma_start3A_436 = tpu.memref_slice %arg8[%dma_start3A_434, %dma_start3A_435] : memref<10016x128xf32, #tpu.memory_space<vmem_shared>> -> memref<10016x128xf32, #tpu.memory_space<vmem_shared>>
    tpu.enqueue_indirect_dma source(%dma_start3A_430 : memref<128x128xf32, #tpu.memory_space<vmem>>) target(%dma_start3A_436 : memref<10016x128xf32, #tpu.memory_space<vmem_shared>>) offsets(%dma_start3A_433 : memref<128xi32, #tpu.memory_space<vmem>>) semaphore(%arg18 : memref<!tpu.dma_semaphore, #tpu.memory_space<semaphore_mem>>) {add = true}
    %dma_wait3A_437 = arith.constant 2 : i32
    %dma_wait3A_438 = arith.constant 2 : i32
    %dma_wait3A_439 = arith.constant 1 : i32
    %dma_wait3A_440 = arith.constant 0 : i32
    %dma_wait3A_441 = arith.constant 0 : i32
    %dma_wait3A_442 = tpu.memref_slice %arg7[%dma_wait3A_437, %dma_wait3A_440, %dma_wait3A_441] : memref<3x128x128xf32, #tpu.memory_space<vmem>> -> memref<1x128x128xf32, #tpu.memory_space<vmem>>
    %dma_wait3A_443 = tpu.memref_squeeze %dma_wait3A_442 : memref<1x128x128xf32, #tpu.memory_space<vmem>> -> memref<128x128xf32, #tpu.memory_space<vmem>>
    %dma_wait3A_444 = arith.constant 0 : i32
    %dma_wait3A_445 = tpu.memref_slice %arg6[%dma_wait3A_438, %dma_wait3A_439, %dma_wait3A_444] : memref<6x2x128xi32, #tpu.memory_space<vmem>> -> memref<1x1x128xi32, #tpu.memory_space<vmem>>
    %dma_wait3A_446 = tpu.memref_squeeze %dma_wait3A_445 : memref<1x1x128xi32, #tpu.memory_space<vmem>> -> memref<128xi32, #tpu.memory_space<vmem>>
    %dma_wait3A_447 = arith.constant 0 : i32
    %dma_wait3A_448 = arith.constant 0 : i32
    %dma_wait3A_449 = tpu.memref_slice %arg8[%dma_wait3A_447, %dma_wait3A_448] : memref<10016x128xf32, #tpu.memory_space<vmem_shared>> -> memref<10016x128xf32, #tpu.memory_space<vmem_shared>>
    tpu.wait_indirect_dma semaphore(%arg20 : memref<!tpu.dma_semaphore, #tpu.memory_space<semaphore_mem>>) src(%dma_wait3A_443 : memref<128x128xf32, #tpu.memory_space<vmem>>) dst(%dma_wait3A_449 : memref<10016x128xf32, #tpu.memory_space<vmem_shared>>)
    %dma_wait3A_450 = arith.constant 5 : i32
    %dma_wait3A_451 = arith.constant 5 : i32
    %dma_wait3A_452 = arith.constant 0 : i32
    %dma_wait3A_453 = arith.constant 0 : i32
    %dma_wait3A_454 = tpu.memref_slice %arg6[%dma_wait3A_451, %dma_wait3A_452, %dma_wait3A_453] : memref<6x2x128xi32, #tpu.memory_space<vmem>> -> memref<1x2x128xi32, #tpu.memory_space<vmem>>
    %dma_wait3A_455 = tpu.memref_squeeze %dma_wait3A_454 : memref<1x2x128xi32, #tpu.memory_space<vmem>> -> memref<2x128xi32, #tpu.memory_space<vmem>>
    %dma_wait3A_456 = arith.constant 0 : i32
    %dma_wait3A_457 = arith.constant 0 : i32
    %dma_wait3A_458 = tpu.memref_slice %arg3[%add3A, %dma_wait3A_450, %dma_wait3A_456, %dma_wait3A_457] : memref<32x84x2x128xi32, #tpu.memory_space<hbm>> -> memref<1x1x2x128xi32, #tpu.memory_space<hbm>>
    %dma_wait3A_459 = tpu.memref_squeeze %dma_wait3A_458 : memref<1x1x2x128xi32, #tpu.memory_space<hbm>> -> memref<2x128xi32, #tpu.memory_space<hbm>>
    %dma_wait3A_460 = arith.constant 0 : i32
    %dma_wait3A_461 = arith.constant 0 : i32
    %dma_wait3A_462 = tpu.memref_slice %arg6[%dma_wait3A_451, %dma_wait3A_460, %dma_wait3A_461] : memref<6x2x128xi32, #tpu.memory_space<vmem>> -> memref<1x2x128xi32, #tpu.memory_space<vmem>>
    %dma_wait3A_463 = tpu.memref_squeeze %dma_wait3A_462 : memref<1x2x128xi32, #tpu.memory_space<vmem>> -> memref<2x128xi32, #tpu.memory_space<vmem>>
    %dma_wait3A_464 = arith.constant 0 : i32
    %dma_wait3A_465 = arith.constant 0 : i32
    %dma_wait3A_466 = tpu.memref_slice %arg3[%add3A, %dma_wait3A_450, %dma_wait3A_464, %dma_wait3A_465] : memref<32x84x2x128xi32, #tpu.memory_space<hbm>> -> memref<1x1x2x128xi32, #tpu.memory_space<hbm>>
    %dma_wait3A_467 = tpu.memref_squeeze %dma_wait3A_466 : memref<1x1x2x128xi32, #tpu.memory_space<hbm>> -> memref<2x128xi32, #tpu.memory_space<hbm>>
    tpu.wait_dma2 semaphore(%arg14 : memref<!tpu.dma_semaphore, #tpu.memory_space<semaphore_mem>>) src(%dma_wait3A_467 : memref<2x128xi32, #tpu.memory_space<hbm>>) dst(%dma_wait3A_463 : memref<2x128xi32, #tpu.memory_space<vmem>>)
    %dma_start3A_468 = arith.constant 5 : i32
    %dma_start3A_469 = arith.constant 0 : i32
    %dma_start3A_470 = arith.constant 2 : i32
    %dma_start3A_471 = arith.constant 0 : i32
    %dma_start3A_472 = arith.constant 0 : i32
    %dma_start3A_473 = tpu.memref_slice %arg7[%dma_start3A_470, %dma_start3A_471, %dma_start3A_472] : memref<3x128x128xf32, #tpu.memory_space<vmem>> -> memref<1x128x128xf32, #tpu.memory_space<vmem>>
    %dma_start3A_474 = tpu.memref_squeeze %dma_start3A_473 : memref<1x128x128xf32, #tpu.memory_space<vmem>> -> memref<128x128xf32, #tpu.memory_space<vmem>>
    %dma_start3A_475 = arith.constant 0 : i32
    %dma_start3A_476 = tpu.memref_slice %arg6[%dma_start3A_468, %dma_start3A_469, %dma_start3A_475] : memref<6x2x128xi32, #tpu.memory_space<vmem>> -> memref<1x1x128xi32, #tpu.memory_space<vmem>>
    %dma_start3A_477 = tpu.memref_squeeze %dma_start3A_476 : memref<1x1x128xi32, #tpu.memory_space<vmem>> -> memref<128xi32, #tpu.memory_space<vmem>>
    %dma_start3A_478 = arith.constant 0 : i32
    %dma_start3A_479 = arith.constant 0 : i32
    %dma_start3A_480 = tpu.memref_slice %arg2[%dma_start3A_478, %dma_start3A_479] : memref<10000x128xf32, #tpu.memory_space<hbm>> -> memref<10000x128xf32, #tpu.memory_space<hbm>>
    tpu.enqueue_indirect_dma source(%dma_start3A_480 : memref<10000x128xf32, #tpu.memory_space<hbm>>) target(%dma_start3A_474 : memref<128x128xf32, #tpu.memory_space<vmem>>) offsets(%dma_start3A_477 : memref<128xi32, #tpu.memory_space<vmem>>) semaphore(%arg17 : memref<!tpu.dma_semaphore, #tpu.memory_space<semaphore_mem>>)
    %dma_start3A_481 = arith.constant 8 : i32
    %dma_start3A_482 = arith.constant 2 : i32
    %dma_start3A_483 = arith.constant 0 : i32
    %dma_start3A_484 = arith.constant 0 : i32
    %dma_start3A_485 = tpu.memref_slice %arg6[%dma_start3A_482, %dma_start3A_483, %dma_start3A_484] : memref<6x2x128xi32, #tpu.memory_space<vmem>> -> memref<1x2x128xi32, #tpu.memory_space<vmem>>
    %dma_start3A_486 = tpu.memref_squeeze %dma_start3A_485 : memref<1x2x128xi32, #tpu.memory_space<vmem>> -> memref<2x128xi32, #tpu.memory_space<vmem>>
    %dma_start3A_487 = arith.constant 0 : i32
    %dma_start3A_488 = arith.constant 0 : i32
    %dma_start3A_489 = tpu.memref_slice %arg3[%add3A, %dma_start3A_481, %dma_start3A_487, %dma_start3A_488] : memref<32x84x2x128xi32, #tpu.memory_space<hbm>> -> memref<1x1x2x128xi32, #tpu.memory_space<hbm>>
    %dma_start3A_490 = tpu.memref_squeeze %dma_start3A_489 : memref<1x1x2x128xi32, #tpu.memory_space<hbm>> -> memref<2x128xi32, #tpu.memory_space<hbm>>
    %dma_start3A_491 = arith.constant 0 : i32
    %dma_start3A_492 = arith.constant 0 : i32
    %dma_start3A_493 = tpu.memref_slice %arg6[%dma_start3A_482, %dma_start3A_491, %dma_start3A_492] : memref<6x2x128xi32, #tpu.memory_space<vmem>> -> memref<1x2x128xi32, #tpu.memory_space<vmem>>
    %dma_start3A_494 = tpu.memref_squeeze %dma_start3A_493 : memref<1x2x128xi32, #tpu.memory_space<vmem>> -> memref<2x128xi32, #tpu.memory_space<vmem>>
    %dma_start3A_495 = arith.constant 0 : i32
    %dma_start3A_496 = arith.constant 0 : i32
    %dma_start3A_497 = tpu.memref_slice %arg3[%add3A, %dma_start3A_481, %dma_start3A_495, %dma_start3A_496] : memref<32x84x2x128xi32, #tpu.memory_space<hbm>> -> memref<1x1x2x128xi32, #tpu.memory_space<hbm>>
    %dma_start3A_498 = tpu.memref_squeeze %dma_start3A_497 : memref<1x1x2x128xi32, #tpu.memory_space<hbm>> -> memref<2x128xi32, #tpu.memory_space<hbm>>
    tpu.enqueue_dma source(%dma_start3A_498 : memref<2x128xi32, #tpu.memory_space<hbm>>) target(%dma_start3A_494 : memref<2x128xi32, #tpu.memory_space<vmem>>) target_semaphore(%arg11 : memref<!tpu.dma_semaphore, #tpu.memory_space<semaphore_mem>>)
    %dma_wait3A_499 = arith.constant 4 : i32
    %dma_wait3A_500 = arith.constant 0 : i32
    %dma_wait3A_501 = arith.constant 1 : i32
    %dma_wait3A_502 = arith.constant 0 : i32
    %dma_wait3A_503 = arith.constant 0 : i32
    %dma_wait3A_504 = tpu.memref_slice %arg7[%dma_wait3A_501, %dma_wait3A_502, %dma_wait3A_503] : memref<3x128x128xf32, #tpu.memory_space<vmem>> -> memref<1x128x128xf32, #tpu.memory_space<vmem>>
    %dma_wait3A_505 = tpu.memref_squeeze %dma_wait3A_504 : memref<1x128x128xf32, #tpu.memory_space<vmem>> -> memref<128x128xf32, #tpu.memory_space<vmem>>
    %dma_wait3A_506 = arith.constant 0 : i32
    %dma_wait3A_507 = tpu.memref_slice %arg6[%dma_wait3A_499, %dma_wait3A_500, %dma_wait3A_506] : memref<6x2x128xi32, #tpu.memory_space<vmem>> -> memref<1x1x128xi32, #tpu.memory_space<vmem>>
    %dma_wait3A_508 = tpu.memref_squeeze %dma_wait3A_507 : memref<1x1x128xi32, #tpu.memory_space<vmem>> -> memref<128xi32, #tpu.memory_space<vmem>>
    %dma_wait3A_509 = arith.constant 0 : i32
    %dma_wait3A_510 = arith.constant 0 : i32
    %dma_wait3A_511 = tpu.memref_slice %arg2[%dma_wait3A_509, %dma_wait3A_510] : memref<10000x128xf32, #tpu.memory_space<hbm>> -> memref<10000x128xf32, #tpu.memory_space<hbm>>
    tpu.wait_indirect_dma semaphore(%arg16 : memref<!tpu.dma_semaphore, #tpu.memory_space<semaphore_mem>>) src(%dma_wait3A_511 : memref<10000x128xf32, #tpu.memory_space<hbm>>) dst(%dma_wait3A_505 : memref<128x128xf32, #tpu.memory_space<vmem>>)
    %dma_start3A_512 = arith.constant 1 : i32
    %dma_start3A_513 = arith.constant 4 : i32
    %dma_start3A_514 = arith.constant 1 : i32
    %dma_start3A_515 = arith.constant 0 : i32
    %dma_start3A_516 = arith.constant 0 : i32
    %dma_start3A_517 = tpu.memref_slice %arg7[%dma_start3A_512, %dma_start3A_515, %dma_start3A_516] : memref<3x128x128xf32, #tpu.memory_space<vmem>> -> memref<1x128x128xf32, #tpu.memory_space<vmem>>
    %dma_start3A_518 = tpu.memref_squeeze %dma_start3A_517 : memref<1x128x128xf32, #tpu.memory_space<vmem>> -> memref<128x128xf32, #tpu.memory_space<vmem>>
    %dma_start3A_519 = arith.constant 0 : i32
    %dma_start3A_520 = tpu.memref_slice %arg6[%dma_start3A_513, %dma_start3A_514, %dma_start3A_519] : memref<6x2x128xi32, #tpu.memory_space<vmem>> -> memref<1x1x128xi32, #tpu.memory_space<vmem>>
    %dma_start3A_521 = tpu.memref_squeeze %dma_start3A_520 : memref<1x1x128xi32, #tpu.memory_space<vmem>> -> memref<128xi32, #tpu.memory_space<vmem>>
    %dma_start3A_522 = arith.constant 0 : i32
    %dma_start3A_523 = arith.constant 0 : i32
    %dma_start3A_524 = tpu.memref_slice %arg8[%dma_start3A_522, %dma_start3A_523] : memref<10016x128xf32, #tpu.memory_space<vmem_shared>> -> memref<10016x128xf32, #tpu.memory_space<vmem_shared>>
    tpu.enqueue_indirect_dma source(%dma_start3A_518 : memref<128x128xf32, #tpu.memory_space<vmem>>) target(%dma_start3A_524 : memref<10016x128xf32, #tpu.memory_space<vmem_shared>>) offsets(%dma_start3A_521 : memref<128xi32, #tpu.memory_space<vmem>>) semaphore(%arg19 : memref<!tpu.dma_semaphore, #tpu.memory_space<semaphore_mem>>) {add = true}
    %dma_wait3A_525 = arith.constant 0 : i32
    %dma_wait3A_526 = arith.constant 3 : i32
    %dma_wait3A_527 = arith.constant 1 : i32
    %dma_wait3A_528 = arith.constant 0 : i32
    %dma_wait3A_529 = arith.constant 0 : i32
    %dma_wait3A_530 = tpu.memref_slice %arg7[%dma_wait3A_525, %dma_wait3A_528, %dma_wait3A_529] : memref<3x128x128xf32, #tpu.memory_space<vmem>> -> memref<1x128x128xf32, #tpu.memory_space<vmem>>
    %dma_wait3A_531 = tpu.memref_squeeze %dma_wait3A_530 : memref<1x128x128xf32, #tpu.memory_space<vmem>> -> memref<128x128xf32, #tpu.memory_space<vmem>>
    %dma_wait3A_532 = arith.constant 0 : i32
    %dma_wait3A_533 = tpu.memref_slice %arg6[%dma_wait3A_526, %dma_wait3A_527, %dma_wait3A_532] : memref<6x2x128xi32, #tpu.memory_space<vmem>> -> memref<1x1x128xi32, #tpu.memory_space<vmem>>
    %dma_wait3A_534 = tpu.memref_squeeze %dma_wait3A_533 : memref<1x1x128xi32, #tpu.memory_space<vmem>> -> memref<128xi32, #tpu.memory_space<vmem>>
    %dma_wait3A_535 = arith.constant 0 : i32
    %dma_wait3A_536 = arith.constant 0 : i32
    %dma_wait3A_537 = tpu.memref_slice %arg8[%dma_wait3A_535, %dma_wait3A_536] : memref<10016x128xf32, #tpu.memory_space<vmem_shared>> -> memref<10016x128xf32, #tpu.memory_space<vmem_shared>>
    tpu.wait_indirect_dma semaphore(%arg18 : memref<!tpu.dma_semaphore, #tpu.memory_space<semaphore_mem>>) src(%dma_wait3A_531 : memref<128x128xf32, #tpu.memory_space<vmem>>) dst(%dma_wait3A_537 : memref<10016x128xf32, #tpu.memory_space<vmem_shared>>)
    %dma_wait3A_538 = arith.constant 6 : i32
    %dma_wait3A_539 = arith.constant 0 : i32
    %dma_wait3A_540 = arith.constant 0 : i32
    %dma_wait3A_541 = arith.constant 0 : i32
    %dma_wait3A_542 = tpu.memref_slice %arg6[%dma_wait3A_539, %dma_wait3A_540, %dma_wait3A_541] : memref<6x2x128xi32, #tpu.memory_space<vmem>> -> memref<1x2x128xi32, #tpu.memory_space<vmem>>
    %dma_wait3A_543 = tpu.memref_squeeze %dma_wait3A_542 : memref<1x2x128xi32, #tpu.memory_space<vmem>> -> memref<2x128xi32, #tpu.memory_space<vmem>>
    %dma_wait3A_544 = arith.constant 0 : i32
    %dma_wait3A_545 = arith.constant 0 : i32
    %dma_wait3A_546 = tpu.memref_slice %arg3[%add3A, %dma_wait3A_538, %dma_wait3A_544, %dma_wait3A_545] : memref<32x84x2x128xi32, #tpu.memory_space<hbm>> -> memref<1x1x2x128xi32, #tpu.memory_space<hbm>>
    %dma_wait3A_547 = tpu.memref_squeeze %dma_wait3A_546 : memref<1x1x2x128xi32, #tpu.memory_space<hbm>> -> memref<2x128xi32, #tpu.memory_space<hbm>>
    %dma_wait3A_548 = arith.constant 0 : i32
    %dma_wait3A_549 = arith.constant 0 : i32
    %dma_wait3A_550 = tpu.memref_slice %arg6[%dma_wait3A_539, %dma_wait3A_548, %dma_wait3A_549] : memref<6x2x128xi32, #tpu.memory_space<vmem>> -> memref<1x2x128xi32, #tpu.memory_space<vmem>>
    %dma_wait3A_551 = tpu.memref_squeeze %dma_wait3A_550 : memref<1x2x128xi32, #tpu.memory_space<vmem>> -> memref<2x128xi32, #tpu.memory_space<vmem>>
    %dma_wait3A_552 = arith.constant 0 : i32
    %dma_wait3A_553 = arith.constant 0 : i32
    %dma_wait3A_554 = tpu.memref_slice %arg3[%add3A, %dma_wait3A_538, %dma_wait3A_552, %dma_wait3A_553] : memref<32x84x2x128xi32, #tpu.memory_space<hbm>> -> memref<1x1x2x128xi32, #tpu.memory_space<hbm>>
    %dma_wait3A_555 = tpu.memref_squeeze %dma_wait3A_554 : memref<1x1x2x128xi32, #tpu.memory_space<hbm>> -> memref<2x128xi32, #tpu.memory_space<hbm>>
    tpu.wait_dma2 semaphore(%arg9 : memref<!tpu.dma_semaphore, #tpu.memory_space<semaphore_mem>>) src(%dma_wait3A_555 : memref<2x128xi32, #tpu.memory_space<hbm>>) dst(%dma_wait3A_551 : memref<2x128xi32, #tpu.memory_space<vmem>>)
    %dma_start3A_556 = arith.constant 0 : i32
    %dma_start3A_557 = arith.constant 0 : i32
    %dma_start3A_558 = arith.constant 0 : i32
    %dma_start3A_559 = arith.constant 0 : i32
    %dma_start3A_560 = arith.constant 0 : i32
    %dma_start3A_561 = tpu.memref_slice %arg7[%dma_start3A_558, %dma_start3A_559, %dma_start3A_560] : memref<3x128x128xf32, #tpu.memory_space<vmem>> -> memref<1x128x128xf32, #tpu.memory_space<vmem>>
    %dma_start3A_562 = tpu.memref_squeeze %dma_start3A_561 : memref<1x128x128xf32, #tpu.memory_space<vmem>> -> memref<128x128xf32, #tpu.memory_space<vmem>>
    %dma_start3A_563 = arith.constant 0 : i32
    %dma_start3A_564 = tpu.memref_slice %arg6[%dma_start3A_556, %dma_start3A_557, %dma_start3A_563] : memref<6x2x128xi32, #tpu.memory_space<vmem>> -> memref<1x1x128xi32, #tpu.memory_space<vmem>>
    %dma_start3A_565 = tpu.memref_squeeze %dma_start3A_564 : memref<1x1x128xi32, #tpu.memory_space<vmem>> -> memref<128xi32, #tpu.memory_space<vmem>>
    %dma_start3A_566 = arith.constant 0 : i32
    %dma_start3A_567 = arith.constant 0 : i32
    %dma_start3A_568 = tpu.memref_slice %arg2[%dma_start3A_566, %dma_start3A_567] : memref<10000x128xf32, #tpu.memory_space<hbm>> -> memref<10000x128xf32, #tpu.memory_space<hbm>>
    tpu.enqueue_indirect_dma source(%dma_start3A_568 : memref<10000x128xf32, #tpu.memory_space<hbm>>) target(%dma_start3A_562 : memref<128x128xf32, #tpu.memory_space<vmem>>) offsets(%dma_start3A_565 : memref<128xi32, #tpu.memory_space<vmem>>) semaphore(%arg15 : memref<!tpu.dma_semaphore, #tpu.memory_space<semaphore_mem>>)
    %dma_start3A_569 = arith.constant 9 : i32
    %dma_start3A_570 = arith.constant 3 : i32
    %dma_start3A_571 = arith.constant 0 : i32
    %dma_start3A_572 = arith.constant 0 : i32
    %dma_start3A_573 = tpu.memref_slice %arg6[%dma_start3A_570, %dma_start3A_571, %dma_start3A_572] : memref<6x2x128xi32, #tpu.memory_space<vmem>> -> memref<1x2x128xi32, #tpu.memory_space<vmem>>
    %dma_start3A_574 = tpu.memref_squeeze %dma_start3A_573 : memref<1x2x128xi32, #tpu.memory_space<vmem>> -> memref<2x128xi32, #tpu.memory_space<vmem>>
    %dma_start3A_575 = arith.constant 0 : i32
    %dma_start3A_576 = arith.constant 0 : i32
    %dma_start3A_577 = tpu.memref_slice %arg3[%add3A, %dma_start3A_569, %dma_start3A_575, %dma_start3A_576] : memref<32x84x2x128xi32, #tpu.memory_space<hbm>> -> memref<1x1x2x128xi32, #tpu.memory_space<hbm>>
    %dma_start3A_578 = tpu.memref_squeeze %dma_start3A_577 : memref<1x1x2x128xi32, #tpu.memory_space<hbm>> -> memref<2x128xi32, #tpu.memory_space<hbm>>
    %dma_start3A_579 = arith.constant 0 : i32
    %dma_start3A_580 = arith.constant 0 : i32
    %dma_start3A_581 = tpu.memref_slice %arg6[%dma_start3A_570, %dma_start3A_579, %dma_start3A_580] : memref<6x2x128xi32, #tpu.memory_space<vmem>> -> memref<1x2x128xi32, #tpu.memory_space<vmem>>
    %dma_start3A_582 = tpu.memref_squeeze %dma_start3A_581 : memref<1x2x128xi32, #tpu.memory_space<vmem>> -> memref<2x128xi32, #tpu.memory_space<vmem>>
    %dma_start3A_583 = arith.constant 0 : i32
    %dma_start3A_584 = arith.constant 0 : i32
    %dma_start3A_585 = tpu.memref_slice %arg3[%add3A, %dma_start3A_569, %dma_start3A_583, %dma_start3A_584] : memref<32x84x2x128xi32, #tpu.memory_space<hbm>> -> memref<1x1x2x128xi32, #tpu.memory_space<hbm>>
    %dma_start3A_586 = tpu.memref_squeeze %dma_start3A_585 : memref<1x1x2x128xi32, #tpu.memory_space<hbm>> -> memref<2x128xi32, #tpu.memory_space<hbm>>
    tpu.enqueue_dma source(%dma_start3A_586 : memref<2x128xi32, #tpu.memory_space<hbm>>) target(%dma_start3A_582 : memref<2x128xi32, #tpu.memory_space<vmem>>) target_semaphore(%arg12 : memref<!tpu.dma_semaphore, #tpu.memory_space<semaphore_mem>>)
    %dma_wait3A_587 = arith.constant 5 : i32
    %dma_wait3A_588 = arith.constant 0 : i32
    %dma_wait3A_589 = arith.constant 2 : i32
    %dma_wait3A_590 = arith.constant 0 : i32
    %dma_wait3A_591 = arith.constant 0 : i32
    %dma_wait3A_592 = tpu.memref_slice %arg7[%dma_wait3A_589, %dma_wait3A_590, %dma_wait3A_591] : memref<3x128x128xf32, #tpu.memory_space<vmem>> -> memref<1x128x128xf32, #tpu.memory_space<vmem>>
    %dma_wait3A_593 = tpu.memref_squeeze %dma_wait3A_592 : memref<1x128x128xf32, #tpu.memory_space<vmem>> -> memref<128x128xf32, #tpu.memory_space<vmem>>
    %dma_wait3A_594 = arith.constant 0 : i32
    %dma_wait3A_595 = tpu.memref_slice %arg6[%dma_wait3A_587, %dma_wait3A_588, %dma_wait3A_594] : memref<6x2x128xi32, #tpu.memory_space<vmem>> -> memref<1x1x128xi32, #tpu.memory_space<vmem>>
    %dma_wait3A_596 = tpu.memref_squeeze %dma_wait3A_595 : memref<1x1x128xi32, #tpu.memory_space<vmem>> -> memref<128xi32, #tpu.memory_space<vmem>>
    %dma_wait3A_597 = arith.constant 0 : i32
    %dma_wait3A_598 = arith.constant 0 : i32
    %dma_wait3A_599 = tpu.memref_slice %arg2[%dma_wait3A_597, %dma_wait3A_598] : memref<10000x128xf32, #tpu.memory_space<hbm>> -> memref<10000x128xf32, #tpu.memory_space<hbm>>
    tpu.wait_indirect_dma semaphore(%arg17 : memref<!tpu.dma_semaphore, #tpu.memory_space<semaphore_mem>>) src(%dma_wait3A_599 : memref<10000x128xf32, #tpu.memory_space<hbm>>) dst(%dma_wait3A_593 : memref<128x128xf32, #tpu.memory_space<vmem>>)
    %dma_start3A_600 = arith.constant 2 : i32
    %dma_start3A_601 = arith.constant 5 : i32
    %dma_start3A_602 = arith.constant 1 : i32
    %dma_start3A_603 = arith.constant 0 : i32
    %dma_start3A_604 = arith.constant 0 : i32
    %dma_start3A_605 = tpu.memref_slice %arg7[%dma_start3A_600, %dma_start3A_603, %dma_start3A_604] : memref<3x128x128xf32, #tpu.memory_space<vmem>> -> memref<1x128x128xf32, #tpu.memory_space<vmem>>
    %dma_start3A_606 = tpu.memref_squeeze %dma_start3A_605 : memref<1x128x128xf32, #tpu.memory_space<vmem>> -> memref<128x128xf32, #tpu.memory_space<vmem>>
    %dma_start3A_607 = arith.constant 0 : i32
    %dma_start3A_608 = tpu.memref_slice %arg6[%dma_start3A_601, %dma_start3A_602, %dma_start3A_607] : memref<6x2x128xi32, #tpu.memory_space<vmem>> -> memref<1x1x128xi32, #tpu.memory_space<vmem>>
    %dma_start3A_609 = tpu.memref_squeeze %dma_start3A_608 : memref<1x1x128xi32, #tpu.memory_space<vmem>> -> memref<128xi32, #tpu.memory_space<vmem>>
    %dma_start3A_610 = arith.constant 0 : i32
    %dma_start3A_611 = arith.constant 0 : i32
    %dma_start3A_612 = tpu.memref_slice %arg8[%dma_start3A_610, %dma_start3A_611] : memref<10016x128xf32, #tpu.memory_space<vmem_shared>> -> memref<10016x128xf32, #tpu.memory_space<vmem_shared>>
    tpu.enqueue_indirect_dma source(%dma_start3A_606 : memref<128x128xf32, #tpu.memory_space<vmem>>) target(%dma_start3A_612 : memref<10016x128xf32, #tpu.memory_space<vmem_shared>>) offsets(%dma_start3A_609 : memref<128xi32, #tpu.memory_space<vmem>>) semaphore(%arg20 : memref<!tpu.dma_semaphore, #tpu.memory_space<semaphore_mem>>) {add = true}
    %dma_wait3A_613 = arith.constant 1 : i32
    %dma_wait3A_614 = arith.constant 4 : i32
    %dma_wait3A_615 = arith.constant 1 : i32
    %dma_wait3A_616 = arith.constant 0 : i32
    %dma_wait3A_617 = arith.constant 0 : i32
    %dma_wait3A_618 = tpu.memref_slice %arg7[%dma_wait3A_613, %dma_wait3A_616, %dma_wait3A_617] : memref<3x128x128xf32, #tpu.memory_space<vmem>> -> memref<1x128x128xf32, #tpu.memory_space<vmem>>
    %dma_wait3A_619 = tpu.memref_squeeze %dma_wait3A_618 : memref<1x128x128xf32, #tpu.memory_space<vmem>> -> memref<128x128xf32, #tpu.memory_space<vmem>>
    %dma_wait3A_620 = arith.constant 0 : i32
    %dma_wait3A_621 = tpu.memref_slice %arg6[%dma_wait3A_614, %dma_wait3A_615, %dma_wait3A_620] : memref<6x2x128xi32, #tpu.memory_space<vmem>> -> memref<1x1x128xi32, #tpu.memory_space<vmem>>
    %dma_wait3A_622 = tpu.memref_squeeze %dma_wait3A_621 : memref<1x1x128xi32, #tpu.memory_space<vmem>> -> memref<128xi32, #tpu.memory_space<vmem>>
    %dma_wait3A_623 = arith.constant 0 : i32
    %dma_wait3A_624 = arith.constant 0 : i32
    %dma_wait3A_625 = tpu.memref_slice %arg8[%dma_wait3A_623, %dma_wait3A_624] : memref<10016x128xf32, #tpu.memory_space<vmem_shared>> -> memref<10016x128xf32, #tpu.memory_space<vmem_shared>>
    tpu.wait_indirect_dma semaphore(%arg19 : memref<!tpu.dma_semaphore, #tpu.memory_space<semaphore_mem>>) src(%dma_wait3A_619 : memref<128x128xf32, #tpu.memory_space<vmem>>) dst(%dma_wait3A_625 : memref<10016x128xf32, #tpu.memory_space<vmem_shared>>)
    %dma_wait3A_626 = arith.constant 7 : i32
    %dma_wait3A_627 = arith.constant 1 : i32
    %dma_wait3A_628 = arith.constant 0 : i32
    %dma_wait3A_629 = arith.constant 0 : i32
    %dma_wait3A_630 = tpu.memref_slice %arg6[%dma_wait3A_627, %dma_wait3A_628, %dma_wait3A_629] : memref<6x2x128xi32, #tpu.memory_space<vmem>> -> memref<1x2x128xi32, #tpu.memory_space<vmem>>
    %dma_wait3A_631 = tpu.memref_squeeze %dma_wait3A_630 : memref<1x2x128xi32, #tpu.memory_space<vmem>> -> memref<2x128xi32, #tpu.memory_space<vmem>>
    %dma_wait3A_632 = arith.constant 0 : i32
    %dma_wait3A_633 = arith.constant 0 : i32
    %dma_wait3A_634 = tpu.memref_slice %arg3[%add3A, %dma_wait3A_626, %dma_wait3A_632, %dma_wait3A_633] : memref<32x84x2x128xi32, #tpu.memory_space<hbm>> -> memref<1x1x2x128xi32, #tpu.memory_space<hbm>>
    %dma_wait3A_635 = tpu.memref_squeeze %dma_wait3A_634 : memref<1x1x2x128xi32, #tpu.memory_space<hbm>> -> memref<2x128xi32, #tpu.memory_space<hbm>>
    %dma_wait3A_636 = arith.constant 0 : i32
    %dma_wait3A_637 = arith.constant 0 : i32
    %dma_wait3A_638 = tpu.memref_slice %arg6[%dma_wait3A_627, %dma_wait3A_636, %dma_wait3A_637] : memref<6x2x128xi32, #tpu.memory_space<vmem>> -> memref<1x2x128xi32, #tpu.memory_space<vmem>>
    %dma_wait3A_639 = tpu.memref_squeeze %dma_wait3A_638 : memref<1x2x128xi32, #tpu.memory_space<vmem>> -> memref<2x128xi32, #tpu.memory_space<vmem>>
    %dma_wait3A_640 = arith.constant 0 : i32
    %dma_wait3A_641 = arith.constant 0 : i32
    %dma_wait3A_642 = tpu.memref_slice %arg3[%add3A, %dma_wait3A_626, %dma_wait3A_640, %dma_wait3A_641] : memref<32x84x2x128xi32, #tpu.memory_space<hbm>> -> memref<1x1x2x128xi32, #tpu.memory_space<hbm>>
    %dma_wait3A_643 = tpu.memref_squeeze %dma_wait3A_642 : memref<1x1x2x128xi32, #tpu.memory_space<hbm>> -> memref<2x128xi32, #tpu.memory_space<hbm>>
    tpu.wait_dma2 semaphore(%arg10 : memref<!tpu.dma_semaphore, #tpu.memory_space<semaphore_mem>>) src(%dma_wait3A_643 : memref<2x128xi32, #tpu.memory_space<hbm>>) dst(%dma_wait3A_639 : memref<2x128xi32, #tpu.memory_space<vmem>>)
    %dma_start3A_644 = arith.constant 1 : i32
    %dma_start3A_645 = arith.constant 0 : i32
    %dma_start3A_646 = arith.constant 1 : i32
    %dma_start3A_647 = arith.constant 0 : i32
    %dma_start3A_648 = arith.constant 0 : i32
    %dma_start3A_649 = tpu.memref_slice %arg7[%dma_start3A_646, %dma_start3A_647, %dma_start3A_648] : memref<3x128x128xf32, #tpu.memory_space<vmem>> -> memref<1x128x128xf32, #tpu.memory_space<vmem>>
    %dma_start3A_650 = tpu.memref_squeeze %dma_start3A_649 : memref<1x128x128xf32, #tpu.memory_space<vmem>> -> memref<128x128xf32, #tpu.memory_space<vmem>>
    %dma_start3A_651 = arith.constant 0 : i32
    %dma_start3A_652 = tpu.memref_slice %arg6[%dma_start3A_644, %dma_start3A_645, %dma_start3A_651] : memref<6x2x128xi32, #tpu.memory_space<vmem>> -> memref<1x1x128xi32, #tpu.memory_space<vmem>>
    %dma_start3A_653 = tpu.memref_squeeze %dma_start3A_652 : memref<1x1x128xi32, #tpu.memory_space<vmem>> -> memref<128xi32, #tpu.memory_space<vmem>>
    %dma_start3A_654 = arith.constant 0 : i32
    %dma_start3A_655 = arith.constant 0 : i32
    %dma_start3A_656 = tpu.memref_slice %arg2[%dma_start3A_654, %dma_start3A_655] : memref<10000x128xf32, #tpu.memory_space<hbm>> -> memref<10000x128xf32, #tpu.memory_space<hbm>>
    tpu.enqueue_indirect_dma source(%dma_start3A_656 : memref<10000x128xf32, #tpu.memory_space<hbm>>) target(%dma_start3A_650 : memref<128x128xf32, #tpu.memory_space<vmem>>) offsets(%dma_start3A_653 : memref<128xi32, #tpu.memory_space<vmem>>) semaphore(%arg16 : memref<!tpu.dma_semaphore, #tpu.memory_space<semaphore_mem>>)
    %dma_start3A_657 = arith.constant 10 : i32
    %dma_start3A_658 = arith.constant 4 : i32
    %dma_start3A_659 = arith.constant 0 : i32
    %dma_start3A_660 = arith.constant 0 : i32
    %dma_start3A_661 = tpu.memref_slice %arg6[%dma_start3A_658, %dma_start3A_659, %dma_start3A_660] : memref<6x2x128xi32, #tpu.memory_space<vmem>> -> memref<1x2x128xi32, #tpu.memory_space<vmem>>
    %dma_start3A_662 = tpu.memref_squeeze %dma_start3A_661 : memref<1x2x128xi32, #tpu.memory_space<vmem>> -> memref<2x128xi32, #tpu.memory_space<vmem>>
    %dma_start3A_663 = arith.constant 0 : i32
    %dma_start3A_664 = arith.constant 0 : i32
    %dma_start3A_665 = tpu.memref_slice %arg3[%add3A, %dma_start3A_657, %dma_start3A_663, %dma_start3A_664] : memref<32x84x2x128xi32, #tpu.memory_space<hbm>> -> memref<1x1x2x128xi32, #tpu.memory_space<hbm>>
    %dma_start3A_666 = tpu.memref_squeeze %dma_start3A_665 : memref<1x1x2x128xi32, #tpu.memory_space<hbm>> -> memref<2x128xi32, #tpu.memory_space<hbm>>
    %dma_start3A_667 = arith.constant 0 : i32
    %dma_start3A_668 = arith.constant 0 : i32
    %dma_start3A_669 = tpu.memref_slice %arg6[%dma_start3A_658, %dma_start3A_667, %dma_start3A_668] : memref<6x2x128xi32, #tpu.memory_space<vmem>> -> memref<1x2x128xi32, #tpu.memory_space<vmem>>
    %dma_start3A_670 = tpu.memref_squeeze %dma_start3A_669 : memref<1x2x128xi32, #tpu.memory_space<vmem>> -> memref<2x128xi32, #tpu.memory_space<vmem>>
    %dma_start3A_671 = arith.constant 0 : i32
    %dma_start3A_672 = arith.constant 0 : i32
    %dma_start3A_673 = tpu.memref_slice %arg3[%add3A, %dma_start3A_657, %dma_start3A_671, %dma_start3A_672] : memref<32x84x2x128xi32, #tpu.memory_space<hbm>> -> memref<1x1x2x128xi32, #tpu.memory_space<hbm>>
    %dma_start3A_674 = tpu.memref_squeeze %dma_start3A_673 : memref<1x1x2x128xi32, #tpu.memory_space<hbm>> -> memref<2x128xi32, #tpu.memory_space<hbm>>
    tpu.enqueue_dma source(%dma_start3A_674 : memref<2x128xi32, #tpu.memory_space<hbm>>) target(%dma_start3A_670 : memref<2x128xi32, #tpu.memory_space<vmem>>) target_semaphore(%arg13 : memref<!tpu.dma_semaphore, #tpu.memory_space<semaphore_mem>>)
    %scan3A = arith.constant 0 : i32
    %scan3A_675 = arith.constant 1 : i32
    %scan3A_676 = arith.constant 12 : i32
    %scan3A_677 = arith.addi %scan3A_675, %scan3A_676 : i32
    %scan3A_678 = arith.constant 1 : i32
    scf.for %scan3A_1075 = %scan3A_675 to %scan3A_677 step %scan3A_678  : i32 {
      %mul3A_1076 = arith.constant 6 : i32
      %mul3A_1077 = arith.muli %scan3A_1075, %mul3A_1076 : i32
      %add3A_1078 = arith.constant 0 : i32
      %add3A_1079 = arith.addi %mul3A_1077, %add3A_1078 : i32
      %dma_wait3A_1080 = arith.constant 0 : i32
      %dma_wait3A_1081 = arith.constant 0 : i32
      %dma_wait3A_1082 = arith.constant 0 : i32
      %dma_wait3A_1083 = arith.constant 0 : i32
      %dma_wait3A_1084 = arith.constant 0 : i32
      %dma_wait3A_1085 = tpu.memref_slice %arg7[%dma_wait3A_1082, %dma_wait3A_1083, %dma_wait3A_1084] : memref<3x128x128xf32, #tpu.memory_space<vmem>> -> memref<1x128x128xf32, #tpu.memory_space<vmem>>
      %dma_wait3A_1086 = tpu.memref_squeeze %dma_wait3A_1085 : memref<1x128x128xf32, #tpu.memory_space<vmem>> -> memref<128x128xf32, #tpu.memory_space<vmem>>
      %dma_wait3A_1087 = arith.constant 0 : i32
      %dma_wait3A_1088 = tpu.memref_slice %arg6[%dma_wait3A_1080, %dma_wait3A_1081, %dma_wait3A_1087] : memref<6x2x128xi32, #tpu.memory_space<vmem>> -> memref<1x1x128xi32, #tpu.memory_space<vmem>>
      %dma_wait3A_1089 = tpu.memref_squeeze %dma_wait3A_1088 : memref<1x1x128xi32, #tpu.memory_space<vmem>> -> memref<128xi32, #tpu.memory_space<vmem>>
      %dma_wait3A_1090 = arith.constant 0 : i32
      %dma_wait3A_1091 = arith.constant 0 : i32
      %dma_wait3A_1092 = tpu.memref_slice %arg2[%dma_wait3A_1090, %dma_wait3A_1091] : memref<10000x128xf32, #tpu.memory_space<hbm>> -> memref<10000x128xf32, #tpu.memory_space<hbm>>
      tpu.wait_indirect_dma semaphore(%arg15 : memref<!tpu.dma_semaphore, #tpu.memory_space<semaphore_mem>>) src(%dma_wait3A_1092 : memref<10000x128xf32, #tpu.memory_space<hbm>>) dst(%dma_wait3A_1086 : memref<128x128xf32, #tpu.memory_space<vmem>>)
      %dma_start3A_1093 = arith.constant 0 : i32
      %dma_start3A_1094 = arith.constant 0 : i32
      %dma_start3A_1095 = arith.constant 1 : i32
      %dma_start3A_1096 = arith.constant 0 : i32
      %dma_start3A_1097 = arith.constant 0 : i32
      %dma_start3A_1098 = tpu.memref_slice %arg7[%dma_start3A_1093, %dma_start3A_1096, %dma_start3A_1097] : memref<3x128x128xf32, #tpu.memory_space<vmem>> -> memref<1x128x128xf32, #tpu.memory_space<vmem>>
      %dma_start3A_1099 = tpu.memref_squeeze %dma_start3A_1098 : memref<1x128x128xf32, #tpu.memory_space<vmem>> -> memref<128x128xf32, #tpu.memory_space<vmem>>
      %dma_start3A_1100 = arith.constant 0 : i32
      %dma_start3A_1101 = tpu.memref_slice %arg6[%dma_start3A_1094, %dma_start3A_1095, %dma_start3A_1100] : memref<6x2x128xi32, #tpu.memory_space<vmem>> -> memref<1x1x128xi32, #tpu.memory_space<vmem>>
      %dma_start3A_1102 = tpu.memref_squeeze %dma_start3A_1101 : memref<1x1x128xi32, #tpu.memory_space<vmem>> -> memref<128xi32, #tpu.memory_space<vmem>>
      %dma_start3A_1103 = arith.constant 0 : i32
      %dma_start3A_1104 = arith.constant 0 : i32
      %dma_start3A_1105 = tpu.memref_slice %arg8[%dma_start3A_1103, %dma_start3A_1104] : memref<10016x128xf32, #tpu.memory_space<vmem_shared>> -> memref<10016x128xf32, #tpu.memory_space<vmem_shared>>
      tpu.enqueue_indirect_dma source(%dma_start3A_1099 : memref<128x128xf32, #tpu.memory_space<vmem>>) target(%dma_start3A_1105 : memref<10016x128xf32, #tpu.memory_space<vmem_shared>>) offsets(%dma_start3A_1102 : memref<128xi32, #tpu.memory_space<vmem>>) semaphore(%arg18 : memref<!tpu.dma_semaphore, #tpu.memory_space<semaphore_mem>>) {add = true}
      %dma_wait3A_1106 = arith.constant 2 : i32
      %dma_wait3A_1107 = arith.constant 5 : i32
      %dma_wait3A_1108 = arith.constant 1 : i32
      %dma_wait3A_1109 = arith.constant 0 : i32
      %dma_wait3A_1110 = arith.constant 0 : i32
      %dma_wait3A_1111 = tpu.memref_slice %arg7[%dma_wait3A_1106, %dma_wait3A_1109, %dma_wait3A_1110] : memref<3x128x128xf32, #tpu.memory_space<vmem>> -> memref<1x128x128xf32, #tpu.memory_space<vmem>>
      %dma_wait3A_1112 = tpu.memref_squeeze %dma_wait3A_1111 : memref<1x128x128xf32, #tpu.memory_space<vmem>> -> memref<128x128xf32, #tpu.memory_space<vmem>>
      %dma_wait3A_1113 = arith.constant 0 : i32
      %dma_wait3A_1114 = tpu.memref_slice %arg6[%dma_wait3A_1107, %dma_wait3A_1108, %dma_wait3A_1113] : memref<6x2x128xi32, #tpu.memory_space<vmem>> -> memref<1x1x128xi32, #tpu.memory_space<vmem>>
      %dma_wait3A_1115 = tpu.memref_squeeze %dma_wait3A_1114 : memref<1x1x128xi32, #tpu.memory_space<vmem>> -> memref<128xi32, #tpu.memory_space<vmem>>
      %dma_wait3A_1116 = arith.constant 0 : i32
      %dma_wait3A_1117 = arith.constant 0 : i32
      %dma_wait3A_1118 = tpu.memref_slice %arg8[%dma_wait3A_1116, %dma_wait3A_1117] : memref<10016x128xf32, #tpu.memory_space<vmem_shared>> -> memref<10016x128xf32, #tpu.memory_space<vmem_shared>>
      tpu.wait_indirect_dma semaphore(%arg20 : memref<!tpu.dma_semaphore, #tpu.memory_space<semaphore_mem>>) src(%dma_wait3A_1112 : memref<128x128xf32, #tpu.memory_space<vmem>>) dst(%dma_wait3A_1118 : memref<10016x128xf32, #tpu.memory_space<vmem_shared>>)
      %add3A_1119 = arith.constant 2 : i32
      %add3A_1120 = arith.addi %add3A_1079, %add3A_1119 : i32
      %dma_wait3A_1121 = arith.constant 2 : i32
      %dma_wait3A_1122 = arith.constant 0 : i32
      %dma_wait3A_1123 = arith.constant 0 : i32
      %dma_wait3A_1124 = tpu.memref_slice %arg6[%dma_wait3A_1121, %dma_wait3A_1122, %dma_wait3A_1123] : memref<6x2x128xi32, #tpu.memory_space<vmem>> -> memref<1x2x128xi32, #tpu.memory_space<vmem>>
      %dma_wait3A_1125 = tpu.memref_squeeze %dma_wait3A_1124 : memref<1x2x128xi32, #tpu.memory_space<vmem>> -> memref<2x128xi32, #tpu.memory_space<vmem>>
      %dma_wait3A_1126 = arith.constant 0 : i32
      %dma_wait3A_1127 = arith.constant 0 : i32
      %dma_wait3A_1128 = tpu.memref_slice %arg3[%add3A, %add3A_1120, %dma_wait3A_1126, %dma_wait3A_1127] : memref<32x84x2x128xi32, #tpu.memory_space<hbm>> -> memref<1x1x2x128xi32, #tpu.memory_space<hbm>>
      %dma_wait3A_1129 = tpu.memref_squeeze %dma_wait3A_1128 : memref<1x1x2x128xi32, #tpu.memory_space<hbm>> -> memref<2x128xi32, #tpu.memory_space<hbm>>
      %dma_wait3A_1130 = arith.constant 0 : i32
      %dma_wait3A_1131 = arith.constant 0 : i32
      %dma_wait3A_1132 = tpu.memref_slice %arg6[%dma_wait3A_1121, %dma_wait3A_1130, %dma_wait3A_1131] : memref<6x2x128xi32, #tpu.memory_space<vmem>> -> memref<1x2x128xi32, #tpu.memory_space<vmem>>
      %dma_wait3A_1133 = tpu.memref_squeeze %dma_wait3A_1132 : memref<1x2x128xi32, #tpu.memory_space<vmem>> -> memref<2x128xi32, #tpu.memory_space<vmem>>
      %dma_wait3A_1134 = arith.constant 0 : i32
      %dma_wait3A_1135 = arith.constant 0 : i32
      %dma_wait3A_1136 = tpu.memref_slice %arg3[%add3A, %add3A_1120, %dma_wait3A_1134, %dma_wait3A_1135] : memref<32x84x2x128xi32, #tpu.memory_space<hbm>> -> memref<1x1x2x128xi32, #tpu.memory_space<hbm>>
      %dma_wait3A_1137 = tpu.memref_squeeze %dma_wait3A_1136 : memref<1x1x2x128xi32, #tpu.memory_space<hbm>> -> memref<2x128xi32, #tpu.memory_space<hbm>>
      tpu.wait_dma2 semaphore(%arg11 : memref<!tpu.dma_semaphore, #tpu.memory_space<semaphore_mem>>) src(%dma_wait3A_1137 : memref<2x128xi32, #tpu.memory_space<hbm>>) dst(%dma_wait3A_1133 : memref<2x128xi32, #tpu.memory_space<vmem>>)
      %dma_start3A_1138 = arith.constant 2 : i32
      %dma_start3A_1139 = arith.constant 0 : i32
      %dma_start3A_1140 = arith.constant 2 : i32
      %dma_start3A_1141 = arith.constant 0 : i32
      %dma_start3A_1142 = arith.constant 0 : i32
      %dma_start3A_1143 = tpu.memref_slice %arg7[%dma_start3A_1140, %dma_start3A_1141, %dma_start3A_1142] : memref<3x128x128xf32, #tpu.memory_space<vmem>> -> memref<1x128x128xf32, #tpu.memory_space<vmem>>
      %dma_start3A_1144 = tpu.memref_squeeze %dma_start3A_1143 : memref<1x128x128xf32, #tpu.memory_space<vmem>> -> memref<128x128xf32, #tpu.memory_space<vmem>>
      %dma_start3A_1145 = arith.constant 0 : i32
      %dma_start3A_1146 = tpu.memref_slice %arg6[%dma_start3A_1138, %dma_start3A_1139, %dma_start3A_1145] : memref<6x2x128xi32, #tpu.memory_space<vmem>> -> memref<1x1x128xi32, #tpu.memory_space<vmem>>
      %dma_start3A_1147 = tpu.memref_squeeze %dma_start3A_1146 : memref<1x1x128xi32, #tpu.memory_space<vmem>> -> memref<128xi32, #tpu.memory_space<vmem>>
      %dma_start3A_1148 = arith.constant 0 : i32
      %dma_start3A_1149 = arith.constant 0 : i32
      %dma_start3A_1150 = tpu.memref_slice %arg2[%dma_start3A_1148, %dma_start3A_1149] : memref<10000x128xf32, #tpu.memory_space<hbm>> -> memref<10000x128xf32, #tpu.memory_space<hbm>>
      tpu.enqueue_indirect_dma source(%dma_start3A_1150 : memref<10000x128xf32, #tpu.memory_space<hbm>>) target(%dma_start3A_1144 : memref<128x128xf32, #tpu.memory_space<vmem>>) offsets(%dma_start3A_1147 : memref<128xi32, #tpu.memory_space<vmem>>) semaphore(%arg17 : memref<!tpu.dma_semaphore, #tpu.memory_space<semaphore_mem>>)
      %add3A_1151 = arith.constant 5 : i32
      %add3A_1152 = arith.addi %add3A_1079, %add3A_1151 : i32
      %dma_start3A_1153 = arith.constant 5 : i32
      %dma_start3A_1154 = arith.constant 0 : i32
      %dma_start3A_1155 = arith.constant 0 : i32
      %dma_start3A_1156 = tpu.memref_slice %arg6[%dma_start3A_1153, %dma_start3A_1154, %dma_start3A_1155] : memref<6x2x128xi32, #tpu.memory_space<vmem>> -> memref<1x2x128xi32, #tpu.memory_space<vmem>>
      %dma_start3A_1157 = tpu.memref_squeeze %dma_start3A_1156 : memref<1x2x128xi32, #tpu.memory_space<vmem>> -> memref<2x128xi32, #tpu.memory_space<vmem>>
      %dma_start3A_1158 = arith.constant 0 : i32
      %dma_start3A_1159 = arith.constant 0 : i32
      %dma_start3A_1160 = tpu.memref_slice %arg3[%add3A, %add3A_1152, %dma_start3A_1158, %dma_start3A_1159] : memref<32x84x2x128xi32, #tpu.memory_space<hbm>> -> memref<1x1x2x128xi32, #tpu.memory_space<hbm>>
      %dma_start3A_1161 = tpu.memref_squeeze %dma_start3A_1160 : memref<1x1x2x128xi32, #tpu.memory_space<hbm>> -> memref<2x128xi32, #tpu.memory_space<hbm>>
      %dma_start3A_1162 = arith.constant 0 : i32
      %dma_start3A_1163 = arith.constant 0 : i32
      %dma_start3A_1164 = tpu.memref_slice %arg6[%dma_start3A_1153, %dma_start3A_1162, %dma_start3A_1163] : memref<6x2x128xi32, #tpu.memory_space<vmem>> -> memref<1x2x128xi32, #tpu.memory_space<vmem>>
      %dma_start3A_1165 = tpu.memref_squeeze %dma_start3A_1164 : memref<1x2x128xi32, #tpu.memory_space<vmem>> -> memref<2x128xi32, #tpu.memory_space<vmem>>
      %dma_start3A_1166 = arith.constant 0 : i32
      %dma_start3A_1167 = arith.constant 0 : i32
      %dma_start3A_1168 = tpu.memref_slice %arg3[%add3A, %add3A_1152, %dma_start3A_1166, %dma_start3A_1167] : memref<32x84x2x128xi32, #tpu.memory_space<hbm>> -> memref<1x1x2x128xi32, #tpu.memory_space<hbm>>
      %dma_start3A_1169 = tpu.memref_squeeze %dma_start3A_1168 : memref<1x1x2x128xi32, #tpu.memory_space<hbm>> -> memref<2x128xi32, #tpu.memory_space<hbm>>
      tpu.enqueue_dma source(%dma_start3A_1169 : memref<2x128xi32, #tpu.memory_space<hbm>>) target(%dma_start3A_1165 : memref<2x128xi32, #tpu.memory_space<vmem>>) target_semaphore(%arg14 : memref<!tpu.dma_semaphore, #tpu.memory_space<semaphore_mem>>)
      %mul3A_1170 = arith.constant 6 : i32
      %mul3A_1171 = arith.muli %scan3A_1075, %mul3A_1170 : i32
      %add3A_1172 = arith.constant 1 : i32
      %add3A_1173 = arith.addi %mul3A_1171, %add3A_1172 : i32
      %dma_wait3A_1174 = arith.constant 1 : i32
      %dma_wait3A_1175 = arith.constant 0 : i32
      %dma_wait3A_1176 = arith.constant 1 : i32
      %dma_wait3A_1177 = arith.constant 0 : i32
      %dma_wait3A_1178 = arith.constant 0 : i32
      %dma_wait3A_1179 = tpu.memref_slice %arg7[%dma_wait3A_1176, %dma_wait3A_1177, %dma_wait3A_1178] : memref<3x128x128xf32, #tpu.memory_space<vmem>> -> memref<1x128x128xf32, #tpu.memory_space<vmem>>
      %dma_wait3A_1180 = tpu.memref_squeeze %dma_wait3A_1179 : memref<1x128x128xf32, #tpu.memory_space<vmem>> -> memref<128x128xf32, #tpu.memory_space<vmem>>
      %dma_wait3A_1181 = arith.constant 0 : i32
      %dma_wait3A_1182 = tpu.memref_slice %arg6[%dma_wait3A_1174, %dma_wait3A_1175, %dma_wait3A_1181] : memref<6x2x128xi32, #tpu.memory_space<vmem>> -> memref<1x1x128xi32, #tpu.memory_space<vmem>>
      %dma_wait3A_1183 = tpu.memref_squeeze %dma_wait3A_1182 : memref<1x1x128xi32, #tpu.memory_space<vmem>> -> memref<128xi32, #tpu.memory_space<vmem>>
      %dma_wait3A_1184 = arith.constant 0 : i32
      %dma_wait3A_1185 = arith.constant 0 : i32
      %dma_wait3A_1186 = tpu.memref_slice %arg2[%dma_wait3A_1184, %dma_wait3A_1185] : memref<10000x128xf32, #tpu.memory_space<hbm>> -> memref<10000x128xf32, #tpu.memory_space<hbm>>
      tpu.wait_indirect_dma semaphore(%arg16 : memref<!tpu.dma_semaphore, #tpu.memory_space<semaphore_mem>>) src(%dma_wait3A_1186 : memref<10000x128xf32, #tpu.memory_space<hbm>>) dst(%dma_wait3A_1180 : memref<128x128xf32, #tpu.memory_space<vmem>>)
      %dma_start3A_1187 = arith.constant 1 : i32
      %dma_start3A_1188 = arith.constant 1 : i32
      %dma_start3A_1189 = arith.constant 1 : i32
      %dma_start3A_1190 = arith.constant 0 : i32
      %dma_start3A_1191 = arith.constant 0 : i32
      %dma_start3A_1192 = tpu.memref_slice %arg7[%dma_start3A_1187, %dma_start3A_1190, %dma_start3A_1191] : memref<3x128x128xf32, #tpu.memory_space<vmem>> -> memref<1x128x128xf32, #tpu.memory_space<vmem>>
      %dma_start3A_1193 = tpu.memref_squeeze %dma_start3A_1192 : memref<1x128x128xf32, #tpu.memory_space<vmem>> -> memref<128x128xf32, #tpu.memory_space<vmem>>
      %dma_start3A_1194 = arith.constant 0 : i32
      %dma_start3A_1195 = tpu.memref_slice %arg6[%dma_start3A_1188, %dma_start3A_1189, %dma_start3A_1194] : memref<6x2x128xi32, #tpu.memory_space<vmem>> -> memref<1x1x128xi32, #tpu.memory_space<vmem>>
      %dma_start3A_1196 = tpu.memref_squeeze %dma_start3A_1195 : memref<1x1x128xi32, #tpu.memory_space<vmem>> -> memref<128xi32, #tpu.memory_space<vmem>>
      %dma_start3A_1197 = arith.constant 0 : i32
      %dma_start3A_1198 = arith.constant 0 : i32
      %dma_start3A_1199 = tpu.memref_slice %arg8[%dma_start3A_1197, %dma_start3A_1198] : memref<10016x128xf32, #tpu.memory_space<vmem_shared>> -> memref<10016x128xf32, #tpu.memory_space<vmem_shared>>
      tpu.enqueue_indirect_dma source(%dma_start3A_1193 : memref<128x128xf32, #tpu.memory_space<vmem>>) target(%dma_start3A_1199 : memref<10016x128xf32, #tpu.memory_space<vmem_shared>>) offsets(%dma_start3A_1196 : memref<128xi32, #tpu.memory_space<vmem>>) semaphore(%arg19 : memref<!tpu.dma_semaphore, #tpu.memory_space<semaphore_mem>>) {add = true}
      %dma_wait3A_1200 = arith.constant 0 : i32
      %dma_wait3A_1201 = arith.constant 0 : i32
      %dma_wait3A_1202 = arith.constant 1 : i32
      %dma_wait3A_1203 = arith.constant 0 : i32
      %dma_wait3A_1204 = arith.constant 0 : i32
      %dma_wait3A_1205 = tpu.memref_slice %arg7[%dma_wait3A_1200, %dma_wait3A_1203, %dma_wait3A_1204] : memref<3x128x128xf32, #tpu.memory_space<vmem>> -> memref<1x128x128xf32, #tpu.memory_space<vmem>>
      %dma_wait3A_1206 = tpu.memref_squeeze %dma_wait3A_1205 : memref<1x128x128xf32, #tpu.memory_space<vmem>> -> memref<128x128xf32, #tpu.memory_space<vmem>>
      %dma_wait3A_1207 = arith.constant 0 : i32
      %dma_wait3A_1208 = tpu.memref_slice %arg6[%dma_wait3A_1201, %dma_wait3A_1202, %dma_wait3A_1207] : memref<6x2x128xi32, #tpu.memory_space<vmem>> -> memref<1x1x128xi32, #tpu.memory_space<vmem>>
      %dma_wait3A_1209 = tpu.memref_squeeze %dma_wait3A_1208 : memref<1x1x128xi32, #tpu.memory_space<vmem>> -> memref<128xi32, #tpu.memory_space<vmem>>
      %dma_wait3A_1210 = arith.constant 0 : i32
      %dma_wait3A_1211 = arith.constant 0 : i32
      %dma_wait3A_1212 = tpu.memref_slice %arg8[%dma_wait3A_1210, %dma_wait3A_1211] : memref<10016x128xf32, #tpu.memory_space<vmem_shared>> -> memref<10016x128xf32, #tpu.memory_space<vmem_shared>>
      tpu.wait_indirect_dma semaphore(%arg18 : memref<!tpu.dma_semaphore, #tpu.memory_space<semaphore_mem>>) src(%dma_wait3A_1206 : memref<128x128xf32, #tpu.memory_space<vmem>>) dst(%dma_wait3A_1212 : memref<10016x128xf32, #tpu.memory_space<vmem_shared>>)
      %add3A_1213 = arith.constant 2 : i32
      %add3A_1214 = arith.addi %add3A_1173, %add3A_1213 : i32
      %dma_wait3A_1215 = arith.constant 3 : i32
      %dma_wait3A_1216 = arith.constant 0 : i32
      %dma_wait3A_1217 = arith.constant 0 : i32
      %dma_wait3A_1218 = tpu.memref_slice %arg6[%dma_wait3A_1215, %dma_wait3A_1216, %dma_wait3A_1217] : memref<6x2x128xi32, #tpu.memory_space<vmem>> -> memref<1x2x128xi32, #tpu.memory_space<vmem>>
      %dma_wait3A_1219 = tpu.memref_squeeze %dma_wait3A_1218 : memref<1x2x128xi32, #tpu.memory_space<vmem>> -> memref<2x128xi32, #tpu.memory_space<vmem>>
      %dma_wait3A_1220 = arith.constant 0 : i32
      %dma_wait3A_1221 = arith.constant 0 : i32
      %dma_wait3A_1222 = tpu.memref_slice %arg3[%add3A, %add3A_1214, %dma_wait3A_1220, %dma_wait3A_1221] : memref<32x84x2x128xi32, #tpu.memory_space<hbm>> -> memref<1x1x2x128xi32, #tpu.memory_space<hbm>>
      %dma_wait3A_1223 = tpu.memref_squeeze %dma_wait3A_1222 : memref<1x1x2x128xi32, #tpu.memory_space<hbm>> -> memref<2x128xi32, #tpu.memory_space<hbm>>
      %dma_wait3A_1224 = arith.constant 0 : i32
      %dma_wait3A_1225 = arith.constant 0 : i32
      %dma_wait3A_1226 = tpu.memref_slice %arg6[%dma_wait3A_1215, %dma_wait3A_1224, %dma_wait3A_1225] : memref<6x2x128xi32, #tpu.memory_space<vmem>> -> memref<1x2x128xi32, #tpu.memory_space<vmem>>
      %dma_wait3A_1227 = tpu.memref_squeeze %dma_wait3A_1226 : memref<1x2x128xi32, #tpu.memory_space<vmem>> -> memref<2x128xi32, #tpu.memory_space<vmem>>
      %dma_wait3A_1228 = arith.constant 0 : i32
      %dma_wait3A_1229 = arith.constant 0 : i32
      %dma_wait3A_1230 = tpu.memref_slice %arg3[%add3A, %add3A_1214, %dma_wait3A_1228, %dma_wait3A_1229] : memref<32x84x2x128xi32, #tpu.memory_space<hbm>> -> memref<1x1x2x128xi32, #tpu.memory_space<hbm>>
      %dma_wait3A_1231 = tpu.memref_squeeze %dma_wait3A_1230 : memref<1x1x2x128xi32, #tpu.memory_space<hbm>> -> memref<2x128xi32, #tpu.memory_space<hbm>>
      tpu.wait_dma2 semaphore(%arg12 : memref<!tpu.dma_semaphore, #tpu.memory_space<semaphore_mem>>) src(%dma_wait3A_1231 : memref<2x128xi32, #tpu.memory_space<hbm>>) dst(%dma_wait3A_1227 : memref<2x128xi32, #tpu.memory_space<vmem>>)
      %dma_start3A_1232 = arith.constant 3 : i32
      %dma_start3A_1233 = arith.constant 0 : i32
      %dma_start3A_1234 = arith.constant 0 : i32
      %dma_start3A_1235 = arith.constant 0 : i32
      %dma_start3A_1236 = arith.constant 0 : i32
      %dma_start3A_1237 = tpu.memref_slice %arg7[%dma_start3A_1234, %dma_start3A_1235, %dma_start3A_1236] : memref<3x128x128xf32, #tpu.memory_space<vmem>> -> memref<1x128x128xf32, #tpu.memory_space<vmem>>
      %dma_start3A_1238 = tpu.memref_squeeze %dma_start3A_1237 : memref<1x128x128xf32, #tpu.memory_space<vmem>> -> memref<128x128xf32, #tpu.memory_space<vmem>>
      %dma_start3A_1239 = arith.constant 0 : i32
      %dma_start3A_1240 = tpu.memref_slice %arg6[%dma_start3A_1232, %dma_start3A_1233, %dma_start3A_1239] : memref<6x2x128xi32, #tpu.memory_space<vmem>> -> memref<1x1x128xi32, #tpu.memory_space<vmem>>
      %dma_start3A_1241 = tpu.memref_squeeze %dma_start3A_1240 : memref<1x1x128xi32, #tpu.memory_space<vmem>> -> memref<128xi32, #tpu.memory_space<vmem>>
      %dma_start3A_1242 = arith.constant 0 : i32
      %dma_start3A_1243 = arith.constant 0 : i32
      %dma_start3A_1244 = tpu.memref_slice %arg2[%dma_start3A_1242, %dma_start3A_1243] : memref<10000x128xf32, #tpu.memory_space<hbm>> -> memref<10000x128xf32, #tpu.memory_space<hbm>>
      tpu.enqueue_indirect_dma source(%dma_start3A_1244 : memref<10000x128xf32, #tpu.memory_space<hbm>>) target(%dma_start3A_1238 : memref<128x128xf32, #tpu.memory_space<vmem>>) offsets(%dma_start3A_1241 : memref<128xi32, #tpu.memory_space<vmem>>) semaphore(%arg15 : memref<!tpu.dma_semaphore, #tpu.memory_space<semaphore_mem>>)
      %add3A_1245 = arith.constant 5 : i32
      %add3A_1246 = arith.addi %add3A_1173, %add3A_1245 : i32
      %dma_start3A_1247 = arith.constant 0 : i32
      %dma_start3A_1248 = arith.constant 0 : i32
      %dma_start3A_1249 = arith.constant 0 : i32
      %dma_start3A_1250 = tpu.memref_slice %arg6[%dma_start3A_1247, %dma_start3A_1248, %dma_start3A_1249] : memref<6x2x128xi32, #tpu.memory_space<vmem>> -> memref<1x2x128xi32, #tpu.memory_space<vmem>>
      %dma_start3A_1251 = tpu.memref_squeeze %dma_start3A_1250 : memref<1x2x128xi32, #tpu.memory_space<vmem>> -> memref<2x128xi32, #tpu.memory_space<vmem>>
      %dma_start3A_1252 = arith.constant 0 : i32
      %dma_start3A_1253 = arith.constant 0 : i32
      %dma_start3A_1254 = tpu.memref_slice %arg3[%add3A, %add3A_1246, %dma_start3A_1252, %dma_start3A_1253] : memref<32x84x2x128xi32, #tpu.memory_space<hbm>> -> memref<1x1x2x128xi32, #tpu.memory_space<hbm>>
      %dma_start3A_1255 = tpu.memref_squeeze %dma_start3A_1254 : memref<1x1x2x128xi32, #tpu.memory_space<hbm>> -> memref<2x128xi32, #tpu.memory_space<hbm>>
      %dma_start3A_1256 = arith.constant 0 : i32
      %dma_start3A_1257 = arith.constant 0 : i32
      %dma_start3A_1258 = tpu.memref_slice %arg6[%dma_start3A_1247, %dma_start3A_1256, %dma_start3A_1257] : memref<6x2x128xi32, #tpu.memory_space<vmem>> -> memref<1x2x128xi32, #tpu.memory_space<vmem>>
      %dma_start3A_1259 = tpu.memref_squeeze %dma_start3A_1258 : memref<1x2x128xi32, #tpu.memory_space<vmem>> -> memref<2x128xi32, #tpu.memory_space<vmem>>
      %dma_start3A_1260 = arith.constant 0 : i32
      %dma_start3A_1261 = arith.constant 0 : i32
      %dma_start3A_1262 = tpu.memref_slice %arg3[%add3A, %add3A_1246, %dma_start3A_1260, %dma_start3A_1261] : memref<32x84x2x128xi32, #tpu.memory_space<hbm>> -> memref<1x1x2x128xi32, #tpu.memory_space<hbm>>
      %dma_start3A_1263 = tpu.memref_squeeze %dma_start3A_1262 : memref<1x1x2x128xi32, #tpu.memory_space<hbm>> -> memref<2x128xi32, #tpu.memory_space<hbm>>
      tpu.enqueue_dma source(%dma_start3A_1263 : memref<2x128xi32, #tpu.memory_space<hbm>>) target(%dma_start3A_1259 : memref<2x128xi32, #tpu.memory_space<vmem>>) target_semaphore(%arg9 : memref<!tpu.dma_semaphore, #tpu.memory_space<semaphore_mem>>)
      %mul3A_1264 = arith.constant 6 : i32
      %mul3A_1265 = arith.muli %scan3A_1075, %mul3A_1264 : i32
      %add3A_1266 = arith.constant 2 : i32
      %add3A_1267 = arith.addi %mul3A_1265, %add3A_1266 : i32
      %dma_wait3A_1268 = arith.constant 2 : i32
      %dma_wait3A_1269 = arith.constant 0 : i32
      %dma_wait3A_1270 = arith.constant 2 : i32
      %dma_wait3A_1271 = arith.constant 0 : i32
      %dma_wait3A_1272 = arith.constant 0 : i32
      %dma_wait3A_1273 = tpu.memref_slice %arg7[%dma_wait3A_1270, %dma_wait3A_1271, %dma_wait3A_1272] : memref<3x128x128xf32, #tpu.memory_space<vmem>> -> memref<1x128x128xf32, #tpu.memory_space<vmem>>
      %dma_wait3A_1274 = tpu.memref_squeeze %dma_wait3A_1273 : memref<1x128x128xf32, #tpu.memory_space<vmem>> -> memref<128x128xf32, #tpu.memory_space<vmem>>
      %dma_wait3A_1275 = arith.constant 0 : i32
      %dma_wait3A_1276 = tpu.memref_slice %arg6[%dma_wait3A_1268, %dma_wait3A_1269, %dma_wait3A_1275] : memref<6x2x128xi32, #tpu.memory_space<vmem>> -> memref<1x1x128xi32, #tpu.memory_space<vmem>>
      %dma_wait3A_1277 = tpu.memref_squeeze %dma_wait3A_1276 : memref<1x1x128xi32, #tpu.memory_space<vmem>> -> memref<128xi32, #tpu.memory_space<vmem>>
      %dma_wait3A_1278 = arith.constant 0 : i32
      %dma_wait3A_1279 = arith.constant 0 : i32
      %dma_wait3A_1280 = tpu.memref_slice %arg2[%dma_wait3A_1278, %dma_wait3A_1279] : memref<10000x128xf32, #tpu.memory_space<hbm>> -> memref<10000x128xf32, #tpu.memory_space<hbm>>
      tpu.wait_indirect_dma semaphore(%arg17 : memref<!tpu.dma_semaphore, #tpu.memory_space<semaphore_mem>>) src(%dma_wait3A_1280 : memref<10000x128xf32, #tpu.memory_space<hbm>>) dst(%dma_wait3A_1274 : memref<128x128xf32, #tpu.memory_space<vmem>>)
      %dma_start3A_1281 = arith.constant 2 : i32
      %dma_start3A_1282 = arith.constant 2 : i32
      %dma_start3A_1283 = arith.constant 1 : i32
      %dma_start3A_1284 = arith.constant 0 : i32
      %dma_start3A_1285 = arith.constant 0 : i32
      %dma_start3A_1286 = tpu.memref_slice %arg7[%dma_start3A_1281, %dma_start3A_1284, %dma_start3A_1285] : memref<3x128x128xf32, #tpu.memory_space<vmem>> -> memref<1x128x128xf32, #tpu.memory_space<vmem>>
      %dma_start3A_1287 = tpu.memref_squeeze %dma_start3A_1286 : memref<1x128x128xf32, #tpu.memory_space<vmem>> -> memref<128x128xf32, #tpu.memory_space<vmem>>
      %dma_start3A_1288 = arith.constant 0 : i32
      %dma_start3A_1289 = tpu.memref_slice %arg6[%dma_start3A_1282, %dma_start3A_1283, %dma_start3A_1288] : memref<6x2x128xi32, #tpu.memory_space<vmem>> -> memref<1x1x128xi32, #tpu.memory_space<vmem>>
      %dma_start3A_1290 = tpu.memref_squeeze %dma_start3A_1289 : memref<1x1x128xi32, #tpu.memory_space<vmem>> -> memref<128xi32, #tpu.memory_space<vmem>>
      %dma_start3A_1291 = arith.constant 0 : i32
      %dma_start3A_1292 = arith.constant 0 : i32
      %dma_start3A_1293 = tpu.memref_slice %arg8[%dma_start3A_1291, %dma_start3A_1292] : memref<10016x128xf32, #tpu.memory_space<vmem_shared>> -> memref<10016x128xf32, #tpu.memory_space<vmem_shared>>
      tpu.enqueue_indirect_dma source(%dma_start3A_1287 : memref<128x128xf32, #tpu.memory_space<vmem>>) target(%dma_start3A_1293 : memref<10016x128xf32, #tpu.memory_space<vmem_shared>>) offsets(%dma_start3A_1290 : memref<128xi32, #tpu.memory_space<vmem>>) semaphore(%arg20 : memref<!tpu.dma_semaphore, #tpu.memory_space<semaphore_mem>>) {add = true}
      %dma_wait3A_1294 = arith.constant 1 : i32
      %dma_wait3A_1295 = arith.constant 1 : i32
      %dma_wait3A_1296 = arith.constant 1 : i32
      %dma_wait3A_1297 = arith.constant 0 : i32
      %dma_wait3A_1298 = arith.constant 0 : i32
      %dma_wait3A_1299 = tpu.memref_slice %arg7[%dma_wait3A_1294, %dma_wait3A_1297, %dma_wait3A_1298] : memref<3x128x128xf32, #tpu.memory_space<vmem>> -> memref<1x128x128xf32, #tpu.memory_space<vmem>>
      %dma_wait3A_1300 = tpu.memref_squeeze %dma_wait3A_1299 : memref<1x128x128xf32, #tpu.memory_space<vmem>> -> memref<128x128xf32, #tpu.memory_space<vmem>>
      %dma_wait3A_1301 = arith.constant 0 : i32
      %dma_wait3A_1302 = tpu.memref_slice %arg6[%dma_wait3A_1295, %dma_wait3A_1296, %dma_wait3A_1301] : memref<6x2x128xi32, #tpu.memory_space<vmem>> -> memref<1x1x128xi32, #tpu.memory_space<vmem>>
      %dma_wait3A_1303 = tpu.memref_squeeze %dma_wait3A_1302 : memref<1x1x128xi32, #tpu.memory_space<vmem>> -> memref<128xi32, #tpu.memory_space<vmem>>
      %dma_wait3A_1304 = arith.constant 0 : i32
      %dma_wait3A_1305 = arith.constant 0 : i32
      %dma_wait3A_1306 = tpu.memref_slice %arg8[%dma_wait3A_1304, %dma_wait3A_1305] : memref<10016x128xf32, #tpu.memory_space<vmem_shared>> -> memref<10016x128xf32, #tpu.memory_space<vmem_shared>>
      tpu.wait_indirect_dma semaphore(%arg19 : memref<!tpu.dma_semaphore, #tpu.memory_space<semaphore_mem>>) src(%dma_wait3A_1300 : memref<128x128xf32, #tpu.memory_space<vmem>>) dst(%dma_wait3A_1306 : memref<10016x128xf32, #tpu.memory_space<vmem_shared>>)
      %add3A_1307 = arith.constant 2 : i32
      %add3A_1308 = arith.addi %add3A_1267, %add3A_1307 : i32
      %dma_wait3A_1309 = arith.constant 4 : i32
      %dma_wait3A_1310 = arith.constant 0 : i32
      %dma_wait3A_1311 = arith.constant 0 : i32
      %dma_wait3A_1312 = tpu.memref_slice %arg6[%dma_wait3A_1309, %dma_wait3A_1310, %dma_wait3A_1311] : memref<6x2x128xi32, #tpu.memory_space<vmem>> -> memref<1x2x128xi32, #tpu.memory_space<vmem>>
      %dma_wait3A_1313 = tpu.memref_squeeze %dma_wait3A_1312 : memref<1x2x128xi32, #tpu.memory_space<vmem>> -> memref<2x128xi32, #tpu.memory_space<vmem>>
      %dma_wait3A_1314 = arith.constant 0 : i32
      %dma_wait3A_1315 = arith.constant 0 : i32
      %dma_wait3A_1316 = tpu.memref_slice %arg3[%add3A, %add3A_1308, %dma_wait3A_1314, %dma_wait3A_1315] : memref<32x84x2x128xi32, #tpu.memory_space<hbm>> -> memref<1x1x2x128xi32, #tpu.memory_space<hbm>>
      %dma_wait3A_1317 = tpu.memref_squeeze %dma_wait3A_1316 : memref<1x1x2x128xi32, #tpu.memory_space<hbm>> -> memref<2x128xi32, #tpu.memory_space<hbm>>
      %dma_wait3A_1318 = arith.constant 0 : i32
      %dma_wait3A_1319 = arith.constant 0 : i32
      %dma_wait3A_1320 = tpu.memref_slice %arg6[%dma_wait3A_1309, %dma_wait3A_1318, %dma_wait3A_1319] : memref<6x2x128xi32, #tpu.memory_space<vmem>> -> memref<1x2x128xi32, #tpu.memory_space<vmem>>
      %dma_wait3A_1321 = tpu.memref_squeeze %dma_wait3A_1320 : memref<1x2x128xi32, #tpu.memory_space<vmem>> -> memref<2x128xi32, #tpu.memory_space<vmem>>
      %dma_wait3A_1322 = arith.constant 0 : i32
      %dma_wait3A_1323 = arith.constant 0 : i32
      %dma_wait3A_1324 = tpu.memref_slice %arg3[%add3A, %add3A_1308, %dma_wait3A_1322, %dma_wait3A_1323] : memref<32x84x2x128xi32, #tpu.memory_space<hbm>> -> memref<1x1x2x128xi32, #tpu.memory_space<hbm>>
      %dma_wait3A_1325 = tpu.memref_squeeze %dma_wait3A_1324 : memref<1x1x2x128xi32, #tpu.memory_space<hbm>> -> memref<2x128xi32, #tpu.memory_space<hbm>>
      tpu.wait_dma2 semaphore(%arg13 : memref<!tpu.dma_semaphore, #tpu.memory_space<semaphore_mem>>) src(%dma_wait3A_1325 : memref<2x128xi32, #tpu.memory_space<hbm>>) dst(%dma_wait3A_1321 : memref<2x128xi32, #tpu.memory_space<vmem>>)
      %dma_start3A_1326 = arith.constant 4 : i32
      %dma_start3A_1327 = arith.constant 0 : i32
      %dma_start3A_1328 = arith.constant 1 : i32
      %dma_start3A_1329 = arith.constant 0 : i32
      %dma_start3A_1330 = arith.constant 0 : i32
      %dma_start3A_1331 = tpu.memref_slice %arg7[%dma_start3A_1328, %dma_start3A_1329, %dma_start3A_1330] : memref<3x128x128xf32, #tpu.memory_space<vmem>> -> memref<1x128x128xf32, #tpu.memory_space<vmem>>
      %dma_start3A_1332 = tpu.memref_squeeze %dma_start3A_1331 : memref<1x128x128xf32, #tpu.memory_space<vmem>> -> memref<128x128xf32, #tpu.memory_space<vmem>>
      %dma_start3A_1333 = arith.constant 0 : i32
      %dma_start3A_1334 = tpu.memref_slice %arg6[%dma_start3A_1326, %dma_start3A_1327, %dma_start3A_1333] : memref<6x2x128xi32, #tpu.memory_space<vmem>> -> memref<1x1x128xi32, #tpu.memory_space<vmem>>
      %dma_start3A_1335 = tpu.memref_squeeze %dma_start3A_1334 : memref<1x1x128xi32, #tpu.memory_space<vmem>> -> memref<128xi32, #tpu.memory_space<vmem>>
      %dma_start3A_1336 = arith.constant 0 : i32
      %dma_start3A_1337 = arith.constant 0 : i32
      %dma_start3A_1338 = tpu.memref_slice %arg2[%dma_start3A_1336, %dma_start3A_1337] : memref<10000x128xf32, #tpu.memory_space<hbm>> -> memref<10000x128xf32, #tpu.memory_space<hbm>>
      tpu.enqueue_indirect_dma source(%dma_start3A_1338 : memref<10000x128xf32, #tpu.memory_space<hbm>>) target(%dma_start3A_1332 : memref<128x128xf32, #tpu.memory_space<vmem>>) offsets(%dma_start3A_1335 : memref<128xi32, #tpu.memory_space<vmem>>) semaphore(%arg16 : memref<!tpu.dma_semaphore, #tpu.memory_space<semaphore_mem>>)
      %add3A_1339 = arith.constant 5 : i32
      %add3A_1340 = arith.addi %add3A_1267, %add3A_1339 : i32
      %dma_start3A_1341 = arith.constant 1 : i32
      %dma_start3A_1342 = arith.constant 0 : i32
      %dma_start3A_1343 = arith.constant 0 : i32
      %dma_start3A_1344 = tpu.memref_slice %arg6[%dma_start3A_1341, %dma_start3A_1342, %dma_start3A_1343] : memref<6x2x128xi32, #tpu.memory_space<vmem>> -> memref<1x2x128xi32, #tpu.memory_space<vmem>>
      %dma_start3A_1345 = tpu.memref_squeeze %dma_start3A_1344 : memref<1x2x128xi32, #tpu.memory_space<vmem>> -> memref<2x128xi32, #tpu.memory_space<vmem>>
      %dma_start3A_1346 = arith.constant 0 : i32
      %dma_start3A_1347 = arith.constant 0 : i32
      %dma_start3A_1348 = tpu.memref_slice %arg3[%add3A, %add3A_1340, %dma_start3A_1346, %dma_start3A_1347] : memref<32x84x2x128xi32, #tpu.memory_space<hbm>> -> memref<1x1x2x128xi32, #tpu.memory_space<hbm>>
      %dma_start3A_1349 = tpu.memref_squeeze %dma_start3A_1348 : memref<1x1x2x128xi32, #tpu.memory_space<hbm>> -> memref<2x128xi32, #tpu.memory_space<hbm>>
      %dma_start3A_1350 = arith.constant 0 : i32
      %dma_start3A_1351 = arith.constant 0 : i32
      %dma_start3A_1352 = tpu.memref_slice %arg6[%dma_start3A_1341, %dma_start3A_1350, %dma_start3A_1351] : memref<6x2x128xi32, #tpu.memory_space<vmem>> -> memref<1x2x128xi32, #tpu.memory_space<vmem>>
      %dma_start3A_1353 = tpu.memref_squeeze %dma_start3A_1352 : memref<1x2x128xi32, #tpu.memory_space<vmem>> -> memref<2x128xi32, #tpu.memory_space<vmem>>
      %dma_start3A_1354 = arith.constant 0 : i32
      %dma_start3A_1355 = arith.constant 0 : i32
      %dma_start3A_1356 = tpu.memref_slice %arg3[%add3A, %add3A_1340, %dma_start3A_1354, %dma_start3A_1355] : memref<32x84x2x128xi32, #tpu.memory_space<hbm>> -> memref<1x1x2x128xi32, #tpu.memory_space<hbm>>
      %dma_start3A_1357 = tpu.memref_squeeze %dma_start3A_1356 : memref<1x1x2x128xi32, #tpu.memory_space<hbm>> -> memref<2x128xi32, #tpu.memory_space<hbm>>
      tpu.enqueue_dma source(%dma_start3A_1357 : memref<2x128xi32, #tpu.memory_space<hbm>>) target(%dma_start3A_1353 : memref<2x128xi32, #tpu.memory_space<vmem>>) target_semaphore(%arg10 : memref<!tpu.dma_semaphore, #tpu.memory_space<semaphore_mem>>)
      %mul3A_1358 = arith.constant 6 : i32
      %mul3A_1359 = arith.muli %scan3A_1075, %mul3A_1358 : i32
      %add3A_1360 = arith.constant 3 : i32
      %add3A_1361 = arith.addi %mul3A_1359, %add3A_1360 : i32
      %dma_wait3A_1362 = arith.constant 3 : i32
      %dma_wait3A_1363 = arith.constant 0 : i32
      %dma_wait3A_1364 = arith.constant 0 : i32
      %dma_wait3A_1365 = arith.constant 0 : i32
      %dma_wait3A_1366 = arith.constant 0 : i32
      %dma_wait3A_1367 = tpu.memref_slice %arg7[%dma_wait3A_1364, %dma_wait3A_1365, %dma_wait3A_1366] : memref<3x128x128xf32, #tpu.memory_space<vmem>> -> memref<1x128x128xf32, #tpu.memory_space<vmem>>
      %dma_wait3A_1368 = tpu.memref_squeeze %dma_wait3A_1367 : memref<1x128x128xf32, #tpu.memory_space<vmem>> -> memref<128x128xf32, #tpu.memory_space<vmem>>
      %dma_wait3A_1369 = arith.constant 0 : i32
      %dma_wait3A_1370 = tpu.memref_slice %arg6[%dma_wait3A_1362, %dma_wait3A_1363, %dma_wait3A_1369] : memref<6x2x128xi32, #tpu.memory_space<vmem>> -> memref<1x1x128xi32, #tpu.memory_space<vmem>>
      %dma_wait3A_1371 = tpu.memref_squeeze %dma_wait3A_1370 : memref<1x1x128xi32, #tpu.memory_space<vmem>> -> memref<128xi32, #tpu.memory_space<vmem>>
      %dma_wait3A_1372 = arith.constant 0 : i32
      %dma_wait3A_1373 = arith.constant 0 : i32
      %dma_wait3A_1374 = tpu.memref_slice %arg2[%dma_wait3A_1372, %dma_wait3A_1373] : memref<10000x128xf32, #tpu.memory_space<hbm>> -> memref<10000x128xf32, #tpu.memory_space<hbm>>
      tpu.wait_indirect_dma semaphore(%arg15 : memref<!tpu.dma_semaphore, #tpu.memory_space<semaphore_mem>>) src(%dma_wait3A_1374 : memref<10000x128xf32, #tpu.memory_space<hbm>>) dst(%dma_wait3A_1368 : memref<128x128xf32, #tpu.memory_space<vmem>>)
      %dma_start3A_1375 = arith.constant 0 : i32
      %dma_start3A_1376 = arith.constant 3 : i32
      %dma_start3A_1377 = arith.constant 1 : i32
      %dma_start3A_1378 = arith.constant 0 : i32
      %dma_start3A_1379 = arith.constant 0 : i32
      %dma_start3A_1380 = tpu.memref_slice %arg7[%dma_start3A_1375, %dma_start3A_1378, %dma_start3A_1379] : memref<3x128x128xf32, #tpu.memory_space<vmem>> -> memref<1x128x128xf32, #tpu.memory_space<vmem>>
      %dma_start3A_1381 = tpu.memref_squeeze %dma_start3A_1380 : memref<1x128x128xf32, #tpu.memory_space<vmem>> -> memref<128x128xf32, #tpu.memory_space<vmem>>
      %dma_start3A_1382 = arith.constant 0 : i32
      %dma_start3A_1383 = tpu.memref_slice %arg6[%dma_start3A_1376, %dma_start3A_1377, %dma_start3A_1382] : memref<6x2x128xi32, #tpu.memory_space<vmem>> -> memref<1x1x128xi32, #tpu.memory_space<vmem>>
      %dma_start3A_1384 = tpu.memref_squeeze %dma_start3A_1383 : memref<1x1x128xi32, #tpu.memory_space<vmem>> -> memref<128xi32, #tpu.memory_space<vmem>>
      %dma_start3A_1385 = arith.constant 0 : i32
      %dma_start3A_1386 = arith.constant 0 : i32
      %dma_start3A_1387 = tpu.memref_slice %arg8[%dma_start3A_1385, %dma_start3A_1386] : memref<10016x128xf32, #tpu.memory_space<vmem_shared>> -> memref<10016x128xf32, #tpu.memory_space<vmem_shared>>
      tpu.enqueue_indirect_dma source(%dma_start3A_1381 : memref<128x128xf32, #tpu.memory_space<vmem>>) target(%dma_start3A_1387 : memref<10016x128xf32, #tpu.memory_space<vmem_shared>>) offsets(%dma_start3A_1384 : memref<128xi32, #tpu.memory_space<vmem>>) semaphore(%arg18 : memref<!tpu.dma_semaphore, #tpu.memory_space<semaphore_mem>>) {add = true}
      %dma_wait3A_1388 = arith.constant 2 : i32
      %dma_wait3A_1389 = arith.constant 2 : i32
      %dma_wait3A_1390 = arith.constant 1 : i32
      %dma_wait3A_1391 = arith.constant 0 : i32
      %dma_wait3A_1392 = arith.constant 0 : i32
      %dma_wait3A_1393 = tpu.memref_slice %arg7[%dma_wait3A_1388, %dma_wait3A_1391, %dma_wait3A_1392] : memref<3x128x128xf32, #tpu.memory_space<vmem>> -> memref<1x128x128xf32, #tpu.memory_space<vmem>>
      %dma_wait3A_1394 = tpu.memref_squeeze %dma_wait3A_1393 : memref<1x128x128xf32, #tpu.memory_space<vmem>> -> memref<128x128xf32, #tpu.memory_space<vmem>>
      %dma_wait3A_1395 = arith.constant 0 : i32
      %dma_wait3A_1396 = tpu.memref_slice %arg6[%dma_wait3A_1389, %dma_wait3A_1390, %dma_wait3A_1395] : memref<6x2x128xi32, #tpu.memory_space<vmem>> -> memref<1x1x128xi32, #tpu.memory_space<vmem>>
      %dma_wait3A_1397 = tpu.memref_squeeze %dma_wait3A_1396 : memref<1x1x128xi32, #tpu.memory_space<vmem>> -> memref<128xi32, #tpu.memory_space<vmem>>
      %dma_wait3A_1398 = arith.constant 0 : i32
      %dma_wait3A_1399 = arith.constant 0 : i32
      %dma_wait3A_1400 = tpu.memref_slice %arg8[%dma_wait3A_1398, %dma_wait3A_1399] : memref<10016x128xf32, #tpu.memory_space<vmem_shared>> -> memref<10016x128xf32, #tpu.memory_space<vmem_shared>>
      tpu.wait_indirect_dma semaphore(%arg20 : memref<!tpu.dma_semaphore, #tpu.memory_space<semaphore_mem>>) src(%dma_wait3A_1394 : memref<128x128xf32, #tpu.memory_space<vmem>>) dst(%dma_wait3A_1400 : memref<10016x128xf32, #tpu.memory_space<vmem_shared>>)
      %add3A_1401 = arith.constant 2 : i32
      %add3A_1402 = arith.addi %add3A_1361, %add3A_1401 : i32
      %dma_wait3A_1403 = arith.constant 5 : i32
      %dma_wait3A_1404 = arith.constant 0 : i32
      %dma_wait3A_1405 = arith.constant 0 : i32
      %dma_wait3A_1406 = tpu.memref_slice %arg6[%dma_wait3A_1403, %dma_wait3A_1404, %dma_wait3A_1405] : memref<6x2x128xi32, #tpu.memory_space<vmem>> -> memref<1x2x128xi32, #tpu.memory_space<vmem>>
      %dma_wait3A_1407 = tpu.memref_squeeze %dma_wait3A_1406 : memref<1x2x128xi32, #tpu.memory_space<vmem>> -> memref<2x128xi32, #tpu.memory_space<vmem>>
      %dma_wait3A_1408 = arith.constant 0 : i32
      %dma_wait3A_1409 = arith.constant 0 : i32
      %dma_wait3A_1410 = tpu.memref_slice %arg3[%add3A, %add3A_1402, %dma_wait3A_1408, %dma_wait3A_1409] : memref<32x84x2x128xi32, #tpu.memory_space<hbm>> -> memref<1x1x2x128xi32, #tpu.memory_space<hbm>>
      %dma_wait3A_1411 = tpu.memref_squeeze %dma_wait3A_1410 : memref<1x1x2x128xi32, #tpu.memory_space<hbm>> -> memref<2x128xi32, #tpu.memory_space<hbm>>
      %dma_wait3A_1412 = arith.constant 0 : i32
      %dma_wait3A_1413 = arith.constant 0 : i32
      %dma_wait3A_1414 = tpu.memref_slice %arg6[%dma_wait3A_1403, %dma_wait3A_1412, %dma_wait3A_1413] : memref<6x2x128xi32, #tpu.memory_space<vmem>> -> memref<1x2x128xi32, #tpu.memory_space<vmem>>
      %dma_wait3A_1415 = tpu.memref_squeeze %dma_wait3A_1414 : memref<1x2x128xi32, #tpu.memory_space<vmem>> -> memref<2x128xi32, #tpu.memory_space<vmem>>
      %dma_wait3A_1416 = arith.constant 0 : i32
      %dma_wait3A_1417 = arith.constant 0 : i32
      %dma_wait3A_1418 = tpu.memref_slice %arg3[%add3A, %add3A_1402, %dma_wait3A_1416, %dma_wait3A_1417] : memref<32x84x2x128xi32, #tpu.memory_space<hbm>> -> memref<1x1x2x128xi32, #tpu.memory_space<hbm>>
      %dma_wait3A_1419 = tpu.memref_squeeze %dma_wait3A_1418 : memref<1x1x2x128xi32, #tpu.memory_space<hbm>> -> memref<2x128xi32, #tpu.memory_space<hbm>>
      tpu.wait_dma2 semaphore(%arg14 : memref<!tpu.dma_semaphore, #tpu.memory_space<semaphore_mem>>) src(%dma_wait3A_1419 : memref<2x128xi32, #tpu.memory_space<hbm>>) dst(%dma_wait3A_1415 : memref<2x128xi32, #tpu.memory_space<vmem>>)
      %dma_start3A_1420 = arith.constant 5 : i32
      %dma_start3A_1421 = arith.constant 0 : i32
      %dma_start3A_1422 = arith.constant 2 : i32
      %dma_start3A_1423 = arith.constant 0 : i32
      %dma_start3A_1424 = arith.constant 0 : i32
      %dma_start3A_1425 = tpu.memref_slice %arg7[%dma_start3A_1422, %dma_start3A_1423, %dma_start3A_1424] : memref<3x128x128xf32, #tpu.memory_space<vmem>> -> memref<1x128x128xf32, #tpu.memory_space<vmem>>
      %dma_start3A_1426 = tpu.memref_squeeze %dma_start3A_1425 : memref<1x128x128xf32, #tpu.memory_space<vmem>> -> memref<128x128xf32, #tpu.memory_space<vmem>>
      %dma_start3A_1427 = arith.constant 0 : i32
      %dma_start3A_1428 = tpu.memref_slice %arg6[%dma_start3A_1420, %dma_start3A_1421, %dma_start3A_1427] : memref<6x2x128xi32, #tpu.memory_space<vmem>> -> memref<1x1x128xi32, #tpu.memory_space<vmem>>
      %dma_start3A_1429 = tpu.memref_squeeze %dma_start3A_1428 : memref<1x1x128xi32, #tpu.memory_space<vmem>> -> memref<128xi32, #tpu.memory_space<vmem>>
      %dma_start3A_1430 = arith.constant 0 : i32
      %dma_start3A_1431 = arith.constant 0 : i32
      %dma_start3A_1432 = tpu.memref_slice %arg2[%dma_start3A_1430, %dma_start3A_1431] : memref<10000x128xf32, #tpu.memory_space<hbm>> -> memref<10000x128xf32, #tpu.memory_space<hbm>>
      tpu.enqueue_indirect_dma source(%dma_start3A_1432 : memref<10000x128xf32, #tpu.memory_space<hbm>>) target(%dma_start3A_1426 : memref<128x128xf32, #tpu.memory_space<vmem>>) offsets(%dma_start3A_1429 : memref<128xi32, #tpu.memory_space<vmem>>) semaphore(%arg17 : memref<!tpu.dma_semaphore, #tpu.memory_space<semaphore_mem>>)
      %add3A_1433 = arith.constant 5 : i32
      %add3A_1434 = arith.addi %add3A_1361, %add3A_1433 : i32
      %dma_start3A_1435 = arith.constant 2 : i32
      %dma_start3A_1436 = arith.constant 0 : i32
      %dma_start3A_1437 = arith.constant 0 : i32
      %dma_start3A_1438 = tpu.memref_slice %arg6[%dma_start3A_1435, %dma_start3A_1436, %dma_start3A_1437] : memref<6x2x128xi32, #tpu.memory_space<vmem>> -> memref<1x2x128xi32, #tpu.memory_space<vmem>>
      %dma_start3A_1439 = tpu.memref_squeeze %dma_start3A_1438 : memref<1x2x128xi32, #tpu.memory_space<vmem>> -> memref<2x128xi32, #tpu.memory_space<vmem>>
      %dma_start3A_1440 = arith.constant 0 : i32
      %dma_start3A_1441 = arith.constant 0 : i32
      %dma_start3A_1442 = tpu.memref_slice %arg3[%add3A, %add3A_1434, %dma_start3A_1440, %dma_start3A_1441] : memref<32x84x2x128xi32, #tpu.memory_space<hbm>> -> memref<1x1x2x128xi32, #tpu.memory_space<hbm>>
      %dma_start3A_1443 = tpu.memref_squeeze %dma_start3A_1442 : memref<1x1x2x128xi32, #tpu.memory_space<hbm>> -> memref<2x128xi32, #tpu.memory_space<hbm>>
      %dma_start3A_1444 = arith.constant 0 : i32
      %dma_start3A_1445 = arith.constant 0 : i32
      %dma_start3A_1446 = tpu.memref_slice %arg6[%dma_start3A_1435, %dma_start3A_1444, %dma_start3A_1445] : memref<6x2x128xi32, #tpu.memory_space<vmem>> -> memref<1x2x128xi32, #tpu.memory_space<vmem>>
      %dma_start3A_1447 = tpu.memref_squeeze %dma_start3A_1446 : memref<1x2x128xi32, #tpu.memory_space<vmem>> -> memref<2x128xi32, #tpu.memory_space<vmem>>
      %dma_start3A_1448 = arith.constant 0 : i32
      %dma_start3A_1449 = arith.constant 0 : i32
      %dma_start3A_1450 = tpu.memref_slice %arg3[%add3A, %add3A_1434, %dma_start3A_1448, %dma_start3A_1449] : memref<32x84x2x128xi32, #tpu.memory_space<hbm>> -> memref<1x1x2x128xi32, #tpu.memory_space<hbm>>
      %dma_start3A_1451 = tpu.memref_squeeze %dma_start3A_1450 : memref<1x1x2x128xi32, #tpu.memory_space<hbm>> -> memref<2x128xi32, #tpu.memory_space<hbm>>
      tpu.enqueue_dma source(%dma_start3A_1451 : memref<2x128xi32, #tpu.memory_space<hbm>>) target(%dma_start3A_1447 : memref<2x128xi32, #tpu.memory_space<vmem>>) target_semaphore(%arg11 : memref<!tpu.dma_semaphore, #tpu.memory_space<semaphore_mem>>)
      %mul3A_1452 = arith.constant 6 : i32
      %mul3A_1453 = arith.muli %scan3A_1075, %mul3A_1452 : i32
      %add3A_1454 = arith.constant 4 : i32
      %add3A_1455 = arith.addi %mul3A_1453, %add3A_1454 : i32
      %dma_wait3A_1456 = arith.constant 4 : i32
      %dma_wait3A_1457 = arith.constant 0 : i32
      %dma_wait3A_1458 = arith.constant 1 : i32
      %dma_wait3A_1459 = arith.constant 0 : i32
      %dma_wait3A_1460 = arith.constant 0 : i32
      %dma_wait3A_1461 = tpu.memref_slice %arg7[%dma_wait3A_1458, %dma_wait3A_1459, %dma_wait3A_1460] : memref<3x128x128xf32, #tpu.memory_space<vmem>> -> memref<1x128x128xf32, #tpu.memory_space<vmem>>
      %dma_wait3A_1462 = tpu.memref_squeeze %dma_wait3A_1461 : memref<1x128x128xf32, #tpu.memory_space<vmem>> -> memref<128x128xf32, #tpu.memory_space<vmem>>
      %dma_wait3A_1463 = arith.constant 0 : i32
      %dma_wait3A_1464 = tpu.memref_slice %arg6[%dma_wait3A_1456, %dma_wait3A_1457, %dma_wait3A_1463] : memref<6x2x128xi32, #tpu.memory_space<vmem>> -> memref<1x1x128xi32, #tpu.memory_space<vmem>>
      %dma_wait3A_1465 = tpu.memref_squeeze %dma_wait3A_1464 : memref<1x1x128xi32, #tpu.memory_space<vmem>> -> memref<128xi32, #tpu.memory_space<vmem>>
      %dma_wait3A_1466 = arith.constant 0 : i32
      %dma_wait3A_1467 = arith.constant 0 : i32
      %dma_wait3A_1468 = tpu.memref_slice %arg2[%dma_wait3A_1466, %dma_wait3A_1467] : memref<10000x128xf32, #tpu.memory_space<hbm>> -> memref<10000x128xf32, #tpu.memory_space<hbm>>
      tpu.wait_indirect_dma semaphore(%arg16 : memref<!tpu.dma_semaphore, #tpu.memory_space<semaphore_mem>>) src(%dma_wait3A_1468 : memref<10000x128xf32, #tpu.memory_space<hbm>>) dst(%dma_wait3A_1462 : memref<128x128xf32, #tpu.memory_space<vmem>>)
      %dma_start3A_1469 = arith.constant 1 : i32
      %dma_start3A_1470 = arith.constant 4 : i32
      %dma_start3A_1471 = arith.constant 1 : i32
      %dma_start3A_1472 = arith.constant 0 : i32
      %dma_start3A_1473 = arith.constant 0 : i32
      %dma_start3A_1474 = tpu.memref_slice %arg7[%dma_start3A_1469, %dma_start3A_1472, %dma_start3A_1473] : memref<3x128x128xf32, #tpu.memory_space<vmem>> -> memref<1x128x128xf32, #tpu.memory_space<vmem>>
      %dma_start3A_1475 = tpu.memref_squeeze %dma_start3A_1474 : memref<1x128x128xf32, #tpu.memory_space<vmem>> -> memref<128x128xf32, #tpu.memory_space<vmem>>
      %dma_start3A_1476 = arith.constant 0 : i32
      %dma_start3A_1477 = tpu.memref_slice %arg6[%dma_start3A_1470, %dma_start3A_1471, %dma_start3A_1476] : memref<6x2x128xi32, #tpu.memory_space<vmem>> -> memref<1x1x128xi32, #tpu.memory_space<vmem>>
      %dma_start3A_1478 = tpu.memref_squeeze %dma_start3A_1477 : memref<1x1x128xi32, #tpu.memory_space<vmem>> -> memref<128xi32, #tpu.memory_space<vmem>>
      %dma_start3A_1479 = arith.constant 0 : i32
      %dma_start3A_1480 = arith.constant 0 : i32
      %dma_start3A_1481 = tpu.memref_slice %arg8[%dma_start3A_1479, %dma_start3A_1480] : memref<10016x128xf32, #tpu.memory_space<vmem_shared>> -> memref<10016x128xf32, #tpu.memory_space<vmem_shared>>
      tpu.enqueue_indirect_dma source(%dma_start3A_1475 : memref<128x128xf32, #tpu.memory_space<vmem>>) target(%dma_start3A_1481 : memref<10016x128xf32, #tpu.memory_space<vmem_shared>>) offsets(%dma_start3A_1478 : memref<128xi32, #tpu.memory_space<vmem>>) semaphore(%arg19 : memref<!tpu.dma_semaphore, #tpu.memory_space<semaphore_mem>>) {add = true}
      %dma_wait3A_1482 = arith.constant 0 : i32
      %dma_wait3A_1483 = arith.constant 3 : i32
      %dma_wait3A_1484 = arith.constant 1 : i32
      %dma_wait3A_1485 = arith.constant 0 : i32
      %dma_wait3A_1486 = arith.constant 0 : i32
      %dma_wait3A_1487 = tpu.memref_slice %arg7[%dma_wait3A_1482, %dma_wait3A_1485, %dma_wait3A_1486] : memref<3x128x128xf32, #tpu.memory_space<vmem>> -> memref<1x128x128xf32, #tpu.memory_space<vmem>>
      %dma_wait3A_1488 = tpu.memref_squeeze %dma_wait3A_1487 : memref<1x128x128xf32, #tpu.memory_space<vmem>> -> memref<128x128xf32, #tpu.memory_space<vmem>>
      %dma_wait3A_1489 = arith.constant 0 : i32
      %dma_wait3A_1490 = tpu.memref_slice %arg6[%dma_wait3A_1483, %dma_wait3A_1484, %dma_wait3A_1489] : memref<6x2x128xi32, #tpu.memory_space<vmem>> -> memref<1x1x128xi32, #tpu.memory_space<vmem>>
      %dma_wait3A_1491 = tpu.memref_squeeze %dma_wait3A_1490 : memref<1x1x128xi32, #tpu.memory_space<vmem>> -> memref<128xi32, #tpu.memory_space<vmem>>
      %dma_wait3A_1492 = arith.constant 0 : i32
      %dma_wait3A_1493 = arith.constant 0 : i32
      %dma_wait3A_1494 = tpu.memref_slice %arg8[%dma_wait3A_1492, %dma_wait3A_1493] : memref<10016x128xf32, #tpu.memory_space<vmem_shared>> -> memref<10016x128xf32, #tpu.memory_space<vmem_shared>>
      tpu.wait_indirect_dma semaphore(%arg18 : memref<!tpu.dma_semaphore, #tpu.memory_space<semaphore_mem>>) src(%dma_wait3A_1488 : memref<128x128xf32, #tpu.memory_space<vmem>>) dst(%dma_wait3A_1494 : memref<10016x128xf32, #tpu.memory_space<vmem_shared>>)
      %add3A_1495 = arith.constant 2 : i32
      %add3A_1496 = arith.addi %add3A_1455, %add3A_1495 : i32
      %dma_wait3A_1497 = arith.constant 0 : i32
      %dma_wait3A_1498 = arith.constant 0 : i32
      %dma_wait3A_1499 = arith.constant 0 : i32
      %dma_wait3A_1500 = tpu.memref_slice %arg6[%dma_wait3A_1497, %dma_wait3A_1498, %dma_wait3A_1499] : memref<6x2x128xi32, #tpu.memory_space<vmem>> -> memref<1x2x128xi32, #tpu.memory_space<vmem>>
      %dma_wait3A_1501 = tpu.memref_squeeze %dma_wait3A_1500 : memref<1x2x128xi32, #tpu.memory_space<vmem>> -> memref<2x128xi32, #tpu.memory_space<vmem>>
      %dma_wait3A_1502 = arith.constant 0 : i32
      %dma_wait3A_1503 = arith.constant 0 : i32
      %dma_wait3A_1504 = tpu.memref_slice %arg3[%add3A, %add3A_1496, %dma_wait3A_1502, %dma_wait3A_1503] : memref<32x84x2x128xi32, #tpu.memory_space<hbm>> -> memref<1x1x2x128xi32, #tpu.memory_space<hbm>>
      %dma_wait3A_1505 = tpu.memref_squeeze %dma_wait3A_1504 : memref<1x1x2x128xi32, #tpu.memory_space<hbm>> -> memref<2x128xi32, #tpu.memory_space<hbm>>
      %dma_wait3A_1506 = arith.constant 0 : i32
      %dma_wait3A_1507 = arith.constant 0 : i32
      %dma_wait3A_1508 = tpu.memref_slice %arg6[%dma_wait3A_1497, %dma_wait3A_1506, %dma_wait3A_1507] : memref<6x2x128xi32, #tpu.memory_space<vmem>> -> memref<1x2x128xi32, #tpu.memory_space<vmem>>
      %dma_wait3A_1509 = tpu.memref_squeeze %dma_wait3A_1508 : memref<1x2x128xi32, #tpu.memory_space<vmem>> -> memref<2x128xi32, #tpu.memory_space<vmem>>
      %dma_wait3A_1510 = arith.constant 0 : i32
      %dma_wait3A_1511 = arith.constant 0 : i32
      %dma_wait3A_1512 = tpu.memref_slice %arg3[%add3A, %add3A_1496, %dma_wait3A_1510, %dma_wait3A_1511] : memref<32x84x2x128xi32, #tpu.memory_space<hbm>> -> memref<1x1x2x128xi32, #tpu.memory_space<hbm>>
      %dma_wait3A_1513 = tpu.memref_squeeze %dma_wait3A_1512 : memref<1x1x2x128xi32, #tpu.memory_space<hbm>> -> memref<2x128xi32, #tpu.memory_space<hbm>>
      tpu.wait_dma2 semaphore(%arg9 : memref<!tpu.dma_semaphore, #tpu.memory_space<semaphore_mem>>) src(%dma_wait3A_1513 : memref<2x128xi32, #tpu.memory_space<hbm>>) dst(%dma_wait3A_1509 : memref<2x128xi32, #tpu.memory_space<vmem>>)
      %dma_start3A_1514 = arith.constant 0 : i32
      %dma_start3A_1515 = arith.constant 0 : i32
      %dma_start3A_1516 = arith.constant 0 : i32
      %dma_start3A_1517 = arith.constant 0 : i32
      %dma_start3A_1518 = arith.constant 0 : i32
      %dma_start3A_1519 = tpu.memref_slice %arg7[%dma_start3A_1516, %dma_start3A_1517, %dma_start3A_1518] : memref<3x128x128xf32, #tpu.memory_space<vmem>> -> memref<1x128x128xf32, #tpu.memory_space<vmem>>
      %dma_start3A_1520 = tpu.memref_squeeze %dma_start3A_1519 : memref<1x128x128xf32, #tpu.memory_space<vmem>> -> memref<128x128xf32, #tpu.memory_space<vmem>>
      %dma_start3A_1521 = arith.constant 0 : i32
      %dma_start3A_1522 = tpu.memref_slice %arg6[%dma_start3A_1514, %dma_start3A_1515, %dma_start3A_1521] : memref<6x2x128xi32, #tpu.memory_space<vmem>> -> memref<1x1x128xi32, #tpu.memory_space<vmem>>
      %dma_start3A_1523 = tpu.memref_squeeze %dma_start3A_1522 : memref<1x1x128xi32, #tpu.memory_space<vmem>> -> memref<128xi32, #tpu.memory_space<vmem>>
      %dma_start3A_1524 = arith.constant 0 : i32
      %dma_start3A_1525 = arith.constant 0 : i32
      %dma_start3A_1526 = tpu.memref_slice %arg2[%dma_start3A_1524, %dma_start3A_1525] : memref<10000x128xf32, #tpu.memory_space<hbm>> -> memref<10000x128xf32, #tpu.memory_space<hbm>>
      tpu.enqueue_indirect_dma source(%dma_start3A_1526 : memref<10000x128xf32, #tpu.memory_space<hbm>>) target(%dma_start3A_1520 : memref<128x128xf32, #tpu.memory_space<vmem>>) offsets(%dma_start3A_1523 : memref<128xi32, #tpu.memory_space<vmem>>) semaphore(%arg15 : memref<!tpu.dma_semaphore, #tpu.memory_space<semaphore_mem>>)
      %add3A_1527 = arith.constant 5 : i32
      %add3A_1528 = arith.addi %add3A_1455, %add3A_1527 : i32
      %dma_start3A_1529 = arith.constant 3 : i32
      %dma_start3A_1530 = arith.constant 0 : i32
      %dma_start3A_1531 = arith.constant 0 : i32
      %dma_start3A_1532 = tpu.memref_slice %arg6[%dma_start3A_1529, %dma_start3A_1530, %dma_start3A_1531] : memref<6x2x128xi32, #tpu.memory_space<vmem>> -> memref<1x2x128xi32, #tpu.memory_space<vmem>>
      %dma_start3A_1533 = tpu.memref_squeeze %dma_start3A_1532 : memref<1x2x128xi32, #tpu.memory_space<vmem>> -> memref<2x128xi32, #tpu.memory_space<vmem>>
      %dma_start3A_1534 = arith.constant 0 : i32
      %dma_start3A_1535 = arith.constant 0 : i32
      %dma_start3A_1536 = tpu.memref_slice %arg3[%add3A, %add3A_1528, %dma_start3A_1534, %dma_start3A_1535] : memref<32x84x2x128xi32, #tpu.memory_space<hbm>> -> memref<1x1x2x128xi32, #tpu.memory_space<hbm>>
      %dma_start3A_1537 = tpu.memref_squeeze %dma_start3A_1536 : memref<1x1x2x128xi32, #tpu.memory_space<hbm>> -> memref<2x128xi32, #tpu.memory_space<hbm>>
      %dma_start3A_1538 = arith.constant 0 : i32
      %dma_start3A_1539 = arith.constant 0 : i32
      %dma_start3A_1540 = tpu.memref_slice %arg6[%dma_start3A_1529, %dma_start3A_1538, %dma_start3A_1539] : memref<6x2x128xi32, #tpu.memory_space<vmem>> -> memref<1x2x128xi32, #tpu.memory_space<vmem>>
      %dma_start3A_1541 = tpu.memref_squeeze %dma_start3A_1540 : memref<1x2x128xi32, #tpu.memory_space<vmem>> -> memref<2x128xi32, #tpu.memory_space<vmem>>
      %dma_start3A_1542 = arith.constant 0 : i32
      %dma_start3A_1543 = arith.constant 0 : i32
      %dma_start3A_1544 = tpu.memref_slice %arg3[%add3A, %add3A_1528, %dma_start3A_1542, %dma_start3A_1543] : memref<32x84x2x128xi32, #tpu.memory_space<hbm>> -> memref<1x1x2x128xi32, #tpu.memory_space<hbm>>
      %dma_start3A_1545 = tpu.memref_squeeze %dma_start3A_1544 : memref<1x1x2x128xi32, #tpu.memory_space<hbm>> -> memref<2x128xi32, #tpu.memory_space<hbm>>
      tpu.enqueue_dma source(%dma_start3A_1545 : memref<2x128xi32, #tpu.memory_space<hbm>>) target(%dma_start3A_1541 : memref<2x128xi32, #tpu.memory_space<vmem>>) target_semaphore(%arg12 : memref<!tpu.dma_semaphore, #tpu.memory_space<semaphore_mem>>)
      %mul3A_1546 = arith.constant 6 : i32
      %mul3A_1547 = arith.muli %scan3A_1075, %mul3A_1546 : i32
      %add3A_1548 = arith.constant 5 : i32
      %add3A_1549 = arith.addi %mul3A_1547, %add3A_1548 : i32
      %dma_wait3A_1550 = arith.constant 5 : i32
      %dma_wait3A_1551 = arith.constant 0 : i32
      %dma_wait3A_1552 = arith.constant 2 : i32
      %dma_wait3A_1553 = arith.constant 0 : i32
      %dma_wait3A_1554 = arith.constant 0 : i32
      %dma_wait3A_1555 = tpu.memref_slice %arg7[%dma_wait3A_1552, %dma_wait3A_1553, %dma_wait3A_1554] : memref<3x128x128xf32, #tpu.memory_space<vmem>> -> memref<1x128x128xf32, #tpu.memory_space<vmem>>
      %dma_wait3A_1556 = tpu.memref_squeeze %dma_wait3A_1555 : memref<1x128x128xf32, #tpu.memory_space<vmem>> -> memref<128x128xf32, #tpu.memory_space<vmem>>
      %dma_wait3A_1557 = arith.constant 0 : i32
      %dma_wait3A_1558 = tpu.memref_slice %arg6[%dma_wait3A_1550, %dma_wait3A_1551, %dma_wait3A_1557] : memref<6x2x128xi32, #tpu.memory_space<vmem>> -> memref<1x1x128xi32, #tpu.memory_space<vmem>>
      %dma_wait3A_1559 = tpu.memref_squeeze %dma_wait3A_1558 : memref<1x1x128xi32, #tpu.memory_space<vmem>> -> memref<128xi32, #tpu.memory_space<vmem>>
      %dma_wait3A_1560 = arith.constant 0 : i32
      %dma_wait3A_1561 = arith.constant 0 : i32
      %dma_wait3A_1562 = tpu.memref_slice %arg2[%dma_wait3A_1560, %dma_wait3A_1561] : memref<10000x128xf32, #tpu.memory_space<hbm>> -> memref<10000x128xf32, #tpu.memory_space<hbm>>
      tpu.wait_indirect_dma semaphore(%arg17 : memref<!tpu.dma_semaphore, #tpu.memory_space<semaphore_mem>>) src(%dma_wait3A_1562 : memref<10000x128xf32, #tpu.memory_space<hbm>>) dst(%dma_wait3A_1556 : memref<128x128xf32, #tpu.memory_space<vmem>>)
      %dma_start3A_1563 = arith.constant 2 : i32
      %dma_start3A_1564 = arith.constant 5 : i32
      %dma_start3A_1565 = arith.constant 1 : i32
      %dma_start3A_1566 = arith.constant 0 : i32
      %dma_start3A_1567 = arith.constant 0 : i32
      %dma_start3A_1568 = tpu.memref_slice %arg7[%dma_start3A_1563, %dma_start3A_1566, %dma_start3A_1567] : memref<3x128x128xf32, #tpu.memory_space<vmem>> -> memref<1x128x128xf32, #tpu.memory_space<vmem>>
      %dma_start3A_1569 = tpu.memref_squeeze %dma_start3A_1568 : memref<1x128x128xf32, #tpu.memory_space<vmem>> -> memref<128x128xf32, #tpu.memory_space<vmem>>
      %dma_start3A_1570 = arith.constant 0 : i32
      %dma_start3A_1571 = tpu.memref_slice %arg6[%dma_start3A_1564, %dma_start3A_1565, %dma_start3A_1570] : memref<6x2x128xi32, #tpu.memory_space<vmem>> -> memref<1x1x128xi32, #tpu.memory_space<vmem>>
      %dma_start3A_1572 = tpu.memref_squeeze %dma_start3A_1571 : memref<1x1x128xi32, #tpu.memory_space<vmem>> -> memref<128xi32, #tpu.memory_space<vmem>>
      %dma_start3A_1573 = arith.constant 0 : i32
      %dma_start3A_1574 = arith.constant 0 : i32
      %dma_start3A_1575 = tpu.memref_slice %arg8[%dma_start3A_1573, %dma_start3A_1574] : memref<10016x128xf32, #tpu.memory_space<vmem_shared>> -> memref<10016x128xf32, #tpu.memory_space<vmem_shared>>
      tpu.enqueue_indirect_dma source(%dma_start3A_1569 : memref<128x128xf32, #tpu.memory_space<vmem>>) target(%dma_start3A_1575 : memref<10016x128xf32, #tpu.memory_space<vmem_shared>>) offsets(%dma_start3A_1572 : memref<128xi32, #tpu.memory_space<vmem>>) semaphore(%arg20 : memref<!tpu.dma_semaphore, #tpu.memory_space<semaphore_mem>>) {add = true}
      %dma_wait3A_1576 = arith.constant 1 : i32
      %dma_wait3A_1577 = arith.constant 4 : i32
      %dma_wait3A_1578 = arith.constant 1 : i32
      %dma_wait3A_1579 = arith.constant 0 : i32
      %dma_wait3A_1580 = arith.constant 0 : i32
      %dma_wait3A_1581 = tpu.memref_slice %arg7[%dma_wait3A_1576, %dma_wait3A_1579, %dma_wait3A_1580] : memref<3x128x128xf32, #tpu.memory_space<vmem>> -> memref<1x128x128xf32, #tpu.memory_space<vmem>>
      %dma_wait3A_1582 = tpu.memref_squeeze %dma_wait3A_1581 : memref<1x128x128xf32, #tpu.memory_space<vmem>> -> memref<128x128xf32, #tpu.memory_space<vmem>>
      %dma_wait3A_1583 = arith.constant 0 : i32
      %dma_wait3A_1584 = tpu.memref_slice %arg6[%dma_wait3A_1577, %dma_wait3A_1578, %dma_wait3A_1583] : memref<6x2x128xi32, #tpu.memory_space<vmem>> -> memref<1x1x128xi32, #tpu.memory_space<vmem>>
      %dma_wait3A_1585 = tpu.memref_squeeze %dma_wait3A_1584 : memref<1x1x128xi32, #tpu.memory_space<vmem>> -> memref<128xi32, #tpu.memory_space<vmem>>
      %dma_wait3A_1586 = arith.constant 0 : i32
      %dma_wait3A_1587 = arith.constant 0 : i32
      %dma_wait3A_1588 = tpu.memref_slice %arg8[%dma_wait3A_1586, %dma_wait3A_1587] : memref<10016x128xf32, #tpu.memory_space<vmem_shared>> -> memref<10016x128xf32, #tpu.memory_space<vmem_shared>>
      tpu.wait_indirect_dma semaphore(%arg19 : memref<!tpu.dma_semaphore, #tpu.memory_space<semaphore_mem>>) src(%dma_wait3A_1582 : memref<128x128xf32, #tpu.memory_space<vmem>>) dst(%dma_wait3A_1588 : memref<10016x128xf32, #tpu.memory_space<vmem_shared>>)
      %add3A_1589 = arith.constant 2 : i32
      %add3A_1590 = arith.addi %add3A_1549, %add3A_1589 : i32
      %dma_wait3A_1591 = arith.constant 1 : i32
      %dma_wait3A_1592 = arith.constant 0 : i32
      %dma_wait3A_1593 = arith.constant 0 : i32
      %dma_wait3A_1594 = tpu.memref_slice %arg6[%dma_wait3A_1591, %dma_wait3A_1592, %dma_wait3A_1593] : memref<6x2x128xi32, #tpu.memory_space<vmem>> -> memref<1x2x128xi32, #tpu.memory_space<vmem>>
      %dma_wait3A_1595 = tpu.memref_squeeze %dma_wait3A_1594 : memref<1x2x128xi32, #tpu.memory_space<vmem>> -> memref<2x128xi32, #tpu.memory_space<vmem>>
      %dma_wait3A_1596 = arith.constant 0 : i32
      %dma_wait3A_1597 = arith.constant 0 : i32
      %dma_wait3A_1598 = tpu.memref_slice %arg3[%add3A, %add3A_1590, %dma_wait3A_1596, %dma_wait3A_1597] : memref<32x84x2x128xi32, #tpu.memory_space<hbm>> -> memref<1x1x2x128xi32, #tpu.memory_space<hbm>>
      %dma_wait3A_1599 = tpu.memref_squeeze %dma_wait3A_1598 : memref<1x1x2x128xi32, #tpu.memory_space<hbm>> -> memref<2x128xi32, #tpu.memory_space<hbm>>
      %dma_wait3A_1600 = arith.constant 0 : i32
      %dma_wait3A_1601 = arith.constant 0 : i32
      %dma_wait3A_1602 = tpu.memref_slice %arg6[%dma_wait3A_1591, %dma_wait3A_1600, %dma_wait3A_1601] : memref<6x2x128xi32, #tpu.memory_space<vmem>> -> memref<1x2x128xi32, #tpu.memory_space<vmem>>
      %dma_wait3A_1603 = tpu.memref_squeeze %dma_wait3A_1602 : memref<1x2x128xi32, #tpu.memory_space<vmem>> -> memref<2x128xi32, #tpu.memory_space<vmem>>
      %dma_wait3A_1604 = arith.constant 0 : i32
      %dma_wait3A_1605 = arith.constant 0 : i32
      %dma_wait3A_1606 = tpu.memref_slice %arg3[%add3A, %add3A_1590, %dma_wait3A_1604, %dma_wait3A_1605] : memref<32x84x2x128xi32, #tpu.memory_space<hbm>> -> memref<1x1x2x128xi32, #tpu.memory_space<hbm>>
      %dma_wait3A_1607 = tpu.memref_squeeze %dma_wait3A_1606 : memref<1x1x2x128xi32, #tpu.memory_space<hbm>> -> memref<2x128xi32, #tpu.memory_space<hbm>>
      tpu.wait_dma2 semaphore(%arg10 : memref<!tpu.dma_semaphore, #tpu.memory_space<semaphore_mem>>) src(%dma_wait3A_1607 : memref<2x128xi32, #tpu.memory_space<hbm>>) dst(%dma_wait3A_1603 : memref<2x128xi32, #tpu.memory_space<vmem>>)
      %dma_start3A_1608 = arith.constant 1 : i32
      %dma_start3A_1609 = arith.constant 0 : i32
      %dma_start3A_1610 = arith.constant 1 : i32
      %dma_start3A_1611 = arith.constant 0 : i32
      %dma_start3A_1612 = arith.constant 0 : i32
      %dma_start3A_1613 = tpu.memref_slice %arg7[%dma_start3A_1610, %dma_start3A_1611, %dma_start3A_1612] : memref<3x128x128xf32, #tpu.memory_space<vmem>> -> memref<1x128x128xf32, #tpu.memory_space<vmem>>
      %dma_start3A_1614 = tpu.memref_squeeze %dma_start3A_1613 : memref<1x128x128xf32, #tpu.memory_space<vmem>> -> memref<128x128xf32, #tpu.memory_space<vmem>>
      %dma_start3A_1615 = arith.constant 0 : i32
      %dma_start3A_1616 = tpu.memref_slice %arg6[%dma_start3A_1608, %dma_start3A_1609, %dma_start3A_1615] : memref<6x2x128xi32, #tpu.memory_space<vmem>> -> memref<1x1x128xi32, #tpu.memory_space<vmem>>
      %dma_start3A_1617 = tpu.memref_squeeze %dma_start3A_1616 : memref<1x1x128xi32, #tpu.memory_space<vmem>> -> memref<128xi32, #tpu.memory_space<vmem>>
      %dma_start3A_1618 = arith.constant 0 : i32
      %dma_start3A_1619 = arith.constant 0 : i32
      %dma_start3A_1620 = tpu.memref_slice %arg2[%dma_start3A_1618, %dma_start3A_1619] : memref<10000x128xf32, #tpu.memory_space<hbm>> -> memref<10000x128xf32, #tpu.memory_space<hbm>>
      tpu.enqueue_indirect_dma source(%dma_start3A_1620 : memref<10000x128xf32, #tpu.memory_space<hbm>>) target(%dma_start3A_1614 : memref<128x128xf32, #tpu.memory_space<vmem>>) offsets(%dma_start3A_1617 : memref<128xi32, #tpu.memory_space<vmem>>) semaphore(%arg16 : memref<!tpu.dma_semaphore, #tpu.memory_space<semaphore_mem>>)
      %add3A_1621 = arith.constant 5 : i32
      %add3A_1622 = arith.addi %add3A_1549, %add3A_1621 : i32
      %dma_start3A_1623 = arith.constant 4 : i32
      %dma_start3A_1624 = arith.constant 0 : i32
      %dma_start3A_1625 = arith.constant 0 : i32
      %dma_start3A_1626 = tpu.memref_slice %arg6[%dma_start3A_1623, %dma_start3A_1624, %dma_start3A_1625] : memref<6x2x128xi32, #tpu.memory_space<vmem>> -> memref<1x2x128xi32, #tpu.memory_space<vmem>>
      %dma_start3A_1627 = tpu.memref_squeeze %dma_start3A_1626 : memref<1x2x128xi32, #tpu.memory_space<vmem>> -> memref<2x128xi32, #tpu.memory_space<vmem>>
      %dma_start3A_1628 = arith.constant 0 : i32
      %dma_start3A_1629 = arith.constant 0 : i32
      %dma_start3A_1630 = tpu.memref_slice %arg3[%add3A, %add3A_1622, %dma_start3A_1628, %dma_start3A_1629] : memref<32x84x2x128xi32, #tpu.memory_space<hbm>> -> memref<1x1x2x128xi32, #tpu.memory_space<hbm>>
      %dma_start3A_1631 = tpu.memref_squeeze %dma_start3A_1630 : memref<1x1x2x128xi32, #tpu.memory_space<hbm>> -> memref<2x128xi32, #tpu.memory_space<hbm>>
      %dma_start3A_1632 = arith.constant 0 : i32
      %dma_start3A_1633 = arith.constant 0 : i32
      %dma_start3A_1634 = tpu.memref_slice %arg6[%dma_start3A_1623, %dma_start3A_1632, %dma_start3A_1633] : memref<6x2x128xi32, #tpu.memory_space<vmem>> -> memref<1x2x128xi32, #tpu.memory_space<vmem>>
      %dma_start3A_1635 = tpu.memref_squeeze %dma_start3A_1634 : memref<1x2x128xi32, #tpu.memory_space<vmem>> -> memref<2x128xi32, #tpu.memory_space<vmem>>
      %dma_start3A_1636 = arith.constant 0 : i32
      %dma_start3A_1637 = arith.constant 0 : i32
      %dma_start3A_1638 = tpu.memref_slice %arg3[%add3A, %add3A_1622, %dma_start3A_1636, %dma_start3A_1637] : memref<32x84x2x128xi32, #tpu.memory_space<hbm>> -> memref<1x1x2x128xi32, #tpu.memory_space<hbm>>
      %dma_start3A_1639 = tpu.memref_squeeze %dma_start3A_1638 : memref<1x1x2x128xi32, #tpu.memory_space<hbm>> -> memref<2x128xi32, #tpu.memory_space<hbm>>
      tpu.enqueue_dma source(%dma_start3A_1639 : memref<2x128xi32, #tpu.memory_space<hbm>>) target(%dma_start3A_1635 : memref<2x128xi32, #tpu.memory_space<vmem>>) target_semaphore(%arg13 : memref<!tpu.dma_semaphore, #tpu.memory_space<semaphore_mem>>)
    }
    %scan3A_679 = arith.constant 12 : i32
    %dma_wait3A_680 = arith.constant 0 : i32
    %dma_wait3A_681 = arith.constant 0 : i32
    %dma_wait3A_682 = arith.constant 0 : i32
    %dma_wait3A_683 = arith.constant 0 : i32
    %dma_wait3A_684 = arith.constant 0 : i32
    %dma_wait3A_685 = tpu.memref_slice %arg7[%dma_wait3A_682, %dma_wait3A_683, %dma_wait3A_684] : memref<3x128x128xf32, #tpu.memory_space<vmem>> -> memref<1x128x128xf32, #tpu.memory_space<vmem>>
    %dma_wait3A_686 = tpu.memref_squeeze %dma_wait3A_685 : memref<1x128x128xf32, #tpu.memory_space<vmem>> -> memref<128x128xf32, #tpu.memory_space<vmem>>
    %dma_wait3A_687 = arith.constant 0 : i32
    %dma_wait3A_688 = tpu.memref_slice %arg6[%dma_wait3A_680, %dma_wait3A_681, %dma_wait3A_687] : memref<6x2x128xi32, #tpu.memory_space<vmem>> -> memref<1x1x128xi32, #tpu.memory_space<vmem>>
    %dma_wait3A_689 = tpu.memref_squeeze %dma_wait3A_688 : memref<1x1x128xi32, #tpu.memory_space<vmem>> -> memref<128xi32, #tpu.memory_space<vmem>>
    %dma_wait3A_690 = arith.constant 0 : i32
    %dma_wait3A_691 = arith.constant 0 : i32
    %dma_wait3A_692 = tpu.memref_slice %arg2[%dma_wait3A_690, %dma_wait3A_691] : memref<10000x128xf32, #tpu.memory_space<hbm>> -> memref<10000x128xf32, #tpu.memory_space<hbm>>
    tpu.wait_indirect_dma semaphore(%arg15 : memref<!tpu.dma_semaphore, #tpu.memory_space<semaphore_mem>>) src(%dma_wait3A_692 : memref<10000x128xf32, #tpu.memory_space<hbm>>) dst(%dma_wait3A_686 : memref<128x128xf32, #tpu.memory_space<vmem>>)
    %dma_start3A_693 = arith.constant 0 : i32
    %dma_start3A_694 = arith.constant 0 : i32
    %dma_start3A_695 = arith.constant 1 : i32
    %dma_start3A_696 = arith.constant 0 : i32
    %dma_start3A_697 = arith.constant 0 : i32
    %dma_start3A_698 = tpu.memref_slice %arg7[%dma_start3A_693, %dma_start3A_696, %dma_start3A_697] : memref<3x128x128xf32, #tpu.memory_space<vmem>> -> memref<1x128x128xf32, #tpu.memory_space<vmem>>
    %dma_start3A_699 = tpu.memref_squeeze %dma_start3A_698 : memref<1x128x128xf32, #tpu.memory_space<vmem>> -> memref<128x128xf32, #tpu.memory_space<vmem>>
    %dma_start3A_700 = arith.constant 0 : i32
    %dma_start3A_701 = tpu.memref_slice %arg6[%dma_start3A_694, %dma_start3A_695, %dma_start3A_700] : memref<6x2x128xi32, #tpu.memory_space<vmem>> -> memref<1x1x128xi32, #tpu.memory_space<vmem>>
    %dma_start3A_702 = tpu.memref_squeeze %dma_start3A_701 : memref<1x1x128xi32, #tpu.memory_space<vmem>> -> memref<128xi32, #tpu.memory_space<vmem>>
    %dma_start3A_703 = arith.constant 0 : i32
    %dma_start3A_704 = arith.constant 0 : i32
    %dma_start3A_705 = tpu.memref_slice %arg8[%dma_start3A_703, %dma_start3A_704] : memref<10016x128xf32, #tpu.memory_space<vmem_shared>> -> memref<10016x128xf32, #tpu.memory_space<vmem_shared>>
    tpu.enqueue_indirect_dma source(%dma_start3A_699 : memref<128x128xf32, #tpu.memory_space<vmem>>) target(%dma_start3A_705 : memref<10016x128xf32, #tpu.memory_space<vmem_shared>>) offsets(%dma_start3A_702 : memref<128xi32, #tpu.memory_space<vmem>>) semaphore(%arg18 : memref<!tpu.dma_semaphore, #tpu.memory_space<semaphore_mem>>) {add = true}
    %dma_wait3A_706 = arith.constant 2 : i32
    %dma_wait3A_707 = arith.constant 5 : i32
    %dma_wait3A_708 = arith.constant 1 : i32
    %dma_wait3A_709 = arith.constant 0 : i32
    %dma_wait3A_710 = arith.constant 0 : i32
    %dma_wait3A_711 = tpu.memref_slice %arg7[%dma_wait3A_706, %dma_wait3A_709, %dma_wait3A_710] : memref<3x128x128xf32, #tpu.memory_space<vmem>> -> memref<1x128x128xf32, #tpu.memory_space<vmem>>
    %dma_wait3A_712 = tpu.memref_squeeze %dma_wait3A_711 : memref<1x128x128xf32, #tpu.memory_space<vmem>> -> memref<128x128xf32, #tpu.memory_space<vmem>>
    %dma_wait3A_713 = arith.constant 0 : i32
    %dma_wait3A_714 = tpu.memref_slice %arg6[%dma_wait3A_707, %dma_wait3A_708, %dma_wait3A_713] : memref<6x2x128xi32, #tpu.memory_space<vmem>> -> memref<1x1x128xi32, #tpu.memory_space<vmem>>
    %dma_wait3A_715 = tpu.memref_squeeze %dma_wait3A_714 : memref<1x1x128xi32, #tpu.memory_space<vmem>> -> memref<128xi32, #tpu.memory_space<vmem>>
    %dma_wait3A_716 = arith.constant 0 : i32
    %dma_wait3A_717 = arith.constant 0 : i32
    %dma_wait3A_718 = tpu.memref_slice %arg8[%dma_wait3A_716, %dma_wait3A_717] : memref<10016x128xf32, #tpu.memory_space<vmem_shared>> -> memref<10016x128xf32, #tpu.memory_space<vmem_shared>>
    tpu.wait_indirect_dma semaphore(%arg20 : memref<!tpu.dma_semaphore, #tpu.memory_space<semaphore_mem>>) src(%dma_wait3A_712 : memref<128x128xf32, #tpu.memory_space<vmem>>) dst(%dma_wait3A_718 : memref<10016x128xf32, #tpu.memory_space<vmem_shared>>)
    %dma_wait3A_719 = arith.constant 80 : i32
    %dma_wait3A_720 = arith.constant 2 : i32
    %dma_wait3A_721 = arith.constant 0 : i32
    %dma_wait3A_722 = arith.constant 0 : i32
    %dma_wait3A_723 = tpu.memref_slice %arg6[%dma_wait3A_720, %dma_wait3A_721, %dma_wait3A_722] : memref<6x2x128xi32, #tpu.memory_space<vmem>> -> memref<1x2x128xi32, #tpu.memory_space<vmem>>
    %dma_wait3A_724 = tpu.memref_squeeze %dma_wait3A_723 : memref<1x2x128xi32, #tpu.memory_space<vmem>> -> memref<2x128xi32, #tpu.memory_space<vmem>>
    %dma_wait3A_725 = arith.constant 0 : i32
    %dma_wait3A_726 = arith.constant 0 : i32
    %dma_wait3A_727 = tpu.memref_slice %arg3[%add3A, %dma_wait3A_719, %dma_wait3A_725, %dma_wait3A_726] : memref<32x84x2x128xi32, #tpu.memory_space<hbm>> -> memref<1x1x2x128xi32, #tpu.memory_space<hbm>>
    %dma_wait3A_728 = tpu.memref_squeeze %dma_wait3A_727 : memref<1x1x2x128xi32, #tpu.memory_space<hbm>> -> memref<2x128xi32, #tpu.memory_space<hbm>>
    %dma_wait3A_729 = arith.constant 0 : i32
    %dma_wait3A_730 = arith.constant 0 : i32
    %dma_wait3A_731 = tpu.memref_slice %arg6[%dma_wait3A_720, %dma_wait3A_729, %dma_wait3A_730] : memref<6x2x128xi32, #tpu.memory_space<vmem>> -> memref<1x2x128xi32, #tpu.memory_space<vmem>>
    %dma_wait3A_732 = tpu.memref_squeeze %dma_wait3A_731 : memref<1x2x128xi32, #tpu.memory_space<vmem>> -> memref<2x128xi32, #tpu.memory_space<vmem>>
    %dma_wait3A_733 = arith.constant 0 : i32
    %dma_wait3A_734 = arith.constant 0 : i32
    %dma_wait3A_735 = tpu.memref_slice %arg3[%add3A, %dma_wait3A_719, %dma_wait3A_733, %dma_wait3A_734] : memref<32x84x2x128xi32, #tpu.memory_space<hbm>> -> memref<1x1x2x128xi32, #tpu.memory_space<hbm>>
    %dma_wait3A_736 = tpu.memref_squeeze %dma_wait3A_735 : memref<1x1x2x128xi32, #tpu.memory_space<hbm>> -> memref<2x128xi32, #tpu.memory_space<hbm>>
    tpu.wait_dma2 semaphore(%arg11 : memref<!tpu.dma_semaphore, #tpu.memory_space<semaphore_mem>>) src(%dma_wait3A_736 : memref<2x128xi32, #tpu.memory_space<hbm>>) dst(%dma_wait3A_732 : memref<2x128xi32, #tpu.memory_space<vmem>>)
    %dma_start3A_737 = arith.constant 2 : i32
    %dma_start3A_738 = arith.constant 0 : i32
    %dma_start3A_739 = arith.constant 2 : i32
    %dma_start3A_740 = arith.constant 0 : i32
    %dma_start3A_741 = arith.constant 0 : i32
    %dma_start3A_742 = tpu.memref_slice %arg7[%dma_start3A_739, %dma_start3A_740, %dma_start3A_741] : memref<3x128x128xf32, #tpu.memory_space<vmem>> -> memref<1x128x128xf32, #tpu.memory_space<vmem>>
    %dma_start3A_743 = tpu.memref_squeeze %dma_start3A_742 : memref<1x128x128xf32, #tpu.memory_space<vmem>> -> memref<128x128xf32, #tpu.memory_space<vmem>>
    %dma_start3A_744 = arith.constant 0 : i32
    %dma_start3A_745 = tpu.memref_slice %arg6[%dma_start3A_737, %dma_start3A_738, %dma_start3A_744] : memref<6x2x128xi32, #tpu.memory_space<vmem>> -> memref<1x1x128xi32, #tpu.memory_space<vmem>>
    %dma_start3A_746 = tpu.memref_squeeze %dma_start3A_745 : memref<1x1x128xi32, #tpu.memory_space<vmem>> -> memref<128xi32, #tpu.memory_space<vmem>>
    %dma_start3A_747 = arith.constant 0 : i32
    %dma_start3A_748 = arith.constant 0 : i32
    %dma_start3A_749 = tpu.memref_slice %arg2[%dma_start3A_747, %dma_start3A_748] : memref<10000x128xf32, #tpu.memory_space<hbm>> -> memref<10000x128xf32, #tpu.memory_space<hbm>>
    tpu.enqueue_indirect_dma source(%dma_start3A_749 : memref<10000x128xf32, #tpu.memory_space<hbm>>) target(%dma_start3A_743 : memref<128x128xf32, #tpu.memory_space<vmem>>) offsets(%dma_start3A_746 : memref<128xi32, #tpu.memory_space<vmem>>) semaphore(%arg17 : memref<!tpu.dma_semaphore, #tpu.memory_space<semaphore_mem>>)
    %dma_start3A_750 = arith.constant 83 : i32
    %dma_start3A_751 = arith.constant 5 : i32
    %dma_start3A_752 = arith.constant 0 : i32
    %dma_start3A_753 = arith.constant 0 : i32
    %dma_start3A_754 = tpu.memref_slice %arg6[%dma_start3A_751, %dma_start3A_752, %dma_start3A_753] : memref<6x2x128xi32, #tpu.memory_space<vmem>> -> memref<1x2x128xi32, #tpu.memory_space<vmem>>
    %dma_start3A_755 = tpu.memref_squeeze %dma_start3A_754 : memref<1x2x128xi32, #tpu.memory_space<vmem>> -> memref<2x128xi32, #tpu.memory_space<vmem>>
    %dma_start3A_756 = arith.constant 0 : i32
    %dma_start3A_757 = arith.constant 0 : i32
    %dma_start3A_758 = tpu.memref_slice %arg3[%add3A, %dma_start3A_750, %dma_start3A_756, %dma_start3A_757] : memref<32x84x2x128xi32, #tpu.memory_space<hbm>> -> memref<1x1x2x128xi32, #tpu.memory_space<hbm>>
    %dma_start3A_759 = tpu.memref_squeeze %dma_start3A_758 : memref<1x1x2x128xi32, #tpu.memory_space<hbm>> -> memref<2x128xi32, #tpu.memory_space<hbm>>
    %dma_start3A_760 = arith.constant 0 : i32
    %dma_start3A_761 = arith.constant 0 : i32
    %dma_start3A_762 = tpu.memref_slice %arg6[%dma_start3A_751, %dma_start3A_760, %dma_start3A_761] : memref<6x2x128xi32, #tpu.memory_space<vmem>> -> memref<1x2x128xi32, #tpu.memory_space<vmem>>
    %dma_start3A_763 = tpu.memref_squeeze %dma_start3A_762 : memref<1x2x128xi32, #tpu.memory_space<vmem>> -> memref<2x128xi32, #tpu.memory_space<vmem>>
    %dma_start3A_764 = arith.constant 0 : i32
    %dma_start3A_765 = arith.constant 0 : i32
    %dma_start3A_766 = tpu.memref_slice %arg3[%add3A, %dma_start3A_750, %dma_start3A_764, %dma_start3A_765] : memref<32x84x2x128xi32, #tpu.memory_space<hbm>> -> memref<1x1x2x128xi32, #tpu.memory_space<hbm>>
    %dma_start3A_767 = tpu.memref_squeeze %dma_start3A_766 : memref<1x1x2x128xi32, #tpu.memory_space<hbm>> -> memref<2x128xi32, #tpu.memory_space<hbm>>
    tpu.enqueue_dma source(%dma_start3A_767 : memref<2x128xi32, #tpu.memory_space<hbm>>) target(%dma_start3A_763 : memref<2x128xi32, #tpu.memory_space<vmem>>) target_semaphore(%arg14 : memref<!tpu.dma_semaphore, #tpu.memory_space<semaphore_mem>>)
    %dma_wait3A_768 = arith.constant 1 : i32
    %dma_wait3A_769 = arith.constant 0 : i32
    %dma_wait3A_770 = arith.constant 1 : i32
    %dma_wait3A_771 = arith.constant 0 : i32
    %dma_wait3A_772 = arith.constant 0 : i32
    %dma_wait3A_773 = tpu.memref_slice %arg7[%dma_wait3A_770, %dma_wait3A_771, %dma_wait3A_772] : memref<3x128x128xf32, #tpu.memory_space<vmem>> -> memref<1x128x128xf32, #tpu.memory_space<vmem>>
    %dma_wait3A_774 = tpu.memref_squeeze %dma_wait3A_773 : memref<1x128x128xf32, #tpu.memory_space<vmem>> -> memref<128x128xf32, #tpu.memory_space<vmem>>
    %dma_wait3A_775 = arith.constant 0 : i32
    %dma_wait3A_776 = tpu.memref_slice %arg6[%dma_wait3A_768, %dma_wait3A_769, %dma_wait3A_775] : memref<6x2x128xi32, #tpu.memory_space<vmem>> -> memref<1x1x128xi32, #tpu.memory_space<vmem>>
    %dma_wait3A_777 = tpu.memref_squeeze %dma_wait3A_776 : memref<1x1x128xi32, #tpu.memory_space<vmem>> -> memref<128xi32, #tpu.memory_space<vmem>>
    %dma_wait3A_778 = arith.constant 0 : i32
    %dma_wait3A_779 = arith.constant 0 : i32
    %dma_wait3A_780 = tpu.memref_slice %arg2[%dma_wait3A_778, %dma_wait3A_779] : memref<10000x128xf32, #tpu.memory_space<hbm>> -> memref<10000x128xf32, #tpu.memory_space<hbm>>
    tpu.wait_indirect_dma semaphore(%arg16 : memref<!tpu.dma_semaphore, #tpu.memory_space<semaphore_mem>>) src(%dma_wait3A_780 : memref<10000x128xf32, #tpu.memory_space<hbm>>) dst(%dma_wait3A_774 : memref<128x128xf32, #tpu.memory_space<vmem>>)
    %dma_start3A_781 = arith.constant 1 : i32
    %dma_start3A_782 = arith.constant 1 : i32
    %dma_start3A_783 = arith.constant 1 : i32
    %dma_start3A_784 = arith.constant 0 : i32
    %dma_start3A_785 = arith.constant 0 : i32
    %dma_start3A_786 = tpu.memref_slice %arg7[%dma_start3A_781, %dma_start3A_784, %dma_start3A_785] : memref<3x128x128xf32, #tpu.memory_space<vmem>> -> memref<1x128x128xf32, #tpu.memory_space<vmem>>
    %dma_start3A_787 = tpu.memref_squeeze %dma_start3A_786 : memref<1x128x128xf32, #tpu.memory_space<vmem>> -> memref<128x128xf32, #tpu.memory_space<vmem>>
    %dma_start3A_788 = arith.constant 0 : i32
    %dma_start3A_789 = tpu.memref_slice %arg6[%dma_start3A_782, %dma_start3A_783, %dma_start3A_788] : memref<6x2x128xi32, #tpu.memory_space<vmem>> -> memref<1x1x128xi32, #tpu.memory_space<vmem>>
    %dma_start3A_790 = tpu.memref_squeeze %dma_start3A_789 : memref<1x1x128xi32, #tpu.memory_space<vmem>> -> memref<128xi32, #tpu.memory_space<vmem>>
    %dma_start3A_791 = arith.constant 0 : i32
    %dma_start3A_792 = arith.constant 0 : i32
    %dma_start3A_793 = tpu.memref_slice %arg8[%dma_start3A_791, %dma_start3A_792] : memref<10016x128xf32, #tpu.memory_space<vmem_shared>> -> memref<10016x128xf32, #tpu.memory_space<vmem_shared>>
    tpu.enqueue_indirect_dma source(%dma_start3A_787 : memref<128x128xf32, #tpu.memory_space<vmem>>) target(%dma_start3A_793 : memref<10016x128xf32, #tpu.memory_space<vmem_shared>>) offsets(%dma_start3A_790 : memref<128xi32, #tpu.memory_space<vmem>>) semaphore(%arg19 : memref<!tpu.dma_semaphore, #tpu.memory_space<semaphore_mem>>) {add = true}
    %dma_wait3A_794 = arith.constant 0 : i32
    %dma_wait3A_795 = arith.constant 0 : i32
    %dma_wait3A_796 = arith.constant 1 : i32
    %dma_wait3A_797 = arith.constant 0 : i32
    %dma_wait3A_798 = arith.constant 0 : i32
    %dma_wait3A_799 = tpu.memref_slice %arg7[%dma_wait3A_794, %dma_wait3A_797, %dma_wait3A_798] : memref<3x128x128xf32, #tpu.memory_space<vmem>> -> memref<1x128x128xf32, #tpu.memory_space<vmem>>
    %dma_wait3A_800 = tpu.memref_squeeze %dma_wait3A_799 : memref<1x128x128xf32, #tpu.memory_space<vmem>> -> memref<128x128xf32, #tpu.memory_space<vmem>>
    %dma_wait3A_801 = arith.constant 0 : i32
    %dma_wait3A_802 = tpu.memref_slice %arg6[%dma_wait3A_795, %dma_wait3A_796, %dma_wait3A_801] : memref<6x2x128xi32, #tpu.memory_space<vmem>> -> memref<1x1x128xi32, #tpu.memory_space<vmem>>
    %dma_wait3A_803 = tpu.memref_squeeze %dma_wait3A_802 : memref<1x1x128xi32, #tpu.memory_space<vmem>> -> memref<128xi32, #tpu.memory_space<vmem>>
    %dma_wait3A_804 = arith.constant 0 : i32
    %dma_wait3A_805 = arith.constant 0 : i32
    %dma_wait3A_806 = tpu.memref_slice %arg8[%dma_wait3A_804, %dma_wait3A_805] : memref<10016x128xf32, #tpu.memory_space<vmem_shared>> -> memref<10016x128xf32, #tpu.memory_space<vmem_shared>>
    tpu.wait_indirect_dma semaphore(%arg18 : memref<!tpu.dma_semaphore, #tpu.memory_space<semaphore_mem>>) src(%dma_wait3A_800 : memref<128x128xf32, #tpu.memory_space<vmem>>) dst(%dma_wait3A_806 : memref<10016x128xf32, #tpu.memory_space<vmem_shared>>)
    %dma_wait3A_807 = arith.constant 81 : i32
    %dma_wait3A_808 = arith.constant 3 : i32
    %dma_wait3A_809 = arith.constant 0 : i32
    %dma_wait3A_810 = arith.constant 0 : i32
    %dma_wait3A_811 = tpu.memref_slice %arg6[%dma_wait3A_808, %dma_wait3A_809, %dma_wait3A_810] : memref<6x2x128xi32, #tpu.memory_space<vmem>> -> memref<1x2x128xi32, #tpu.memory_space<vmem>>
    %dma_wait3A_812 = tpu.memref_squeeze %dma_wait3A_811 : memref<1x2x128xi32, #tpu.memory_space<vmem>> -> memref<2x128xi32, #tpu.memory_space<vmem>>
    %dma_wait3A_813 = arith.constant 0 : i32
    %dma_wait3A_814 = arith.constant 0 : i32
    %dma_wait3A_815 = tpu.memref_slice %arg3[%add3A, %dma_wait3A_807, %dma_wait3A_813, %dma_wait3A_814] : memref<32x84x2x128xi32, #tpu.memory_space<hbm>> -> memref<1x1x2x128xi32, #tpu.memory_space<hbm>>
    %dma_wait3A_816 = tpu.memref_squeeze %dma_wait3A_815 : memref<1x1x2x128xi32, #tpu.memory_space<hbm>> -> memref<2x128xi32, #tpu.memory_space<hbm>>
    %dma_wait3A_817 = arith.constant 0 : i32
    %dma_wait3A_818 = arith.constant 0 : i32
    %dma_wait3A_819 = tpu.memref_slice %arg6[%dma_wait3A_808, %dma_wait3A_817, %dma_wait3A_818] : memref<6x2x128xi32, #tpu.memory_space<vmem>> -> memref<1x2x128xi32, #tpu.memory_space<vmem>>
    %dma_wait3A_820 = tpu.memref_squeeze %dma_wait3A_819 : memref<1x2x128xi32, #tpu.memory_space<vmem>> -> memref<2x128xi32, #tpu.memory_space<vmem>>
    %dma_wait3A_821 = arith.constant 0 : i32
    %dma_wait3A_822 = arith.constant 0 : i32
    %dma_wait3A_823 = tpu.memref_slice %arg3[%add3A, %dma_wait3A_807, %dma_wait3A_821, %dma_wait3A_822] : memref<32x84x2x128xi32, #tpu.memory_space<hbm>> -> memref<1x1x2x128xi32, #tpu.memory_space<hbm>>
    %dma_wait3A_824 = tpu.memref_squeeze %dma_wait3A_823 : memref<1x1x2x128xi32, #tpu.memory_space<hbm>> -> memref<2x128xi32, #tpu.memory_space<hbm>>
    tpu.wait_dma2 semaphore(%arg12 : memref<!tpu.dma_semaphore, #tpu.memory_space<semaphore_mem>>) src(%dma_wait3A_824 : memref<2x128xi32, #tpu.memory_space<hbm>>) dst(%dma_wait3A_820 : memref<2x128xi32, #tpu.memory_space<vmem>>)
    %dma_start3A_825 = arith.constant 3 : i32
    %dma_start3A_826 = arith.constant 0 : i32
    %dma_start3A_827 = arith.constant 0 : i32
    %dma_start3A_828 = arith.constant 0 : i32
    %dma_start3A_829 = arith.constant 0 : i32
    %dma_start3A_830 = tpu.memref_slice %arg7[%dma_start3A_827, %dma_start3A_828, %dma_start3A_829] : memref<3x128x128xf32, #tpu.memory_space<vmem>> -> memref<1x128x128xf32, #tpu.memory_space<vmem>>
    %dma_start3A_831 = tpu.memref_squeeze %dma_start3A_830 : memref<1x128x128xf32, #tpu.memory_space<vmem>> -> memref<128x128xf32, #tpu.memory_space<vmem>>
    %dma_start3A_832 = arith.constant 0 : i32
    %dma_start3A_833 = tpu.memref_slice %arg6[%dma_start3A_825, %dma_start3A_826, %dma_start3A_832] : memref<6x2x128xi32, #tpu.memory_space<vmem>> -> memref<1x1x128xi32, #tpu.memory_space<vmem>>
    %dma_start3A_834 = tpu.memref_squeeze %dma_start3A_833 : memref<1x1x128xi32, #tpu.memory_space<vmem>> -> memref<128xi32, #tpu.memory_space<vmem>>
    %dma_start3A_835 = arith.constant 0 : i32
    %dma_start3A_836 = arith.constant 0 : i32
    %dma_start3A_837 = tpu.memref_slice %arg2[%dma_start3A_835, %dma_start3A_836] : memref<10000x128xf32, #tpu.memory_space<hbm>> -> memref<10000x128xf32, #tpu.memory_space<hbm>>
    tpu.enqueue_indirect_dma source(%dma_start3A_837 : memref<10000x128xf32, #tpu.memory_space<hbm>>) target(%dma_start3A_831 : memref<128x128xf32, #tpu.memory_space<vmem>>) offsets(%dma_start3A_834 : memref<128xi32, #tpu.memory_space<vmem>>) semaphore(%arg15 : memref<!tpu.dma_semaphore, #tpu.memory_space<semaphore_mem>>)
    %dma_wait3A_838 = arith.constant 2 : i32
    %dma_wait3A_839 = arith.constant 0 : i32
    %dma_wait3A_840 = arith.constant 2 : i32
    %dma_wait3A_841 = arith.constant 0 : i32
    %dma_wait3A_842 = arith.constant 0 : i32
    %dma_wait3A_843 = tpu.memref_slice %arg7[%dma_wait3A_840, %dma_wait3A_841, %dma_wait3A_842] : memref<3x128x128xf32, #tpu.memory_space<vmem>> -> memref<1x128x128xf32, #tpu.memory_space<vmem>>
    %dma_wait3A_844 = tpu.memref_squeeze %dma_wait3A_843 : memref<1x128x128xf32, #tpu.memory_space<vmem>> -> memref<128x128xf32, #tpu.memory_space<vmem>>
    %dma_wait3A_845 = arith.constant 0 : i32
    %dma_wait3A_846 = tpu.memref_slice %arg6[%dma_wait3A_838, %dma_wait3A_839, %dma_wait3A_845] : memref<6x2x128xi32, #tpu.memory_space<vmem>> -> memref<1x1x128xi32, #tpu.memory_space<vmem>>
    %dma_wait3A_847 = tpu.memref_squeeze %dma_wait3A_846 : memref<1x1x128xi32, #tpu.memory_space<vmem>> -> memref<128xi32, #tpu.memory_space<vmem>>
    %dma_wait3A_848 = arith.constant 0 : i32
    %dma_wait3A_849 = arith.constant 0 : i32
    %dma_wait3A_850 = tpu.memref_slice %arg2[%dma_wait3A_848, %dma_wait3A_849] : memref<10000x128xf32, #tpu.memory_space<hbm>> -> memref<10000x128xf32, #tpu.memory_space<hbm>>
    tpu.wait_indirect_dma semaphore(%arg17 : memref<!tpu.dma_semaphore, #tpu.memory_space<semaphore_mem>>) src(%dma_wait3A_850 : memref<10000x128xf32, #tpu.memory_space<hbm>>) dst(%dma_wait3A_844 : memref<128x128xf32, #tpu.memory_space<vmem>>)
    %dma_start3A_851 = arith.constant 2 : i32
    %dma_start3A_852 = arith.constant 2 : i32
    %dma_start3A_853 = arith.constant 1 : i32
    %dma_start3A_854 = arith.constant 0 : i32
    %dma_start3A_855 = arith.constant 0 : i32
    %dma_start3A_856 = tpu.memref_slice %arg7[%dma_start3A_851, %dma_start3A_854, %dma_start3A_855] : memref<3x128x128xf32, #tpu.memory_space<vmem>> -> memref<1x128x128xf32, #tpu.memory_space<vmem>>
    %dma_start3A_857 = tpu.memref_squeeze %dma_start3A_856 : memref<1x128x128xf32, #tpu.memory_space<vmem>> -> memref<128x128xf32, #tpu.memory_space<vmem>>
    %dma_start3A_858 = arith.constant 0 : i32
    %dma_start3A_859 = tpu.memref_slice %arg6[%dma_start3A_852, %dma_start3A_853, %dma_start3A_858] : memref<6x2x128xi32, #tpu.memory_space<vmem>> -> memref<1x1x128xi32, #tpu.memory_space<vmem>>
    %dma_start3A_860 = tpu.memref_squeeze %dma_start3A_859 : memref<1x1x128xi32, #tpu.memory_space<vmem>> -> memref<128xi32, #tpu.memory_space<vmem>>
    %dma_start3A_861 = arith.constant 0 : i32
    %dma_start3A_862 = arith.constant 0 : i32
    %dma_start3A_863 = tpu.memref_slice %arg8[%dma_start3A_861, %dma_start3A_862] : memref<10016x128xf32, #tpu.memory_space<vmem_shared>> -> memref<10016x128xf32, #tpu.memory_space<vmem_shared>>
    tpu.enqueue_indirect_dma source(%dma_start3A_857 : memref<128x128xf32, #tpu.memory_space<vmem>>) target(%dma_start3A_863 : memref<10016x128xf32, #tpu.memory_space<vmem_shared>>) offsets(%dma_start3A_860 : memref<128xi32, #tpu.memory_space<vmem>>) semaphore(%arg20 : memref<!tpu.dma_semaphore, #tpu.memory_space<semaphore_mem>>) {add = true}
    %dma_wait3A_864 = arith.constant 1 : i32
    %dma_wait3A_865 = arith.constant 1 : i32
    %dma_wait3A_866 = arith.constant 1 : i32
    %dma_wait3A_867 = arith.constant 0 : i32
    %dma_wait3A_868 = arith.constant 0 : i32
    %dma_wait3A_869 = tpu.memref_slice %arg7[%dma_wait3A_864, %dma_wait3A_867, %dma_wait3A_868] : memref<3x128x128xf32, #tpu.memory_space<vmem>> -> memref<1x128x128xf32, #tpu.memory_space<vmem>>
    %dma_wait3A_870 = tpu.memref_squeeze %dma_wait3A_869 : memref<1x128x128xf32, #tpu.memory_space<vmem>> -> memref<128x128xf32, #tpu.memory_space<vmem>>
    %dma_wait3A_871 = arith.constant 0 : i32
    %dma_wait3A_872 = tpu.memref_slice %arg6[%dma_wait3A_865, %dma_wait3A_866, %dma_wait3A_871] : memref<6x2x128xi32, #tpu.memory_space<vmem>> -> memref<1x1x128xi32, #tpu.memory_space<vmem>>
    %dma_wait3A_873 = tpu.memref_squeeze %dma_wait3A_872 : memref<1x1x128xi32, #tpu.memory_space<vmem>> -> memref<128xi32, #tpu.memory_space<vmem>>
    %dma_wait3A_874 = arith.constant 0 : i32
    %dma_wait3A_875 = arith.constant 0 : i32
    %dma_wait3A_876 = tpu.memref_slice %arg8[%dma_wait3A_874, %dma_wait3A_875] : memref<10016x128xf32, #tpu.memory_space<vmem_shared>> -> memref<10016x128xf32, #tpu.memory_space<vmem_shared>>
    tpu.wait_indirect_dma semaphore(%arg19 : memref<!tpu.dma_semaphore, #tpu.memory_space<semaphore_mem>>) src(%dma_wait3A_870 : memref<128x128xf32, #tpu.memory_space<vmem>>) dst(%dma_wait3A_876 : memref<10016x128xf32, #tpu.memory_space<vmem_shared>>)
    %dma_wait3A_877 = arith.constant 82 : i32
    %dma_wait3A_878 = arith.constant 4 : i32
    %dma_wait3A_879 = arith.constant 0 : i32
    %dma_wait3A_880 = arith.constant 0 : i32
    %dma_wait3A_881 = tpu.memref_slice %arg6[%dma_wait3A_878, %dma_wait3A_879, %dma_wait3A_880] : memref<6x2x128xi32, #tpu.memory_space<vmem>> -> memref<1x2x128xi32, #tpu.memory_space<vmem>>
    %dma_wait3A_882 = tpu.memref_squeeze %dma_wait3A_881 : memref<1x2x128xi32, #tpu.memory_space<vmem>> -> memref<2x128xi32, #tpu.memory_space<vmem>>
    %dma_wait3A_883 = arith.constant 0 : i32
    %dma_wait3A_884 = arith.constant 0 : i32
    %dma_wait3A_885 = tpu.memref_slice %arg3[%add3A, %dma_wait3A_877, %dma_wait3A_883, %dma_wait3A_884] : memref<32x84x2x128xi32, #tpu.memory_space<hbm>> -> memref<1x1x2x128xi32, #tpu.memory_space<hbm>>
    %dma_wait3A_886 = tpu.memref_squeeze %dma_wait3A_885 : memref<1x1x2x128xi32, #tpu.memory_space<hbm>> -> memref<2x128xi32, #tpu.memory_space<hbm>>
    %dma_wait3A_887 = arith.constant 0 : i32
    %dma_wait3A_888 = arith.constant 0 : i32
    %dma_wait3A_889 = tpu.memref_slice %arg6[%dma_wait3A_878, %dma_wait3A_887, %dma_wait3A_888] : memref<6x2x128xi32, #tpu.memory_space<vmem>> -> memref<1x2x128xi32, #tpu.memory_space<vmem>>
    %dma_wait3A_890 = tpu.memref_squeeze %dma_wait3A_889 : memref<1x2x128xi32, #tpu.memory_space<vmem>> -> memref<2x128xi32, #tpu.memory_space<vmem>>
    %dma_wait3A_891 = arith.constant 0 : i32
    %dma_wait3A_892 = arith.constant 0 : i32
    %dma_wait3A_893 = tpu.memref_slice %arg3[%add3A, %dma_wait3A_877, %dma_wait3A_891, %dma_wait3A_892] : memref<32x84x2x128xi32, #tpu.memory_space<hbm>> -> memref<1x1x2x128xi32, #tpu.memory_space<hbm>>
    %dma_wait3A_894 = tpu.memref_squeeze %dma_wait3A_893 : memref<1x1x2x128xi32, #tpu.memory_space<hbm>> -> memref<2x128xi32, #tpu.memory_space<hbm>>
    tpu.wait_dma2 semaphore(%arg13 : memref<!tpu.dma_semaphore, #tpu.memory_space<semaphore_mem>>) src(%dma_wait3A_894 : memref<2x128xi32, #tpu.memory_space<hbm>>) dst(%dma_wait3A_890 : memref<2x128xi32, #tpu.memory_space<vmem>>)
    %dma_start3A_895 = arith.constant 4 : i32
    %dma_start3A_896 = arith.constant 0 : i32
    %dma_start3A_897 = arith.constant 1 : i32
    %dma_start3A_898 = arith.constant 0 : i32
    %dma_start3A_899 = arith.constant 0 : i32
    %dma_start3A_900 = tpu.memref_slice %arg7[%dma_start3A_897, %dma_start3A_898, %dma_start3A_899] : memref<3x128x128xf32, #tpu.memory_space<vmem>> -> memref<1x128x128xf32, #tpu.memory_space<vmem>>
    %dma_start3A_901 = tpu.memref_squeeze %dma_start3A_900 : memref<1x128x128xf32, #tpu.memory_space<vmem>> -> memref<128x128xf32, #tpu.memory_space<vmem>>
    %dma_start3A_902 = arith.constant 0 : i32
    %dma_start3A_903 = tpu.memref_slice %arg6[%dma_start3A_895, %dma_start3A_896, %dma_start3A_902] : memref<6x2x128xi32, #tpu.memory_space<vmem>> -> memref<1x1x128xi32, #tpu.memory_space<vmem>>
    %dma_start3A_904 = tpu.memref_squeeze %dma_start3A_903 : memref<1x1x128xi32, #tpu.memory_space<vmem>> -> memref<128xi32, #tpu.memory_space<vmem>>
    %dma_start3A_905 = arith.constant 0 : i32
    %dma_start3A_906 = arith.constant 0 : i32
    %dma_start3A_907 = tpu.memref_slice %arg2[%dma_start3A_905, %dma_start3A_906] : memref<10000x128xf32, #tpu.memory_space<hbm>> -> memref<10000x128xf32, #tpu.memory_space<hbm>>
    tpu.enqueue_indirect_dma source(%dma_start3A_907 : memref<10000x128xf32, #tpu.memory_space<hbm>>) target(%dma_start3A_901 : memref<128x128xf32, #tpu.memory_space<vmem>>) offsets(%dma_start3A_904 : memref<128xi32, #tpu.memory_space<vmem>>) semaphore(%arg16 : memref<!tpu.dma_semaphore, #tpu.memory_space<semaphore_mem>>)
    %dma_wait3A_908 = arith.constant 3 : i32
    %dma_wait3A_909 = arith.constant 0 : i32
    %dma_wait3A_910 = arith.constant 0 : i32
    %dma_wait3A_911 = arith.constant 0 : i32
    %dma_wait3A_912 = arith.constant 0 : i32
    %dma_wait3A_913 = tpu.memref_slice %arg7[%dma_wait3A_910, %dma_wait3A_911, %dma_wait3A_912] : memref<3x128x128xf32, #tpu.memory_space<vmem>> -> memref<1x128x128xf32, #tpu.memory_space<vmem>>
    %dma_wait3A_914 = tpu.memref_squeeze %dma_wait3A_913 : memref<1x128x128xf32, #tpu.memory_space<vmem>> -> memref<128x128xf32, #tpu.memory_space<vmem>>
    %dma_wait3A_915 = arith.constant 0 : i32
    %dma_wait3A_916 = tpu.memref_slice %arg6[%dma_wait3A_908, %dma_wait3A_909, %dma_wait3A_915] : memref<6x2x128xi32, #tpu.memory_space<vmem>> -> memref<1x1x128xi32, #tpu.memory_space<vmem>>
    %dma_wait3A_917 = tpu.memref_squeeze %dma_wait3A_916 : memref<1x1x128xi32, #tpu.memory_space<vmem>> -> memref<128xi32, #tpu.memory_space<vmem>>
    %dma_wait3A_918 = arith.constant 0 : i32
    %dma_wait3A_919 = arith.constant 0 : i32
    %dma_wait3A_920 = tpu.memref_slice %arg2[%dma_wait3A_918, %dma_wait3A_919] : memref<10000x128xf32, #tpu.memory_space<hbm>> -> memref<10000x128xf32, #tpu.memory_space<hbm>>
    tpu.wait_indirect_dma semaphore(%arg15 : memref<!tpu.dma_semaphore, #tpu.memory_space<semaphore_mem>>) src(%dma_wait3A_920 : memref<10000x128xf32, #tpu.memory_space<hbm>>) dst(%dma_wait3A_914 : memref<128x128xf32, #tpu.memory_space<vmem>>)
    %dma_start3A_921 = arith.constant 0 : i32
    %dma_start3A_922 = arith.constant 3 : i32
    %dma_start3A_923 = arith.constant 1 : i32
    %dma_start3A_924 = arith.constant 0 : i32
    %dma_start3A_925 = arith.constant 0 : i32
    %dma_start3A_926 = tpu.memref_slice %arg7[%dma_start3A_921, %dma_start3A_924, %dma_start3A_925] : memref<3x128x128xf32, #tpu.memory_space<vmem>> -> memref<1x128x128xf32, #tpu.memory_space<vmem>>
    %dma_start3A_927 = tpu.memref_squeeze %dma_start3A_926 : memref<1x128x128xf32, #tpu.memory_space<vmem>> -> memref<128x128xf32, #tpu.memory_space<vmem>>
    %dma_start3A_928 = arith.constant 0 : i32
    %dma_start3A_929 = tpu.memref_slice %arg6[%dma_start3A_922, %dma_start3A_923, %dma_start3A_928] : memref<6x2x128xi32, #tpu.memory_space<vmem>> -> memref<1x1x128xi32, #tpu.memory_space<vmem>>
    %dma_start3A_930 = tpu.memref_squeeze %dma_start3A_929 : memref<1x1x128xi32, #tpu.memory_space<vmem>> -> memref<128xi32, #tpu.memory_space<vmem>>
    %dma_start3A_931 = arith.constant 0 : i32
    %dma_start3A_932 = arith.constant 0 : i32
    %dma_start3A_933 = tpu.memref_slice %arg8[%dma_start3A_931, %dma_start3A_932] : memref<10016x128xf32, #tpu.memory_space<vmem_shared>> -> memref<10016x128xf32, #tpu.memory_space<vmem_shared>>
    tpu.enqueue_indirect_dma source(%dma_start3A_927 : memref<128x128xf32, #tpu.memory_space<vmem>>) target(%dma_start3A_933 : memref<10016x128xf32, #tpu.memory_space<vmem_shared>>) offsets(%dma_start3A_930 : memref<128xi32, #tpu.memory_space<vmem>>) semaphore(%arg18 : memref<!tpu.dma_semaphore, #tpu.memory_space<semaphore_mem>>) {add = true}
    %dma_wait3A_934 = arith.constant 2 : i32
    %dma_wait3A_935 = arith.constant 2 : i32
    %dma_wait3A_936 = arith.constant 1 : i32
    %dma_wait3A_937 = arith.constant 0 : i32
    %dma_wait3A_938 = arith.constant 0 : i32
    %dma_wait3A_939 = tpu.memref_slice %arg7[%dma_wait3A_934, %dma_wait3A_937, %dma_wait3A_938] : memref<3x128x128xf32, #tpu.memory_space<vmem>> -> memref<1x128x128xf32, #tpu.memory_space<vmem>>
    %dma_wait3A_940 = tpu.memref_squeeze %dma_wait3A_939 : memref<1x128x128xf32, #tpu.memory_space<vmem>> -> memref<128x128xf32, #tpu.memory_space<vmem>>
    %dma_wait3A_941 = arith.constant 0 : i32
    %dma_wait3A_942 = tpu.memref_slice %arg6[%dma_wait3A_935, %dma_wait3A_936, %dma_wait3A_941] : memref<6x2x128xi32, #tpu.memory_space<vmem>> -> memref<1x1x128xi32, #tpu.memory_space<vmem>>
    %dma_wait3A_943 = tpu.memref_squeeze %dma_wait3A_942 : memref<1x1x128xi32, #tpu.memory_space<vmem>> -> memref<128xi32, #tpu.memory_space<vmem>>
    %dma_wait3A_944 = arith.constant 0 : i32
    %dma_wait3A_945 = arith.constant 0 : i32
    %dma_wait3A_946 = tpu.memref_slice %arg8[%dma_wait3A_944, %dma_wait3A_945] : memref<10016x128xf32, #tpu.memory_space<vmem_shared>> -> memref<10016x128xf32, #tpu.memory_space<vmem_shared>>
    tpu.wait_indirect_dma semaphore(%arg20 : memref<!tpu.dma_semaphore, #tpu.memory_space<semaphore_mem>>) src(%dma_wait3A_940 : memref<128x128xf32, #tpu.memory_space<vmem>>) dst(%dma_wait3A_946 : memref<10016x128xf32, #tpu.memory_space<vmem_shared>>)
    %dma_wait3A_947 = arith.constant 83 : i32
    %dma_wait3A_948 = arith.constant 5 : i32
    %dma_wait3A_949 = arith.constant 0 : i32
    %dma_wait3A_950 = arith.constant 0 : i32
    %dma_wait3A_951 = tpu.memref_slice %arg6[%dma_wait3A_948, %dma_wait3A_949, %dma_wait3A_950] : memref<6x2x128xi32, #tpu.memory_space<vmem>> -> memref<1x2x128xi32, #tpu.memory_space<vmem>>
    %dma_wait3A_952 = tpu.memref_squeeze %dma_wait3A_951 : memref<1x2x128xi32, #tpu.memory_space<vmem>> -> memref<2x128xi32, #tpu.memory_space<vmem>>
    %dma_wait3A_953 = arith.constant 0 : i32
    %dma_wait3A_954 = arith.constant 0 : i32
    %dma_wait3A_955 = tpu.memref_slice %arg3[%add3A, %dma_wait3A_947, %dma_wait3A_953, %dma_wait3A_954] : memref<32x84x2x128xi32, #tpu.memory_space<hbm>> -> memref<1x1x2x128xi32, #tpu.memory_space<hbm>>
    %dma_wait3A_956 = tpu.memref_squeeze %dma_wait3A_955 : memref<1x1x2x128xi32, #tpu.memory_space<hbm>> -> memref<2x128xi32, #tpu.memory_space<hbm>>
    %dma_wait3A_957 = arith.constant 0 : i32
    %dma_wait3A_958 = arith.constant 0 : i32
    %dma_wait3A_959 = tpu.memref_slice %arg6[%dma_wait3A_948, %dma_wait3A_957, %dma_wait3A_958] : memref<6x2x128xi32, #tpu.memory_space<vmem>> -> memref<1x2x128xi32, #tpu.memory_space<vmem>>
    %dma_wait3A_960 = tpu.memref_squeeze %dma_wait3A_959 : memref<1x2x128xi32, #tpu.memory_space<vmem>> -> memref<2x128xi32, #tpu.memory_space<vmem>>
    %dma_wait3A_961 = arith.constant 0 : i32
    %dma_wait3A_962 = arith.constant 0 : i32
    %dma_wait3A_963 = tpu.memref_slice %arg3[%add3A, %dma_wait3A_947, %dma_wait3A_961, %dma_wait3A_962] : memref<32x84x2x128xi32, #tpu.memory_space<hbm>> -> memref<1x1x2x128xi32, #tpu.memory_space<hbm>>
    %dma_wait3A_964 = tpu.memref_squeeze %dma_wait3A_963 : memref<1x1x2x128xi32, #tpu.memory_space<hbm>> -> memref<2x128xi32, #tpu.memory_space<hbm>>
    tpu.wait_dma2 semaphore(%arg14 : memref<!tpu.dma_semaphore, #tpu.memory_space<semaphore_mem>>) src(%dma_wait3A_964 : memref<2x128xi32, #tpu.memory_space<hbm>>) dst(%dma_wait3A_960 : memref<2x128xi32, #tpu.memory_space<vmem>>)
    %dma_start3A_965 = arith.constant 5 : i32
    %dma_start3A_966 = arith.constant 0 : i32
    %dma_start3A_967 = arith.constant 2 : i32
    %dma_start3A_968 = arith.constant 0 : i32
    %dma_start3A_969 = arith.constant 0 : i32
    %dma_start3A_970 = tpu.memref_slice %arg7[%dma_start3A_967, %dma_start3A_968, %dma_start3A_969] : memref<3x128x128xf32, #tpu.memory_space<vmem>> -> memref<1x128x128xf32, #tpu.memory_space<vmem>>
    %dma_start3A_971 = tpu.memref_squeeze %dma_start3A_970 : memref<1x128x128xf32, #tpu.memory_space<vmem>> -> memref<128x128xf32, #tpu.memory_space<vmem>>
    %dma_start3A_972 = arith.constant 0 : i32
    %dma_start3A_973 = tpu.memref_slice %arg6[%dma_start3A_965, %dma_start3A_966, %dma_start3A_972] : memref<6x2x128xi32, #tpu.memory_space<vmem>> -> memref<1x1x128xi32, #tpu.memory_space<vmem>>
    %dma_start3A_974 = tpu.memref_squeeze %dma_start3A_973 : memref<1x1x128xi32, #tpu.memory_space<vmem>> -> memref<128xi32, #tpu.memory_space<vmem>>
    %dma_start3A_975 = arith.constant 0 : i32
    %dma_start3A_976 = arith.constant 0 : i32
    %dma_start3A_977 = tpu.memref_slice %arg2[%dma_start3A_975, %dma_start3A_976] : memref<10000x128xf32, #tpu.memory_space<hbm>> -> memref<10000x128xf32, #tpu.memory_space<hbm>>
    tpu.enqueue_indirect_dma source(%dma_start3A_977 : memref<10000x128xf32, #tpu.memory_space<hbm>>) target(%dma_start3A_971 : memref<128x128xf32, #tpu.memory_space<vmem>>) offsets(%dma_start3A_974 : memref<128xi32, #tpu.memory_space<vmem>>) semaphore(%arg17 : memref<!tpu.dma_semaphore, #tpu.memory_space<semaphore_mem>>)
    %dma_wait3A_978 = arith.constant 4 : i32
    %dma_wait3A_979 = arith.constant 0 : i32
    %dma_wait3A_980 = arith.constant 1 : i32
    %dma_wait3A_981 = arith.constant 0 : i32
    %dma_wait3A_982 = arith.constant 0 : i32
    %dma_wait3A_983 = tpu.memref_slice %arg7[%dma_wait3A_980, %dma_wait3A_981, %dma_wait3A_982] : memref<3x128x128xf32, #tpu.memory_space<vmem>> -> memref<1x128x128xf32, #tpu.memory_space<vmem>>
    %dma_wait3A_984 = tpu.memref_squeeze %dma_wait3A_983 : memref<1x128x128xf32, #tpu.memory_space<vmem>> -> memref<128x128xf32, #tpu.memory_space<vmem>>
    %dma_wait3A_985 = arith.constant 0 : i32
    %dma_wait3A_986 = tpu.memref_slice %arg6[%dma_wait3A_978, %dma_wait3A_979, %dma_wait3A_985] : memref<6x2x128xi32, #tpu.memory_space<vmem>> -> memref<1x1x128xi32, #tpu.memory_space<vmem>>
    %dma_wait3A_987 = tpu.memref_squeeze %dma_wait3A_986 : memref<1x1x128xi32, #tpu.memory_space<vmem>> -> memref<128xi32, #tpu.memory_space<vmem>>
    %dma_wait3A_988 = arith.constant 0 : i32
    %dma_wait3A_989 = arith.constant 0 : i32
    %dma_wait3A_990 = tpu.memref_slice %arg2[%dma_wait3A_988, %dma_wait3A_989] : memref<10000x128xf32, #tpu.memory_space<hbm>> -> memref<10000x128xf32, #tpu.memory_space<hbm>>
    tpu.wait_indirect_dma semaphore(%arg16 : memref<!tpu.dma_semaphore, #tpu.memory_space<semaphore_mem>>) src(%dma_wait3A_990 : memref<10000x128xf32, #tpu.memory_space<hbm>>) dst(%dma_wait3A_984 : memref<128x128xf32, #tpu.memory_space<vmem>>)
    %dma_start3A_991 = arith.constant 1 : i32
    %dma_start3A_992 = arith.constant 4 : i32
    %dma_start3A_993 = arith.constant 1 : i32
    %dma_start3A_994 = arith.constant 0 : i32
    %dma_start3A_995 = arith.constant 0 : i32
    %dma_start3A_996 = tpu.memref_slice %arg7[%dma_start3A_991, %dma_start3A_994, %dma_start3A_995] : memref<3x128x128xf32, #tpu.memory_space<vmem>> -> memref<1x128x128xf32, #tpu.memory_space<vmem>>
    %dma_start3A_997 = tpu.memref_squeeze %dma_start3A_996 : memref<1x128x128xf32, #tpu.memory_space<vmem>> -> memref<128x128xf32, #tpu.memory_space<vmem>>
    %dma_start3A_998 = arith.constant 0 : i32
    %dma_start3A_999 = tpu.memref_slice %arg6[%dma_start3A_992, %dma_start3A_993, %dma_start3A_998] : memref<6x2x128xi32, #tpu.memory_space<vmem>> -> memref<1x1x128xi32, #tpu.memory_space<vmem>>
    %dma_start3A_1000 = tpu.memref_squeeze %dma_start3A_999 : memref<1x1x128xi32, #tpu.memory_space<vmem>> -> memref<128xi32, #tpu.memory_space<vmem>>
    %dma_start3A_1001 = arith.constant 0 : i32
    %dma_start3A_1002 = arith.constant 0 : i32
    %dma_start3A_1003 = tpu.memref_slice %arg8[%dma_start3A_1001, %dma_start3A_1002] : memref<10016x128xf32, #tpu.memory_space<vmem_shared>> -> memref<10016x128xf32, #tpu.memory_space<vmem_shared>>
    tpu.enqueue_indirect_dma source(%dma_start3A_997 : memref<128x128xf32, #tpu.memory_space<vmem>>) target(%dma_start3A_1003 : memref<10016x128xf32, #tpu.memory_space<vmem_shared>>) offsets(%dma_start3A_1000 : memref<128xi32, #tpu.memory_space<vmem>>) semaphore(%arg19 : memref<!tpu.dma_semaphore, #tpu.memory_space<semaphore_mem>>) {add = true}
    %dma_wait3A_1004 = arith.constant 0 : i32
    %dma_wait3A_1005 = arith.constant 3 : i32
    %dma_wait3A_1006 = arith.constant 1 : i32
    %dma_wait3A_1007 = arith.constant 0 : i32
    %dma_wait3A_1008 = arith.constant 0 : i32
    %dma_wait3A_1009 = tpu.memref_slice %arg7[%dma_wait3A_1004, %dma_wait3A_1007, %dma_wait3A_1008] : memref<3x128x128xf32, #tpu.memory_space<vmem>> -> memref<1x128x128xf32, #tpu.memory_space<vmem>>
    %dma_wait3A_1010 = tpu.memref_squeeze %dma_wait3A_1009 : memref<1x128x128xf32, #tpu.memory_space<vmem>> -> memref<128x128xf32, #tpu.memory_space<vmem>>
    %dma_wait3A_1011 = arith.constant 0 : i32
    %dma_wait3A_1012 = tpu.memref_slice %arg6[%dma_wait3A_1005, %dma_wait3A_1006, %dma_wait3A_1011] : memref<6x2x128xi32, #tpu.memory_space<vmem>> -> memref<1x1x128xi32, #tpu.memory_space<vmem>>
    %dma_wait3A_1013 = tpu.memref_squeeze %dma_wait3A_1012 : memref<1x1x128xi32, #tpu.memory_space<vmem>> -> memref<128xi32, #tpu.memory_space<vmem>>
    %dma_wait3A_1014 = arith.constant 0 : i32
    %dma_wait3A_1015 = arith.constant 0 : i32
    %dma_wait3A_1016 = tpu.memref_slice %arg8[%dma_wait3A_1014, %dma_wait3A_1015] : memref<10016x128xf32, #tpu.memory_space<vmem_shared>> -> memref<10016x128xf32, #tpu.memory_space<vmem_shared>>
    tpu.wait_indirect_dma semaphore(%arg18 : memref<!tpu.dma_semaphore, #tpu.memory_space<semaphore_mem>>) src(%dma_wait3A_1010 : memref<128x128xf32, #tpu.memory_space<vmem>>) dst(%dma_wait3A_1016 : memref<10016x128xf32, #tpu.memory_space<vmem_shared>>)
    %dma_wait3A_1017 = arith.constant 5 : i32
    %dma_wait3A_1018 = arith.constant 0 : i32
    %dma_wait3A_1019 = arith.constant 2 : i32
    %dma_wait3A_1020 = arith.constant 0 : i32
    %dma_wait3A_1021 = arith.constant 0 : i32
    %dma_wait3A_1022 = tpu.memref_slice %arg7[%dma_wait3A_1019, %dma_wait3A_1020, %dma_wait3A_1021] : memref<3x128x128xf32, #tpu.memory_space<vmem>> -> memref<1x128x128xf32, #tpu.memory_space<vmem>>
    %dma_wait3A_1023 = tpu.memref_squeeze %dma_wait3A_1022 : memref<1x128x128xf32, #tpu.memory_space<vmem>> -> memref<128x128xf32, #tpu.memory_space<vmem>>
    %dma_wait3A_1024 = arith.constant 0 : i32
    %dma_wait3A_1025 = tpu.memref_slice %arg6[%dma_wait3A_1017, %dma_wait3A_1018, %dma_wait3A_1024] : memref<6x2x128xi32, #tpu.memory_space<vmem>> -> memref<1x1x128xi32, #tpu.memory_space<vmem>>
    %dma_wait3A_1026 = tpu.memref_squeeze %dma_wait3A_1025 : memref<1x1x128xi32, #tpu.memory_space<vmem>> -> memref<128xi32, #tpu.memory_space<vmem>>
    %dma_wait3A_1027 = arith.constant 0 : i32
    %dma_wait3A_1028 = arith.constant 0 : i32
    %dma_wait3A_1029 = tpu.memref_slice %arg2[%dma_wait3A_1027, %dma_wait3A_1028] : memref<10000x128xf32, #tpu.memory_space<hbm>> -> memref<10000x128xf32, #tpu.memory_space<hbm>>
    tpu.wait_indirect_dma semaphore(%arg17 : memref<!tpu.dma_semaphore, #tpu.memory_space<semaphore_mem>>) src(%dma_wait3A_1029 : memref<10000x128xf32, #tpu.memory_space<hbm>>) dst(%dma_wait3A_1023 : memref<128x128xf32, #tpu.memory_space<vmem>>)
    %dma_start3A_1030 = arith.constant 2 : i32
    %dma_start3A_1031 = arith.constant 5 : i32
    %dma_start3A_1032 = arith.constant 1 : i32
    %dma_start3A_1033 = arith.constant 0 : i32
    %dma_start3A_1034 = arith.constant 0 : i32
    %dma_start3A_1035 = tpu.memref_slice %arg7[%dma_start3A_1030, %dma_start3A_1033, %dma_start3A_1034] : memref<3x128x128xf32, #tpu.memory_space<vmem>> -> memref<1x128x128xf32, #tpu.memory_space<vmem>>
    %dma_start3A_1036 = tpu.memref_squeeze %dma_start3A_1035 : memref<1x128x128xf32, #tpu.memory_space<vmem>> -> memref<128x128xf32, #tpu.memory_space<vmem>>
    %dma_start3A_1037 = arith.constant 0 : i32
    %dma_start3A_1038 = tpu.memref_slice %arg6[%dma_start3A_1031, %dma_start3A_1032, %dma_start3A_1037] : memref<6x2x128xi32, #tpu.memory_space<vmem>> -> memref<1x1x128xi32, #tpu.memory_space<vmem>>
    %dma_start3A_1039 = tpu.memref_squeeze %dma_start3A_1038 : memref<1x1x128xi32, #tpu.memory_space<vmem>> -> memref<128xi32, #tpu.memory_space<vmem>>
    %dma_start3A_1040 = arith.constant 0 : i32
    %dma_start3A_1041 = arith.constant 0 : i32
    %dma_start3A_1042 = tpu.memref_slice %arg8[%dma_start3A_1040, %dma_start3A_1041] : memref<10016x128xf32, #tpu.memory_space<vmem_shared>> -> memref<10016x128xf32, #tpu.memory_space<vmem_shared>>
    tpu.enqueue_indirect_dma source(%dma_start3A_1036 : memref<128x128xf32, #tpu.memory_space<vmem>>) target(%dma_start3A_1042 : memref<10016x128xf32, #tpu.memory_space<vmem_shared>>) offsets(%dma_start3A_1039 : memref<128xi32, #tpu.memory_space<vmem>>) semaphore(%arg20 : memref<!tpu.dma_semaphore, #tpu.memory_space<semaphore_mem>>) {add = true}
    %dma_wait3A_1043 = arith.constant 1 : i32
    %dma_wait3A_1044 = arith.constant 4 : i32
    %dma_wait3A_1045 = arith.constant 1 : i32
    %dma_wait3A_1046 = arith.constant 0 : i32
    %dma_wait3A_1047 = arith.constant 0 : i32
    %dma_wait3A_1048 = tpu.memref_slice %arg7[%dma_wait3A_1043, %dma_wait3A_1046, %dma_wait3A_1047] : memref<3x128x128xf32, #tpu.memory_space<vmem>> -> memref<1x128x128xf32, #tpu.memory_space<vmem>>
    %dma_wait3A_1049 = tpu.memref_squeeze %dma_wait3A_1048 : memref<1x128x128xf32, #tpu.memory_space<vmem>> -> memref<128x128xf32, #tpu.memory_space<vmem>>
    %dma_wait3A_1050 = arith.constant 0 : i32
    %dma_wait3A_1051 = tpu.memref_slice %arg6[%dma_wait3A_1044, %dma_wait3A_1045, %dma_wait3A_1050] : memref<6x2x128xi32, #tpu.memory_space<vmem>> -> memref<1x1x128xi32, #tpu.memory_space<vmem>>
    %dma_wait3A_1052 = tpu.memref_squeeze %dma_wait3A_1051 : memref<1x1x128xi32, #tpu.memory_space<vmem>> -> memref<128xi32, #tpu.memory_space<vmem>>
    %dma_wait3A_1053 = arith.constant 0 : i32
    %dma_wait3A_1054 = arith.constant 0 : i32
    %dma_wait3A_1055 = tpu.memref_slice %arg8[%dma_wait3A_1053, %dma_wait3A_1054] : memref<10016x128xf32, #tpu.memory_space<vmem_shared>> -> memref<10016x128xf32, #tpu.memory_space<vmem_shared>>
    tpu.wait_indirect_dma semaphore(%arg19 : memref<!tpu.dma_semaphore, #tpu.memory_space<semaphore_mem>>) src(%dma_wait3A_1049 : memref<128x128xf32, #tpu.memory_space<vmem>>) dst(%dma_wait3A_1055 : memref<10016x128xf32, #tpu.memory_space<vmem_shared>>)
    %dma_wait3A_1056 = arith.constant 2 : i32
    %dma_wait3A_1057 = arith.constant 5 : i32
    %dma_wait3A_1058 = arith.constant 1 : i32
    %dma_wait3A_1059 = arith.constant 0 : i32
    %dma_wait3A_1060 = arith.constant 0 : i32
    %dma_wait3A_1061 = tpu.memref_slice %arg7[%dma_wait3A_1056, %dma_wait3A_1059, %dma_wait3A_1060] : memref<3x128x128xf32, #tpu.memory_space<vmem>> -> memref<1x128x128xf32, #tpu.memory_space<vmem>>
    %dma_wait3A_1062 = tpu.memref_squeeze %dma_wait3A_1061 : memref<1x128x128xf32, #tpu.memory_space<vmem>> -> memref<128x128xf32, #tpu.memory_space<vmem>>
    %dma_wait3A_1063 = arith.constant 0 : i32
    %dma_wait3A_1064 = tpu.memref_slice %arg6[%dma_wait3A_1057, %dma_wait3A_1058, %dma_wait3A_1063] : memref<6x2x128xi32, #tpu.memory_space<vmem>> -> memref<1x1x128xi32, #tpu.memory_space<vmem>>
    %dma_wait3A_1065 = tpu.memref_squeeze %dma_wait3A_1064 : memref<1x1x128xi32, #tpu.memory_space<vmem>> -> memref<128xi32, #tpu.memory_space<vmem>>
    %dma_wait3A_1066 = arith.constant 0 : i32
    %dma_wait3A_1067 = arith.constant 0 : i32
    %dma_wait3A_1068 = tpu.memref_slice %arg8[%dma_wait3A_1066, %dma_wait3A_1067] : memref<10016x128xf32, #tpu.memory_space<vmem_shared>> -> memref<10016x128xf32, #tpu.memory_space<vmem_shared>>
    tpu.wait_indirect_dma semaphore(%arg20 : memref<!tpu.dma_semaphore, #tpu.memory_space<semaphore_mem>>) src(%dma_wait3A_1062 : memref<128x128xf32, #tpu.memory_space<vmem>>) dst(%dma_wait3A_1068 : memref<10016x128xf32, #tpu.memory_space<vmem_shared>>)
    %barrier3A_1069 = arith.constant 0 : index
    tpu.barrier barrier_id(%barrier3A_1069)
    "tpu.region"() ({
      %run_scoped3A = tpu.sem_alloc : memref<!tpu.dma_semaphore, #tpu.memory_space<semaphore_mem>>
      %dma_start3A_1075 = arith.constant 0 : i32
      %dma_start3A_1076 = tpu.memref_slice %arg5[%arg0, %mul3A_2, %dma_start3A_1075] : memref<2x10000x128xf32, #tpu.memory_space<hbm>> -> memref<1x624x128xf32, #tpu.memory_space<hbm>>
      %dma_start3A_1077 = tpu.memref_squeeze %dma_start3A_1076 : memref<1x624x128xf32, #tpu.memory_space<hbm>> -> memref<624x128xf32, #tpu.memory_space<hbm>>
      %dma_start3A_1078 = arith.constant 0 : i32
      %dma_start3A_1079 = tpu.memref_slice %arg8[%mul3A_2, %dma_start3A_1078] : memref<10016x128xf32, #tpu.memory_space<vmem_shared>> -> memref<624x128xf32, #tpu.memory_space<vmem_shared>>
      tpu.enqueue_dma source(%dma_start3A_1079 : memref<624x128xf32, #tpu.memory_space<vmem_shared>>) target(%dma_start3A_1077 : memref<624x128xf32, #tpu.memory_space<hbm>>) target_semaphore(%run_scoped3A : memref<!tpu.dma_semaphore, #tpu.memory_space<semaphore_mem>>)
      %dma_wait3A_1080 = arith.constant 0 : i32
      %dma_wait3A_1081 = tpu.memref_slice %arg5[%arg0, %mul3A_2, %dma_wait3A_1080] : memref<2x10000x128xf32, #tpu.memory_space<hbm>> -> memref<1x624x128xf32, #tpu.memory_space<hbm>>
      %dma_wait3A_1082 = tpu.memref_squeeze %dma_wait3A_1081 : memref<1x624x128xf32, #tpu.memory_space<hbm>> -> memref<624x128xf32, #tpu.memory_space<hbm>>
      %dma_wait3A_1083 = arith.constant 0 : i32
      %dma_wait3A_1084 = tpu.memref_slice %arg8[%mul3A_2, %dma_wait3A_1083] : memref<10016x128xf32, #tpu.memory_space<vmem_shared>> -> memref<624x128xf32, #tpu.memory_space<vmem_shared>>
      tpu.wait_dma2 semaphore(%run_scoped3A : memref<!tpu.dma_semaphore, #tpu.memory_space<semaphore_mem>>) src(%dma_wait3A_1084 : memref<624x128xf32, #tpu.memory_space<vmem_shared>>) dst(%dma_wait3A_1082 : memref<624x128xf32, #tpu.memory_space<hbm>>)
      tpu.yield
    }) : () -> ()
    %eq3A_1070 = arith.constant 0 : i32
    %eq3A_1071 = arith.cmpi eq, %arg1, %eq3A_1070 : i32
    %convert_element_type3A_1072 = arith.extui %eq3A_1071 : i1 to i32
    %cond3A_1073 = arith.constant 0 : i32
    %cond3A_1074 = arith.cmpi ne, %convert_element_type3A_1072, %cond3A_1073 : i32
    scf.if %cond3A_1074 {
      "tpu.region"() ({
        %run_scoped3A = tpu.sem_alloc : memref<!tpu.dma_semaphore, #tpu.memory_space<semaphore_mem>>
        %dma_start3A_1075 = arith.constant 9984 : i32
        %dma_start3A_1076 = arith.constant 0 : i32
        %dma_start3A_1077 = tpu.memref_slice %arg5[%arg0, %dma_start3A_1075, %dma_start3A_1076] : memref<2x10000x128xf32, #tpu.memory_space<hbm>> -> memref<1x16x128xf32, #tpu.memory_space<hbm>>
        %dma_start3A_1078 = tpu.memref_squeeze %dma_start3A_1077 : memref<1x16x128xf32, #tpu.memory_space<hbm>> -> memref<16x128xf32, #tpu.memory_space<hbm>>
        %dma_start3A_1079 = arith.constant 9984 : i32
        %dma_start3A_1080 = arith.constant 0 : i32
        %dma_start3A_1081 = tpu.memref_slice %arg8[%dma_start3A_1079, %dma_start3A_1080] : memref<10016x128xf32, #tpu.memory_space<vmem_shared>> -> memref<16x128xf32, #tpu.memory_space<vmem_shared>>
        tpu.enqueue_dma source(%dma_start3A_1081 : memref<16x128xf32, #tpu.memory_space<vmem_shared>>) target(%dma_start3A_1078 : memref<16x128xf32, #tpu.memory_space<hbm>>) target_semaphore(%run_scoped3A : memref<!tpu.dma_semaphore, #tpu.memory_space<semaphore_mem>>)
        %dma_wait3A_1082 = arith.constant 9984 : i32
        %dma_wait3A_1083 = arith.constant 0 : i32
        %dma_wait3A_1084 = tpu.memref_slice %arg5[%arg0, %dma_wait3A_1082, %dma_wait3A_1083] : memref<2x10000x128xf32, #tpu.memory_space<hbm>> -> memref<1x16x128xf32, #tpu.memory_space<hbm>>
        %dma_wait3A_1085 = tpu.memref_squeeze %dma_wait3A_1084 : memref<1x16x128xf32, #tpu.memory_space<hbm>> -> memref<16x128xf32, #tpu.memory_space<hbm>>
        %dma_wait3A_1086 = arith.constant 9984 : i32
        %dma_wait3A_1087 = arith.constant 0 : i32
        %dma_wait3A_1088 = tpu.memref_slice %arg8[%dma_wait3A_1086, %dma_wait3A_1087] : memref<10016x128xf32, #tpu.memory_space<vmem_shared>> -> memref<16x128xf32, #tpu.memory_space<vmem_shared>>
        tpu.wait_dma2 semaphore(%run_scoped3A : memref<!tpu.dma_semaphore, #tpu.memory_space<semaphore_mem>>) src(%dma_wait3A_1088 : memref<16x128xf32, #tpu.memory_space<vmem_shared>>) dst(%dma_wait3A_1085 : memref<16x128xf32, #tpu.memory_space<hbm>>)
        tpu.yield
      }) : () -> ()
    } else {
    }
    return
  }
}

module attributes {stable_mosaic.version = 14 : i64} {
  func.func @body(%arg0: i32, %arg1: memref<1000x128xf32, #tpu.memory_space<vmem>>, %arg2: memref<2x1000x16xf32, #tpu.memory_space<vmem>>, %arg3: memref<1000x128xf32, #tpu.memory_space<vmem>>, %arg4: memref<1000x1xf32, #tpu.memory_space<vmem>>) attributes {dimension_semantics = [#tpu.dimension_semantics<arbitrary>], iteration_bounds = array<i64: 10>, scalar_prefetch = 0 : i64, scratch_operands = 0 : i64, tpu.core_type = #tpu.core_type<tc>, window_params = [{transform_indices = @transform_0, window_bounds = array<i64: 1000, 128>}, {transform_indices = @transform_1, window_bounds = array<i64: 2, 1000, 16>}, {transform_indices = @transform_2, window_bounds = array<i64: 1000, 128>}, {transform_indices = @transform_3, window_bounds = array<i64: 1000, 1>}]} {
    %get3A = arith.constant 0 : index
    %get3A_0 = arith.constant 0 : index
    %get3A_1 = arith.constant 0 : index
    %get3A_2 = vector.load %arg2[%get3A, %get3A_0, %get3A_1] : memref<2x1000x16xf32, #tpu.memory_space<vmem>>, vector<1x1000x1xf32>
    %get3A_3 = vector.shape_cast %get3A_2 : vector<1x1000x1xf32> to vector<1000xf32>
    %get3A_4 = arith.constant 1 : index
    %get3A_5 = arith.constant 0 : index
    %get3A_6 = arith.constant 0 : index
    %get3A_7 = vector.load %arg2[%get3A_4, %get3A_5, %get3A_6] : memref<2x1000x16xf32, #tpu.memory_space<vmem>>, vector<1x1000x1xf32>
    %get3A_8 = vector.shape_cast %get3A_7 : vector<1x1000x1xf32> to vector<1000xf32>
    %add3A = arith.addf %get3A_3, %get3A_8 : vector<1000xf32>
    %add3A_9 = arith.constant 1.000000e+00 : f32
    %add3A_10 = vector.broadcast %add3A_9 : f32 to vector<1000xf32>
    %add3A_11 = arith.addf %add3A, %add3A_10 : vector<1000xf32>
    %rsqrt3A = math.rsqrt %add3A_11 : vector<1000xf32>
    %reshape3A = vector.shape_cast %rsqrt3A : vector<1000xf32> to vector<1000x1xf32>
    %get3A_12 = arith.constant 0 : index
    %get3A_13 = arith.constant 0 : index
    %get3A_14 = vector.load %arg1[%get3A_12, %get3A_13] : memref<1000x128xf32, #tpu.memory_space<vmem>>, vector<1000x128xf32>
    %mul3A = vector.broadcast %reshape3A : vector<1000x1xf32> to vector<1000x128xf32>
    %mul3A_15 = arith.mulf %get3A_14, %mul3A : vector<1000x128xf32>
    %swap3A = arith.constant 0 : index
    %swap3A_16 = arith.constant 0 : index
    %swap3A_17 = vector.load %arg3[%swap3A, %swap3A_16] : memref<1000x128xf32, #tpu.memory_space<vmem>>, vector<1000x128xf32>
    tpu.vector_store %arg3[%swap3A, %swap3A_16], %mul3A_15 {strides = array<i32>} : memref<1000x128xf32, #tpu.memory_space<vmem>>, vector<1000x128xf32>,
    %swap3A_18 = arith.constant 0 : index
    %swap3A_19 = arith.constant 0 : index
    %swap3A_20 = vector.load %arg4[%swap3A_18, %swap3A_19] : memref<1000x1xf32, #tpu.memory_space<vmem>>, vector<1000x1xf32>
    tpu.vector_store %arg4[%swap3A_18, %swap3A_19], %reshape3A {strides = array<i32>} : memref<1000x1xf32, #tpu.memory_space<vmem>>, vector<1000x1xf32>,
    return
  }
  func.func @transform_0(%arg0: i32) -> (i32, i32) {
    %c0_i32 = arith.constant 0 : i32
    %c0_i32_0 = arith.constant 0 : i32
    return %arg0, %c0_i32 : i32, i32
  }
  func.func @transform_1(%arg0: i32) -> (i32, i32, i32) {
    %c0_i32 = arith.constant 0 : i32
    %c0_i32_0 = arith.constant 0 : i32
    %c0_i32_1 = arith.constant 0 : i32
    return %c0_i32, %arg0, %c0_i32_0 : i32, i32, i32
  }
  func.func @transform_2(%arg0: i32) -> (i32, i32) {
    %c0_i32 = arith.constant 0 : i32
    %c0_i32_0 = arith.constant 0 : i32
    return %arg0, %c0_i32 : i32, i32
  }
  func.func @transform_3(%arg0: i32) -> (i32, i32) {
    %c0_i32 = arith.constant 0 : i32
    %c0_i32_0 = arith.constant 0 : i32
    return %arg0, %c0_i32 : i32, i32
  }
}

module attributes {stable_mosaic.version = 14 : i64} {
  func.func @body(%arg0: i32, %arg1: memref<2x1000x128xf32, #tpu.memory_space<vmem>>, %arg2: memref<1000x1xf32, #tpu.memory_space<vmem>>, %arg3: memref<128x256xf32, #tpu.memory_space<vmem>>, %arg4: memref<1x256xf32, #tpu.memory_space<vmem>>, %arg5: memref<256x128xf32, #tpu.memory_space<vmem>>, %arg6: memref<1000x128xf32, #tpu.memory_space<vmem>>) attributes {dimension_semantics = [#tpu.dimension_semantics<arbitrary>], iteration_bounds = array<i64: 10>, scalar_prefetch = 0 : i64, scratch_operands = 0 : i64, tpu.core_type = #tpu.core_type<tc>, window_params = [{transform_indices = @transform_0, window_bounds = array<i64: 2, 1000, 128>}, {transform_indices = @transform_1, window_bounds = array<i64: 1000, 1>}, {pipeline_mode = #tpu.pipeline_mode<synchronous>, transform_indices = @transform_2, window_bounds = array<i64: 128, 256>}, {pipeline_mode = #tpu.pipeline_mode<synchronous>, transform_indices = @transform_3, window_bounds = array<i64: 1, 256>}, {pipeline_mode = #tpu.pipeline_mode<synchronous>, transform_indices = @transform_4, window_bounds = array<i64: 256, 128>}, {transform_indices = @transform_5, window_bounds = array<i64: 1000, 128>}]} {
    %get3A = arith.constant 0 : index
    %get3A_0 = arith.constant 0 : index
    %get3A_1 = vector.load %arg2[%get3A, %get3A_0] : memref<1000x1xf32, #tpu.memory_space<vmem>>, vector<1000x1xf32>
    %get3A_2 = arith.constant 0 : index
    %get3A_3 = arith.constant 0 : index
    %get3A_4 = arith.constant 0 : index
    %get3A_5 = vector.load %arg1[%get3A_2, %get3A_3, %get3A_4] : memref<2x1000x128xf32, #tpu.memory_space<vmem>>, vector<1x1000x128xf32>
    %get3A_6 = vector.shape_cast %get3A_5 : vector<1x1000x128xf32> to vector<1000x128xf32>
    %get3A_7 = arith.constant 1 : index
    %get3A_8 = arith.constant 0 : index
    %get3A_9 = arith.constant 0 : index
    %get3A_10 = vector.load %arg1[%get3A_7, %get3A_8, %get3A_9] : memref<2x1000x128xf32, #tpu.memory_space<vmem>>, vector<1x1000x128xf32>
    %get3A_11 = vector.shape_cast %get3A_10 : vector<1x1000x128xf32> to vector<1000x128xf32>
    %add3A = arith.addf %get3A_6, %get3A_11 : vector<1000x128xf32>
    %mul3A = vector.broadcast %get3A_1 : vector<1000x1xf32> to vector<1000x128xf32>
    %mul3A_12 = arith.mulf %add3A, %mul3A : vector<1000x128xf32>
    %get3A_13 = arith.constant 0 : index
    %get3A_14 = arith.constant 0 : index
    %get3A_15 = vector.load %arg3[%get3A_13, %get3A_14] : memref<128x256xf32, #tpu.memory_space<vmem>>, vector<128x128xf32>
    %dot_general3A = arith.constant dense<0.000000e+00> : vector<1000x128xf32>
    %dot_general3A_16 = tpu.matmul %mul3A_12, %get3A_15, %dot_general3A {dimension_numbers = #tpu.dot_dimension_numbers<[1], [0], [0], [1], [0, 0, 1, 1], [], []>, transpose_lhs_hint = false} : vector<1000x128xf32>, vector<128x128xf32>, vector<1000x128xf32> -> vector<1000x128xf32>
    %get3A_17 = arith.constant 0 : index
    %get3A_18 = arith.constant 0 : index
    %get3A_19 = vector.load %arg4[%get3A_17, %get3A_18] : memref<1x256xf32, #tpu.memory_space<vmem>>, vector<1x128xf32>
    %add3A_20 = vector.broadcast %get3A_19 : vector<1x128xf32> to vector<1000x128xf32>
    %add3A_21 = arith.addf %dot_general3A_16, %add3A_20 : vector<1000x128xf32>
    %max3A = arith.constant 0.000000e+00 : f32
    %max3A_22 = vector.broadcast %max3A : f32 to vector<1000x128xf32>
    %max3A_23 = arith.maximumf %add3A_21, %max3A_22 : vector<1000x128xf32>
    %get3A_24 = arith.constant 0 : index
    %get3A_25 = arith.constant 128 : index
    %get3A_26 = vector.load %arg3[%get3A_24, %get3A_25] : memref<128x256xf32, #tpu.memory_space<vmem>>, vector<128x128xf32>
    %dot_general3A_27 = arith.constant dense<0.000000e+00> : vector<1000x128xf32>
    %dot_general3A_28 = tpu.matmul %mul3A_12, %get3A_26, %dot_general3A_27 {dimension_numbers = #tpu.dot_dimension_numbers<[1], [0], [0], [1], [0, 0, 1, 1], [], []>, transpose_lhs_hint = false} : vector<1000x128xf32>, vector<128x128xf32>, vector<1000x128xf32> -> vector<1000x128xf32>
    %get3A_29 = arith.constant 0 : index
    %get3A_30 = arith.constant 128 : index
    %get3A_31 = vector.load %arg4[%get3A_29, %get3A_30] : memref<1x256xf32, #tpu.memory_space<vmem>>, vector<1x128xf32>
    %add3A_32 = vector.broadcast %get3A_31 : vector<1x128xf32> to vector<1000x128xf32>
    %add3A_33 = arith.addf %dot_general3A_28, %add3A_32 : vector<1000x128xf32>
    %max3A_34 = arith.constant 0.000000e+00 : f32
    %max3A_35 = vector.broadcast %max3A_34 : f32 to vector<1000x128xf32>
    %max3A_36 = arith.maximumf %add3A_33, %max3A_35 : vector<1000x128xf32>
    %get3A_37 = arith.constant 0 : index
    %get3A_38 = arith.constant 0 : index
    %get3A_39 = vector.load %arg5[%get3A_37, %get3A_38] : memref<256x128xf32, #tpu.memory_space<vmem>>, vector<128x128xf32>
    %dot_general3A_40 = arith.constant dense<0.000000e+00> : vector<1000x128xf32>
    %dot_general3A_41 = tpu.matmul %max3A_23, %get3A_39, %dot_general3A_40 {dimension_numbers = #tpu.dot_dimension_numbers<[1], [0], [0], [1], [0, 0, 1, 1], [], []>, transpose_lhs_hint = false} : vector<1000x128xf32>, vector<128x128xf32>, vector<1000x128xf32> -> vector<1000x128xf32>
    %get3A_42 = arith.constant 128 : index
    %get3A_43 = arith.constant 0 : index
    %get3A_44 = vector.load %arg5[%get3A_42, %get3A_43] : memref<256x128xf32, #tpu.memory_space<vmem>>, vector<128x128xf32>
    %dot_general3A_45 = arith.constant dense<0.000000e+00> : vector<1000x128xf32>
    %dot_general3A_46 = tpu.matmul %max3A_36, %get3A_44, %dot_general3A_45 {dimension_numbers = #tpu.dot_dimension_numbers<[1], [0], [0], [1], [0, 0, 1, 1], [], []>, transpose_lhs_hint = false} : vector<1000x128xf32>, vector<128x128xf32>, vector<1000x128xf32> -> vector<1000x128xf32>
    %add3A_47 = arith.addf %dot_general3A_41, %dot_general3A_46 : vector<1000x128xf32>
    %mul3A_48 = vector.broadcast %get3A_1 : vector<1000x1xf32> to vector<1000x128xf32>
    %mul3A_49 = arith.mulf %add3A_47, %mul3A_48 : vector<1000x128xf32>
    %swap3A = arith.constant 0 : index
    %swap3A_50 = arith.constant 0 : index
    %swap3A_51 = vector.load %arg6[%swap3A, %swap3A_50] : memref<1000x128xf32, #tpu.memory_space<vmem>>, vector<1000x128xf32>
    tpu.vector_store %arg6[%swap3A, %swap3A_50], %mul3A_49 {strides = array<i32>} : memref<1000x128xf32, #tpu.memory_space<vmem>>, vector<1000x128xf32>,
    return
  }
  func.func @transform_0(%arg0: i32) -> (i32, i32, i32) {
    %c0_i32 = arith.constant 0 : i32
    %c0_i32_0 = arith.constant 0 : i32
    %c0_i32_1 = arith.constant 0 : i32
    return %c0_i32, %arg0, %c0_i32_0 : i32, i32, i32
  }
  func.func @transform_1(%arg0: i32) -> (i32, i32) {
    %c0_i32 = arith.constant 0 : i32
    %c0_i32_0 = arith.constant 0 : i32
    return %arg0, %c0_i32 : i32, i32
  }
  func.func @transform_2(%arg0: i32) -> (i32, i32) {
    %c0_i32 = arith.constant 0 : i32
    %c0_i32_0 = arith.constant 0 : i32
    %c0_i32_1 = arith.constant 0 : i32
    return %c0_i32, %c0_i32_0 : i32, i32
  }
  func.func @transform_3(%arg0: i32) -> (i32, i32) {
    %c0_i32 = arith.constant 0 : i32
    %c0_i32_0 = arith.constant 0 : i32
    %c0_i32_1 = arith.constant 0 : i32
    return %c0_i32, %c0_i32_0 : i32, i32
  }
  func.func @transform_4(%arg0: i32) -> (i32, i32) {
    %c0_i32 = arith.constant 0 : i32
    %c0_i32_0 = arith.constant 0 : i32
    %c0_i32_1 = arith.constant 0 : i32
    return %c0_i32, %c0_i32_0 : i32, i32
  }
  func.func @transform_5(%arg0: i32) -> (i32, i32) {
    %c0_i32 = arith.constant 0 : i32
    %c0_i32_0 = arith.constant 0 : i32
    return %arg0, %c0_i32 : i32, i32
  }
}

module attributes {stable_mosaic.version = 14 : i64} {
  func.func @body(%arg0: i32, %arg1: memref<2x1000x128xf32, #tpu.memory_space<vmem>>, %arg2: memref<1000x1xf32, #tpu.memory_space<vmem>>, %arg3: memref<1x128xf32, #tpu.memory_space<vmem>>, %arg4: memref<1000x128xf32, #tpu.memory_space<vmem>>) attributes {dimension_semantics = [#tpu.dimension_semantics<arbitrary>], iteration_bounds = array<i64: 10>, scalar_prefetch = 0 : i64, scratch_operands = 0 : i64, tpu.core_type = #tpu.core_type<tc>, window_params = [{transform_indices = @transform_0, window_bounds = array<i64: 2, 1000, 128>}, {transform_indices = @transform_1, window_bounds = array<i64: 1000, 1>}, {pipeline_mode = #tpu.pipeline_mode<synchronous>, transform_indices = @transform_2, window_bounds = array<i64: 1, 128>}, {transform_indices = @transform_3, window_bounds = array<i64: 1000, 128>}]} {
    %get3A = arith.constant 0 : index
    %get3A_0 = arith.constant 0 : index
    %get3A_1 = arith.constant 0 : index
    %get3A_2 = vector.load %arg1[%get3A, %get3A_0, %get3A_1] : memref<2x1000x128xf32, #tpu.memory_space<vmem>>, vector<1x1000x128xf32>
    %get3A_3 = vector.shape_cast %get3A_2 : vector<1x1000x128xf32> to vector<1000x128xf32>
    %get3A_4 = arith.constant 1 : index
    %get3A_5 = arith.constant 0 : index
    %get3A_6 = arith.constant 0 : index
    %get3A_7 = vector.load %arg1[%get3A_4, %get3A_5, %get3A_6] : memref<2x1000x128xf32, #tpu.memory_space<vmem>>, vector<1x1000x128xf32>
    %get3A_8 = vector.shape_cast %get3A_7 : vector<1x1000x128xf32> to vector<1000x128xf32>
    %add3A = arith.addf %get3A_3, %get3A_8 : vector<1000x128xf32>
    %get3A_9 = arith.constant 0 : index
    %get3A_10 = arith.constant 0 : index
    %get3A_11 = vector.load %arg2[%get3A_9, %get3A_10] : memref<1000x1xf32, #tpu.memory_space<vmem>>, vector<1000x1xf32>
    %mul3A = vector.broadcast %get3A_11 : vector<1000x1xf32> to vector<1000x128xf32>
    %mul3A_12 = arith.mulf %add3A, %mul3A : vector<1000x128xf32>
    %get3A_13 = arith.constant 0 : index
    %get3A_14 = arith.constant 0 : index
    %get3A_15 = vector.load %arg3[%get3A_13, %get3A_14] : memref<1x128xf32, #tpu.memory_space<vmem>>, vector<1x128xf32>
    %add3A_16 = vector.broadcast %get3A_15 : vector<1x128xf32> to vector<1000x128xf32>
    %add3A_17 = arith.addf %mul3A_12, %add3A_16 : vector<1000x128xf32>
    %swap3A = arith.constant 0 : index
    %swap3A_18 = arith.constant 0 : index
    %swap3A_19 = vector.load %arg4[%swap3A, %swap3A_18] : memref<1000x128xf32, #tpu.memory_space<vmem>>, vector<1000x128xf32>
    tpu.vector_store %arg4[%swap3A, %swap3A_18], %add3A_17 {strides = array<i32>} : memref<1000x128xf32, #tpu.memory_space<vmem>>, vector<1000x128xf32>,
    return
  }
  func.func @transform_0(%arg0: i32) -> (i32, i32, i32) {
    %c0_i32 = arith.constant 0 : i32
    %c0_i32_0 = arith.constant 0 : i32
    %c0_i32_1 = arith.constant 0 : i32
    return %c0_i32, %arg0, %c0_i32_0 : i32, i32, i32
  }
  func.func @transform_1(%arg0: i32) -> (i32, i32) {
    %c0_i32 = arith.constant 0 : i32
    %c0_i32_0 = arith.constant 0 : i32
    return %arg0, %c0_i32 : i32, i32
  }
  func.func @transform_2(%arg0: i32) -> (i32, i32) {
    %c0_i32 = arith.constant 0 : i32
    %c0_i32_0 = arith.constant 0 : i32
    %c0_i32_1 = arith.constant 0 : i32
    return %c0_i32, %c0_i32_0 : i32, i32
  }
  func.func @transform_3(%arg0: i32) -> (i32, i32) {
    %c0_i32 = arith.constant 0 : i32
    %c0_i32_0 = arith.constant 0 : i32
    return %arg0, %c0_i32 : i32, i32
  }
}

</mosaic_0001>

<sc_bundles>
// kernel: kernel.10.cloned.1.call-start
scs
__scs_entry_jumppad:
0x0: {  	(pc) =	sbr.rel $0x88, $3  }
0x1: {  	(tag) =	ssettag $0x0;
	lr =	simm.s32 $0x1  }
0x2: {  	[smem:$0x3F9B] =	sst lr;
	_ =	strace $0xD0000000  }
0x3: {  	_ = 	snop  }
0x4: {  	_ = 	snop  }
0x5: {  	_ = 	snop  }
0x6: {  	_ = 	snop  }
0x7: {  	_ = 	snop  }
__scs_overlays_trampoline_lowered:
0x8: {  	[smem:$0x3FAA] =	sst s0  }
0x9: {  	[smem:$0x3FAB] =	sst s1  }
0xa: {  	[smem:$0x3FAC] =	sst s2  }
0xb: {  	[smem:$0x3FAD] =	sst s3  }
0xc: {  	[smem:$0x3FAE] =	sst s4  }
0xd: {  	[smem:$0x3FAF] =	sst s5  }
0xe: {  	[smem:$0x3FB0] =	sst s6  }
0xf: {  	[smem:$0x3FB1] =	sst s7  }
0x10: {  	[smem:$0x3FB2] =	sst s8  }
0x11: {  	[smem:$0x3FB3] =	sst s9;
	s0 =	simm.s32 @!p0 $0x0  }
0x12: {  	s1 =	sld [smem:$0x3F99];
	s0 =	simm.s32 @p0 $0x1  }
0x13: {  	[smem:$0x3FB4] =	sst s0;
	s0 =	simm.s32 @!p1 $0x0  }
0x14: {  	s2 =	sld [smem:$0x3F98];
	s0 =	simm.s32 @p1 $0x1  }
0x15: {  	[smem:$0x3FB5] =	sst s0;
	s0 =	simm.s32 @!p2 $0x0  }
0x16: {  	s3 =	sld [smem:$0x3FDB];
	s0 =	simm.s32 @p2 $0x1  }
0x17: {  	s4 =	simm.s32 $0x1BF5;
	[smem:$0x3FB7] =	sst s0  }
0x18: {  	s0 =	sld [smem:$0x3F9A];
	_ =	swait.ge [sflag:s4], $0x0  }
0x19: {  	s7 =	sld [smem:$0x3F9B]  }
0x1a: {  	s8 =	sadd.s32 $0xFFFFE003, lr  }
0x1b: {  	s9 =	sadd.s32 $0xFFFFFEF7, lr;
	s5 =	simm.s32 $0xFFFFFFFF;
	p2 =	slt.u32 s8, $0xFFFFF086  }
0x1c: {  	p1 =	slt.u32 s9, $0xF7A;
	s5 =	simm.s32 @!p2 $0x0  }
0x1d: {  	s5 =	simm.s32 @p1 $0x1;
	p0 =	seq.s32 s7, s2  }
0x1e: {  	s7 =	smul.u32 @!p0 $0xF7A, s2;
	p2 =	seq.s32 @!p0 s5, $0x0  }
0x1f: {  	s9 =	smul.u32 $0xF7A, s1;
	s8 =	simm.s32 @!p0 $0x1BF5;
	p2 =	por !p2, p0  }
0x20: {  	[sflag:s8] =	ssyncset.s32 @!p0 $0xFFFFF086;
	s6 =	sadd.s32 @!p0 s3, s7;
	s7 =	simm.s32 @!p0 $0x108  }
0x21: {  	s3 =	sadd.s32 s3, s9;
	s6 =	sadd.s32 @!p0 $0x88, s6;
	s7 =	simm.s32 @p2 $0x1082  }
0x22: {  	[simem:s7], [sflag:s8] =	dma.local @!p0 [hbm:s6], $0xF7A  }
0x23: {  	s9 =	sor.u32 $0xD0000000, s2;
	s6 =	simm.s32 $0x108;
	_ =	swait.ge @!p0 [sflag:s8], $0x0  }
0x24: {  	s3 =	sadd.s32 $0x88, s3;
	s6 =	simm.s32 @!p1 $0x1082;
	[sflag:s4] =	ssyncset.s32 $0xFFFFF086  }
0x25: {  	[simem:s6], [sflag:s4] =	dma.local [hbm:s3], $0xF7A  }
0x26: {  	[smem:$0x3F9B] =	sst s1;
	(tag) =	ssettag s2;
	_ =	strace s9  }
0x27: {  	s1 =	sld [smem:$0x3FAB]  }
0x28: {  	s2 =	sld [smem:$0x3FAC]  }
0x29: {  	s4 =	sld [smem:$0x3FAE]  }
0x2a: {  	p0 =	seq.s32 s5, $0x0;
	s5 =	sld [smem:$0x3FAF]  }
0x2b: {  	s6 =	sld [smem:$0x3FB0]  }
0x2c: {  	s7 =	sld [smem:$0x3FB1]  }
0x2d: {  	s3 =	simm.s32 $0x108;
	s8 =	sld [smem:$0x3FB2]  }
0x2e: {  	s3 =	simm.s32 @!p0 $0x1082;
	s9 =	sld [smem:$0x3FB3]  }
0x2f: {  	lr =	sadd.s32 s0, s3;
	s0 =	sld [smem:$0x3FAA]  }
0x30: {  	s3 =	sld [smem:$0x3FAD]  }
0x31: {  	[smem:$0x3FB6] =	sst s10  }
0x32: {  	s10 =	sld [smem:$0x3FB4];
	_ =	sdelay $0x3  }
0x33: {  	p0 =	seq.s32 s10, $0x1;
	s10 =	sld [smem:$0x3FB6];
	_ =	sdelay $0x3  }
0x34: {  	[smem:$0x3FB6] =	sst s10  }
0x35: {  	s10 =	sld [smem:$0x3FB5];
	_ =	sdelay $0x3  }
0x36: {  	p1 =	seq.s32 s10, $0x1;
	s10 =	sld [smem:$0x3FB6];
	_ =	sdelay $0x3  }
0x37: {  	[smem:$0x3FB6] =	sst s10  }
0x38: {  	s10 =	sld [smem:$0x3FB7]  }
0x39: {  	_ = 	snop;
	(pc) =	sbr.ind lr, $3  }
0x3a: {  	_ = 	snop  }
0x3b: {  	_ = 	snop  }
0x3c: {  	p2 =	seq.s32 s10, $0x1;
	s10 =	sld [smem:$0x3FB6]  }
0x3d: {  	_ =	shalt  }
0x3e: {  	_ =	shalt  }
0x3f: {  	_ =	shalt  }
0x40: {  	_ =	shalt  }
0x41: {  	_ =	shalt  }
0x42: {  	_ =	shalt  }
0x43: {  	_ =	shalt  }
0x44: {  	_ =	shalt  }
0x45: {  	_ =	shalt  }
0x46: {  	_ =	shalt  }
0x47: {  	_ =	shalt  }
0x48: {  	_ =	shalt  }
0x49: {  	_ =	shalt  }
0x4a: {  	_ =	shalt  }
0x4b: {  	_ =	shalt  }
0x4c: {  	_ =	shalt  }
0x4d: {  	_ =	shalt  }
0x4e: {  	_ =	shalt  }
0x4f: {  	_ =	shalt  }
0x50: {  	_ =	shalt  }
0x51: {  	_ =	shalt  }
0x52: {  	_ =	shalt  }
0x53: {  	_ =	shalt  }
0x54: {  	_ =	shalt  }
0x55: {  	_ =	shalt  }
0x56: {  	_ =	shalt  }
0x57: {  	_ =	shalt  }
0x58: {  	_ =	shalt  }
0x59: {  	_ =	shalt  }
0x5a: {  	_ =	shalt  }
0x5b: {  	_ =	shalt  }
0x5c: {  	_ =	shalt  }
0x5d: {  	_ =	shalt  }
0x5e: {  	_ =	shalt  }
0x5f: {  	_ =	shalt  }
0x60: {  	_ =	shalt  }
0x61: {  	_ =	shalt  }
0x62: {  	_ =	shalt  }
0x63: {  	_ =	shalt  }
0x64: {  	_ =	shalt  }
0x65: {  	_ =	shalt  }
0x66: {  	_ =	shalt  }
0x67: {  	_ =	shalt  }
0x68: {  	_ =	shalt  }
0x69: {  	_ =	shalt  }
0x6a: {  	_ =	shalt  }
0x6b: {  	_ =	shalt  }
0x6c: {  	_ =	shalt  }
0x6d: {  	_ =	shalt  }
0x6e: {  	_ =	shalt  }
0x6f: {  	_ =	shalt  }
0x70: {  	_ =	shalt  }
0x71: {  	_ =	shalt  }
0x72: {  	_ =	shalt  }
0x73: {  	_ =	shalt  }
0x74: {  	_ =	shalt  }
0x75: {  	_ =	shalt  }
0x76: {  	_ =	shalt  }
0x77: {  	_ =	shalt  }
0x78: {  	_ =	shalt  }
0x79: {  	_ =	shalt  }
0x7a: {  	_ =	shalt  }
0x7b: {  	_ =	shalt  }
0x7c: {  	_ =	shalt  }
0x7d: {  	_ =	shalt  }
0x7e: {  	_ =	shalt  }
0x7f: {  	_ =	shalt  }
0x80: {  	_ =	shalt  }
0x81: {  	_ =	shalt  }
0x82: {  	_ =	shalt  }
0x83: {  	_ =	shalt  }
0x84: {  	_ =	shalt  }
0x85: {  	_ =	shalt  }
0x86: {  	_ =	shalt  }
0x87: {  	_ =	shalt  }
.Lfunc_end0:
.L_simem_size_0:
called_computation.1_lowered:
.L_overlay_start_0:
0x88: {  	s2 =	sld [smem:$0x3FD9]  }
0x89: {  	s3 =	sld [smem:$0x3FFE];
	_ =	sdelay $0x1  }
0x8a: {  	s1 =	srdreg.scid  }
0x8b: {  	s0 =	sand.u32 $0x1, s1  }
0x8c: {  	s17 =	sshll.u32 s0, $0xA;
	s2 =	sadd.s32 s3, s2  }
0x8d: {  	s2 =	sadd.s32 s2, s17  }
0x8e: {  	[smem:$0x3FC2] =	sst s2  }
0x8f: {  	_ = 	snop  }
0x90: {  	s2 =	sld [smem:$0x3FD0];
	(tm) =	ssettm $0x1  }
0x91: {  	s18 =	sld [smem:$0x3FFB];
	_ =	sdelay $0x3  }
0x92: {  	_ =	strace s18  }
0x93: {  	s3 =	sld [smem:$0x3FFC];
	_ =	sdelay $0x3  }
0x94: {  	_ =	strace s3  }
0x95: {  	s3 =	sld [smem:$0x3FFD];
	_ =	sdelay $0x3  }
0x96: {  	_ =	strace s3  }
0x97: {  	_ =	strace $0x8FFFFFFF  }
0x98: {  	s19 =	sld [smem:$0x3FDB];
	_ =	sdelay $0x1  }
0x99: {  	s4 =	simm.s32 $_scs_section_size  }
0x9a: {  	s5 =	simm.s32 $_size__tile_overlayer_lowered;
	s6 =	simm.s32 $_tile_overlayer_lowered  }
0x9b: {  	s22 =	simm.s32 $0x1BFF;
	s21 =	sshll.u32 s6, $0x1;
	s3 =	sadd.s32 s4, s19  }
0x9c: {  	s7 =	simm.s32 $0x0;
	s20 =	sshll.u32 s5, $0x1;
	s5 =	sadd.s32 s21, s3  }
0x9d: {  	[timem:s7], [sflag:s22] =	dma.local [hbm:s5], s20  }
0x9e: {  	_ =	swait.ge [sflag:s22], s20  }
0x9f: {  	s4 =	ssub.s32 $0x0, s20;
	[sflag:s22] =	ssyncset.done $0x0  }
0xa0: {  	[sflag:s22] =	ssyncadd.s32 s4;
	_ =	sdelay $0x1  }
0xa1: {  	s23 =	simm.s32 $0x1B8B  }
0xa2: {  	_ =	swait.ge [sflag:s23], $0x1  }
0xa3: {  	[sflag:s23] =	ssyncset.done $0x0  }
0xa4: {  	s25 =	simm.s32 $0x1B8E;
	s24 =	sld [smem:$0x3FFE];
	[sflag:s23] =	ssyncadd.s32 $0xFFFFFFFF  }
0xa5: {  	s26 =	simm.s32 $execute0_lowered;
	[smem:$0x3FD2] =	sst s25  }
0xa6: {  	s5 =	sshll.u32 s26, $0x1;
	_ =	strace $0x80000049;
	[dreg:$0x1] =	wrdreg $0xFFFFFFFF  }
0xa7: {  	s28 =	simm.s32 $_size_execute0_lowered;
	s3 =	sadd.s32 s3, s5;
	[dreg:$0x0] =	wrdreg $0x0  }
0xa8: {  	s5 =	sshll.u32 s28, $0x1;
	[dreg:$0x2] =	wrdreg s3  }
0xa9: {  	[dreg:$0x3] =	wrdreg s5  }
0xaa: {  	[dreg:$0x4] =	wrdreg $0xC0  }
0xab: {  	_ =	task [dreg:s7], $0x5FFFF  }
0xac: {  	[dreg:$0x1] =	wrdreg $0xFFFFFFFF  }
0xad: {  	[dreg:$0x0] =	wrdreg $0x60  }
0xae: {  	[dreg:$0x2] =	wrdreg s2  }
0xaf: {  	[dreg:$0x3] =	wrdreg s24  }
0xb0: {  	[dreg:$0x4] =	wrdreg $0xC6000  }
0xb1: {  	[dreg:$0x5] =	wrdreg $0x9  }
0xb2: {  	_ =	task.clear_ibuf [dreg:s7], $0x6FFFF;
	_ =	strace $0x90000049  }
0xb3: {  	s29 =	simm.s32 $0x9;
	_ =	strace $0x8000004B  }
0xb4: {  	_ =	swait.ge [sflag:s29], $0x1  }
0xb5: {  	[sflag:s29] =	ssyncadd.s32 $0xFFFFFFFF  }
0xb6: {  	_ =	strace $0x9000004B  }
0xb7: {  	_ =	sfence  }
0xb8: {  	s30 =	sld [smem:$0x0];
	_ =	sdelay $0x2  }
0xb9: {  	s31 =	sshll.u32 s1, $0xD;
	s1 =	sshrl.u32 s1, $0x2  }
0xba: {  	s3 =	sand.u32 $0x4000, s31;
	s1 =	sadd.s32 s1, s30  }
0xbb: {  	s0 =	sor.u32 s3, s0;
	s1 =	sshll.u32 s1, $0x11  }
0xbc: {  	s0 =	sor.u32 s1, s0  }
0xbd: {  	s0 =	sadd.s32 $0x8F2B, s0  }
0xbe: {  	[sflag:s0] =	ssyncadd.remote.s32 $0x1  }
0xbf: {  	_ =	sfence.sel $0xFFFF  }
0xc0: {  	[dreg:$0x0] =	wrdreg $0xFFFFFFFF;
	(pc) =	sbr.abs _section_cstart, $3  }
0xc1: {  	[dreg:$0x1] =	wrdreg $0xFFFFFFFF  }
0xc2: {  	_ =	task.clear_ibuf [dreg:s7], $0x2FFFF;
	_ =	strace $0x9FFFFFFF  }
0xc3: {  	(tm) =	ssettm $0x7FFFFFFF  }
tec
execute0_lowered:
.L_overlay_start_1:
0x0: {  	(tag) =	ssettag $0x1  }
0x1: {  	s1 =	rddreg [dreg:$0x0]  }
0x2: {  	s4 =	rddreg [dreg:$0x1]  }
0x3: {  	s2 =	rddreg [dreg:$0x2]  }
0x4: {  	s3 =	simm.s32 $0x0;
	s5 =	srdreg.scid;
	s11 =	stileid.u32  }
0x5: {  	s28 =	simm.s32 $0x200;
	s29 =	simm.s32 $0x300;
	s30 =	simm.s32 $0x400  }
0x6: {  	s31 =	simm.s32 $0x1;
	[smem:$0x7FF] =	sst s3;
	s7 =	smul.u32 $0x4E000, s11  }
0x7: {  	s0 =	sadd.s32 $0x1C00, s4;
	s6 =	sadd.s32 $0x16C00, s4;
	s9 =	smul.u32 $0x2700, s11  }
0x8: {  	s5 =	sand.u32 $0x1, s5;
	s4 =	sadd.s32 $0x19400, s4;
	s18 =	smul.u32 $0x13800, s11  }
0x9: {  	s17 =	sadd.s32 $0x138000, s2;
	s19 =	sadd.s32 $0x27000, s1;
	s23 =	smul.u32 $0x5400, s11  }
0xa: {  	p1 =	sne.s32 s11, $0x0;
	_ =	strace $0x8000004A;
	[dreg:$0xa] =	wrdreg s6  }
0xb: {  	s14 =	sshll.u32 s5, $0x4;
	s8 =	ssub.s32 $0x2, s5;
	[dreg:$0xd] =	wrdreg s17  }
0xc: {  	p0 =	seq.s32 s5, $0x1;
	s16 =	smul.u32 $0x138800, s5;
	[dreg:$0xf] =	wrdreg s19  }
0xd: {  	s5 =	smul.u32 $0x54000, s5;
	s6 =	sor.u32 s11, s14;
	s10 =	sshrl.u32 s8, $0x1  }
0xe: {  	s7 =	sshrl.u32 s7, $0x2;
	s15 =	sadd.s32 s1, s9;
	s11 =	simm.s32 $0x8600  }
0xf: {  	s9 =	simm.s32 $0x0;
	s6 =	smul.u32 $0x5400, s6;
	s5 =	sadd.s32 s23, s5  }
0x10: {  	s7 =	sadd.s32 s7, s2;
	[dreg:$0xc] =	wrdreg s15;
	s13 =	sadd.s32 $0xF00, s5  }
0x11: {  	s8 =	ssub.s32 s8, s10;
	[dreg:$0xb] =	wrdreg s7;
	s14 =	sshrl.u32 s13, $0x3  }
0x12: {  	s7 =	sshrl.u32 s16, $0x3;
	s6 =	sshrl.u32 s6, $0x3;
	s15 =	sadd.s32 s14, s0  }
0x13: {  	s13 =	simm.s32 $0x8;
	s10 =	sadd.s32 s0, s6;
	[dreg:$0x5] =	wrdreg s15  }
0x14: {  	s6 =	sadd.s32 s18, s16;
	s20 =	sadd.s32 $0x20, s10;
	[dreg:$0xe] =	wrdreg s10  }
0x15: {  	s16 =	sadd.s32 $0xE00, s5;
	s21 =	sadd.s32 $0x40, s10;
	[dreg:$0x10] =	wrdreg s20  }
0x16: {  	s18 =	sadd.s32 $0xD00, s5;
	s22 =	sadd.s32 $0x60, s10;
	[dreg:$0x11] =	wrdreg s21  }
0x17: {  	s12 =	sadd.s32 $0x80, s10;
	s24 =	sadd.s32 $0xA0, s10;
	[dreg:$0x12] =	wrdreg s22  }
0x18: {  	s25 =	sadd.s32 $0xC0, s10;
	s6 =	sshrl.u32 s6, $0x3;
	[dreg:$0x13] =	wrdreg s12  }
0x19: {  	s26 =	sadd.s32 $0xE0, s10;
	s17 =	sshrl.u32 s16, $0x3;
	[dreg:$0x14] =	wrdreg s24  }
0x1a: {  	s19 =	sadd.s32 $0x100, s10;
	s23 =	sadd.s32 $0x120, s10;
	[dreg:$0x15] =	wrdreg s25  }
0x1b: {  	s15 =	simm.s32 $0xA;
	s16 =	simm.s32 $0x4;
	[dreg:$0x16] =	wrdreg s26  }
0x1c: {  	s6 =	sadd.s32 s4, s6;
	s12 =	sadd.s32 $0x1000, s5;
	s4 =	sadd.s32 s4, s7  }
0x1d: {  	[dreg:$0x18] =	wrdreg s19;
	s7 =	sshrl.u32 s18, $0x3;
	s21 =	sadd.s32 $0xC00, s5  }
0x1e: {  	s5 =	sadd.s32 $0xB00, s5;
	[dreg:$0x19] =	wrdreg s23;
	s24 =	sadd.s32 $0x140, s10  }
0x1f: {  	s25 =	sadd.s32 $0xA60, s10;
	s26 =	smax.u32 s8, $0x1;
	s10 =	simm.s32 $0x600  }
0x20: {  	s19 =	simm.s32 $0xB;
	s23 =	simm.s32 $0x6;
	[dreg:$0x17] =	wrdreg s6  }
0x21: {  	s6 =	sshrl.u32 s12, $0x3;
	s20 =	sadd.s32 s7, s0;
	[dreg:$0x1a] =	wrdreg s24  }
0x22: {  	s22 =	sshrl.u32 s21, $0x3;
	s5 =	sshrl.u32 s5, $0x3;
	[dreg:$0x1b] =	wrdreg s25  }
0x23: {  	s4 =	sadd.s32 $0x27000, s4;
	[dreg:$0x1d] =	wrdreg s26;
	s25 =	simm.s32 $0xD  }
0x24: {  	s26 =	simm.s32 $0x100;
	s7 =	simm.s32 $0x2;
	s12 =	simm.s32 $0x500  }
0x25: {  	s24 =	simm.s32 $0x280;
	s6 =	sadd.s32 s6, s0;
	[dreg:$0x7] =	wrdreg s20  }
0x26: {  	[dreg:$0x1c] =	wrdreg s4;
	s4 =	simm.s32 $0x7;
	s20 =	simm.s32 $0x5  }
0x27: {  	[dreg:$0x4] =	wrdreg s6;
	s6 =	sadd.s32 s17, s0;
	s17 =	simm.s32 $0x9  }
0x28: {  	[dreg:$0x6] =	wrdreg s6;
	s6 =	sadd.s32 s22, s0;
	s0 =	sadd.s32 s5, s0  }
0x29: {  	s5 =	simm.s32 $0x4600;
	s22 =	simm.s32 $0xC;
	[dreg:$0x8] =	wrdreg s6  }
0x2a: {  	[dreg:$0x9] =	wrdreg s0;
	s0 =	simm.s32 $0x80;
	s6 =	simm.s32 $0x3  }
.LBB2_1:
.Ltmp0:
0x2b: {  	(pc) =	sbr.rel @!p0 .LBB2_2-.Ltmp0, $4  }
0x2c: {  	_ = 	snop  }
0x2d: {  	s8 =	stileid.u32;
	s14 =	rddreg [dreg:$0xb]  }
0x2e: {  	s8 =	sshll.u32 s8, $0x6;
	s14 =	sshrl.u32 s14, $0x3  }
0x2f: {  	s18 =	sor.u32 $0x1C0D, s8;
	[smem:$0x7FD] =	sst s14  }
.Ltmp1:
0x30: {  	s8 =	rddreg [dreg:$0xa];
	(pc) =	sbr.rel @p1 .LBB2_7-.Ltmp1, $4  }
0x31: {  	[spmem:s14], [sflag:s18] =	dma.local [hbm:s8], $0x2700  }
0x32: {  	_ =	swait.ge [sflag:s25], $0x2700  }
0x33: {  	[sflag:s25] =	ssyncset.done $0x0  }
0x34: {  	[sflag:s25] =	ssyncadd.s32 $0xFFFFD900  }
.Ltmp2:
0x35: {  	(pc) =	sbr.rel .LBB2_6-.Ltmp2, $4  }
0x36: {  	_ = 	snop  }
0x37: {  	s8 =	rddreg [dreg:$0xd]  }
0x38: {  	s14 =	rddreg [dreg:$0xa];
	s8 =	sshrl.u32 s8, $0x3  }
0x39: {  	[spmem:s8], [sflag:s18] =	dma.local [hbm:s14], $0x100  }
.LBB2_2:
.Ltmp3:
0x3a: {  	s8 =	rddreg [dreg:$0xc];
	(pc) =	sbr.rel @p1 .LBB2_7-.Ltmp3, $4  }
0x3b: {  	[spmem:s14], [sflag:s18] =	dma.local [hbm:s8], $0x2700  }
0x3c: {  	_ =	swait.ge [sflag:s25], $0x2700  }
0x3d: {  	[sflag:s25] =	ssyncset.done $0x0  }
0x3e: {  	[sflag:s25] =	ssyncadd.s32 $0xFFFFD900  }
0x3f: {  	s8 =	rddreg [dreg:$0xd]  }
0x40: {  	s14 =	rddreg [dreg:$0xf];
	s8 =	sshrl.u32 s8, $0x3  }
0x41: {  	[spmem:s8], [sflag:s18] =	dma.local [hbm:s14], $0x100  }
.LBB2_6:
0x42: {  	_ =	swait.ge [sflag:s25], $0x100  }
0x43: {  	[sflag:s25] =	ssyncset.done $0x0  }
0x44: {  	[sflag:s25] =	ssyncadd.s32 $0xFFFFFF00  }
.LBB2_7:
0x45: {  	[dreg:$0x1f] =	wrdreg s18  }
0x46: {  	[dreg:$0x1e] =	wrdreg s9  }
0x47: {  	[bflag:$0x0] =	sbarrier.arrive $0xFFFF  }
0x48: {  	s8 =	simm.s32 $0x0;
	s14 =	rddreg [dreg:$0xe]  }
0x49: {  	[tilespmem:s8], [sflag:$0x1] =	stream.linear.gather [hbm4b:s14+s8], $0x100, $0x38;
	[tilespmem:$0x1FF00] =	vst v63  }
0x4a: {  	s25 =	rddreg [dreg:$0x10]  }
0x4b: {  	[tilespmem:s26], [sflag:$0x2] =	stream.linear.gather [hbm4b:s25+s8], $0x100, $0x38;
	[tilespmem:$0x1FF00] =	vst v63  }
0x4c: {  	s9 =	rddreg [dreg:$0x11]  }
0x4d: {  	[tilespmem:s28], [sflag:$0x3] =	stream.linear.gather [hbm4b:s9+s8], $0x100, $0x38;
	[tilespmem:$0x1FF00] =	vst v63  }
0x4e: {  	s18 =	rddreg [dreg:$0x12]  }
0x4f: {  	[tilespmem:s29], [sflag:$0x4] =	stream.linear.gather [hbm4b:s18+s8], $0x100, $0x38;
	[tilespmem:$0x1FF00] =	vst v63  }
0x50: {  	s21 =	rddreg [dreg:$0x13]  }
0x51: {  	[tilespmem:s30], [sflag:$0x5] =	stream.linear.gather [hbm4b:s21+s8], $0x100, $0x38;
	[tilespmem:$0x1FF00] =	vst v63  }
0x52: {  	_ =	swait.ge [sflag:s31], $0x100  }
0x53: {  	[sflag:s31] =	ssyncset.done $0x0  }
0x54: {  	[sflag:s31] =	ssyncadd.s32 $0xFFFFFF00  }
0x55: {  	[tilespmem:s10], [sflag:$0x7] =	stream.indirect.gather [hbm4b:s1+s0], $0x80, s8, s0, $0xb8;
	[tilespmem:$0x1FF00] =	vst v63  }
0x56: {  	_ =	swait.ge [sflag:s7], $0x100  }
0x57: {  	[sflag:s7] =	ssyncset.done $0x0  }
0x58: {  	[sflag:s7] =	ssyncadd.s32 $0xFFFFFF00  }
0x59: {  	[tilespmem:s5], [sflag:$0x8] =	stream.indirect.gather [hbm4b:s1+s0], $0x80, s26, s0, $0xb8;
	[tilespmem:$0x1FF00] =	vst v63  }
0x5a: {  	_ =	swait.ge [sflag:s4], $0x4000  }
0x5b: {  	[sflag:s4] =	ssyncset.done $0x0  }
0x5c: {  	[sflag:s4] =	ssyncadd.s32 $0xFFFFC000  }
0x5d: {  	[spmem:s2] =	stream.indirect.scatter.add.f32 [tilespmem:s10], [sflag:$0xA], $0x80, s0, s0, $0xb8;
	[tilespmem:$0x1FF00] =	vst v63  }
0x5e: {  	_ =	swait.ge [sflag:s6], $0x100  }
0x5f: {  	[sflag:s6] =	ssyncset.done $0x0  }
0x60: {  	[sflag:s6] =	ssyncadd.s32 $0xFFFFFF00  }
0x61: {  	[tilespmem:s11], [sflag:$0x9] =	stream.indirect.gather [hbm4b:s1+s0], $0x80, s28, s0, $0xb8;
	[tilespmem:$0x1FF00] =	vst v63  }
0x62: {  	s25 =	rddreg [dreg:$0x14]  }
0x63: {  	[tilespmem:s12], [sflag:$0x6] =	stream.linear.gather [hbm4b:s25+s8], $0x100, $0x38;
	[tilespmem:$0x1FF00] =	vst v63  }
0x64: {  	_ =	swait.ge [sflag:s13], $0x4000  }
0x65: {  	[sflag:s13] =	ssyncset.done $0x0  }
0x66: {  	s25 =	simm.s32 $0x180;
	[sflag:s13] =	ssyncadd.s32 $0xFFFFC000  }
0x67: {  	[spmem:s2] =	stream.indirect.scatter.add.f32 [tilespmem:s5], [sflag:$0xB], $0x80, s25, s0, $0xb8;
	[tilespmem:$0x1FF00] =	vst v63  }
0x68: {  	_ =	swait.ge [sflag:s15], $0x4000  }
0x69: {  	[sflag:s15] =	ssyncset.done $0x0  }
0x6a: {  	[sflag:s15] =	ssyncadd.s32 $0xFFFFC000  }
0x6b: {  	_ =	swait.ge [sflag:s16], $0x100  }
0x6c: {  	[sflag:s16] =	ssyncset.done $0x0  }
0x6d: {  	[sflag:s16] =	ssyncadd.s32 $0xFFFFFF00  }
0x6e: {  	[tilespmem:s10], [sflag:$0x7] =	stream.indirect.gather [hbm4b:s1+s0], $0x80, s29, s0, $0xb8;
	[tilespmem:$0x1FF00] =	vst v63  }
0x6f: {  	s9 =	rddreg [dreg:$0x15]  }
0x70: {  	[tilespmem:s8], [sflag:$0x1] =	stream.linear.gather [hbm4b:s9+s8], $0x100, $0x38;
	[tilespmem:$0x1FF00] =	vst v63  }
0x71: {  	_ =	swait.ge [sflag:s17], $0x4000  }
0x72: {  	[sflag:s17] =	ssyncset.done $0x0  }
0x73: {  	s14 =	simm.s32 $0x280;
	[sflag:s17] =	ssyncadd.s32 $0xFFFFC000  }
0x74: {  	[spmem:s2] =	stream.indirect.scatter.add.f32 [tilespmem:s11], [sflag:$0xC], $0x80, s14, s0, $0xb8;
	[tilespmem:$0x1FF00] =	vst v63  }
0x75: {  	_ =	swait.ge [sflag:s19], $0x4000  }
0x76: {  	[sflag:s19] =	ssyncset.done $0x0  }
0x77: {  	[sflag:s19] =	ssyncadd.s32 $0xFFFFC000  }
0x78: {  	_ =	swait.ge [sflag:s20], $0x100  }
0x79: {  	[sflag:s20] =	ssyncset.done $0x0  }
0x7a: {  	[sflag:s20] =	ssyncadd.s32 $0xFFFFFF00  }
0x7b: {  	[tilespmem:s5], [sflag:$0x8] =	stream.indirect.gather [hbm4b:s1+s0], $0x80, s30, s0, $0xb8;
	[tilespmem:$0x1FF00] =	vst v63  }
0x7c: {  	s18 =	rddreg [dreg:$0x16]  }
0x7d: {  	[tilespmem:s26], [sflag:$0x2] =	stream.linear.gather [hbm4b:s18+s8], $0x100, $0x38;
	[tilespmem:$0x1FF00] =	vst v63  }
0x7e: {  	_ =	swait.ge [sflag:s4], $0x4000  }
0x7f: {  	[sflag:s4] =	ssyncset.done $0x0  }
0x80: {  	s18 =	simm.s32 $0x380;
	[sflag:s4] =	ssyncadd.s32 $0xFFFFC000  }
0x81: {  	[spmem:s2] =	stream.indirect.scatter.add.f32 [tilespmem:s10], [sflag:$0xA], $0x80, s18, s0, $0xb8;
	[tilespmem:$0x1FF00] =	vst v63  }
0x82: {  	_ =	swait.ge [sflag:s22], $0x4000  }
0x83: {  	[sflag:s22] =	ssyncset.done $0x0  }
0x84: {  	[sflag:s22] =	ssyncadd.s32 $0xFFFFC000  }
0x85: {  	_ =	swait.ge [sflag:s23], $0x100  }
0x86: {  	[sflag:s23] =	ssyncset.done $0x0  }
0x87: {  	[sflag:s23] =	ssyncadd.s32 $0xFFFFFF00  }
0x88: {  	[tilespmem:s11], [sflag:$0x9] =	stream.indirect.gather [hbm4b:s1+s0], $0x80, s12, s0, $0xb8;
	[tilespmem:$0x1FF00] =	vst v63  }
0x89: {  	s21 =	rddreg [dreg:$0x18]  }
0x8a: {  	[tilespmem:s28], [sflag:$0x3] =	stream.linear.gather [hbm4b:s21+s8], $0x100, $0x38;
	[tilespmem:$0x1FF00] =	vst v63  }
0x8b: {  	_ =	swait.ge [sflag:s13], $0x4000  }
0x8c: {  	[sflag:s13] =	ssyncset.done $0x0  }
0x8d: {  	s21 =	simm.s32 $0x480;
	[sflag:s13] =	ssyncadd.s32 $0xFFFFC000  }
0x8e: {  	[spmem:s2] =	stream.indirect.scatter.add.f32 [tilespmem:s5], [sflag:$0xB], $0x80, s21, s0, $0xb8;
	[tilespmem:$0x1FF00] =	vst v63  }
0x8f: {  	_ =	swait.ge [sflag:s15], $0x4000  }
0x90: {  	[sflag:s15] =	ssyncset.done $0x0  }
0x91: {  	[sflag:s15] =	ssyncadd.s32 $0xFFFFC000  }
0x92: {  	_ =	swait.ge [sflag:s31], $0x100  }
0x93: {  	[sflag:s31] =	ssyncset.done $0x0  }
0x94: {  	[sflag:s31] =	ssyncadd.s32 $0xFFFFFF00  }
0x95: {  	[tilespmem:s10], [sflag:$0x7] =	stream.indirect.gather [hbm4b:s1+s0], $0x80, s8, s0, $0xb8;
	[tilespmem:$0x1FF00] =	vst v63  }
0x96: {  	s9 =	rddreg [dreg:$0x19]  }
0x97: {  	[tilespmem:s29], [sflag:$0x4] =	stream.linear.gather [hbm4b:s9+s8], $0x100, $0x38;
	[tilespmem:$0x1FF00] =	vst v63  }
0x98: {  	_ =	swait.ge [sflag:s17], $0x4000  }
0x99: {  	[sflag:s17] =	ssyncset.done $0x0  }
0x9a: {  	s14 =	simm.s32 $0x580;
	[sflag:s17] =	ssyncadd.s32 $0xFFFFC000  }
0x9b: {  	[spmem:s2] =	stream.indirect.scatter.add.f32 [tilespmem:s11], [sflag:$0xC], $0x80, s14, s0, $0xb8;
	[tilespmem:$0x1FF00] =	vst v63  }
0x9c: {  	_ =	swait.ge [sflag:s19], $0x4000  }
0x9d: {  	[sflag:s19] =	ssyncset.done $0x0  }
0x9e: {  	[sflag:s19] =	ssyncadd.s32 $0xFFFFC000  }
0x9f: {  	_ =	swait.ge [sflag:s7], $0x100  }
0xa0: {  	[sflag:s7] =	ssyncset.done $0x0  }
0xa1: {  	[sflag:s7] =	ssyncadd.s32 $0xFFFFFF00  }
0xa2: {  	[tilespmem:s5], [sflag:$0x8] =	stream.indirect.gather [hbm4b:s1+s0], $0x80, s26, s0, $0xb8;
	[tilespmem:$0x1FF00] =	vst v63  }
0xa3: {  	s9 =	rddreg [dreg:$0x1a]  }
0xa4: {  	[tilespmem:s30], [sflag:$0x5] =	stream.linear.gather [hbm4b:s9+s8], $0x100, $0x38;
	[tilespmem:$0x1FF00] =	vst v63  }
0xa5: {  	_ =	swait.ge [sflag:s4], $0x4000  }
0xa6: {  	[sflag:s4] =	ssyncset.done $0x0  }
0xa7: {  	[sflag:s4] =	ssyncadd.s32 $0xFFFFC000  }
0xa8: {  	[spmem:s2] =	stream.indirect.scatter.add.f32 [tilespmem:s10], [sflag:$0xA], $0x80, s0, s0, $0xb8;
	[tilespmem:$0x1FF00] =	vst v63  }
0xa9: {  	_ =	swait.ge [sflag:s22], $0x4000  }
0xaa: {  	[sflag:s22] =	ssyncset.done $0x0  }
0xab: {  	[sflag:s22] =	ssyncadd.s32 $0xFFFFC000  }
0xac: {  	_ =	swait.ge [sflag:s6], $0x100  }
0xad: {  	[sflag:s6] =	ssyncset.done $0x0  }
0xae: {  	s14 =	rddreg [dreg:$0x9];
	[sflag:s6] =	ssyncadd.s32 $0xFFFFFF00  }
0xaf: {  	[tilespmem:s11], [sflag:$0x9] =	stream.indirect.gather [hbm4b:s1+s0], $0x80, s28, s0, $0xb8;
	[tilespmem:$0x1FF00] =	vst v63  }
0xb0: {  	s8 =	sadd.s32 $0x0, s14  }
0xb1: {  	[tilespmem:s12], [sflag:$0x6] =	stream.linear.gather [hbm4b:s8+s3], $0x100, $0x38;
	[tilespmem:$0x1FF00] =	vst v63  }
0xb2: {  	_ =	swait.ge [sflag:s13], $0x4000  }
0xb3: {  	[sflag:s13] =	ssyncset.done $0x0  }
0xb4: {  	[sflag:s13] =	ssyncadd.s32 $0xFFFFC000  }
0xb5: {  	[spmem:s2] =	stream.indirect.scatter.add.f32 [tilespmem:s5], [sflag:$0xB], $0x80, s25, s0, $0xb8;
	[tilespmem:$0x1FF00] =	vst v63  }
0xb6: {  	_ =	swait.ge [sflag:s15], $0x4000  }
0xb7: {  	[sflag:s15] =	ssyncset.done $0x0  }
0xb8: {  	[sflag:s15] =	ssyncadd.s32 $0xFFFFC000  }
0xb9: {  	_ =	swait.ge [sflag:s16], $0x100  }
0xba: {  	[sflag:s16] =	ssyncset.done $0x0  }
0xbb: {  	s25 =	rddreg [dreg:$0x8];
	[sflag:s16] =	ssyncadd.s32 $0xFFFFFF00  }
0xbc: {  	[tilespmem:s10], [sflag:$0x7] =	stream.indirect.gather [hbm4b:s1+s0], $0x80, s29, s0, $0xb8;
	[tilespmem:$0x1FF00] =	vst v63  }
0xbd: {  	s8 =	sadd.s32 $0x0, s25  }
0xbe: {  	[tilespmem:s3], [sflag:$0x1] =	stream.linear.gather [hbm4b:s8+s3], $0x100, $0x38;
	[tilespmem:$0x1FF00] =	vst v63  }
0xbf: {  	_ =	swait.ge [sflag:s17], $0x4000  }
0xc0: {  	[sflag:s17] =	ssyncset.done $0x0  }
0xc1: {  	s9 =	simm.s32 $0x280;
	[sflag:s17] =	ssyncadd.s32 $0xFFFFC000  }
0xc2: {  	[spmem:s2] =	stream.indirect.scatter.add.f32 [tilespmem:s11], [sflag:$0xC], $0x80, s9, s0, $0xb8;
	[tilespmem:$0x1FF00] =	vst v63  }
0xc3: {  	_ =	swait.ge [sflag:s19], $0x4000  }
0xc4: {  	[sflag:s19] =	ssyncset.done $0x0  }
0xc5: {  	[sflag:s19] =	ssyncadd.s32 $0xFFFFC000  }
0xc6: {  	_ =	swait.ge [sflag:s20], $0x100  }
0xc7: {  	[sflag:s20] =	ssyncset.done $0x0  }
0xc8: {  	s14 =	rddreg [dreg:$0x7];
	[sflag:s20] =	ssyncadd.s32 $0xFFFFFF00  }
0xc9: {  	[tilespmem:s5], [sflag:$0x8] =	stream.indirect.gather [hbm4b:s1+s0], $0x80, s30, s0, $0xb8;
	[tilespmem:$0x1FF00] =	vst v63  }
0xca: {  	s8 =	sadd.s32 $0x0, s14  }
0xcb: {  	[tilespmem:s26], [sflag:$0x2] =	stream.linear.gather [hbm4b:s8+s3], $0x100, $0x38;
	[tilespmem:$0x1FF00] =	vst v63  }
0xcc: {  	_ =	swait.ge [sflag:s4], $0x4000  }
0xcd: {  	[sflag:s4] =	ssyncset.done $0x0  }
0xce: {  	[sflag:s4] =	ssyncadd.s32 $0xFFFFC000  }
0xcf: {  	[spmem:s2] =	stream.indirect.scatter.add.f32 [tilespmem:s10], [sflag:$0xA], $0x80, s18, s0, $0xb8;
	[tilespmem:$0x1FF00] =	vst v63  }
0xd0: {  	_ =	swait.ge [sflag:s22], $0x4000  }
0xd1: {  	[sflag:s22] =	ssyncset.done $0x0  }
0xd2: {  	[sflag:s22] =	ssyncadd.s32 $0xFFFFC000  }
0xd3: {  	_ =	swait.ge [sflag:s23], $0x100  }
0xd4: {  	[sflag:s23] =	ssyncset.done $0x0  }
0xd5: {  	s18 =	rddreg [dreg:$0x6];
	[sflag:s23] =	ssyncadd.s32 $0xFFFFFF00  }
0xd6: {  	[tilespmem:s11], [sflag:$0x9] =	stream.indirect.gather [hbm4b:s1+s0], $0x80, s12, s0, $0xb8;
	[tilespmem:$0x1FF00] =	vst v63  }
0xd7: {  	s8 =	sadd.s32 $0x0, s18  }
0xd8: {  	[tilespmem:s28], [sflag:$0x3] =	stream.linear.gather [hbm4b:s8+s3], $0x100, $0x38;
	[tilespmem:$0x1FF00] =	vst v63  }
0xd9: {  	_ =	swait.ge [sflag:s13], $0x4000  }
0xda: {  	[sflag:s13] =	ssyncset.done $0x0  }
0xdb: {  	[sflag:s13] =	ssyncadd.s32 $0xFFFFC000  }
0xdc: {  	[spmem:s2] =	stream.indirect.scatter.add.f32 [tilespmem:s5], [sflag:$0xB], $0x80, s21, s0, $0xb8;
	[tilespmem:$0x1FF00] =	vst v63  }
0xdd: {  	_ =	swait.ge [sflag:s15], $0x4000  }
0xde: {  	[sflag:s15] =	ssyncset.done $0x0  }
0xdf: {  	[sflag:s15] =	ssyncadd.s32 $0xFFFFC000  }
0xe0: {  	_ =	swait.ge [sflag:s31], $0x100  }
0xe1: {  	[sflag:s31] =	ssyncset.done $0x0  }
0xe2: {  	s21 =	rddreg [dreg:$0x5];
	[sflag:s31] =	ssyncadd.s32 $0xFFFFFF00  }
0xe3: {  	[tilespmem:s10], [sflag:$0x7] =	stream.indirect.gather [hbm4b:s1+s0], $0x80, s3, s0, $0xb8;
	[tilespmem:$0x1FF00] =	vst v63  }
0xe4: {  	s8 =	sadd.s32 $0x0, s21  }
0xe5: {  	[tilespmem:s29], [sflag:$0x4] =	stream.linear.gather [hbm4b:s8+s3], $0x100, $0x38;
	[tilespmem:$0x1FF00] =	vst v63  }
0xe6: {  	_ =	swait.ge [sflag:s17], $0x4000  }
0xe7: {  	[sflag:s17] =	ssyncset.done $0x0  }
0xe8: {  	s25 =	simm.s32 $0x580;
	[sflag:s17] =	ssyncadd.s32 $0xFFFFC000  }
0xe9: {  	[spmem:s2] =	stream.indirect.scatter.add.f32 [tilespmem:s11], [sflag:$0xC], $0x80, s25, s0, $0xb8;
	[tilespmem:$0x1FF00] =	vst v63  }
0xea: {  	_ =	swait.ge [sflag:s19], $0x4000  }
0xeb: {  	[sflag:s19] =	ssyncset.done $0x0  }
0xec: {  	[sflag:s19] =	ssyncadd.s32 $0xFFFFC000  }
0xed: {  	s9 =	simm.s32 $0x380;
	s18 =	simm.s32 $0x480;
	_ =	swait.ge [sflag:s7], $0x100  }
0xee: {  	s21 =	simm.s32 $0x580;
	[sflag:s7] =	ssyncset.done $0x0;
	s14 =	rddreg [dreg:$0x4]  }
0xef: {  	s25 =	simm.s32 $0xC0;
	[sflag:s7] =	ssyncadd.s32 $0xFFFFFF00;
	s8 =	sadd.s32 $0x0, s14  }
0xf0: {  	[tilespmem:s5], [sflag:$0x8] =	stream.indirect.gather [hbm4b:s1+s0], $0x80, s26, s0, $0xb8;
	[tilespmem:$0x1FF00] =	vst v63  }
.LBB2_8:
0xf1: {  	[tilespmem:s30], [sflag:$0x5] =	stream.linear.gather [hbm4b:s8+s3], $0x100, $0x38;
	[tilespmem:$0x1FF00] =	vst v63  }
0xf2: {  	_ =	swait.ge [sflag:s4], $0x4000  }
0xf3: {  	[sflag:s4] =	ssyncset.done $0x0  }
0xf4: {  	[sflag:s4] =	ssyncadd.s32 $0xFFFFC000  }
0xf5: {  	[spmem:s2] =	stream.indirect.scatter.add.f32 [tilespmem:s10], [sflag:$0xA], $0x80, s0, s0, $0xb8;
	[tilespmem:$0x1FF00] =	vst v63  }
0xf6: {  	_ =	swait.ge [sflag:s22], $0x4000  }
0xf7: {  	[sflag:s22] =	ssyncset.done $0x0  }
0xf8: {  	[sflag:s22] =	ssyncadd.s32 $0xFFFFC000  }
0xf9: {  	_ =	swait.ge [sflag:s6], $0x100  }
0xfa: {  	[sflag:s6] =	ssyncset.done $0x0  }
0xfb: {  	s8 =	smov.u32 s25;
	s14 =	rddreg [dreg:$0x9];
	[sflag:s6] =	ssyncadd.s32 $0xFFFFFF00  }
0xfc: {  	[tilespmem:s11], [sflag:$0x9] =	stream.indirect.gather [hbm4b:s1+s0], $0x80, s28, s0, $0xb8;
	[tilespmem:$0x1FF00] =	vst v63  }
0xfd: {  	s14 =	sadd.s32 s8, s14  }
0xfe: {  	[tilespmem:s12], [sflag:$0x6] =	stream.linear.gather [hbm4b:s14+s3], $0x100, $0x38;
	[tilespmem:$0x1FF00] =	vst v63  }
0xff: {  	_ =	swait.ge [sflag:s13], $0x4000  }
0x100: {  	[sflag:s13] =	ssyncset.done $0x0  }
0x101: {  	s14 =	simm.s32 $0x180;
	[sflag:s13] =	ssyncadd.s32 $0xFFFFC000  }
0x102: {  	[spmem:s2] =	stream.indirect.scatter.add.f32 [tilespmem:s5], [sflag:$0xB], $0x80, s14, s0, $0xb8;
	[tilespmem:$0x1FF00] =	vst v63  }
0x103: {  	_ =	swait.ge [sflag:s15], $0x4000  }
0x104: {  	[sflag:s15] =	ssyncset.done $0x0  }
0x105: {  	[sflag:s15] =	ssyncadd.s32 $0xFFFFC000  }
0x106: {  	_ =	swait.ge [sflag:s16], $0x100  }
0x107: {  	[sflag:s16] =	ssyncset.done $0x0  }
0x108: {  	s14 =	rddreg [dreg:$0x8];
	[sflag:s16] =	ssyncadd.s32 $0xFFFFFF00  }
0x109: {  	[tilespmem:s10], [sflag:$0x7] =	stream.indirect.gather [hbm4b:s1+s0], $0x80, s29, s0, $0xb8;
	[tilespmem:$0x1FF00] =	vst v63  }
0x10a: {  	s14 =	sadd.s32 s8, s14  }
0x10b: {  	[tilespmem:s3], [sflag:$0x1] =	stream.linear.gather [hbm4b:s14+s3], $0x100, $0x38;
	[tilespmem:$0x1FF00] =	vst v63  }
0x10c: {  	_ =	swait.ge [sflag:s17], $0x4000  }
0x10d: {  	[sflag:s17] =	ssyncset.done $0x0  }
0x10e: {  	[sflag:s17] =	ssyncadd.s32 $0xFFFFC000  }
0x10f: {  	[spmem:s2] =	stream.indirect.scatter.add.f32 [tilespmem:s11], [sflag:$0xC], $0x80, s24, s0, $0xb8;
	[tilespmem:$0x1FF00] =	vst v63  }
0x110: {  	_ =	swait.ge [sflag:s19], $0x4000  }
0x111: {  	[sflag:s19] =	ssyncset.done $0x0  }
0x112: {  	[sflag:s19] =	ssyncadd.s32 $0xFFFFC000  }
0x113: {  	_ =	swait.ge [sflag:s20], $0x100  }
0x114: {  	[sflag:s20] =	ssyncset.done $0x0  }
0x115: {  	s14 =	rddreg [dreg:$0x7];
	[sflag:s20] =	ssyncadd.s32 $0xFFFFFF00  }
0x116: {  	[tilespmem:s5], [sflag:$0x8] =	stream.indirect.gather [hbm4b:s1+s0], $0x80, s30, s0, $0xb8;
	[tilespmem:$0x1FF00] =	vst v63  }
0x117: {  	s14 =	sadd.s32 s8, s14  }
0x118: {  	[tilespmem:s26], [sflag:$0x2] =	stream.linear.gather [hbm4b:s14+s3], $0x100, $0x38;
	[tilespmem:$0x1FF00] =	vst v63  }
0x119: {  	_ =	swait.ge [sflag:s4], $0x4000  }
0x11a: {  	[sflag:s4] =	ssyncset.done $0x0  }
0x11b: {  	[sflag:s4] =	ssyncadd.s32 $0xFFFFC000  }
0x11c: {  	[spmem:s2] =	stream.indirect.scatter.add.f32 [tilespmem:s10], [sflag:$0xA], $0x80, s9, s0, $0xb8;
	[tilespmem:$0x1FF00] =	vst v63  }
0x11d: {  	_ =	swait.ge [sflag:s22], $0x4000  }
0x11e: {  	[sflag:s22] =	ssyncset.done $0x0  }
0x11f: {  	[sflag:s22] =	ssyncadd.s32 $0xFFFFC000  }
0x120: {  	_ =	swait.ge [sflag:s23], $0x100  }
0x121: {  	[sflag:s23] =	ssyncset.done $0x0  }
0x122: {  	s14 =	rddreg [dreg:$0x6];
	[sflag:s23] =	ssyncadd.s32 $0xFFFFFF00  }
0x123: {  	[tilespmem:s11], [sflag:$0x9] =	stream.indirect.gather [hbm4b:s1+s0], $0x80, s12, s0, $0xb8;
	[tilespmem:$0x1FF00] =	vst v63  }
0x124: {  	s14 =	sadd.s32 s8, s14  }
0x125: {  	[tilespmem:s28], [sflag:$0x3] =	stream.linear.gather [hbm4b:s14+s3], $0x100, $0x38;
	[tilespmem:$0x1FF00] =	vst v63  }
0x126: {  	_ =	swait.ge [sflag:s13], $0x4000  }
0x127: {  	[sflag:s13] =	ssyncset.done $0x0  }
0x128: {  	[sflag:s13] =	ssyncadd.s32 $0xFFFFC000  }
0x129: {  	[spmem:s2] =	stream.indirect.scatter.add.f32 [tilespmem:s5], [sflag:$0xB], $0x80, s18, s0, $0xb8;
	[tilespmem:$0x1FF00] =	vst v63  }
0x12a: {  	_ =	swait.ge [sflag:s15], $0x4000  }
0x12b: {  	[sflag:s15] =	ssyncset.done $0x0  }
0x12c: {  	[sflag:s15] =	ssyncadd.s32 $0xFFFFC000  }
0x12d: {  	_ =	swait.ge [sflag:s31], $0x100  }
0x12e: {  	[sflag:s31] =	ssyncset.done $0x0  }
0x12f: {  	s14 =	rddreg [dreg:$0x5];
	[sflag:s31] =	ssyncadd.s32 $0xFFFFFF00  }
0x130: {  	[tilespmem:s10], [sflag:$0x7] =	stream.indirect.gather [hbm4b:s1+s0], $0x80, s3, s0, $0xb8;
	[tilespmem:$0x1FF00] =	vst v63  }
0x131: {  	s14 =	sadd.s32 s8, s14  }
0x132: {  	[tilespmem:s29], [sflag:$0x4] =	stream.linear.gather [hbm4b:s14+s3], $0x100, $0x38;
	[tilespmem:$0x1FF00] =	vst v63  }
0x133: {  	_ =	swait.ge [sflag:s17], $0x4000  }
0x134: {  	[sflag:s17] =	ssyncset.done $0x0  }
0x135: {  	[sflag:s17] =	ssyncadd.s32 $0xFFFFC000  }
0x136: {  	[spmem:s2] =	stream.indirect.scatter.add.f32 [tilespmem:s11], [sflag:$0xC], $0x80, s21, s0, $0xb8;
	[tilespmem:$0x1FF00] =	vst v63  }
0x137: {  	_ =	swait.ge [sflag:s19], $0x4000  }
0x138: {  	p2 =	sne.s32 s25, $0x840;
	[sflag:s19] =	ssyncset.done $0x0  }
.Ltmp4:
0x139: {  	[sflag:s19] =	ssyncadd.s32 $0xFFFFC000;
	(pc) =	sbr.rel @p2 .LBB2_8-.Ltmp4, $4  }
0x13a: {  	_ =	swait.ge [sflag:s7], $0x100  }
0x13b: {  	[sflag:s7] =	ssyncset.done $0x0;
	s14 =	rddreg [dreg:$0x4]  }
0x13c: {  	s25 =	sadd.s32 $0xC0, s25;
	[sflag:s7] =	ssyncadd.s32 $0xFFFFFF00;
	s8 =	sadd.s32 s8, s14  }
0x13d: {  	[tilespmem:s5], [sflag:$0x8] =	stream.indirect.gather [hbm4b:s1+s0], $0x80, s26, s0, $0xb8;
	[tilespmem:$0x1FF00] =	vst v63  }
0x13e: {  	[tilespmem:s30], [sflag:$0x5] =	stream.linear.gather [hbm4b:s8+s3], $0x100, $0x38;
	[tilespmem:$0x1FF00] =	vst v63  }
0x13f: {  	_ =	swait.ge [sflag:s4], $0x4000  }
0x140: {  	[sflag:s4] =	ssyncset.done $0x0  }
0x141: {  	[sflag:s4] =	ssyncadd.s32 $0xFFFFC000  }
0x142: {  	[spmem:s2] =	stream.indirect.scatter.add.f32 [tilespmem:s10], [sflag:$0xA], $0x80, s0, s0, $0xb8;
	[tilespmem:$0x1FF00] =	vst v63  }
0x143: {  	_ =	swait.ge [sflag:s22], $0x4000  }
0x144: {  	[sflag:s22] =	ssyncset.done $0x0  }
0x145: {  	[sflag:s22] =	ssyncadd.s32 $0xFFFFC000  }
0x146: {  	_ =	swait.ge [sflag:s6], $0x100  }
0x147: {  	[sflag:s6] =	ssyncset.done $0x0  }
0x148: {  	[sflag:s6] =	ssyncadd.s32 $0xFFFFFF00  }
0x149: {  	[tilespmem:s11], [sflag:$0x9] =	stream.indirect.gather [hbm4b:s1+s0], $0x80, s28, s0, $0xb8;
	[tilespmem:$0x1FF00] =	vst v63  }
0x14a: {  	s25 =	rddreg [dreg:$0x1b]  }
0x14b: {  	[tilespmem:s12], [sflag:$0x6] =	stream.linear.gather [hbm4b:s25+s3], $0x100, $0x38;
	[tilespmem:$0x1FF00] =	vst v63  }
0x14c: {  	_ =	swait.ge [sflag:s13], $0x4000  }
0x14d: {  	[sflag:s13] =	ssyncset.done $0x0  }
0x14e: {  	s14 =	simm.s32 $0x180;
	[sflag:s13] =	ssyncadd.s32 $0xFFFFC000  }
0x14f: {  	[spmem:s2] =	stream.indirect.scatter.add.f32 [tilespmem:s5], [sflag:$0xB], $0x80, s14, s0, $0xb8;
	[tilespmem:$0x1FF00] =	vst v63  }
0x150: {  	_ =	swait.ge [sflag:s15], $0x4000  }
0x151: {  	[sflag:s15] =	ssyncset.done $0x0  }
0x152: {  	[sflag:s15] =	ssyncadd.s32 $0xFFFFC000  }
0x153: {  	_ =	swait.ge [sflag:s16], $0x100  }
0x154: {  	[sflag:s16] =	ssyncset.done $0x0  }
0x155: {  	[sflag:s16] =	ssyncadd.s32 $0xFFFFFF00  }
0x156: {  	[tilespmem:s10], [sflag:$0x7] =	stream.indirect.gather [hbm4b:s1+s0], $0x80, s29, s0, $0xb8;
	[tilespmem:$0x1FF00] =	vst v63  }
0x157: {  	_ =	swait.ge [sflag:s17], $0x4000  }
0x158: {  	[sflag:s17] =	ssyncset.done $0x0  }
0x159: {  	[sflag:s17] =	ssyncadd.s32 $0xFFFFC000  }
0x15a: {  	[spmem:s2] =	stream.indirect.scatter.add.f32 [tilespmem:s11], [sflag:$0xC], $0x80, s24, s0, $0xb8;
	[tilespmem:$0x1FF00] =	vst v63  }
0x15b: {  	_ =	swait.ge [sflag:s19], $0x4000  }
0x15c: {  	[sflag:s19] =	ssyncset.done $0x0  }
0x15d: {  	[sflag:s19] =	ssyncadd.s32 $0xFFFFC000  }
0x15e: {  	_ =	swait.ge [sflag:s20], $0x100  }
0x15f: {  	[sflag:s20] =	ssyncset.done $0x0  }
0x160: {  	[sflag:s20] =	ssyncadd.s32 $0xFFFFFF00  }
0x161: {  	[tilespmem:s5], [sflag:$0x8] =	stream.indirect.gather [hbm4b:s1+s0], $0x80, s30, s0, $0xb8;
	[tilespmem:$0x1FF00] =	vst v63  }
0x162: {  	_ =	swait.ge [sflag:s4], $0x4000  }
0x163: {  	[sflag:s4] =	ssyncset.done $0x0  }
0x164: {  	[sflag:s4] =	ssyncadd.s32 $0xFFFFC000  }
0x165: {  	[spmem:s2] =	stream.indirect.scatter.add.f32 [tilespmem:s10], [sflag:$0xA], $0x80, s9, s0, $0xb8;
	[tilespmem:$0x1FF00] =	vst v63  }
0x166: {  	_ =	swait.ge [sflag:s22], $0x4000  }
0x167: {  	[sflag:s22] =	ssyncset.done $0x0  }
0x168: {  	[sflag:s22] =	ssyncadd.s32 $0xFFFFC000  }
0x169: {  	_ =	swait.ge [sflag:s23], $0x100  }
0x16a: {  	[sflag:s23] =	ssyncset.done $0x0  }
0x16b: {  	[sflag:s23] =	ssyncadd.s32 $0xFFFFFF00  }
0x16c: {  	[tilespmem:s11], [sflag:$0x9] =	stream.indirect.gather [hbm4b:s1+s0], $0x80, s12, s0, $0xb8;
	[tilespmem:$0x1FF00] =	vst v63  }
0x16d: {  	_ =	swait.ge [sflag:s13], $0x4000  }
0x16e: {  	[sflag:s13] =	ssyncset.done $0x0  }
0x16f: {  	[sflag:s13] =	ssyncadd.s32 $0xFFFFC000  }
0x170: {  	[spmem:s2] =	stream.indirect.scatter.add.f32 [tilespmem:s5], [sflag:$0xB], $0x80, s18, s0, $0xb8;
	[tilespmem:$0x1FF00] =	vst v63  }
0x171: {  	_ =	swait.ge [sflag:s15], $0x4000  }
0x172: {  	[sflag:s15] =	ssyncset.done $0x0  }
0x173: {  	[sflag:s15] =	ssyncadd.s32 $0xFFFFC000  }
0x174: {  	_ =	swait.ge [sflag:s17], $0x4000  }
0x175: {  	[sflag:s17] =	ssyncset.done $0x0  }
0x176: {  	[sflag:s17] =	ssyncadd.s32 $0xFFFFC000  }
0x177: {  	[spmem:s2] =	stream.indirect.scatter.add.f32 [tilespmem:s11], [sflag:$0xC], $0x80, s21, s0, $0xb8;
	[tilespmem:$0x1FF00] =	vst v63  }
0x178: {  	_ =	swait.ge [sflag:s19], $0x4000  }
0x179: {  	[sflag:s19] =	ssyncset.done $0x0  }
0x17a: {  	[sflag:s19] =	ssyncadd.s32 $0xFFFFC000  }
0x17b: {  	_ =	swait.ge [sflag:s22], $0x4000  }
0x17c: {  	[sflag:s22] =	ssyncset.done $0x0  }
0x17d: {  	[sflag:s22] =	ssyncadd.s32 $0xFFFFC000  }
0x17e: {  	[bflag:$0x0] =	sbarrier.arrive $0xFFFF  }
0x17f: {  	s14 =	sld [smem:$0x7FD]  }
0x180: {  	s25 =	rddreg [dreg:$0x17]  }
0x181: {  	s9 =	rddreg [dreg:$0x1f]  }
0x182: {  	[hbm:s25], [sflag:s9] =	dma.local [spmem:s14], $0x2700  }
0x183: {  	s25 =	simm.s32 $0xD  }
0x184: {  	_ =	swait.ge [sflag:s25], $0x2700  }
0x185: {  	[sflag:s25] =	ssyncset.done $0x0;
	s8 =	rddreg [dreg:$0xd]  }
0x186: {  	s14 =	rddreg [dreg:$0x1c];
	[sflag:s25] =	ssyncadd.s32 $0xFFFFD900;
	s8 =	sshrl.u32 @!p1 s8, $0x3  }
0x187: {  	[hbm:s14], [sflag:s9] =	dma.local @!p1 [spmem:s8], $0x100  }
0x188: {  	s8 =	simm.s32 @!p1 $0xD  }
0x189: {  	_ =	swait.ge @!p1 [sflag:s8], $0x100  }
0x18a: {  	s18 =	rddreg [dreg:$0x1e]  }
0x18b: {  	s21 =	rddreg [dreg:$0x1d];
	s9 =	sadd.s32 $0x1, s18  }
0x18c: {  	p2 =	sne.s32 s9, s21  }
.Ltmp5:
0x18d: {  	_ = 	snop;
	(pc) =	sbr.rel @p2 .LBB2_1-.Ltmp5, $3  }
0x18e: {  	_ =	sdelay $0x1  }
0x18f: {  	[sflag:s8] =	ssyncset.done @!p1 $0x0  }
0x190: {  	[sflag:s8] =	ssyncadd.s32 @!p1 $0xFFFFFF00  }
0x191: {  	_ =	sfence.sel $0x180000  }
0x192: {  	[bflag:$0x0] =	sbarrier.arrive $0xFFFF  }
0x193: {  	_ =	strace $0x9000004A  }
0x194: {  	[bflag:$0x2] =	sbarrier.arrive $0xFFFF  }
0x195: {  	s0 =	rddreg [dreg:$0x3]  }
0x196: {  	s0 =	sadd.s32 @!p1 $0x100000, s0  }
0x197: {  	[sflag:s0] =	ssyncadd.tile.s32 @!p1 $0x1;
	_ =	shalt  }
.Lfunc_end2:
_tile_overlayer_lowered:
.L_overlay_start_2:
0x198: {  	(tag) =	ssettag $0x2  }
0x199: {  	s0 =	rddreg [dreg:$0x0];
	s2 =	stileid.u32  }
0x19a: {  	s1 =	rddreg [dreg:$0x1];
	p0 =	sne.s32 s2, $0x0  }
0x19b: {  	s3 =	rddreg [dreg:$0x2];
	[bflag:$0x3] =	sbarrier.arrive $0xFFFF;
	s2 =	simm.s32 @!p0 $0x1C0D  }
0x19c: {  	[timem:s3], [sflag:s2] =	dma.local @!p0 [hbm:s0], s1  }
0x19d: {  	s0 =	simm.s32 @!p0 $0xD  }
0x19e: {  	_ =	swait.ge @!p0 [sflag:s0], s1  }
0x19f: {  	s1 =	ssub.s32 @!p0 $0x0, s1;
	[sflag:s0] =	ssyncset.done @!p0 $0x0  }
0x1a0: {  	[sflag:s0] =	ssyncadd.s32 @!p0 s1  }
0x1a1: {  	[bflag:$0x3] =	sbarrier.arrive $0xFFFF  }
0x1a2: {  	_ =	shalt  }

// kernel: kernel.7.cloned.1.call-start
scs
__scs_entry_jumppad:
0x0: {  	(pc) =	sbr.rel $0x88, $3  }
0x1: {  	(tag) =	ssettag $0x0;
	lr =	simm.s32 $0x1  }
0x2: {  	[smem:$0x3F9B] =	sst lr;
	_ =	strace $0xD0000000  }
0x3: {  	_ = 	snop  }
0x4: {  	_ = 	snop  }
0x5: {  	_ = 	snop  }
0x6: {  	_ = 	snop  }
0x7: {  	_ = 	snop  }
__scs_overlays_trampoline_lowered:
0x8: {  	[smem:$0x3FAA] =	sst s0  }
0x9: {  	[smem:$0x3FAB] =	sst s1  }
0xa: {  	[smem:$0x3FAC] =	sst s2  }
0xb: {  	[smem:$0x3FAD] =	sst s3  }
0xc: {  	[smem:$0x3FAE] =	sst s4  }
0xd: {  	[smem:$0x3FAF] =	sst s5  }
0xe: {  	[smem:$0x3FB0] =	sst s6  }
0xf: {  	[smem:$0x3FB1] =	sst s7  }
0x10: {  	[smem:$0x3FB2] =	sst s8  }
0x11: {  	[smem:$0x3FB3] =	sst s9;
	s0 =	simm.s32 @!p0 $0x0  }
0x12: {  	s1 =	sld [smem:$0x3F99];
	s0 =	simm.s32 @p0 $0x1  }
0x13: {  	[smem:$0x3FB4] =	sst s0;
	s0 =	simm.s32 @!p1 $0x0  }
0x14: {  	s2 =	sld [smem:$0x3F98];
	s0 =	simm.s32 @p1 $0x1  }
0x15: {  	[smem:$0x3FB5] =	sst s0;
	s0 =	simm.s32 @!p2 $0x0  }
0x16: {  	s3 =	sld [smem:$0x3FDB];
	s0 =	simm.s32 @p2 $0x1  }
0x17: {  	s4 =	simm.s32 $0x1BF5;
	[smem:$0x3FB7] =	sst s0  }
0x18: {  	s0 =	sld [smem:$0x3F9A];
	_ =	swait.ge [sflag:s4], $0x0  }
0x19: {  	s7 =	sld [smem:$0x3F9B]  }
0x1a: {  	s8 =	sadd.s32 $0xFFFFE003, lr  }
0x1b: {  	s9 =	sadd.s32 $0xFFFFFEF7, lr;
	s5 =	simm.s32 $0xFFFFFFFF;
	p2 =	slt.u32 s8, $0xFFFFF086  }
0x1c: {  	p1 =	slt.u32 s9, $0xF7A;
	s5 =	simm.s32 @!p2 $0x0  }
0x1d: {  	s5 =	simm.s32 @p1 $0x1;
	p0 =	seq.s32 s7, s2  }
0x1e: {  	s7 =	smul.u32 @!p0 $0xF7A, s2;
	p2 =	seq.s32 @!p0 s5, $0x0  }
0x1f: {  	s9 =	smul.u32 $0xF7A, s1;
	s8 =	simm.s32 @!p0 $0x1BF5;
	p2 =	por !p2, p0  }
0x20: {  	[sflag:s8] =	ssyncset.s32 @!p0 $0xFFFFF086;
	s6 =	sadd.s32 @!p0 s3, s7;
	s7 =	simm.s32 @!p0 $0x108  }
0x21: {  	s3 =	sadd.s32 s3, s9;
	s6 =	sadd.s32 @!p0 $0x88, s6;
	s7 =	simm.s32 @p2 $0x1082  }
0x22: {  	[simem:s7], [sflag:s8] =	dma.local @!p0 [hbm:s6], $0xF7A  }
0x23: {  	s9 =	sor.u32 $0xD0000000, s2;
	s6 =	simm.s32 $0x108;
	_ =	swait.ge @!p0 [sflag:s8], $0x0  }
0x24: {  	s3 =	sadd.s32 $0x88, s3;
	s6 =	simm.s32 @!p1 $0x1082;
	[sflag:s4] =	ssyncset.s32 $0xFFFFF086  }
0x25: {  	[simem:s6], [sflag:s4] =	dma.local [hbm:s3], $0xF7A  }
0x26: {  	[smem:$0x3F9B] =	sst s1;
	(tag) =	ssettag s2;
	_ =	strace s9  }
0x27: {  	s1 =	sld [smem:$0x3FAB]  }
0x28: {  	s2 =	sld [smem:$0x3FAC]  }
0x29: {  	s4 =	sld [smem:$0x3FAE]  }
0x2a: {  	p0 =	seq.s32 s5, $0x0;
	s5 =	sld [smem:$0x3FAF]  }
0x2b: {  	s6 =	sld [smem:$0x3FB0]  }
0x2c: {  	s7 =	sld [smem:$0x3FB1]  }
0x2d: {  	s3 =	simm.s32 $0x108;
	s8 =	sld [smem:$0x3FB2]  }
0x2e: {  	s3 =	simm.s32 @!p0 $0x1082;
	s9 =	sld [smem:$0x3FB3]  }
0x2f: {  	lr =	sadd.s32 s0, s3;
	s0 =	sld [smem:$0x3FAA]  }
0x30: {  	s3 =	sld [smem:$0x3FAD]  }
0x31: {  	[smem:$0x3FB6] =	sst s10  }
0x32: {  	s10 =	sld [smem:$0x3FB4];
	_ =	sdelay $0x3  }
0x33: {  	p0 =	seq.s32 s10, $0x1;
	s10 =	sld [smem:$0x3FB6];
	_ =	sdelay $0x3  }
0x34: {  	[smem:$0x3FB6] =	sst s10  }
0x35: {  	s10 =	sld [smem:$0x3FB5];
	_ =	sdelay $0x3  }
0x36: {  	p1 =	seq.s32 s10, $0x1;
	s10 =	sld [smem:$0x3FB6];
	_ =	sdelay $0x3  }
0x37: {  	[smem:$0x3FB6] =	sst s10  }
0x38: {  	s10 =	sld [smem:$0x3FB7]  }
0x39: {  	_ = 	snop;
	(pc) =	sbr.ind lr, $3  }
0x3a: {  	_ = 	snop  }
0x3b: {  	_ = 	snop  }
0x3c: {  	p2 =	seq.s32 s10, $0x1;
	s10 =	sld [smem:$0x3FB6]  }
0x3d: {  	_ =	shalt  }
0x3e: {  	_ =	shalt  }
0x3f: {  	_ =	shalt  }
0x40: {  	_ =	shalt  }
0x41: {  	_ =	shalt  }
0x42: {  	_ =	shalt  }
0x43: {  	_ =	shalt  }
0x44: {  	_ =	shalt  }
0x45: {  	_ =	shalt  }
0x46: {  	_ =	shalt  }
0x47: {  	_ =	shalt  }
0x48: {  	_ =	shalt  }
0x49: {  	_ =	shalt  }
0x4a: {  	_ =	shalt  }
0x4b: {  	_ =	shalt  }
0x4c: {  	_ =	shalt  }
0x4d: {  	_ =	shalt  }
0x4e: {  	_ =	shalt  }
0x4f: {  	_ =	shalt  }
0x50: {  	_ =	shalt  }
0x51: {  	_ =	shalt  }
0x52: {  	_ =	shalt  }
0x53: {  	_ =	shalt  }
0x54: {  	_ =	shalt  }
0x55: {  	_ =	shalt  }
0x56: {  	_ =	shalt  }
0x57: {  	_ =	shalt  }
0x58: {  	_ =	shalt  }
0x59: {  	_ =	shalt  }
0x5a: {  	_ =	shalt  }
0x5b: {  	_ =	shalt  }
0x5c: {  	_ =	shalt  }
0x5d: {  	_ =	shalt  }
0x5e: {  	_ =	shalt  }
0x5f: {  	_ =	shalt  }
0x60: {  	_ =	shalt  }
0x61: {  	_ =	shalt  }
0x62: {  	_ =	shalt  }
0x63: {  	_ =	shalt  }
0x64: {  	_ =	shalt  }
0x65: {  	_ =	shalt  }
0x66: {  	_ =	shalt  }
0x67: {  	_ =	shalt  }
0x68: {  	_ =	shalt  }
0x69: {  	_ =	shalt  }
0x6a: {  	_ =	shalt  }
0x6b: {  	_ =	shalt  }
0x6c: {  	_ =	shalt  }
0x6d: {  	_ =	shalt  }
0x6e: {  	_ =	shalt  }
0x6f: {  	_ =	shalt  }
0x70: {  	_ =	shalt  }
0x71: {  	_ =	shalt  }
0x72: {  	_ =	shalt  }
0x73: {  	_ =	shalt  }
0x74: {  	_ =	shalt  }
0x75: {  	_ =	shalt  }
0x76: {  	_ =	shalt  }
0x77: {  	_ =	shalt  }
0x78: {  	_ =	shalt  }
0x79: {  	_ =	shalt  }
0x7a: {  	_ =	shalt  }
0x7b: {  	_ =	shalt  }
0x7c: {  	_ =	shalt  }
0x7d: {  	_ =	shalt  }
0x7e: {  	_ =	shalt  }
0x7f: {  	_ =	shalt  }
0x80: {  	_ =	shalt  }
0x81: {  	_ =	shalt  }
0x82: {  	_ =	shalt  }
0x83: {  	_ =	shalt  }
0x84: {  	_ =	shalt  }
0x85: {  	_ =	shalt  }
0x86: {  	_ =	shalt  }
0x87: {  	_ =	shalt  }
.Lfunc_end0:
.L_simem_size_0:
called_computation_lowered:
.L_overlay_start_0:
0x88: {  	s2 =	sld [smem:$0x3FD9]  }
0x89: {  	s3 =	sld [smem:$0x3FFE];
	_ =	sdelay $0x1  }
0x8a: {  	s1 =	srdreg.scid  }
0x8b: {  	s0 =	sand.u32 $0x1, s1  }
0x8c: {  	s17 =	sshll.u32 s0, $0xA;
	s2 =	sadd.s32 s3, s2  }
0x8d: {  	s2 =	sadd.s32 s2, s17  }
0x8e: {  	[smem:$0x3FC2] =	sst s2  }
0x8f: {  	_ = 	snop  }
0x90: {  	s2 =	sld [smem:$0x3FD0];
	(tm) =	ssettm $0x1  }
0x91: {  	s18 =	sld [smem:$0x3FFB];
	_ =	sdelay $0x3  }
0x92: {  	_ =	strace s18  }
0x93: {  	s3 =	sld [smem:$0x3FFC];
	_ =	sdelay $0x3  }
0x94: {  	_ =	strace s3  }
0x95: {  	s3 =	sld [smem:$0x3FFD];
	_ =	sdelay $0x3  }
0x96: {  	_ =	strace s3  }
0x97: {  	_ =	strace $0x8FFFFFFF  }
0x98: {  	s19 =	sld [smem:$0x3FDB];
	_ =	sdelay $0x1  }
0x99: {  	s4 =	simm.s32 $_scs_section_size  }
0x9a: {  	s5 =	simm.s32 $_size__tile_overlayer_lowered;
	s6 =	simm.s32 $_tile_overlayer_lowered  }
0x9b: {  	s22 =	simm.s32 $0x1BFF;
	s21 =	sshll.u32 s6, $0x1;
	s3 =	sadd.s32 s4, s19  }
0x9c: {  	s7 =	simm.s32 $0x0;
	s20 =	sshll.u32 s5, $0x1;
	s5 =	sadd.s32 s21, s3  }
0x9d: {  	[timem:s7], [sflag:s22] =	dma.local [hbm:s5], s20  }
0x9e: {  	_ =	swait.ge [sflag:s22], s20  }
0x9f: {  	s4 =	ssub.s32 $0x0, s20;
	[sflag:s22] =	ssyncset.done $0x0  }
0xa0: {  	[sflag:s22] =	ssyncadd.s32 s4;
	_ =	sdelay $0x1  }
0xa1: {  	s23 =	simm.s32 $0x1B8B  }
0xa2: {  	_ =	swait.ge [sflag:s23], $0x1  }
0xa3: {  	[sflag:s23] =	ssyncset.done $0x0  }
0xa4: {  	s25 =	simm.s32 $0x1B8E;
	s24 =	sld [smem:$0x3FFE];
	[sflag:s23] =	ssyncadd.s32 $0xFFFFFFFF  }
0xa5: {  	s26 =	simm.s32 $execute0_lowered;
	[smem:$0x3FD2] =	sst s25  }
0xa6: {  	s5 =	sshll.u32 s26, $0x1;
	_ =	strace $0x80000046;
	[dreg:$0x1] =	wrdreg $0xFFFFFFFF  }
0xa7: {  	s28 =	simm.s32 $_size_execute0_lowered;
	s3 =	sadd.s32 s3, s5;
	[dreg:$0x0] =	wrdreg $0x0  }
0xa8: {  	s5 =	sshll.u32 s28, $0x1;
	[dreg:$0x2] =	wrdreg s3  }
0xa9: {  	[dreg:$0x3] =	wrdreg s5  }
0xaa: {  	[dreg:$0x4] =	wrdreg $0xC0  }
0xab: {  	_ =	task [dreg:s7], $0x5FFFF  }
0xac: {  	[dreg:$0x1] =	wrdreg $0xFFFFFFFF  }
0xad: {  	[dreg:$0x0] =	wrdreg $0x60  }
0xae: {  	[dreg:$0x2] =	wrdreg s2  }
0xaf: {  	[dreg:$0x3] =	wrdreg s24  }
0xb0: {  	[dreg:$0x4] =	wrdreg $0xC6000  }
0xb1: {  	[dreg:$0x5] =	wrdreg $0x9  }
0xb2: {  	_ =	task.clear_ibuf [dreg:s7], $0x6FFFF;
	_ =	strace $0x90000046  }
0xb3: {  	s29 =	simm.s32 $0x9;
	_ =	strace $0x80000048  }
0xb4: {  	_ =	swait.ge [sflag:s29], $0x1  }
0xb5: {  	[sflag:s29] =	ssyncadd.s32 $0xFFFFFFFF  }
0xb6: {  	_ =	strace $0x90000048  }
0xb7: {  	_ =	sfence  }
0xb8: {  	s30 =	sld [smem:$0x0];
	_ =	sdelay $0x2  }
0xb9: {  	s31 =	sshll.u32 s1, $0xD;
	s1 =	sshrl.u32 s1, $0x2  }
0xba: {  	s3 =	sand.u32 $0x4000, s31;
	s1 =	sadd.s32 s1, s30  }
0xbb: {  	s0 =	sor.u32 s3, s0;
	s1 =	sshll.u32 s1, $0x11  }
0xbc: {  	s0 =	sor.u32 s1, s0  }
0xbd: {  	s0 =	sadd.s32 $0x8F2B, s0  }
0xbe: {  	[sflag:s0] =	ssyncadd.remote.s32 $0x1  }
0xbf: {  	_ =	sfence.sel $0xFFFF  }
0xc0: {  	[dreg:$0x0] =	wrdreg $0xFFFFFFFF;
	(pc) =	sbr.abs _section_cstart, $3  }
0xc1: {  	[dreg:$0x1] =	wrdreg $0xFFFFFFFF  }
0xc2: {  	_ =	task.clear_ibuf [dreg:s7], $0x2FFFF;
	_ =	strace $0x9FFFFFFF  }
0xc3: {  	(tm) =	ssettm $0x7FFFFFFF  }
tec
execute0_lowered:
.L_overlay_start_1:
0x0: {  	(tag) =	ssettag $0x1  }
0x1: {  	s1 =	rddreg [dreg:$0x0]  }
0x2: {  	s4 =	rddreg [dreg:$0x1]  }
0x3: {  	s2 =	rddreg [dreg:$0x2]  }
0x4: {  	s3 =	simm.s32 $0x0;
	s5 =	srdreg.scid;
	s11 =	stileid.u32  }
0x5: {  	s28 =	simm.s32 $0x200;
	s29 =	simm.s32 $0x300;
	s30 =	simm.s32 $0x400  }
0x6: {  	s31 =	simm.s32 $0x1;
	[smem:$0x7FF] =	sst s3;
	s7 =	smul.u32 $0x4E000, s11  }
0x7: {  	s0 =	sadd.s32 $0x1C00, s4;
	s6 =	sadd.s32 $0x16C00, s4;
	s9 =	smul.u32 $0x2700, s11  }
0x8: {  	s5 =	sand.u32 $0x1, s5;
	s4 =	sadd.s32 $0x19400, s4;
	s18 =	smul.u32 $0x13800, s11  }
0x9: {  	s17 =	sadd.s32 $0x138000, s2;
	s19 =	sadd.s32 $0x27000, s1;
	s23 =	smul.u32 $0x5400, s11  }
0xa: {  	p1 =	sne.s32 s11, $0x0;
	_ =	strace $0x80000047;
	[dreg:$0xa] =	wrdreg s6  }
0xb: {  	s14 =	sshll.u32 s5, $0x4;
	s8 =	ssub.s32 $0x2, s5;
	[dreg:$0xd] =	wrdreg s17  }
0xc: {  	p0 =	seq.s32 s5, $0x1;
	s16 =	smul.u32 $0x138800, s5;
	[dreg:$0xf] =	wrdreg s19  }
0xd: {  	s5 =	smul.u32 $0x54000, s5;
	s6 =	sor.u32 s11, s14;
	s10 =	sshrl.u32 s8, $0x1  }
0xe: {  	s7 =	sshrl.u32 s7, $0x2;
	s15 =	sadd.s32 s1, s9;
	s11 =	simm.s32 $0x8600  }
0xf: {  	s9 =	simm.s32 $0x0;
	s6 =	smul.u32 $0x5400, s6;
	s5 =	sadd.s32 s23, s5  }
0x10: {  	s7 =	sadd.s32 s7, s2;
	[dreg:$0xc] =	wrdreg s15;
	s13 =	sadd.s32 $0xF00, s5  }
0x11: {  	s8 =	ssub.s32 s8, s10;
	[dreg:$0xb] =	wrdreg s7;
	s14 =	sshrl.u32 s13, $0x3  }
0x12: {  	s7 =	sshrl.u32 s16, $0x3;
	s6 =	sshrl.u32 s6, $0x3;
	s15 =	sadd.s32 s14, s0  }
0x13: {  	s13 =	simm.s32 $0x8;
	s10 =	sadd.s32 s0, s6;
	[dreg:$0x5] =	wrdreg s15  }
0x14: {  	s6 =	sadd.s32 s18, s16;
	s20 =	sadd.s32 $0x20, s10;
	[dreg:$0xe] =	wrdreg s10  }
0x15: {  	s16 =	sadd.s32 $0xE00, s5;
	s21 =	sadd.s32 $0x40, s10;
	[dreg:$0x10] =	wrdreg s20  }
0x16: {  	s18 =	sadd.s32 $0xD00, s5;
	s22 =	sadd.s32 $0x60, s10;
	[dreg:$0x11] =	wrdreg s21  }
0x17: {  	s12 =	sadd.s32 $0x80, s10;
	s24 =	sadd.s32 $0xA0, s10;
	[dreg:$0x12] =	wrdreg s22  }
0x18: {  	s25 =	sadd.s32 $0xC0, s10;
	s6 =	sshrl.u32 s6, $0x3;
	[dreg:$0x13] =	wrdreg s12  }
0x19: {  	s26 =	sadd.s32 $0xE0, s10;
	s17 =	sshrl.u32 s16, $0x3;
	[dreg:$0x14] =	wrdreg s24  }
0x1a: {  	s19 =	sadd.s32 $0x100, s10;
	s23 =	sadd.s32 $0x120, s10;
	[dreg:$0x15] =	wrdreg s25  }
0x1b: {  	s15 =	simm.s32 $0xA;
	s16 =	simm.s32 $0x4;
	[dreg:$0x16] =	wrdreg s26  }
0x1c: {  	s6 =	sadd.s32 s4, s6;
	s12 =	sadd.s32 $0x1000, s5;
	s4 =	sadd.s32 s4, s7  }
0x1d: {  	[dreg:$0x18] =	wrdreg s19;
	s7 =	sshrl.u32 s18, $0x3;
	s21 =	sadd.s32 $0xC00, s5  }
0x1e: {  	s5 =	sadd.s32 $0xB00, s5;
	[dreg:$0x19] =	wrdreg s23;
	s24 =	sadd.s32 $0x140, s10  }
0x1f: {  	s25 =	sadd.s32 $0xA60, s10;
	s26 =	smax.u32 s8, $0x1;
	s10 =	simm.s32 $0x600  }
0x20: {  	s19 =	simm.s32 $0xB;
	s23 =	simm.s32 $0x6;
	[dreg:$0x17] =	wrdreg s6  }
0x21: {  	s6 =	sshrl.u32 s12, $0x3;
	s20 =	sadd.s32 s7, s0;
	[dreg:$0x1a] =	wrdreg s24  }
0x22: {  	s22 =	sshrl.u32 s21, $0x3;
	s5 =	sshrl.u32 s5, $0x3;
	[dreg:$0x1b] =	wrdreg s25  }
0x23: {  	s4 =	sadd.s32 $0x27000, s4;
	[dreg:$0x1d] =	wrdreg s26;
	s25 =	simm.s32 $0xD  }
0x24: {  	s26 =	simm.s32 $0x100;
	s7 =	simm.s32 $0x2;
	s12 =	simm.s32 $0x500  }
0x25: {  	s24 =	simm.s32 $0x280;
	s6 =	sadd.s32 s6, s0;
	[dreg:$0x7] =	wrdreg s20  }
0x26: {  	[dreg:$0x1c] =	wrdreg s4;
	s4 =	simm.s32 $0x7;
	s20 =	simm.s32 $0x5  }
0x27: {  	[dreg:$0x4] =	wrdreg s6;
	s6 =	sadd.s32 s17, s0;
	s17 =	simm.s32 $0x9  }
0x28: {  	[dreg:$0x6] =	wrdreg s6;
	s6 =	sadd.s32 s22, s0;
	s0 =	sadd.s32 s5, s0  }
0x29: {  	s5 =	simm.s32 $0x4600;
	s22 =	simm.s32 $0xC;
	[dreg:$0x8] =	wrdreg s6  }
0x2a: {  	[dreg:$0x9] =	wrdreg s0;
	s0 =	simm.s32 $0x80;
	s6 =	simm.s32 $0x3  }
.LBB2_1:
.Ltmp0:
0x2b: {  	(pc) =	sbr.rel @!p0 .LBB2_2-.Ltmp0, $4  }
0x2c: {  	_ = 	snop  }
0x2d: {  	s8 =	stileid.u32;
	s14 =	rddreg [dreg:$0xb]  }
0x2e: {  	s8 =	sshll.u32 s8, $0x6;
	s14 =	sshrl.u32 s14, $0x3  }
0x2f: {  	s18 =	sor.u32 $0x1C0D, s8;
	[smem:$0x7FD] =	sst s14  }
.Ltmp1:
0x30: {  	s8 =	rddreg [dreg:$0xa];
	(pc) =	sbr.rel @p1 .LBB2_7-.Ltmp1, $4  }
0x31: {  	[spmem:s14], [sflag:s18] =	dma.local [hbm:s8], $0x2700  }
0x32: {  	_ =	swait.ge [sflag:s25], $0x2700  }
0x33: {  	[sflag:s25] =	ssyncset.done $0x0  }
0x34: {  	[sflag:s25] =	ssyncadd.s32 $0xFFFFD900  }
.Ltmp2:
0x35: {  	(pc) =	sbr.rel .LBB2_6-.Ltmp2, $4  }
0x36: {  	_ = 	snop  }
0x37: {  	s8 =	rddreg [dreg:$0xd]  }
0x38: {  	s14 =	rddreg [dreg:$0xa];
	s8 =	sshrl.u32 s8, $0x3  }
0x39: {  	[spmem:s8], [sflag:s18] =	dma.local [hbm:s14], $0x100  }
.LBB2_2:
.Ltmp3:
0x3a: {  	s8 =	rddreg [dreg:$0xc];
	(pc) =	sbr.rel @p1 .LBB2_7-.Ltmp3, $4  }
0x3b: {  	[spmem:s14], [sflag:s18] =	dma.local [hbm:s8], $0x2700  }
0x3c: {  	_ =	swait.ge [sflag:s25], $0x2700  }
0x3d: {  	[sflag:s25] =	ssyncset.done $0x0  }
0x3e: {  	[sflag:s25] =	ssyncadd.s32 $0xFFFFD900  }
0x3f: {  	s8 =	rddreg [dreg:$0xd]  }
0x40: {  	s14 =	rddreg [dreg:$0xf];
	s8 =	sshrl.u32 s8, $0x3  }
0x41: {  	[spmem:s8], [sflag:s18] =	dma.local [hbm:s14], $0x100  }
.LBB2_6:
0x42: {  	_ =	swait.ge [sflag:s25], $0x100  }
0x43: {  	[sflag:s25] =	ssyncset.done $0x0  }
0x44: {  	[sflag:s25] =	ssyncadd.s32 $0xFFFFFF00  }
.LBB2_7:
0x45: {  	[dreg:$0x1f] =	wrdreg s18  }
0x46: {  	[dreg:$0x1e] =	wrdreg s9  }
0x47: {  	[bflag:$0x0] =	sbarrier.arrive $0xFFFF  }
0x48: {  	s8 =	simm.s32 $0x0;
	s14 =	rddreg [dreg:$0xe]  }
0x49: {  	[tilespmem:s8], [sflag:$0x1] =	stream.linear.gather [hbm4b:s14+s8], $0x100, $0x38;
	[tilespmem:$0x1FF00] =	vst v63  }
0x4a: {  	s25 =	rddreg [dreg:$0x10]  }
0x4b: {  	[tilespmem:s26], [sflag:$0x2] =	stream.linear.gather [hbm4b:s25+s8], $0x100, $0x38;
	[tilespmem:$0x1FF00] =	vst v63  }
0x4c: {  	s9 =	rddreg [dreg:$0x11]  }
0x4d: {  	[tilespmem:s28], [sflag:$0x3] =	stream.linear.gather [hbm4b:s9+s8], $0x100, $0x38;
	[tilespmem:$0x1FF00] =	vst v63  }
0x4e: {  	s18 =	rddreg [dreg:$0x12]  }
0x4f: {  	[tilespmem:s29], [sflag:$0x4] =	stream.linear.gather [hbm4b:s18+s8], $0x100, $0x38;
	[tilespmem:$0x1FF00] =	vst v63  }
0x50: {  	s21 =	rddreg [dreg:$0x13]  }
0x51: {  	[tilespmem:s30], [sflag:$0x5] =	stream.linear.gather [hbm4b:s21+s8], $0x100, $0x38;
	[tilespmem:$0x1FF00] =	vst v63  }
0x52: {  	_ =	swait.ge [sflag:s31], $0x100  }
0x53: {  	[sflag:s31] =	ssyncset.done $0x0  }
0x54: {  	[sflag:s31] =	ssyncadd.s32 $0xFFFFFF00  }
0x55: {  	[tilespmem:s10], [sflag:$0x7] =	stream.indirect.gather [hbm4b:s1+s0], $0x80, s8, s0, $0xb8;
	[tilespmem:$0x1FF00] =	vst v63  }
0x56: {  	_ =	swait.ge [sflag:s7], $0x100  }
0x57: {  	[sflag:s7] =	ssyncset.done $0x0  }
0x58: {  	[sflag:s7] =	ssyncadd.s32 $0xFFFFFF00  }
0x59: {  	[tilespmem:s5], [sflag:$0x8] =	stream.indirect.gather [hbm4b:s1+s0], $0x80, s26, s0, $0xb8;
	[tilespmem:$0x1FF00] =	vst v63  }
0x5a: {  	_ =	swait.ge [sflag:s4], $0x4000  }
0x5b: {  	[sflag:s4] =	ssyncset.done $0x0  }
0x5c: {  	[sflag:s4] =	ssyncadd.s32 $0xFFFFC000  }
0x5d: {  	[spmem:s2] =	stream.indirect.scatter.add.f32 [tilespmem:s10], [sflag:$0xA], $0x80, s0, s0, $0xb8;
	[tilespmem:$0x1FF00] =	vst v63  }
0x5e: {  	_ =	swait.ge [sflag:s6], $0x100  }
0x5f: {  	[sflag:s6] =	ssyncset.done $0x0  }
0x60: {  	[sflag:s6] =	ssyncadd.s32 $0xFFFFFF00  }
0x61: {  	[tilespmem:s11], [sflag:$0x9] =	stream.indirect.gather [hbm4b:s1+s0], $0x80, s28, s0, $0xb8;
	[tilespmem:$0x1FF00] =	vst v63  }
0x62: {  	s25 =	rddreg [dreg:$0x14]  }
0x63: {  	[tilespmem:s12], [sflag:$0x6] =	stream.linear.gather [hbm4b:s25+s8], $0x100, $0x38;
	[tilespmem:$0x1FF00] =	vst v63  }
0x64: {  	_ =	swait.ge [sflag:s13], $0x4000  }
0x65: {  	[sflag:s13] =	ssyncset.done $0x0  }
0x66: {  	s25 =	simm.s32 $0x180;
	[sflag:s13] =	ssyncadd.s32 $0xFFFFC000  }
0x67: {  	[spmem:s2] =	stream.indirect.scatter.add.f32 [tilespmem:s5], [sflag:$0xB], $0x80, s25, s0, $0xb8;
	[tilespmem:$0x1FF00] =	vst v63  }
0x68: {  	_ =	swait.ge [sflag:s15], $0x4000  }
0x69: {  	[sflag:s15] =	ssyncset.done $0x0  }
0x6a: {  	[sflag:s15] =	ssyncadd.s32 $0xFFFFC000  }
0x6b: {  	_ =	swait.ge [sflag:s16], $0x100  }
0x6c: {  	[sflag:s16] =	ssyncset.done $0x0  }
0x6d: {  	[sflag:s16] =	ssyncadd.s32 $0xFFFFFF00  }
0x6e: {  	[tilespmem:s10], [sflag:$0x7] =	stream.indirect.gather [hbm4b:s1+s0], $0x80, s29, s0, $0xb8;
	[tilespmem:$0x1FF00] =	vst v63  }
0x6f: {  	s9 =	rddreg [dreg:$0x15]  }
0x70: {  	[tilespmem:s8], [sflag:$0x1] =	stream.linear.gather [hbm4b:s9+s8], $0x100, $0x38;
	[tilespmem:$0x1FF00] =	vst v63  }
0x71: {  	_ =	swait.ge [sflag:s17], $0x4000  }
0x72: {  	[sflag:s17] =	ssyncset.done $0x0  }
0x73: {  	s14 =	simm.s32 $0x280;
	[sflag:s17] =	ssyncadd.s32 $0xFFFFC000  }
0x74: {  	[spmem:s2] =	stream.indirect.scatter.add.f32 [tilespmem:s11], [sflag:$0xC], $0x80, s14, s0, $0xb8;
	[tilespmem:$0x1FF00] =	vst v63  }
0x75: {  	_ =	swait.ge [sflag:s19], $0x4000  }
0x76: {  	[sflag:s19] =	ssyncset.done $0x0  }
0x77: {  	[sflag:s19] =	ssyncadd.s32 $0xFFFFC000  }
0x78: {  	_ =	swait.ge [sflag:s20], $0x100  }
0x79: {  	[sflag:s20] =	ssyncset.done $0x0  }
0x7a: {  	[sflag:s20] =	ssyncadd.s32 $0xFFFFFF00  }
0x7b: {  	[tilespmem:s5], [sflag:$0x8] =	stream.indirect.gather [hbm4b:s1+s0], $0x80, s30, s0, $0xb8;
	[tilespmem:$0x1FF00] =	vst v63  }
0x7c: {  	s18 =	rddreg [dreg:$0x16]  }
0x7d: {  	[tilespmem:s26], [sflag:$0x2] =	stream.linear.gather [hbm4b:s18+s8], $0x100, $0x38;
	[tilespmem:$0x1FF00] =	vst v63  }
0x7e: {  	_ =	swait.ge [sflag:s4], $0x4000  }
0x7f: {  	[sflag:s4] =	ssyncset.done $0x0  }
0x80: {  	s18 =	simm.s32 $0x380;
	[sflag:s4] =	ssyncadd.s32 $0xFFFFC000  }
0x81: {  	[spmem:s2] =	stream.indirect.scatter.add.f32 [tilespmem:s10], [sflag:$0xA], $0x80, s18, s0, $0xb8;
	[tilespmem:$0x1FF00] =	vst v63  }
0x82: {  	_ =	swait.ge [sflag:s22], $0x4000  }
0x83: {  	[sflag:s22] =	ssyncset.done $0x0  }
0x84: {  	[sflag:s22] =	ssyncadd.s32 $0xFFFFC000  }
0x85: {  	_ =	swait.ge [sflag:s23], $0x100  }
0x86: {  	[sflag:s23] =	ssyncset.done $0x0  }
0x87: {  	[sflag:s23] =	ssyncadd.s32 $0xFFFFFF00  }
0x88: {  	[tilespmem:s11], [sflag:$0x9] =	stream.indirect.gather [hbm4b:s1+s0], $0x80, s12, s0, $0xb8;
	[tilespmem:$0x1FF00] =	vst v63  }
0x89: {  	s21 =	rddreg [dreg:$0x18]  }
0x8a: {  	[tilespmem:s28], [sflag:$0x3] =	stream.linear.gather [hbm4b:s21+s8], $0x100, $0x38;
	[tilespmem:$0x1FF00] =	vst v63  }
0x8b: {  	_ =	swait.ge [sflag:s13], $0x4000  }
0x8c: {  	[sflag:s13] =	ssyncset.done $0x0  }
0x8d: {  	s21 =	simm.s32 $0x480;
	[sflag:s13] =	ssyncadd.s32 $0xFFFFC000  }
0x8e: {  	[spmem:s2] =	stream.indirect.scatter.add.f32 [tilespmem:s5], [sflag:$0xB], $0x80, s21, s0, $0xb8;
	[tilespmem:$0x1FF00] =	vst v63  }
0x8f: {  	_ =	swait.ge [sflag:s15], $0x4000  }
0x90: {  	[sflag:s15] =	ssyncset.done $0x0  }
0x91: {  	[sflag:s15] =	ssyncadd.s32 $0xFFFFC000  }
0x92: {  	_ =	swait.ge [sflag:s31], $0x100  }
0x93: {  	[sflag:s31] =	ssyncset.done $0x0  }
0x94: {  	[sflag:s31] =	ssyncadd.s32 $0xFFFFFF00  }
0x95: {  	[tilespmem:s10], [sflag:$0x7] =	stream.indirect.gather [hbm4b:s1+s0], $0x80, s8, s0, $0xb8;
	[tilespmem:$0x1FF00] =	vst v63  }
0x96: {  	s9 =	rddreg [dreg:$0x19]  }
0x97: {  	[tilespmem:s29], [sflag:$0x4] =	stream.linear.gather [hbm4b:s9+s8], $0x100, $0x38;
	[tilespmem:$0x1FF00] =	vst v63  }
0x98: {  	_ =	swait.ge [sflag:s17], $0x4000  }
0x99: {  	[sflag:s17] =	ssyncset.done $0x0  }
0x9a: {  	s14 =	simm.s32 $0x580;
	[sflag:s17] =	ssyncadd.s32 $0xFFFFC000  }
0x9b: {  	[spmem:s2] =	stream.indirect.scatter.add.f32 [tilespmem:s11], [sflag:$0xC], $0x80, s14, s0, $0xb8;
	[tilespmem:$0x1FF00] =	vst v63  }
0x9c: {  	_ =	swait.ge [sflag:s19], $0x4000  }
0x9d: {  	[sflag:s19] =	ssyncset.done $0x0  }
0x9e: {  	[sflag:s19] =	ssyncadd.s32 $0xFFFFC000  }
0x9f: {  	_ =	swait.ge [sflag:s7], $0x100  }
0xa0: {  	[sflag:s7] =	ssyncset.done $0x0  }
0xa1: {  	[sflag:s7] =	ssyncadd.s32 $0xFFFFFF00  }
0xa2: {  	[tilespmem:s5], [sflag:$0x8] =	stream.indirect.gather [hbm4b:s1+s0], $0x80, s26, s0, $0xb8;
	[tilespmem:$0x1FF00] =	vst v63  }
0xa3: {  	s9 =	rddreg [dreg:$0x1a]  }
0xa4: {  	[tilespmem:s30], [sflag:$0x5] =	stream.linear.gather [hbm4b:s9+s8], $0x100, $0x38;
	[tilespmem:$0x1FF00] =	vst v63  }
0xa5: {  	_ =	swait.ge [sflag:s4], $0x4000  }
0xa6: {  	[sflag:s4] =	ssyncset.done $0x0  }
0xa7: {  	[sflag:s4] =	ssyncadd.s32 $0xFFFFC000  }
0xa8: {  	[spmem:s2] =	stream.indirect.scatter.add.f32 [tilespmem:s10], [sflag:$0xA], $0x80, s0, s0, $0xb8;
	[tilespmem:$0x1FF00] =	vst v63  }
0xa9: {  	_ =	swait.ge [sflag:s22], $0x4000  }
0xaa: {  	[sflag:s22] =	ssyncset.done $0x0  }
0xab: {  	[sflag:s22] =	ssyncadd.s32 $0xFFFFC000  }
0xac: {  	_ =	swait.ge [sflag:s6], $0x100  }
0xad: {  	[sflag:s6] =	ssyncset.done $0x0  }
0xae: {  	s14 =	rddreg [dreg:$0x9];
	[sflag:s6] =	ssyncadd.s32 $0xFFFFFF00  }
0xaf: {  	[tilespmem:s11], [sflag:$0x9] =	stream.indirect.gather [hbm4b:s1+s0], $0x80, s28, s0, $0xb8;
	[tilespmem:$0x1FF00] =	vst v63  }
0xb0: {  	s8 =	sadd.s32 $0x0, s14  }
0xb1: {  	[tilespmem:s12], [sflag:$0x6] =	stream.linear.gather [hbm4b:s8+s3], $0x100, $0x38;
	[tilespmem:$0x1FF00] =	vst v63  }
0xb2: {  	_ =	swait.ge [sflag:s13], $0x4000  }
0xb3: {  	[sflag:s13] =	ssyncset.done $0x0  }
0xb4: {  	[sflag:s13] =	ssyncadd.s32 $0xFFFFC000  }
0xb5: {  	[spmem:s2] =	stream.indirect.scatter.add.f32 [tilespmem:s5], [sflag:$0xB], $0x80, s25, s0, $0xb8;
	[tilespmem:$0x1FF00] =	vst v63  }
0xb6: {  	_ =	swait.ge [sflag:s15], $0x4000  }
0xb7: {  	[sflag:s15] =	ssyncset.done $0x0  }
0xb8: {  	[sflag:s15] =	ssyncadd.s32 $0xFFFFC000  }
0xb9: {  	_ =	swait.ge [sflag:s16], $0x100  }
0xba: {  	[sflag:s16] =	ssyncset.done $0x0  }
0xbb: {  	s25 =	rddreg [dreg:$0x8];
	[sflag:s16] =	ssyncadd.s32 $0xFFFFFF00  }
0xbc: {  	[tilespmem:s10], [sflag:$0x7] =	stream.indirect.gather [hbm4b:s1+s0], $0x80, s29, s0, $0xb8;
	[tilespmem:$0x1FF00] =	vst v63  }
0xbd: {  	s8 =	sadd.s32 $0x0, s25  }
0xbe: {  	[tilespmem:s3], [sflag:$0x1] =	stream.linear.gather [hbm4b:s8+s3], $0x100, $0x38;
	[tilespmem:$0x1FF00] =	vst v63  }
0xbf: {  	_ =	swait.ge [sflag:s17], $0x4000  }
0xc0: {  	[sflag:s17] =	ssyncset.done $0x0  }
0xc1: {  	s9 =	simm.s32 $0x280;
	[sflag:s17] =	ssyncadd.s32 $0xFFFFC000  }
0xc2: {  	[spmem:s2] =	stream.indirect.scatter.add.f32 [tilespmem:s11], [sflag:$0xC], $0x80, s9, s0, $0xb8;
	[tilespmem:$0x1FF00] =	vst v63  }
0xc3: {  	_ =	swait.ge [sflag:s19], $0x4000  }
0xc4: {  	[sflag:s19] =	ssyncset.done $0x0  }
0xc5: {  	[sflag:s19] =	ssyncadd.s32 $0xFFFFC000  }
0xc6: {  	_ =	swait.ge [sflag:s20], $0x100  }
0xc7: {  	[sflag:s20] =	ssyncset.done $0x0  }
0xc8: {  	s14 =	rddreg [dreg:$0x7];
	[sflag:s20] =	ssyncadd.s32 $0xFFFFFF00  }
0xc9: {  	[tilespmem:s5], [sflag:$0x8] =	stream.indirect.gather [hbm4b:s1+s0], $0x80, s30, s0, $0xb8;
	[tilespmem:$0x1FF00] =	vst v63  }
0xca: {  	s8 =	sadd.s32 $0x0, s14  }
0xcb: {  	[tilespmem:s26], [sflag:$0x2] =	stream.linear.gather [hbm4b:s8+s3], $0x100, $0x38;
	[tilespmem:$0x1FF00] =	vst v63  }
0xcc: {  	_ =	swait.ge [sflag:s4], $0x4000  }
0xcd: {  	[sflag:s4] =	ssyncset.done $0x0  }
0xce: {  	[sflag:s4] =	ssyncadd.s32 $0xFFFFC000  }
0xcf: {  	[spmem:s2] =	stream.indirect.scatter.add.f32 [tilespmem:s10], [sflag:$0xA], $0x80, s18, s0, $0xb8;
	[tilespmem:$0x1FF00] =	vst v63  }
0xd0: {  	_ =	swait.ge [sflag:s22], $0x4000  }
0xd1: {  	[sflag:s22] =	ssyncset.done $0x0  }
0xd2: {  	[sflag:s22] =	ssyncadd.s32 $0xFFFFC000  }
0xd3: {  	_ =	swait.ge [sflag:s23], $0x100  }
0xd4: {  	[sflag:s23] =	ssyncset.done $0x0  }
0xd5: {  	s18 =	rddreg [dreg:$0x6];
	[sflag:s23] =	ssyncadd.s32 $0xFFFFFF00  }
0xd6: {  	[tilespmem:s11], [sflag:$0x9] =	stream.indirect.gather [hbm4b:s1+s0], $0x80, s12, s0, $0xb8;
	[tilespmem:$0x1FF00] =	vst v63  }
0xd7: {  	s8 =	sadd.s32 $0x0, s18  }
0xd8: {  	[tilespmem:s28], [sflag:$0x3] =	stream.linear.gather [hbm4b:s8+s3], $0x100, $0x38;
	[tilespmem:$0x1FF00] =	vst v63  }
0xd9: {  	_ =	swait.ge [sflag:s13], $0x4000  }
0xda: {  	[sflag:s13] =	ssyncset.done $0x0  }
0xdb: {  	[sflag:s13] =	ssyncadd.s32 $0xFFFFC000  }
0xdc: {  	[spmem:s2] =	stream.indirect.scatter.add.f32 [tilespmem:s5], [sflag:$0xB], $0x80, s21, s0, $0xb8;
	[tilespmem:$0x1FF00] =	vst v63  }
0xdd: {  	_ =	swait.ge [sflag:s15], $0x4000  }
0xde: {  	[sflag:s15] =	ssyncset.done $0x0  }
0xdf: {  	[sflag:s15] =	ssyncadd.s32 $0xFFFFC000  }
0xe0: {  	_ =	swait.ge [sflag:s31], $0x100  }
0xe1: {  	[sflag:s31] =	ssyncset.done $0x0  }
0xe2: {  	s21 =	rddreg [dreg:$0x5];
	[sflag:s31] =	ssyncadd.s32 $0xFFFFFF00  }
0xe3: {  	[tilespmem:s10], [sflag:$0x7] =	stream.indirect.gather [hbm4b:s1+s0], $0x80, s3, s0, $0xb8;
	[tilespmem:$0x1FF00] =	vst v63  }
0xe4: {  	s8 =	sadd.s32 $0x0, s21  }
0xe5: {  	[tilespmem:s29], [sflag:$0x4] =	stream.linear.gather [hbm4b:s8+s3], $0x100, $0x38;
	[tilespmem:$0x1FF00] =	vst v63  }
0xe6: {  	_ =	swait.ge [sflag:s17], $0x4000  }
0xe7: {  	[sflag:s17] =	ssyncset.done $0x0  }
0xe8: {  	s25 =	simm.s32 $0x580;
	[sflag:s17] =	ssyncadd.s32 $0xFFFFC000  }
0xe9: {  	[spmem:s2] =	stream.indirect.scatter.add.f32 [tilespmem:s11], [sflag:$0xC], $0x80, s25, s0, $0xb8;
	[tilespmem:$0x1FF00] =	vst v63  }
0xea: {  	_ =	swait.ge [sflag:s19], $0x4000  }
0xeb: {  	[sflag:s19] =	ssyncset.done $0x0  }
0xec: {  	[sflag:s19] =	ssyncadd.s32 $0xFFFFC000  }
0xed: {  	s9 =	simm.s32 $0x380;
	s18 =	simm.s32 $0x480;
	_ =	swait.ge [sflag:s7], $0x100  }
0xee: {  	s21 =	simm.s32 $0x580;
	[sflag:s7] =	ssyncset.done $0x0;
	s14 =	rddreg [dreg:$0x4]  }
0xef: {  	s25 =	simm.s32 $0xC0;
	[sflag:s7] =	ssyncadd.s32 $0xFFFFFF00;
	s8 =	sadd.s32 $0x0, s14  }
0xf0: {  	[tilespmem:s5], [sflag:$0x8] =	stream.indirect.gather [hbm4b:s1+s0], $0x80, s26, s0, $0xb8;
	[tilespmem:$0x1FF00] =	vst v63  }
.LBB2_8:
0xf1: {  	[tilespmem:s30], [sflag:$0x5] =	stream.linear.gather [hbm4b:s8+s3], $0x100, $0x38;
	[tilespmem:$0x1FF00] =	vst v63  }
0xf2: {  	_ =	swait.ge [sflag:s4], $0x4000  }
0xf3: {  	[sflag:s4] =	ssyncset.done $0x0  }
0xf4: {  	[sflag:s4] =	ssyncadd.s32 $0xFFFFC000  }
0xf5: {  	[spmem:s2] =	stream.indirect.scatter.add.f32 [tilespmem:s10], [sflag:$0xA], $0x80, s0, s0, $0xb8;
	[tilespmem:$0x1FF00] =	vst v63  }
0xf6: {  	_ =	swait.ge [sflag:s22], $0x4000  }
0xf7: {  	[sflag:s22] =	ssyncset.done $0x0  }
0xf8: {  	[sflag:s22] =	ssyncadd.s32 $0xFFFFC000  }
0xf9: {  	_ =	swait.ge [sflag:s6], $0x100  }
0xfa: {  	[sflag:s6] =	ssyncset.done $0x0  }
0xfb: {  	s8 =	smov.u32 s25;
	s14 =	rddreg [dreg:$0x9];
	[sflag:s6] =	ssyncadd.s32 $0xFFFFFF00  }
0xfc: {  	[tilespmem:s11], [sflag:$0x9] =	stream.indirect.gather [hbm4b:s1+s0], $0x80, s28, s0, $0xb8;
	[tilespmem:$0x1FF00] =	vst v63  }
0xfd: {  	s14 =	sadd.s32 s8, s14  }
0xfe: {  	[tilespmem:s12], [sflag:$0x6] =	stream.linear.gather [hbm4b:s14+s3], $0x100, $0x38;
	[tilespmem:$0x1FF00] =	vst v63  }
0xff: {  	_ =	swait.ge [sflag:s13], $0x4000  }
0x100: {  	[sflag:s13] =	ssyncset.done $0x0  }
0x101: {  	s14 =	simm.s32 $0x180;
	[sflag:s13] =	ssyncadd.s32 $0xFFFFC000  }
0x102: {  	[spmem:s2] =	stream.indirect.scatter.add.f32 [tilespmem:s5], [sflag:$0xB], $0x80, s14, s0, $0xb8;
	[tilespmem:$0x1FF00] =	vst v63  }
0x103: {  	_ =	swait.ge [sflag:s15], $0x4000  }
0x104: {  	[sflag:s15] =	ssyncset.done $0x0  }
0x105: {  	[sflag:s15] =	ssyncadd.s32 $0xFFFFC000  }
0x106: {  	_ =	swait.ge [sflag:s16], $0x100  }
0x107: {  	[sflag:s16] =	ssyncset.done $0x0  }
0x108: {  	s14 =	rddreg [dreg:$0x8];
	[sflag:s16] =	ssyncadd.s32 $0xFFFFFF00  }
0x109: {  	[tilespmem:s10], [sflag:$0x7] =	stream.indirect.gather [hbm4b:s1+s0], $0x80, s29, s0, $0xb8;
	[tilespmem:$0x1FF00] =	vst v63  }
0x10a: {  	s14 =	sadd.s32 s8, s14  }
0x10b: {  	[tilespmem:s3], [sflag:$0x1] =	stream.linear.gather [hbm4b:s14+s3], $0x100, $0x38;
	[tilespmem:$0x1FF00] =	vst v63  }
0x10c: {  	_ =	swait.ge [sflag:s17], $0x4000  }
0x10d: {  	[sflag:s17] =	ssyncset.done $0x0  }
0x10e: {  	[sflag:s17] =	ssyncadd.s32 $0xFFFFC000  }
0x10f: {  	[spmem:s2] =	stream.indirect.scatter.add.f32 [tilespmem:s11], [sflag:$0xC], $0x80, s24, s0, $0xb8;
	[tilespmem:$0x1FF00] =	vst v63  }
0x110: {  	_ =	swait.ge [sflag:s19], $0x4000  }
0x111: {  	[sflag:s19] =	ssyncset.done $0x0  }
0x112: {  	[sflag:s19] =	ssyncadd.s32 $0xFFFFC000  }
0x113: {  	_ =	swait.ge [sflag:s20], $0x100  }
0x114: {  	[sflag:s20] =	ssyncset.done $0x0  }
0x115: {  	s14 =	rddreg [dreg:$0x7];
	[sflag:s20] =	ssyncadd.s32 $0xFFFFFF00  }
0x116: {  	[tilespmem:s5], [sflag:$0x8] =	stream.indirect.gather [hbm4b:s1+s0], $0x80, s30, s0, $0xb8;
	[tilespmem:$0x1FF00] =	vst v63  }
0x117: {  	s14 =	sadd.s32 s8, s14  }
0x118: {  	[tilespmem:s26], [sflag:$0x2] =	stream.linear.gather [hbm4b:s14+s3], $0x100, $0x38;
	[tilespmem:$0x1FF00] =	vst v63  }
0x119: {  	_ =	swait.ge [sflag:s4], $0x4000  }
0x11a: {  	[sflag:s4] =	ssyncset.done $0x0  }
0x11b: {  	[sflag:s4] =	ssyncadd.s32 $0xFFFFC000  }
0x11c: {  	[spmem:s2] =	stream.indirect.scatter.add.f32 [tilespmem:s10], [sflag:$0xA], $0x80, s9, s0, $0xb8;
	[tilespmem:$0x1FF00] =	vst v63  }
0x11d: {  	_ =	swait.ge [sflag:s22], $0x4000  }
0x11e: {  	[sflag:s22] =	ssyncset.done $0x0  }
0x11f: {  	[sflag:s22] =	ssyncadd.s32 $0xFFFFC000  }
0x120: {  	_ =	swait.ge [sflag:s23], $0x100  }
0x121: {  	[sflag:s23] =	ssyncset.done $0x0  }
0x122: {  	s14 =	rddreg [dreg:$0x6];
	[sflag:s23] =	ssyncadd.s32 $0xFFFFFF00  }
0x123: {  	[tilespmem:s11], [sflag:$0x9] =	stream.indirect.gather [hbm4b:s1+s0], $0x80, s12, s0, $0xb8;
	[tilespmem:$0x1FF00] =	vst v63  }
0x124: {  	s14 =	sadd.s32 s8, s14  }
0x125: {  	[tilespmem:s28], [sflag:$0x3] =	stream.linear.gather [hbm4b:s14+s3], $0x100, $0x38;
	[tilespmem:$0x1FF00] =	vst v63  }
0x126: {  	_ =	swait.ge [sflag:s13], $0x4000  }
0x127: {  	[sflag:s13] =	ssyncset.done $0x0  }
0x128: {  	[sflag:s13] =	ssyncadd.s32 $0xFFFFC000  }
0x129: {  	[spmem:s2] =	stream.indirect.scatter.add.f32 [tilespmem:s5], [sflag:$0xB], $0x80, s18, s0, $0xb8;
	[tilespmem:$0x1FF00] =	vst v63  }
0x12a: {  	_ =	swait.ge [sflag:s15], $0x4000  }
0x12b: {  	[sflag:s15] =	ssyncset.done $0x0  }
0x12c: {  	[sflag:s15] =	ssyncadd.s32 $0xFFFFC000  }
0x12d: {  	_ =	swait.ge [sflag:s31], $0x100  }
0x12e: {  	[sflag:s31] =	ssyncset.done $0x0  }
0x12f: {  	s14 =	rddreg [dreg:$0x5];
	[sflag:s31] =	ssyncadd.s32 $0xFFFFFF00  }
0x130: {  	[tilespmem:s10], [sflag:$0x7] =	stream.indirect.gather [hbm4b:s1+s0], $0x80, s3, s0, $0xb8;
	[tilespmem:$0x1FF00] =	vst v63  }
0x131: {  	s14 =	sadd.s32 s8, s14  }
0x132: {  	[tilespmem:s29], [sflag:$0x4] =	stream.linear.gather [hbm4b:s14+s3], $0x100, $0x38;
	[tilespmem:$0x1FF00] =	vst v63  }
0x133: {  	_ =	swait.ge [sflag:s17], $0x4000  }
0x134: {  	[sflag:s17] =	ssyncset.done $0x0  }
0x135: {  	[sflag:s17] =	ssyncadd.s32 $0xFFFFC000  }
0x136: {  	[spmem:s2] =	stream.indirect.scatter.add.f32 [tilespmem:s11], [sflag:$0xC], $0x80, s21, s0, $0xb8;
	[tilespmem:$0x1FF00] =	vst v63  }
0x137: {  	_ =	swait.ge [sflag:s19], $0x4000  }
0x138: {  	p2 =	sne.s32 s25, $0x840;
	[sflag:s19] =	ssyncset.done $0x0  }
.Ltmp4:
0x139: {  	[sflag:s19] =	ssyncadd.s32 $0xFFFFC000;
	(pc) =	sbr.rel @p2 .LBB2_8-.Ltmp4, $4  }
0x13a: {  	_ =	swait.ge [sflag:s7], $0x100  }
0x13b: {  	[sflag:s7] =	ssyncset.done $0x0;
	s14 =	rddreg [dreg:$0x4]  }
0x13c: {  	s25 =	sadd.s32 $0xC0, s25;
	[sflag:s7] =	ssyncadd.s32 $0xFFFFFF00;
	s8 =	sadd.s32 s8, s14  }
0x13d: {  	[tilespmem:s5], [sflag:$0x8] =	stream.indirect.gather [hbm4b:s1+s0], $0x80, s26, s0, $0xb8;
	[tilespmem:$0x1FF00] =	vst v63  }
0x13e: {  	[tilespmem:s30], [sflag:$0x5] =	stream.linear.gather [hbm4b:s8+s3], $0x100, $0x38;
	[tilespmem:$0x1FF00] =	vst v63  }
0x13f: {  	_ =	swait.ge [sflag:s4], $0x4000  }
0x140: {  	[sflag:s4] =	ssyncset.done $0x0  }
0x141: {  	[sflag:s4] =	ssyncadd.s32 $0xFFFFC000  }
0x142: {  	[spmem:s2] =	stream.indirect.scatter.add.f32 [tilespmem:s10], [sflag:$0xA], $0x80, s0, s0, $0xb8;
	[tilespmem:$0x1FF00] =	vst v63  }
0x143: {  	_ =	swait.ge [sflag:s22], $0x4000  }
0x144: {  	[sflag:s22] =	ssyncset.done $0x0  }
0x145: {  	[sflag:s22] =	ssyncadd.s32 $0xFFFFC000  }
0x146: {  	_ =	swait.ge [sflag:s6], $0x100  }
0x147: {  	[sflag:s6] =	ssyncset.done $0x0  }
0x148: {  	[sflag:s6] =	ssyncadd.s32 $0xFFFFFF00  }
0x149: {  	[tilespmem:s11], [sflag:$0x9] =	stream.indirect.gather [hbm4b:s1+s0], $0x80, s28, s0, $0xb8;
	[tilespmem:$0x1FF00] =	vst v63  }
0x14a: {  	s25 =	rddreg [dreg:$0x1b]  }
0x14b: {  	[tilespmem:s12], [sflag:$0x6] =	stream.linear.gather [hbm4b:s25+s3], $0x100, $0x38;
	[tilespmem:$0x1FF00] =	vst v63  }
0x14c: {  	_ =	swait.ge [sflag:s13], $0x4000  }
0x14d: {  	[sflag:s13] =	ssyncset.done $0x0  }
0x14e: {  	s14 =	simm.s32 $0x180;
	[sflag:s13] =	ssyncadd.s32 $0xFFFFC000  }
0x14f: {  	[spmem:s2] =	stream.indirect.scatter.add.f32 [tilespmem:s5], [sflag:$0xB], $0x80, s14, s0, $0xb8;
	[tilespmem:$0x1FF00] =	vst v63  }
0x150: {  	_ =	swait.ge [sflag:s15], $0x4000  }
0x151: {  	[sflag:s15] =	ssyncset.done $0x0  }
0x152: {  	[sflag:s15] =	ssyncadd.s32 $0xFFFFC000  }
0x153: {  	_ =	swait.ge [sflag:s16], $0x100  }
0x154: {  	[sflag:s16] =	ssyncset.done $0x0  }
0x155: {  	[sflag:s16] =	ssyncadd.s32 $0xFFFFFF00  }
0x156: {  	[tilespmem:s10], [sflag:$0x7] =	stream.indirect.gather [hbm4b:s1+s0], $0x80, s29, s0, $0xb8;
	[tilespmem:$0x1FF00] =	vst v63  }
0x157: {  	_ =	swait.ge [sflag:s17], $0x4000  }
0x158: {  	[sflag:s17] =	ssyncset.done $0x0  }
0x159: {  	[sflag:s17] =	ssyncadd.s32 $0xFFFFC000  }
0x15a: {  	[spmem:s2] =	stream.indirect.scatter.add.f32 [tilespmem:s11], [sflag:$0xC], $0x80, s24, s0, $0xb8;
	[tilespmem:$0x1FF00] =	vst v63  }
0x15b: {  	_ =	swait.ge [sflag:s19], $0x4000  }
0x15c: {  	[sflag:s19] =	ssyncset.done $0x0  }
0x15d: {  	[sflag:s19] =	ssyncadd.s32 $0xFFFFC000  }
0x15e: {  	_ =	swait.ge [sflag:s20], $0x100  }
0x15f: {  	[sflag:s20] =	ssyncset.done $0x0  }
0x160: {  	[sflag:s20] =	ssyncadd.s32 $0xFFFFFF00  }
0x161: {  	[tilespmem:s5], [sflag:$0x8] =	stream.indirect.gather [hbm4b:s1+s0], $0x80, s30, s0, $0xb8;
	[tilespmem:$0x1FF00] =	vst v63  }
0x162: {  	_ =	swait.ge [sflag:s4], $0x4000  }
0x163: {  	[sflag:s4] =	ssyncset.done $0x0  }
0x164: {  	[sflag:s4] =	ssyncadd.s32 $0xFFFFC000  }
0x165: {  	[spmem:s2] =	stream.indirect.scatter.add.f32 [tilespmem:s10], [sflag:$0xA], $0x80, s9, s0, $0xb8;
	[tilespmem:$0x1FF00] =	vst v63  }
0x166: {  	_ =	swait.ge [sflag:s22], $0x4000  }
0x167: {  	[sflag:s22] =	ssyncset.done $0x0  }
0x168: {  	[sflag:s22] =	ssyncadd.s32 $0xFFFFC000  }
0x169: {  	_ =	swait.ge [sflag:s23], $0x100  }
0x16a: {  	[sflag:s23] =	ssyncset.done $0x0  }
0x16b: {  	[sflag:s23] =	ssyncadd.s32 $0xFFFFFF00  }
0x16c: {  	[tilespmem:s11], [sflag:$0x9] =	stream.indirect.gather [hbm4b:s1+s0], $0x80, s12, s0, $0xb8;
	[tilespmem:$0x1FF00] =	vst v63  }
0x16d: {  	_ =	swait.ge [sflag:s13], $0x4000  }
0x16e: {  	[sflag:s13] =	ssyncset.done $0x0  }
0x16f: {  	[sflag:s13] =	ssyncadd.s32 $0xFFFFC000  }
0x170: {  	[spmem:s2] =	stream.indirect.scatter.add.f32 [tilespmem:s5], [sflag:$0xB], $0x80, s18, s0, $0xb8;
	[tilespmem:$0x1FF00] =	vst v63  }
0x171: {  	_ =	swait.ge [sflag:s15], $0x4000  }
0x172: {  	[sflag:s15] =	ssyncset.done $0x0  }
0x173: {  	[sflag:s15] =	ssyncadd.s32 $0xFFFFC000  }
0x174: {  	_ =	swait.ge [sflag:s17], $0x4000  }
0x175: {  	[sflag:s17] =	ssyncset.done $0x0  }
0x176: {  	[sflag:s17] =	ssyncadd.s32 $0xFFFFC000  }
0x177: {  	[spmem:s2] =	stream.indirect.scatter.add.f32 [tilespmem:s11], [sflag:$0xC], $0x80, s21, s0, $0xb8;
	[tilespmem:$0x1FF00] =	vst v63  }
0x178: {  	_ =	swait.ge [sflag:s19], $0x4000  }
0x179: {  	[sflag:s19] =	ssyncset.done $0x0  }
0x17a: {  	[sflag:s19] =	ssyncadd.s32 $0xFFFFC000  }
0x17b: {  	_ =	swait.ge [sflag:s22], $0x4000  }
0x17c: {  	[sflag:s22] =	ssyncset.done $0x0  }
0x17d: {  	[sflag:s22] =	ssyncadd.s32 $0xFFFFC000  }
0x17e: {  	[bflag:$0x0] =	sbarrier.arrive $0xFFFF  }
0x17f: {  	s14 =	sld [smem:$0x7FD]  }
0x180: {  	s25 =	rddreg [dreg:$0x17]  }
0x181: {  	s9 =	rddreg [dreg:$0x1f]  }
0x182: {  	[hbm:s25], [sflag:s9] =	dma.local [spmem:s14], $0x2700  }
0x183: {  	s25 =	simm.s32 $0xD  }
0x184: {  	_ =	swait.ge [sflag:s25], $0x2700  }
0x185: {  	[sflag:s25] =	ssyncset.done $0x0;
	s8 =	rddreg [dreg:$0xd]  }
0x186: {  	s14 =	rddreg [dreg:$0x1c];
	[sflag:s25] =	ssyncadd.s32 $0xFFFFD900;
	s8 =	sshrl.u32 @!p1 s8, $0x3  }
0x187: {  	[hbm:s14], [sflag:s9] =	dma.local @!p1 [spmem:s8], $0x100  }
0x188: {  	s8 =	simm.s32 @!p1 $0xD  }
0x189: {  	_ =	swait.ge @!p1 [sflag:s8], $0x100  }
0x18a: {  	s18 =	rddreg [dreg:$0x1e]  }
0x18b: {  	s21 =	rddreg [dreg:$0x1d];
	s9 =	sadd.s32 $0x1, s18  }
0x18c: {  	p2 =	sne.s32 s9, s21  }
.Ltmp5:
0x18d: {  	_ = 	snop;
	(pc) =	sbr.rel @p2 .LBB2_1-.Ltmp5, $3  }
0x18e: {  	_ =	sdelay $0x1  }
0x18f: {  	[sflag:s8] =	ssyncset.done @!p1 $0x0  }
0x190: {  	[sflag:s8] =	ssyncadd.s32 @!p1 $0xFFFFFF00  }
0x191: {  	_ =	sfence.sel $0x180000  }
0x192: {  	[bflag:$0x0] =	sbarrier.arrive $0xFFFF  }
0x193: {  	_ =	strace $0x90000047  }
0x194: {  	[bflag:$0x2] =	sbarrier.arrive $0xFFFF  }
0x195: {  	s0 =	rddreg [dreg:$0x3]  }
0x196: {  	s0 =	sadd.s32 @!p1 $0x100000, s0  }
0x197: {  	[sflag:s0] =	ssyncadd.tile.s32 @!p1 $0x1;
	_ =	shalt  }
.Lfunc_end2:
_tile_overlayer_lowered:
.L_overlay_start_2:
0x198: {  	(tag) =	ssettag $0x2  }
0x199: {  	s0 =	rddreg [dreg:$0x0];
	s2 =	stileid.u32  }
0x19a: {  	s1 =	rddreg [dreg:$0x1];
	p0 =	sne.s32 s2, $0x0  }
0x19b: {  	s3 =	rddreg [dreg:$0x2];
	[bflag:$0x3] =	sbarrier.arrive $0xFFFF;
	s2 =	simm.s32 @!p0 $0x1C0D  }
0x19c: {  	[timem:s3], [sflag:s2] =	dma.local @!p0 [hbm:s0], s1  }
0x19d: {  	s0 =	simm.s32 @!p0 $0xD  }
0x19e: {  	_ =	swait.ge @!p0 [sflag:s0], s1  }
0x19f: {  	s1 =	ssub.s32 @!p0 $0x0, s1;
	[sflag:s0] =	ssyncset.done @!p0 $0x0  }
0x1a0: {  	[sflag:s0] =	ssyncadd.s32 @!p0 s1  }
0x1a1: {  	[bflag:$0x3] =	sbarrier.arrive $0xFFFF  }
0x1a2: {  	_ =	shalt  }

</sc_bundles>
